<compile_context>
chip_gen: v7x
topology: tpu7x:2x2x1
jax: 0.10.2.dev20260603
libtpu: 0.0.44.dev20260713+nightly
codegen_flags: <defaults>
</compile_context>

<pallas_src>
import functools

import jax
import jax.numpy as jnp
from jax import lax
from jax.experimental import pallas as pl
from jax.experimental.pallas import tpu as pltpu
from jax.experimental.pallas import tpu_sc as plsc

N = 10000
E = 320000
D_IN = 128
HID = 128
NCLS = 16

NC = 2
NS = 16
NT = NC * NS
CW = 64
NCH = 160
NQ = 4
CPQ = NCH // NQ
NBUF = 4
EPT = CW * NCH
E_PAD = NT * EPT
NP = 10240
ROWS_PER_TILE = NP // NS

_MESH = plsc.VectorSubcoreMesh(core_axis_name="c", subcore_axis_name="s")


def _deg_kernel(dst_r, ones, zeros, out, dst_i, buf, cnt, sem):
    c = lax.axis_index("c")
    s = lax.axis_index("s")
    wid = s * NC + c
    pltpu.sync_copy(dst_r.at[wid], dst_i)
    pltpu.sync_copy(ones, buf)
    pltpu.sync_copy(zeros, cnt.at[pl.ds(s * ROWS_PER_TILE, ROWS_PER_TILE)])
    plsc.subcore_barrier()

    def step(g, carry):
        pltpu.sync_copy(buf, cnt.at[dst_i.at[g]], add=True)
        return carry

    lax.fori_loop(0, NCH, step, 0)
    plsc.subcore_barrier()
    pltpu.sync_copy(cnt.at[pl.ds(s * ROWS_PER_TILE, ROWS_PER_TILE)],
                    out.at[c, pl.ds(s * ROWS_PER_TILE, ROWS_PER_TILE)])


def _make_deg_call():
    return functools.partial(
        pl.kernel,
        out_type=jax.ShapeDtypeStruct((NC, NP, HID), jnp.float32),
        mesh=_MESH,
        scratch_types=[
            pltpu.VMEM((NCH, CW), jnp.int32),
            pltpu.VMEM((CW, HID), jnp.float32),
            pltpu.VMEM_SHARED((NP, HID), jnp.float32),
            pltpu.SemaphoreType.DMA,
        ],
    )(_deg_kernel)


def _agg_kernel(d, table, src_r, dst_r, zeros, out,
                src_i, dst_i, bufs, gsems, ssems, acc):
    c = lax.axis_index("c")
    s = lax.axis_index("s")
    wid = s * NC + c
    pltpu.sync_copy(zeros, acc.at[pl.ds(s * ROWS_PER_TILE, ROWS_PER_TILE)])
    plsc.subcore_barrier()

    for q in range(NQ):
        pltpu.sync_copy(src_r.at[wid, pl.ds(q * CPQ, CPQ)], src_i)
        pltpu.sync_copy(dst_r.at[wid, pl.ds(q * CPQ, CPQ)], dst_i)
        for b in range(NBUF):
            pltpu.async_copy(table.at[src_i.at[b]], bufs[b], gsems[b])

        def step(g, carry):
            for b in range(NBUF):
                cc = NBUF * g + b
                pltpu.make_async_copy(table.at[src_i.at[0]], bufs[b],
                                      gsems[b]).wait()
                pltpu.async_copy(bufs[b], acc.at[dst_i.at[cc]], ssems[b],
                                 add=True)
            for b in range(NBUF):
                cn = NBUF * g + b + NBUF
                pltpu.make_async_copy(bufs[b], acc.at[dst_i.at[0]],
                                      ssems[b]).wait()
                pltpu.async_copy(table.at[src_i.at[cn]], bufs[b], gsems[b])
            return carry

        lax.fori_loop(0, CPQ // NBUF - 1, step, 0)
        for b in range(NBUF):
            cc = CPQ - NBUF + b
            pltpu.make_async_copy(table.at[src_i.at[0]], bufs[b],
                                  gsems[b]).wait()
            pltpu.async_copy(bufs[b], acc.at[dst_i.at[cc]], ssems[b], add=True)
        for b in range(NBUF):
            pltpu.make_async_copy(bufs[b], acc.at[dst_i.at[0]],
                                  ssems[b]).wait()
    plsc.subcore_barrier()
    pltpu.sync_copy(acc.at[pl.ds(s * ROWS_PER_TILE, ROWS_PER_TILE)],
                    out.at[c, pl.ds(s * ROWS_PER_TILE, ROWS_PER_TILE)])


def _make_agg_call(d):
    return functools.partial(
        pl.kernel,
        out_type=jax.ShapeDtypeStruct((NC, NP, d), jnp.float32),
        mesh=_MESH,
        scratch_types=[
            pltpu.VMEM((CPQ, CW), jnp.int32),
            pltpu.VMEM((CPQ, CW), jnp.int32),
            [pltpu.VMEM((CW, d), jnp.float32) for _ in range(NBUF)],
            [pltpu.SemaphoreType.DMA for _ in range(NBUF)],
            [pltpu.SemaphoreType.DMA for _ in range(NBUF)],
            pltpu.VMEM_SHARED((NP, d), jnp.float32),
        ],
    )(functools.partial(_agg_kernel, d))



BLK = 1280


def _t1_kernel(x_ref, w1_ref, degp_ref, hs1_ref, dinv_ref):
    dp = degp_ref[...]
    dinv = lax.rsqrt(dp[0] + dp[1] + 1.0)
    h = jnp.dot(x_ref[...], w1_ref[...], preferred_element_type=jnp.float32)
    hs1_ref[...] = h * dinv[:, 0:1]
    dinv_ref[...] = dinv[:, 0:16]


def _t2_kernel(p_ref, hs1_ref, dinv_ref, b1_ref, w2_ref, hs2_ref):
    p = p_ref[...]
    hs1 = hs1_ref[...]
    dinv = dinv_ref[...][:, 0:1]
    out1 = (p[0] + p[1] + hs1) * dinv + b1_ref[...]
    h = jnp.maximum(out1, 0.0)
    h2 = jnp.dot(h, w2_ref[...], preferred_element_type=jnp.float32)
    hs2_ref[...] = h2 * dinv


def _t3_kernel(q_ref, hs2_ref, dinv_ref, b2_ref, out_ref):
    q = q_ref[...]
    dinv = dinv_ref[...][:, 0:1]
    o_full = (q[0] + q[1] + hs2_ref[...]) * dinv + b2_ref[...]
    o = o_full[:, 0:NCLS]
    m = jnp.max(o, axis=1, keepdims=True)
    e = jnp.exp(o - m)
    lse = jnp.log(jnp.sum(e, axis=1, keepdims=True)) + m
    out_ref[...] = o - lse


def _row_spec(d):
    return pl.BlockSpec((BLK, d), lambda i: (i, 0))


def _pair_spec(d):
    return pl.BlockSpec((2, BLK, d), lambda i: (0, i, 0))


def _full_spec(shape):
    return pl.BlockSpec(shape, lambda i: (0,) * len(shape))


def _t1_call(x, w1, degp):
    return pl.pallas_call(
        _t1_kernel,
        grid=(NP // BLK,),
        in_specs=[_row_spec(D_IN), _full_spec((D_IN, HID)), _pair_spec(HID)],
        out_specs=[_row_spec(HID), _row_spec(16)],
        out_shape=[jax.ShapeDtypeStruct((NP, HID), jnp.float32),
                   jax.ShapeDtypeStruct((NP, 16), jnp.float32)],
    )(x, w1, degp)


def _t2_call(p, hs1, dinv, b1, w2):
    return pl.pallas_call(
        _t2_kernel,
        grid=(NP // BLK,),
        in_specs=[_pair_spec(HID), _row_spec(HID), _row_spec(16),
                  _full_spec((1, HID)), _full_spec((HID, HID))],
        out_specs=_row_spec(HID),
        out_shape=jax.ShapeDtypeStruct((NP, HID), jnp.float32),
    )(p, hs1, dinv, b1, w2)


def _t3_call(q, hs2, dinv, b2):
    return pl.pallas_call(
        _t3_kernel,
        grid=(NP // BLK,),
        in_specs=[_pair_spec(HID), _row_spec(HID), _row_spec(16),
                  _full_spec((1, HID))],
        out_specs=_row_spec(NCLS),
        out_shape=jax.ShapeDtypeStruct((NP, NCLS), jnp.float32),
    )(q, hs2, dinv, b2)


def kernel(x, edge_index, W1, b1, W2, b2):
    src = edge_index[0]
    dst = edge_index[1]
    npad = E_PAD - E
    src_r = jnp.concatenate(
        [src, jnp.zeros((npad,), jnp.int32)]).reshape(NT, NCH, CW)
    dst_r = jnp.concatenate(
        [dst, jnp.full((npad,), N, jnp.int32)]).reshape(NT, NCH, CW)

    ones128 = jnp.ones((CW, HID), jnp.float32)
    zeros128 = jnp.zeros((ROWS_PER_TILE, HID), jnp.float32)
    x_pad = jnp.pad(x, ((0, NP - N), (0, 0)))
    w2_pad = jnp.pad(W2, ((0, 0), (0, HID - NCLS)))
    b2_pad = jnp.pad(b2, (0, HID - NCLS)).reshape(1, HID)

    degp = _make_deg_call()(dst_r, ones128, zeros128)
    hs1, dinv = _t1_call(x_pad, W1, degp)
    agg = _make_agg_call(HID)
    p1 = agg(hs1, src_r, dst_r, zeros128)
    hs2 = _t2_call(p1, hs1, dinv, b1.reshape(1, HID), w2_pad)
    p2 = agg(hs2, src_r, dst_r, zeros128)
    return _t3_call(p2, hs2, dinv, b2_pad)[:N]

# --- scband reference (transcript-rebuilt; emitter-appended) ---
"""Pipeline reference for scband-net-27075473834499 (READ-ONLY COPY).

The authoritative reference and input builder live on the scoring server;
editing this copy changes nothing except your own understanding.
"""

import jax, jax.numpy as jnp
import numpy as np

N = 10000
E = 320000
D_IN = 128
HID = 128
NCLS = 16


def setup_inputs(seed: int = 0) -> dict:
    key = jax.random.key(seed)
    k1, k2, k3, k4 = jax.random.split(key, 4)
    x = jax.random.normal(k1, (N, D_IN), dtype=jnp.float32)
    edge_index = jax.random.randint(k2, (2, E), 0, N, dtype=jnp.int32)
    W1 = jax.random.normal(k3, (D_IN, HID), dtype=jnp.float32) * 0.05
    b1 = jnp.zeros((HID,), dtype=jnp.float32)
    W2 = jax.random.normal(k4, (HID, NCLS), dtype=jnp.float32) * 0.05
    b2 = jnp.zeros((NCLS,), dtype=jnp.float32)
    return {"x": x, "edge_index": edge_index, "W1": W1, "b1": b1, "W2": W2, "b2": b2}


def _gcn_layer(x, W, b, src, dst, n):
    # GCNConv: x' = D^{-1/2} (A + I) D^{-1/2} (X W) + b
    h = x @ W
    loop = jnp.arange(n, dtype=src.dtype)
    s = jnp.concatenate([src, loop])
    d = jnp.concatenate([dst, loop])
    deg = jnp.zeros((n,), dtype=h.dtype).at[d].add(1.0)
    dinv = jax.lax.rsqrt(jnp.maximum(deg, 1e-12))
    norm = dinv[s] * dinv[d]
    msg = h[s] * norm[:, None]
    agg = jax.ops.segment_sum(msg, d, num_segments=n)
    return agg + b


def reference(x, edge_index, W1, b1, W2, b2):
    src = edge_index[0]
    dst = edge_index[1]
    n = x.shape[0]
    h = _gcn_layer(x, W1, b1, src, dst, n)
    h = jax.nn.relu(h)
    # dropout is identity in eval mode
    out = _gcn_layer(h, W2, b2, src, dst, n)
    return jax.nn.log_softmax(out, axis=1)

if __name__ == "__main__":
    import jax
    _d = setup_inputs()
    print(jax.jit(kernel)(*tuple(_d.values())))

</pallas_src>

<mosaic_0001>
#map = affine_map<(d0, d1) -> (0, 0, 0)>
#map1 = affine_map<(d0, d1) -> (0, 0)>
module attributes {stable_mosaic.version = 14 : i64} {
  func.func @_deg_kernel(%arg0: i32, %arg1: i32, %arg2: memref<32x160x64xi32, #tpu.memory_space<hbm>>, %arg3: memref<64x128xf32, #tpu.memory_space<hbm>>, %arg4: memref<640x128xf32, #tpu.memory_space<hbm>>, %arg5: memref<2x10240x128xf32, #tpu.memory_space<hbm>>, %arg6: memref<160x64xi32, #tpu.memory_space<vmem>>, %arg7: memref<64x128xf32, #tpu.memory_space<vmem>>, %arg8: memref<10240x128xf32, #tpu.memory_space<vmem_shared>>, %arg9: memref<!tpu.dma_semaphore, #tpu.memory_space<semaphore_mem>>) attributes {dimension_semantics = [#tpu.dimension_semantics<core_parallel>, #tpu.dimension_semantics<subcore_parallel>], iteration_bounds = array<i64: 2, 16>, scalar_prefetch = 0 : i64, scratch_operands = 4 : i64, tpu.core_type = #tpu.core_type<sc_vector_subcore>, window_params = [{transform_indices = #map}, {transform_indices = #map1}, {transform_indices = #map1}, {transform_indices = #map}]} {
    %mul3A = arith.constant 2 : i32
    %mul3A_0 = arith.muli %arg1, %mul3A : i32
    %add3A = arith.addi %mul3A_0, %arg0 : i32
    "tpu.region"() ({
      %run_scoped3A = tpu.sem_alloc : memref<!tpu.dma_semaphore, #tpu.memory_space<semaphore_mem>>
      %dma_start3A = arith.constant 0 : i32
      %dma_start3A_13 = arith.constant 0 : i32
      %dma_start3A_14 = tpu.memref_slice %arg2[%add3A, %dma_start3A, %dma_start3A_13] : memref<32x160x64xi32, #tpu.memory_space<hbm>> -> memref<1x160x64xi32, #tpu.memory_space<hbm>>
      %dma_start3A_15 = tpu.memref_squeeze %dma_start3A_14 : memref<1x160x64xi32, #tpu.memory_space<hbm>> -> memref<160x64xi32, #tpu.memory_space<hbm>>
      %dma_start3A_16 = arith.constant 0 : i32
      %dma_start3A_17 = arith.constant 0 : i32
      %dma_start3A_18 = tpu.memref_slice %arg2[%add3A, %dma_start3A_16, %dma_start3A_17] : memref<32x160x64xi32, #tpu.memory_space<hbm>> -> memref<1x160x64xi32, #tpu.memory_space<hbm>>
      %dma_start3A_19 = tpu.memref_squeeze %dma_start3A_18 : memref<1x160x64xi32, #tpu.memory_space<hbm>> -> memref<160x64xi32, #tpu.memory_space<hbm>>
      tpu.enqueue_dma source(%dma_start3A_19 : memref<160x64xi32, #tpu.memory_space<hbm>>) target(%arg6 : memref<160x64xi32, #tpu.memory_space<vmem>>) target_semaphore(%run_scoped3A : memref<!tpu.dma_semaphore, #tpu.memory_space<semaphore_mem>>)
      %dma_wait3A = arith.constant 0 : i32
      %dma_wait3A_20 = arith.constant 0 : i32
      %dma_wait3A_21 = tpu.memref_slice %arg2[%add3A, %dma_wait3A, %dma_wait3A_20] : memref<32x160x64xi32, #tpu.memory_space<hbm>> -> memref<1x160x64xi32, #tpu.memory_space<hbm>>
      %dma_wait3A_22 = tpu.memref_squeeze %dma_wait3A_21 : memref<1x160x64xi32, #tpu.memory_space<hbm>> -> memref<160x64xi32, #tpu.memory_space<hbm>>
      %dma_wait3A_23 = arith.constant 0 : i32
      %dma_wait3A_24 = arith.constant 0 : i32
      %dma_wait3A_25 = tpu.memref_slice %arg2[%add3A, %dma_wait3A_23, %dma_wait3A_24] : memref<32x160x64xi32, #tpu.memory_space<hbm>> -> memref<1x160x64xi32, #tpu.memory_space<hbm>>
      %dma_wait3A_26 = tpu.memref_squeeze %dma_wait3A_25 : memref<1x160x64xi32, #tpu.memory_space<hbm>> -> memref<160x64xi32, #tpu.memory_space<hbm>>
      tpu.wait_dma2 semaphore(%run_scoped3A : memref<!tpu.dma_semaphore, #tpu.memory_space<semaphore_mem>>) src(%dma_wait3A_26 : memref<160x64xi32, #tpu.memory_space<hbm>>) dst(%arg6 : memref<160x64xi32, #tpu.memory_space<vmem>>)
      tpu.yield
    }) : () -> ()
    "tpu.region"() ({
      %run_scoped3A = tpu.sem_alloc : memref<!tpu.dma_semaphore, #tpu.memory_space<semaphore_mem>>
      tpu.enqueue_dma source(%arg3 : memref<64x128xf32, #tpu.memory_space<hbm>>) target(%arg7 : memref<64x128xf32, #tpu.memory_space<vmem>>) target_semaphore(%run_scoped3A : memref<!tpu.dma_semaphore, #tpu.memory_space<semaphore_mem>>)
      tpu.wait_dma2 semaphore(%run_scoped3A : memref<!tpu.dma_semaphore, #tpu.memory_space<semaphore_mem>>) src(%arg3 : memref<64x128xf32, #tpu.memory_space<hbm>>) dst(%arg7 : memref<64x128xf32, #tpu.memory_space<vmem>>)
      tpu.yield
    }) : () -> ()
    %mul3A_1 = arith.constant 640 : i32
    %mul3A_2 = arith.muli %arg1, %mul3A_1 : i32
    "tpu.region"() ({
      %run_scoped3A = tpu.sem_alloc : memref<!tpu.dma_semaphore, #tpu.memory_space<semaphore_mem>>
      %dma_start3A = arith.constant 0 : i32
      %dma_start3A_13 = tpu.memref_slice %arg8[%mul3A_2, %dma_start3A] : memref<10240x128xf32, #tpu.memory_space<vmem_shared>> -> memref<640x128xf32, #tpu.memory_space<vmem_shared>>
      tpu.enqueue_dma source(%arg4 : memref<640x128xf32, #tpu.memory_space<hbm>>) target(%dma_start3A_13 : memref<640x128xf32, #tpu.memory_space<vmem_shared>>) target_semaphore(%run_scoped3A : memref<!tpu.dma_semaphore, #tpu.memory_space<semaphore_mem>>)
      %dma_wait3A = arith.constant 0 : i32
      %dma_wait3A_14 = tpu.memref_slice %arg8[%mul3A_2, %dma_wait3A] : memref<10240x128xf32, #tpu.memory_space<vmem_shared>> -> memref<640x128xf32, #tpu.memory_space<vmem_shared>>
      tpu.wait_dma2 semaphore(%run_scoped3A : memref<!tpu.dma_semaphore, #tpu.memory_space<semaphore_mem>>) src(%arg4 : memref<640x128xf32, #tpu.memory_space<hbm>>) dst(%dma_wait3A_14 : memref<640x128xf32, #tpu.memory_space<vmem_shared>>)
      tpu.yield
    }) : () -> ()
    %barrier3A = arith.constant 0 : index
    tpu.barrier barrier_id(%barrier3A)
    %scan3A = arith.constant 0 : i32
    %scan3A_3 = arith.constant 0 : i32
    %scan3A_4 = arith.constant 160 : i32
    %scan3A_5 = arith.addi %scan3A_3, %scan3A_4 : i32
    %scan3A_6 = arith.constant 1 : i32
    scf.for %scan3A_13 = %scan3A_3 to %scan3A_5 step %scan3A_6  : i32 {
      "tpu.region"() ({
        %run_scoped3A = tpu.sem_alloc : memref<!tpu.dma_semaphore, #tpu.memory_space<semaphore_mem>>
        %dma_start3A = arith.constant 0 : i32
        %dma_start3A_14 = tpu.memref_slice %arg6[%scan3A_13, %dma_start3A] : memref<160x64xi32, #tpu.memory_space<vmem>> -> memref<1x64xi32, #tpu.memory_space<vmem>>
        %dma_start3A_15 = tpu.memref_squeeze %dma_start3A_14 : memref<1x64xi32, #tpu.memory_space<vmem>> -> memref<64xi32, #tpu.memory_space<vmem>>
        %dma_start3A_16 = arith.constant 0 : i32
        %dma_start3A_17 = arith.constant 0 : i32
        %dma_start3A_18 = tpu.memref_slice %arg8[%dma_start3A_16, %dma_start3A_17] : memref<10240x128xf32, #tpu.memory_space<vmem_shared>> -> memref<10240x128xf32, #tpu.memory_space<vmem_shared>>
        tpu.enqueue_indirect_dma source(%arg7 : memref<64x128xf32, #tpu.memory_space<vmem>>) target(%dma_start3A_18 : memref<10240x128xf32, #tpu.memory_space<vmem_shared>>) offsets(%dma_start3A_15 : memref<64xi32, #tpu.memory_space<vmem>>) semaphore(%run_scoped3A : memref<!tpu.dma_semaphore, #tpu.memory_space<semaphore_mem>>) {add = true}
        %dma_wait3A = arith.constant 0 : i32
        %dma_wait3A_19 = tpu.memref_slice %arg6[%scan3A_13, %dma_wait3A] : memref<160x64xi32, #tpu.memory_space<vmem>> -> memref<1x64xi32, #tpu.memory_space<vmem>>
        %dma_wait3A_20 = tpu.memref_squeeze %dma_wait3A_19 : memref<1x64xi32, #tpu.memory_space<vmem>> -> memref<64xi32, #tpu.memory_space<vmem>>
        %dma_wait3A_21 = arith.constant 0 : i32
        %dma_wait3A_22 = arith.constant 0 : i32
        %dma_wait3A_23 = tpu.memref_slice %arg8[%dma_wait3A_21, %dma_wait3A_22] : memref<10240x128xf32, #tpu.memory_space<vmem_shared>> -> memref<10240x128xf32, #tpu.memory_space<vmem_shared>>
        tpu.wait_indirect_dma semaphore(%run_scoped3A : memref<!tpu.dma_semaphore, #tpu.memory_space<semaphore_mem>>) src(%arg7 : memref<64x128xf32, #tpu.memory_space<vmem>>) dst(%dma_wait3A_23 : memref<10240x128xf32, #tpu.memory_space<vmem_shared>>)
        tpu.yield
      }) : () -> ()
    }
    %scan3A_7 = arith.constant 160 : i32
    %barrier3A_8 = arith.constant 0 : index
    tpu.barrier barrier_id(%barrier3A_8)
    %mul3A_9 = arith.constant 640 : i32
    %mul3A_10 = arith.muli %arg1, %mul3A_9 : i32
    %mul3A_11 = arith.constant 640 : i32
    %mul3A_12 = arith.muli %arg1, %mul3A_11 : i32
    "tpu.region"() ({
      %run_scoped3A = tpu.sem_alloc : memref<!tpu.dma_semaphore, #tpu.memory_space<semaphore_mem>>
      %dma_start3A = arith.constant 0 : i32
      %dma_start3A_13 = tpu.memref_slice %arg5[%arg0, %mul3A_12, %dma_start3A] : memref<2x10240x128xf32, #tpu.memory_space<hbm>> -> memref<1x640x128xf32, #tpu.memory_space<hbm>>
      %dma_start3A_14 = tpu.memref_squeeze %dma_start3A_13 : memref<1x640x128xf32, #tpu.memory_space<hbm>> -> memref<640x128xf32, #tpu.memory_space<hbm>>
      %dma_start3A_15 = arith.constant 0 : i32
      %dma_start3A_16 = tpu.memref_slice %arg8[%mul3A_10, %dma_start3A_15] : memref<10240x128xf32, #tpu.memory_space<vmem_shared>> -> memref<640x128xf32, #tpu.memory_space<vmem_shared>>
      tpu.enqueue_dma source(%dma_start3A_16 : memref<640x128xf32, #tpu.memory_space<vmem_shared>>) target(%dma_start3A_14 : memref<640x128xf32, #tpu.memory_space<hbm>>) target_semaphore(%run_scoped3A : memref<!tpu.dma_semaphore, #tpu.memory_space<semaphore_mem>>)
      %dma_wait3A = arith.constant 0 : i32
      %dma_wait3A_17 = tpu.memref_slice %arg5[%arg0, %mul3A_12, %dma_wait3A] : memref<2x10240x128xf32, #tpu.memory_space<hbm>> -> memref<1x640x128xf32, #tpu.memory_space<hbm>>
      %dma_wait3A_18 = tpu.memref_squeeze %dma_wait3A_17 : memref<1x640x128xf32, #tpu.memory_space<hbm>> -> memref<640x128xf32, #tpu.memory_space<hbm>>
      %dma_wait3A_19 = arith.constant 0 : i32
      %dma_wait3A_20 = tpu.memref_slice %arg8[%mul3A_10, %dma_wait3A_19] : memref<10240x128xf32, #tpu.memory_space<vmem_shared>> -> memref<640x128xf32, #tpu.memory_space<vmem_shared>>
      tpu.wait_dma2 semaphore(%run_scoped3A : memref<!tpu.dma_semaphore, #tpu.memory_space<semaphore_mem>>) src(%dma_wait3A_20 : memref<640x128xf32, #tpu.memory_space<vmem_shared>>) dst(%dma_wait3A_18 : memref<640x128xf32, #tpu.memory_space<hbm>>)
      tpu.yield
    }) : () -> ()
    return
  }
}

#map = affine_map<(d0, d1) -> (0, 0)>
#map1 = affine_map<(d0, d1) -> (0, 0, 0)>
module attributes {stable_mosaic.version = 14 : i64} {
  func.func @_agg_kernel(%arg0: i32, %arg1: i32, %arg2: memref<10240x128xf32, #tpu.memory_space<hbm>>, %arg3: memref<32x160x64xi32, #tpu.memory_space<hbm>>, %arg4: memref<32x160x64xi32, #tpu.memory_space<hbm>>, %arg5: memref<640x128xf32, #tpu.memory_space<hbm>>, %arg6: memref<2x10240x128xf32, #tpu.memory_space<hbm>>, %arg7: memref<40x64xi32, #tpu.memory_space<vmem>>, %arg8: memref<40x64xi32, #tpu.memory_space<vmem>>, %arg9: memref<64x128xf32, #tpu.memory_space<vmem>>, %arg10: memref<64x128xf32, #tpu.memory_space<vmem>>, %arg11: memref<64x128xf32, #tpu.memory_space<vmem>>, %arg12: memref<64x128xf32, #tpu.memory_space<vmem>>, %arg13: memref<!tpu.dma_semaphore, #tpu.memory_space<semaphore_mem>>, %arg14: memref<!tpu.dma_semaphore, #tpu.memory_space<semaphore_mem>>, %arg15: memref<!tpu.dma_semaphore, #tpu.memory_space<semaphore_mem>>, %arg16: memref<!tpu.dma_semaphore, #tpu.memory_space<semaphore_mem>>, %arg17: memref<!tpu.dma_semaphore, #tpu.memory_space<semaphore_mem>>, %arg18: memref<!tpu.dma_semaphore, #tpu.memory_space<semaphore_mem>>, %arg19: memref<!tpu.dma_semaphore, #tpu.memory_space<semaphore_mem>>, %arg20: memref<!tpu.dma_semaphore, #tpu.memory_space<semaphore_mem>>, %arg21: memref<10240x128xf32, #tpu.memory_space<vmem_shared>>) attributes {dimension_semantics = [#tpu.dimension_semantics<core_parallel>, #tpu.dimension_semantics<subcore_parallel>], iteration_bounds = array<i64: 2, 16>, scalar_prefetch = 0 : i64, scratch_operands = 15 : i64, tpu.core_type = #tpu.core_type<sc_vector_subcore>, window_params = [{transform_indices = #map}, {transform_indices = #map1}, {transform_indices = #map1}, {transform_indices = #map}, {transform_indices = #map1}]} {
    %mul3A = arith.constant 2 : i32
    %mul3A_0 = arith.muli %arg1, %mul3A : i32
    %add3A = arith.addi %mul3A_0, %arg0 : i32
    %mul3A_1 = arith.constant 640 : i32
    %mul3A_2 = arith.muli %arg1, %mul3A_1 : i32
    "tpu.region"() ({
      %run_scoped3A = tpu.sem_alloc : memref<!tpu.dma_semaphore, #tpu.memory_space<semaphore_mem>>
      %dma_start3A_477 = arith.constant 0 : i32
      %dma_start3A_478 = tpu.memref_slice %arg21[%mul3A_2, %dma_start3A_477] : memref<10240x128xf32, #tpu.memory_space<vmem_shared>> -> memref<640x128xf32, #tpu.memory_space<vmem_shared>>
      tpu.enqueue_dma source(%arg5 : memref<640x128xf32, #tpu.memory_space<hbm>>) target(%dma_start3A_478 : memref<640x128xf32, #tpu.memory_space<vmem_shared>>) target_semaphore(%run_scoped3A : memref<!tpu.dma_semaphore, #tpu.memory_space<semaphore_mem>>)
      %dma_wait3A_479 = arith.constant 0 : i32
      %dma_wait3A_480 = tpu.memref_slice %arg21[%mul3A_2, %dma_wait3A_479] : memref<10240x128xf32, #tpu.memory_space<vmem_shared>> -> memref<640x128xf32, #tpu.memory_space<vmem_shared>>
      tpu.wait_dma2 semaphore(%run_scoped3A : memref<!tpu.dma_semaphore, #tpu.memory_space<semaphore_mem>>) src(%arg5 : memref<640x128xf32, #tpu.memory_space<hbm>>) dst(%dma_wait3A_480 : memref<640x128xf32, #tpu.memory_space<vmem_shared>>)
      tpu.yield
    }) : () -> ()
    %barrier3A = arith.constant 0 : index
    tpu.barrier barrier_id(%barrier3A)
    "tpu.region"() ({
      %run_scoped3A = tpu.sem_alloc : memref<!tpu.dma_semaphore, #tpu.memory_space<semaphore_mem>>
      %dma_start3A_477 = arith.constant 0 : i32
      %dma_start3A_478 = arith.constant 0 : i32
      %dma_start3A_479 = tpu.memref_slice %arg3[%add3A, %dma_start3A_477, %dma_start3A_478] : memref<32x160x64xi32, #tpu.memory_space<hbm>> -> memref<1x40x64xi32, #tpu.memory_space<hbm>>
      %dma_start3A_480 = tpu.memref_squeeze %dma_start3A_479 : memref<1x40x64xi32, #tpu.memory_space<hbm>> -> memref<40x64xi32, #tpu.memory_space<hbm>>
      %dma_start3A_481 = arith.constant 0 : i32
      %dma_start3A_482 = arith.constant 0 : i32
      %dma_start3A_483 = tpu.memref_slice %arg3[%add3A, %dma_start3A_481, %dma_start3A_482] : memref<32x160x64xi32, #tpu.memory_space<hbm>> -> memref<1x40x64xi32, #tpu.memory_space<hbm>>
      %dma_start3A_484 = tpu.memref_squeeze %dma_start3A_483 : memref<1x40x64xi32, #tpu.memory_space<hbm>> -> memref<40x64xi32, #tpu.memory_space<hbm>>
      tpu.enqueue_dma source(%dma_start3A_484 : memref<40x64xi32, #tpu.memory_space<hbm>>) target(%arg7 : memref<40x64xi32, #tpu.memory_space<vmem>>) target_semaphore(%run_scoped3A : memref<!tpu.dma_semaphore, #tpu.memory_space<semaphore_mem>>)
      %dma_wait3A_485 = arith.constant 0 : i32
      %dma_wait3A_486 = arith.constant 0 : i32
      %dma_wait3A_487 = tpu.memref_slice %arg3[%add3A, %dma_wait3A_485, %dma_wait3A_486] : memref<32x160x64xi32, #tpu.memory_space<hbm>> -> memref<1x40x64xi32, #tpu.memory_space<hbm>>
      %dma_wait3A_488 = tpu.memref_squeeze %dma_wait3A_487 : memref<1x40x64xi32, #tpu.memory_space<hbm>> -> memref<40x64xi32, #tpu.memory_space<hbm>>
      %dma_wait3A_489 = arith.constant 0 : i32
      %dma_wait3A_490 = arith.constant 0 : i32
      %dma_wait3A_491 = tpu.memref_slice %arg3[%add3A, %dma_wait3A_489, %dma_wait3A_490] : memref<32x160x64xi32, #tpu.memory_space<hbm>> -> memref<1x40x64xi32, #tpu.memory_space<hbm>>
      %dma_wait3A_492 = tpu.memref_squeeze %dma_wait3A_491 : memref<1x40x64xi32, #tpu.memory_space<hbm>> -> memref<40x64xi32, #tpu.memory_space<hbm>>
      tpu.wait_dma2 semaphore(%run_scoped3A : memref<!tpu.dma_semaphore, #tpu.memory_space<semaphore_mem>>) src(%dma_wait3A_492 : memref<40x64xi32, #tpu.memory_space<hbm>>) dst(%arg7 : memref<40x64xi32, #tpu.memory_space<vmem>>)
      tpu.yield
    }) : () -> ()
    "tpu.region"() ({
      %run_scoped3A = tpu.sem_alloc : memref<!tpu.dma_semaphore, #tpu.memory_space<semaphore_mem>>
      %dma_start3A_477 = arith.constant 0 : i32
      %dma_start3A_478 = arith.constant 0 : i32
      %dma_start3A_479 = tpu.memref_slice %arg4[%add3A, %dma_start3A_477, %dma_start3A_478] : memref<32x160x64xi32, #tpu.memory_space<hbm>> -> memref<1x40x64xi32, #tpu.memory_space<hbm>>
      %dma_start3A_480 = tpu.memref_squeeze %dma_start3A_479 : memref<1x40x64xi32, #tpu.memory_space<hbm>> -> memref<40x64xi32, #tpu.memory_space<hbm>>
      %dma_start3A_481 = arith.constant 0 : i32
      %dma_start3A_482 = arith.constant 0 : i32
      %dma_start3A_483 = tpu.memref_slice %arg4[%add3A, %dma_start3A_481, %dma_start3A_482] : memref<32x160x64xi32, #tpu.memory_space<hbm>> -> memref<1x40x64xi32, #tpu.memory_space<hbm>>
      %dma_start3A_484 = tpu.memref_squeeze %dma_start3A_483 : memref<1x40x64xi32, #tpu.memory_space<hbm>> -> memref<40x64xi32, #tpu.memory_space<hbm>>
      tpu.enqueue_dma source(%dma_start3A_484 : memref<40x64xi32, #tpu.memory_space<hbm>>) target(%arg8 : memref<40x64xi32, #tpu.memory_space<vmem>>) target_semaphore(%run_scoped3A : memref<!tpu.dma_semaphore, #tpu.memory_space<semaphore_mem>>)
      %dma_wait3A_485 = arith.constant 0 : i32
      %dma_wait3A_486 = arith.constant 0 : i32
      %dma_wait3A_487 = tpu.memref_slice %arg4[%add3A, %dma_wait3A_485, %dma_wait3A_486] : memref<32x160x64xi32, #tpu.memory_space<hbm>> -> memref<1x40x64xi32, #tpu.memory_space<hbm>>
      %dma_wait3A_488 = tpu.memref_squeeze %dma_wait3A_487 : memref<1x40x64xi32, #tpu.memory_space<hbm>> -> memref<40x64xi32, #tpu.memory_space<hbm>>
      %dma_wait3A_489 = arith.constant 0 : i32
      %dma_wait3A_490 = arith.constant 0 : i32
      %dma_wait3A_491 = tpu.memref_slice %arg4[%add3A, %dma_wait3A_489, %dma_wait3A_490] : memref<32x160x64xi32, #tpu.memory_space<hbm>> -> memref<1x40x64xi32, #tpu.memory_space<hbm>>
      %dma_wait3A_492 = tpu.memref_squeeze %dma_wait3A_491 : memref<1x40x64xi32, #tpu.memory_space<hbm>> -> memref<40x64xi32, #tpu.memory_space<hbm>>
      tpu.wait_dma2 semaphore(%run_scoped3A : memref<!tpu.dma_semaphore, #tpu.memory_space<semaphore_mem>>) src(%dma_wait3A_492 : memref<40x64xi32, #tpu.memory_space<hbm>>) dst(%arg8 : memref<40x64xi32, #tpu.memory_space<vmem>>)
      tpu.yield
    }) : () -> ()
    %dma_start3A = arith.constant 0 : i32
    %dma_start3A_3 = arith.constant 0 : i32
    %dma_start3A_4 = tpu.memref_slice %arg7[%dma_start3A, %dma_start3A_3] : memref<40x64xi32, #tpu.memory_space<vmem>> -> memref<1x64xi32, #tpu.memory_space<vmem>>
    %dma_start3A_5 = tpu.memref_squeeze %dma_start3A_4 : memref<1x64xi32, #tpu.memory_space<vmem>> -> memref<64xi32, #tpu.memory_space<vmem>>
    %dma_start3A_6 = arith.constant 0 : i32
    %dma_start3A_7 = arith.constant 0 : i32
    %dma_start3A_8 = tpu.memref_slice %arg2[%dma_start3A_6, %dma_start3A_7] : memref<10240x128xf32, #tpu.memory_space<hbm>> -> memref<10240x128xf32, #tpu.memory_space<hbm>>
    tpu.enqueue_indirect_dma source(%dma_start3A_8 : memref<10240x128xf32, #tpu.memory_space<hbm>>) target(%arg9 : memref<64x128xf32, #tpu.memory_space<vmem>>) offsets(%dma_start3A_5 : memref<64xi32, #tpu.memory_space<vmem>>) semaphore(%arg13 : memref<!tpu.dma_semaphore, #tpu.memory_space<semaphore_mem>>)
    %dma_start3A_9 = arith.constant 1 : i32
    %dma_start3A_10 = arith.constant 0 : i32
    %dma_start3A_11 = tpu.memref_slice %arg7[%dma_start3A_9, %dma_start3A_10] : memref<40x64xi32, #tpu.memory_space<vmem>> -> memref<1x64xi32, #tpu.memory_space<vmem>>
    %dma_start3A_12 = tpu.memref_squeeze %dma_start3A_11 : memref<1x64xi32, #tpu.memory_space<vmem>> -> memref<64xi32, #tpu.memory_space<vmem>>
    %dma_start3A_13 = arith.constant 0 : i32
    %dma_start3A_14 = arith.constant 0 : i32
    %dma_start3A_15 = tpu.memref_slice %arg2[%dma_start3A_13, %dma_start3A_14] : memref<10240x128xf32, #tpu.memory_space<hbm>> -> memref<10240x128xf32, #tpu.memory_space<hbm>>
    tpu.enqueue_indirect_dma source(%dma_start3A_15 : memref<10240x128xf32, #tpu.memory_space<hbm>>) target(%arg10 : memref<64x128xf32, #tpu.memory_space<vmem>>) offsets(%dma_start3A_12 : memref<64xi32, #tpu.memory_space<vmem>>) semaphore(%arg14 : memref<!tpu.dma_semaphore, #tpu.memory_space<semaphore_mem>>)
    %dma_start3A_16 = arith.constant 2 : i32
    %dma_start3A_17 = arith.constant 0 : i32
    %dma_start3A_18 = tpu.memref_slice %arg7[%dma_start3A_16, %dma_start3A_17] : memref<40x64xi32, #tpu.memory_space<vmem>> -> memref<1x64xi32, #tpu.memory_space<vmem>>
    %dma_start3A_19 = tpu.memref_squeeze %dma_start3A_18 : memref<1x64xi32, #tpu.memory_space<vmem>> -> memref<64xi32, #tpu.memory_space<vmem>>
    %dma_start3A_20 = arith.constant 0 : i32
    %dma_start3A_21 = arith.constant 0 : i32
    %dma_start3A_22 = tpu.memref_slice %arg2[%dma_start3A_20, %dma_start3A_21] : memref<10240x128xf32, #tpu.memory_space<hbm>> -> memref<10240x128xf32, #tpu.memory_space<hbm>>
    tpu.enqueue_indirect_dma source(%dma_start3A_22 : memref<10240x128xf32, #tpu.memory_space<hbm>>) target(%arg11 : memref<64x128xf32, #tpu.memory_space<vmem>>) offsets(%dma_start3A_19 : memref<64xi32, #tpu.memory_space<vmem>>) semaphore(%arg15 : memref<!tpu.dma_semaphore, #tpu.memory_space<semaphore_mem>>)
    %dma_start3A_23 = arith.constant 3 : i32
    %dma_start3A_24 = arith.constant 0 : i32
    %dma_start3A_25 = tpu.memref_slice %arg7[%dma_start3A_23, %dma_start3A_24] : memref<40x64xi32, #tpu.memory_space<vmem>> -> memref<1x64xi32, #tpu.memory_space<vmem>>
    %dma_start3A_26 = tpu.memref_squeeze %dma_start3A_25 : memref<1x64xi32, #tpu.memory_space<vmem>> -> memref<64xi32, #tpu.memory_space<vmem>>
    %dma_start3A_27 = arith.constant 0 : i32
    %dma_start3A_28 = arith.constant 0 : i32
    %dma_start3A_29 = tpu.memref_slice %arg2[%dma_start3A_27, %dma_start3A_28] : memref<10240x128xf32, #tpu.memory_space<hbm>> -> memref<10240x128xf32, #tpu.memory_space<hbm>>
    tpu.enqueue_indirect_dma source(%dma_start3A_29 : memref<10240x128xf32, #tpu.memory_space<hbm>>) target(%arg12 : memref<64x128xf32, #tpu.memory_space<vmem>>) offsets(%dma_start3A_26 : memref<64xi32, #tpu.memory_space<vmem>>) semaphore(%arg16 : memref<!tpu.dma_semaphore, #tpu.memory_space<semaphore_mem>>)
    %scan3A = arith.constant 0 : i32
    %scan3A_30 = arith.constant 0 : i32
    %scan3A_31 = arith.constant 9 : i32
    %scan3A_32 = arith.addi %scan3A_30, %scan3A_31 : i32
    %scan3A_33 = arith.constant 1 : i32
    scf.for %scan3A_477 = %scan3A_30 to %scan3A_32 step %scan3A_33  : i32 {
      %mul3A_478 = arith.constant 4 : i32
      %mul3A_479 = arith.muli %mul3A_478, %scan3A_477 : i32
      %add3A_480 = arith.constant 0 : i32
      %add3A_481 = arith.addi %mul3A_479, %add3A_480 : i32
      %dma_wait3A_482 = arith.constant 0 : i32
      %dma_wait3A_483 = arith.constant 0 : i32
      %dma_wait3A_484 = tpu.memref_slice %arg7[%dma_wait3A_482, %dma_wait3A_483] : memref<40x64xi32, #tpu.memory_space<vmem>> -> memref<1x64xi32, #tpu.memory_space<vmem>>
      %dma_wait3A_485 = tpu.memref_squeeze %dma_wait3A_484 : memref<1x64xi32, #tpu.memory_space<vmem>> -> memref<64xi32, #tpu.memory_space<vmem>>
      %dma_wait3A_486 = arith.constant 0 : i32
      %dma_wait3A_487 = arith.constant 0 : i32
      %dma_wait3A_488 = tpu.memref_slice %arg2[%dma_wait3A_486, %dma_wait3A_487] : memref<10240x128xf32, #tpu.memory_space<hbm>> -> memref<10240x128xf32, #tpu.memory_space<hbm>>
      tpu.wait_indirect_dma semaphore(%arg13 : memref<!tpu.dma_semaphore, #tpu.memory_space<semaphore_mem>>) src(%dma_wait3A_488 : memref<10240x128xf32, #tpu.memory_space<hbm>>) dst(%arg9 : memref<64x128xf32, #tpu.memory_space<vmem>>)
      %dma_start3A_489 = arith.constant 0 : i32
      %dma_start3A_490 = tpu.memref_slice %arg8[%add3A_481, %dma_start3A_489] : memref<40x64xi32, #tpu.memory_space<vmem>> -> memref<1x64xi32, #tpu.memory_space<vmem>>
      %dma_start3A_491 = tpu.memref_squeeze %dma_start3A_490 : memref<1x64xi32, #tpu.memory_space<vmem>> -> memref<64xi32, #tpu.memory_space<vmem>>
      %dma_start3A_492 = arith.constant 0 : i32
      %dma_start3A_493 = arith.constant 0 : i32
      %dma_start3A_494 = tpu.memref_slice %arg21[%dma_start3A_492, %dma_start3A_493] : memref<10240x128xf32, #tpu.memory_space<vmem_shared>> -> memref<10240x128xf32, #tpu.memory_space<vmem_shared>>
      tpu.enqueue_indirect_dma source(%arg9 : memref<64x128xf32, #tpu.memory_space<vmem>>) target(%dma_start3A_494 : memref<10240x128xf32, #tpu.memory_space<vmem_shared>>) offsets(%dma_start3A_491 : memref<64xi32, #tpu.memory_space<vmem>>) semaphore(%arg17 : memref<!tpu.dma_semaphore, #tpu.memory_space<semaphore_mem>>) {add = true}
      %mul3A_495 = arith.constant 4 : i32
      %mul3A_496 = arith.muli %mul3A_495, %scan3A_477 : i32
      %add3A_497 = arith.constant 1 : i32
      %add3A_498 = arith.addi %mul3A_496, %add3A_497 : i32
      %dma_wait3A_499 = arith.constant 0 : i32
      %dma_wait3A_500 = arith.constant 0 : i32
      %dma_wait3A_501 = tpu.memref_slice %arg7[%dma_wait3A_499, %dma_wait3A_500] : memref<40x64xi32, #tpu.memory_space<vmem>> -> memref<1x64xi32, #tpu.memory_space<vmem>>
      %dma_wait3A_502 = tpu.memref_squeeze %dma_wait3A_501 : memref<1x64xi32, #tpu.memory_space<vmem>> -> memref<64xi32, #tpu.memory_space<vmem>>
      %dma_wait3A_503 = arith.constant 0 : i32
      %dma_wait3A_504 = arith.constant 0 : i32
      %dma_wait3A_505 = tpu.memref_slice %arg2[%dma_wait3A_503, %dma_wait3A_504] : memref<10240x128xf32, #tpu.memory_space<hbm>> -> memref<10240x128xf32, #tpu.memory_space<hbm>>
      tpu.wait_indirect_dma semaphore(%arg14 : memref<!tpu.dma_semaphore, #tpu.memory_space<semaphore_mem>>) src(%dma_wait3A_505 : memref<10240x128xf32, #tpu.memory_space<hbm>>) dst(%arg10 : memref<64x128xf32, #tpu.memory_space<vmem>>)
      %dma_start3A_506 = arith.constant 0 : i32
      %dma_start3A_507 = tpu.memref_slice %arg8[%add3A_498, %dma_start3A_506] : memref<40x64xi32, #tpu.memory_space<vmem>> -> memref<1x64xi32, #tpu.memory_space<vmem>>
      %dma_start3A_508 = tpu.memref_squeeze %dma_start3A_507 : memref<1x64xi32, #tpu.memory_space<vmem>> -> memref<64xi32, #tpu.memory_space<vmem>>
      %dma_start3A_509 = arith.constant 0 : i32
      %dma_start3A_510 = arith.constant 0 : i32
      %dma_start3A_511 = tpu.memref_slice %arg21[%dma_start3A_509, %dma_start3A_510] : memref<10240x128xf32, #tpu.memory_space<vmem_shared>> -> memref<10240x128xf32, #tpu.memory_space<vmem_shared>>
      tpu.enqueue_indirect_dma source(%arg10 : memref<64x128xf32, #tpu.memory_space<vmem>>) target(%dma_start3A_511 : memref<10240x128xf32, #tpu.memory_space<vmem_shared>>) offsets(%dma_start3A_508 : memref<64xi32, #tpu.memory_space<vmem>>) semaphore(%arg18 : memref<!tpu.dma_semaphore, #tpu.memory_space<semaphore_mem>>) {add = true}
      %mul3A_512 = arith.constant 4 : i32
      %mul3A_513 = arith.muli %mul3A_512, %scan3A_477 : i32
      %add3A_514 = arith.constant 2 : i32
      %add3A_515 = arith.addi %mul3A_513, %add3A_514 : i32
      %dma_wait3A_516 = arith.constant 0 : i32
      %dma_wait3A_517 = arith.constant 0 : i32
      %dma_wait3A_518 = tpu.memref_slice %arg7[%dma_wait3A_516, %dma_wait3A_517] : memref<40x64xi32, #tpu.memory_space<vmem>> -> memref<1x64xi32, #tpu.memory_space<vmem>>
      %dma_wait3A_519 = tpu.memref_squeeze %dma_wait3A_518 : memref<1x64xi32, #tpu.memory_space<vmem>> -> memref<64xi32, #tpu.memory_space<vmem>>
      %dma_wait3A_520 = arith.constant 0 : i32
      %dma_wait3A_521 = arith.constant 0 : i32
      %dma_wait3A_522 = tpu.memref_slice %arg2[%dma_wait3A_520, %dma_wait3A_521] : memref<10240x128xf32, #tpu.memory_space<hbm>> -> memref<10240x128xf32, #tpu.memory_space<hbm>>
      tpu.wait_indirect_dma semaphore(%arg15 : memref<!tpu.dma_semaphore, #tpu.memory_space<semaphore_mem>>) src(%dma_wait3A_522 : memref<10240x128xf32, #tpu.memory_space<hbm>>) dst(%arg11 : memref<64x128xf32, #tpu.memory_space<vmem>>)
      %dma_start3A_523 = arith.constant 0 : i32
      %dma_start3A_524 = tpu.memref_slice %arg8[%add3A_515, %dma_start3A_523] : memref<40x64xi32, #tpu.memory_space<vmem>> -> memref<1x64xi32, #tpu.memory_space<vmem>>
      %dma_start3A_525 = tpu.memref_squeeze %dma_start3A_524 : memref<1x64xi32, #tpu.memory_space<vmem>> -> memref<64xi32, #tpu.memory_space<vmem>>
      %dma_start3A_526 = arith.constant 0 : i32
      %dma_start3A_527 = arith.constant 0 : i32
      %dma_start3A_528 = tpu.memref_slice %arg21[%dma_start3A_526, %dma_start3A_527] : memref<10240x128xf32, #tpu.memory_space<vmem_shared>> -> memref<10240x128xf32, #tpu.memory_space<vmem_shared>>
      tpu.enqueue_indirect_dma source(%arg11 : memref<64x128xf32, #tpu.memory_space<vmem>>) target(%dma_start3A_528 : memref<10240x128xf32, #tpu.memory_space<vmem_shared>>) offsets(%dma_start3A_525 : memref<64xi32, #tpu.memory_space<vmem>>) semaphore(%arg19 : memref<!tpu.dma_semaphore, #tpu.memory_space<semaphore_mem>>) {add = true}
      %mul3A_529 = arith.constant 4 : i32
      %mul3A_530 = arith.muli %mul3A_529, %scan3A_477 : i32
      %add3A_531 = arith.constant 3 : i32
      %add3A_532 = arith.addi %mul3A_530, %add3A_531 : i32
      %dma_wait3A_533 = arith.constant 0 : i32
      %dma_wait3A_534 = arith.constant 0 : i32
      %dma_wait3A_535 = tpu.memref_slice %arg7[%dma_wait3A_533, %dma_wait3A_534] : memref<40x64xi32, #tpu.memory_space<vmem>> -> memref<1x64xi32, #tpu.memory_space<vmem>>
      %dma_wait3A_536 = tpu.memref_squeeze %dma_wait3A_535 : memref<1x64xi32, #tpu.memory_space<vmem>> -> memref<64xi32, #tpu.memory_space<vmem>>
      %dma_wait3A_537 = arith.constant 0 : i32
      %dma_wait3A_538 = arith.constant 0 : i32
      %dma_wait3A_539 = tpu.memref_slice %arg2[%dma_wait3A_537, %dma_wait3A_538] : memref<10240x128xf32, #tpu.memory_space<hbm>> -> memref<10240x128xf32, #tpu.memory_space<hbm>>
      tpu.wait_indirect_dma semaphore(%arg16 : memref<!tpu.dma_semaphore, #tpu.memory_space<semaphore_mem>>) src(%dma_wait3A_539 : memref<10240x128xf32, #tpu.memory_space<hbm>>) dst(%arg12 : memref<64x128xf32, #tpu.memory_space<vmem>>)
      %dma_start3A_540 = arith.constant 0 : i32
      %dma_start3A_541 = tpu.memref_slice %arg8[%add3A_532, %dma_start3A_540] : memref<40x64xi32, #tpu.memory_space<vmem>> -> memref<1x64xi32, #tpu.memory_space<vmem>>
      %dma_start3A_542 = tpu.memref_squeeze %dma_start3A_541 : memref<1x64xi32, #tpu.memory_space<vmem>> -> memref<64xi32, #tpu.memory_space<vmem>>
      %dma_start3A_543 = arith.constant 0 : i32
      %dma_start3A_544 = arith.constant 0 : i32
      %dma_start3A_545 = tpu.memref_slice %arg21[%dma_start3A_543, %dma_start3A_544] : memref<10240x128xf32, #tpu.memory_space<vmem_shared>> -> memref<10240x128xf32, #tpu.memory_space<vmem_shared>>
      tpu.enqueue_indirect_dma source(%arg12 : memref<64x128xf32, #tpu.memory_space<vmem>>) target(%dma_start3A_545 : memref<10240x128xf32, #tpu.memory_space<vmem_shared>>) offsets(%dma_start3A_542 : memref<64xi32, #tpu.memory_space<vmem>>) semaphore(%arg20 : memref<!tpu.dma_semaphore, #tpu.memory_space<semaphore_mem>>) {add = true}
      %mul3A_546 = arith.constant 4 : i32
      %mul3A_547 = arith.muli %mul3A_546, %scan3A_477 : i32
      %add3A_548 = arith.constant 0 : i32
      %add3A_549 = arith.addi %mul3A_547, %add3A_548 : i32
      %add3A_550 = arith.constant 4 : i32
      %add3A_551 = arith.addi %add3A_549, %add3A_550 : i32
      %dma_wait3A_552 = arith.constant 0 : i32
      %dma_wait3A_553 = arith.constant 0 : i32
      %dma_wait3A_554 = tpu.memref_slice %arg8[%dma_wait3A_552, %dma_wait3A_553] : memref<40x64xi32, #tpu.memory_space<vmem>> -> memref<1x64xi32, #tpu.memory_space<vmem>>
      %dma_wait3A_555 = tpu.memref_squeeze %dma_wait3A_554 : memref<1x64xi32, #tpu.memory_space<vmem>> -> memref<64xi32, #tpu.memory_space<vmem>>
      %dma_wait3A_556 = arith.constant 0 : i32
      %dma_wait3A_557 = arith.constant 0 : i32
      %dma_wait3A_558 = tpu.memref_slice %arg21[%dma_wait3A_556, %dma_wait3A_557] : memref<10240x128xf32, #tpu.memory_space<vmem_shared>> -> memref<10240x128xf32, #tpu.memory_space<vmem_shared>>
      tpu.wait_indirect_dma semaphore(%arg17 : memref<!tpu.dma_semaphore, #tpu.memory_space<semaphore_mem>>) src(%arg9 : memref<64x128xf32, #tpu.memory_space<vmem>>) dst(%dma_wait3A_558 : memref<10240x128xf32, #tpu.memory_space<vmem_shared>>)
      %dma_start3A_559 = arith.constant 0 : i32
      %dma_start3A_560 = tpu.memref_slice %arg7[%add3A_551, %dma_start3A_559] : memref<40x64xi32, #tpu.memory_space<vmem>> -> memref<1x64xi32, #tpu.memory_space<vmem>>
      %dma_start3A_561 = tpu.memref_squeeze %dma_start3A_560 : memref<1x64xi32, #tpu.memory_space<vmem>> -> memref<64xi32, #tpu.memory_space<vmem>>
      %dma_start3A_562 = arith.constant 0 : i32
      %dma_start3A_563 = arith.constant 0 : i32
      %dma_start3A_564 = tpu.memref_slice %arg2[%dma_start3A_562, %dma_start3A_563] : memref<10240x128xf32, #tpu.memory_space<hbm>> -> memref<10240x128xf32, #tpu.memory_space<hbm>>
      tpu.enqueue_indirect_dma source(%dma_start3A_564 : memref<10240x128xf32, #tpu.memory_space<hbm>>) target(%arg9 : memref<64x128xf32, #tpu.memory_space<vmem>>) offsets(%dma_start3A_561 : memref<64xi32, #tpu.memory_space<vmem>>) semaphore(%arg13 : memref<!tpu.dma_semaphore, #tpu.memory_space<semaphore_mem>>)
      %mul3A_565 = arith.constant 4 : i32
      %mul3A_566 = arith.muli %mul3A_565, %scan3A_477 : i32
      %add3A_567 = arith.constant 1 : i32
      %add3A_568 = arith.addi %mul3A_566, %add3A_567 : i32
      %add3A_569 = arith.constant 4 : i32
      %add3A_570 = arith.addi %add3A_568, %add3A_569 : i32
      %dma_wait3A_571 = arith.constant 0 : i32
      %dma_wait3A_572 = arith.constant 0 : i32
      %dma_wait3A_573 = tpu.memref_slice %arg8[%dma_wait3A_571, %dma_wait3A_572] : memref<40x64xi32, #tpu.memory_space<vmem>> -> memref<1x64xi32, #tpu.memory_space<vmem>>
      %dma_wait3A_574 = tpu.memref_squeeze %dma_wait3A_573 : memref<1x64xi32, #tpu.memory_space<vmem>> -> memref<64xi32, #tpu.memory_space<vmem>>
      %dma_wait3A_575 = arith.constant 0 : i32
      %dma_wait3A_576 = arith.constant 0 : i32
      %dma_wait3A_577 = tpu.memref_slice %arg21[%dma_wait3A_575, %dma_wait3A_576] : memref<10240x128xf32, #tpu.memory_space<vmem_shared>> -> memref<10240x128xf32, #tpu.memory_space<vmem_shared>>
      tpu.wait_indirect_dma semaphore(%arg18 : memref<!tpu.dma_semaphore, #tpu.memory_space<semaphore_mem>>) src(%arg10 : memref<64x128xf32, #tpu.memory_space<vmem>>) dst(%dma_wait3A_577 : memref<10240x128xf32, #tpu.memory_space<vmem_shared>>)
      %dma_start3A_578 = arith.constant 0 : i32
      %dma_start3A_579 = tpu.memref_slice %arg7[%add3A_570, %dma_start3A_578] : memref<40x64xi32, #tpu.memory_space<vmem>> -> memref<1x64xi32, #tpu.memory_space<vmem>>
      %dma_start3A_580 = tpu.memref_squeeze %dma_start3A_579 : memref<1x64xi32, #tpu.memory_space<vmem>> -> memref<64xi32, #tpu.memory_space<vmem>>
      %dma_start3A_581 = arith.constant 0 : i32
      %dma_start3A_582 = arith.constant 0 : i32
      %dma_start3A_583 = tpu.memref_slice %arg2[%dma_start3A_581, %dma_start3A_582] : memref<10240x128xf32, #tpu.memory_space<hbm>> -> memref<10240x128xf32, #tpu.memory_space<hbm>>
      tpu.enqueue_indirect_dma source(%dma_start3A_583 : memref<10240x128xf32, #tpu.memory_space<hbm>>) target(%arg10 : memref<64x128xf32, #tpu.memory_space<vmem>>) offsets(%dma_start3A_580 : memref<64xi32, #tpu.memory_space<vmem>>) semaphore(%arg14 : memref<!tpu.dma_semaphore, #tpu.memory_space<semaphore_mem>>)
      %mul3A_584 = arith.constant 4 : i32
      %mul3A_585 = arith.muli %mul3A_584, %scan3A_477 : i32
      %add3A_586 = arith.constant 2 : i32
      %add3A_587 = arith.addi %mul3A_585, %add3A_586 : i32
      %add3A_588 = arith.constant 4 : i32
      %add3A_589 = arith.addi %add3A_587, %add3A_588 : i32
      %dma_wait3A_590 = arith.constant 0 : i32
      %dma_wait3A_591 = arith.constant 0 : i32
      %dma_wait3A_592 = tpu.memref_slice %arg8[%dma_wait3A_590, %dma_wait3A_591] : memref<40x64xi32, #tpu.memory_space<vmem>> -> memref<1x64xi32, #tpu.memory_space<vmem>>
      %dma_wait3A_593 = tpu.memref_squeeze %dma_wait3A_592 : memref<1x64xi32, #tpu.memory_space<vmem>> -> memref<64xi32, #tpu.memory_space<vmem>>
      %dma_wait3A_594 = arith.constant 0 : i32
      %dma_wait3A_595 = arith.constant 0 : i32
      %dma_wait3A_596 = tpu.memref_slice %arg21[%dma_wait3A_594, %dma_wait3A_595] : memref<10240x128xf32, #tpu.memory_space<vmem_shared>> -> memref<10240x128xf32, #tpu.memory_space<vmem_shared>>
      tpu.wait_indirect_dma semaphore(%arg19 : memref<!tpu.dma_semaphore, #tpu.memory_space<semaphore_mem>>) src(%arg11 : memref<64x128xf32, #tpu.memory_space<vmem>>) dst(%dma_wait3A_596 : memref<10240x128xf32, #tpu.memory_space<vmem_shared>>)
      %dma_start3A_597 = arith.constant 0 : i32
      %dma_start3A_598 = tpu.memref_slice %arg7[%add3A_589, %dma_start3A_597] : memref<40x64xi32, #tpu.memory_space<vmem>> -> memref<1x64xi32, #tpu.memory_space<vmem>>
      %dma_start3A_599 = tpu.memref_squeeze %dma_start3A_598 : memref<1x64xi32, #tpu.memory_space<vmem>> -> memref<64xi32, #tpu.memory_space<vmem>>
      %dma_start3A_600 = arith.constant 0 : i32
      %dma_start3A_601 = arith.constant 0 : i32
      %dma_start3A_602 = tpu.memref_slice %arg2[%dma_start3A_600, %dma_start3A_601] : memref<10240x128xf32, #tpu.memory_space<hbm>> -> memref<10240x128xf32, #tpu.memory_space<hbm>>
      tpu.enqueue_indirect_dma source(%dma_start3A_602 : memref<10240x128xf32, #tpu.memory_space<hbm>>) target(%arg11 : memref<64x128xf32, #tpu.memory_space<vmem>>) offsets(%dma_start3A_599 : memref<64xi32, #tpu.memory_space<vmem>>) semaphore(%arg15 : memref<!tpu.dma_semaphore, #tpu.memory_space<semaphore_mem>>)
      %mul3A_603 = arith.constant 4 : i32
      %mul3A_604 = arith.muli %mul3A_603, %scan3A_477 : i32
      %add3A_605 = arith.constant 3 : i32
      %add3A_606 = arith.addi %mul3A_604, %add3A_605 : i32
      %add3A_607 = arith.constant 4 : i32
      %add3A_608 = arith.addi %add3A_606, %add3A_607 : i32
      %dma_wait3A_609 = arith.constant 0 : i32
      %dma_wait3A_610 = arith.constant 0 : i32
      %dma_wait3A_611 = tpu.memref_slice %arg8[%dma_wait3A_609, %dma_wait3A_610] : memref<40x64xi32, #tpu.memory_space<vmem>> -> memref<1x64xi32, #tpu.memory_space<vmem>>
      %dma_wait3A_612 = tpu.memref_squeeze %dma_wait3A_611 : memref<1x64xi32, #tpu.memory_space<vmem>> -> memref<64xi32, #tpu.memory_space<vmem>>
      %dma_wait3A_613 = arith.constant 0 : i32
      %dma_wait3A_614 = arith.constant 0 : i32
      %dma_wait3A_615 = tpu.memref_slice %arg21[%dma_wait3A_613, %dma_wait3A_614] : memref<10240x128xf32, #tpu.memory_space<vmem_shared>> -> memref<10240x128xf32, #tpu.memory_space<vmem_shared>>
      tpu.wait_indirect_dma semaphore(%arg20 : memref<!tpu.dma_semaphore, #tpu.memory_space<semaphore_mem>>) src(%arg12 : memref<64x128xf32, #tpu.memory_space<vmem>>) dst(%dma_wait3A_615 : memref<10240x128xf32, #tpu.memory_space<vmem_shared>>)
      %dma_start3A_616 = arith.constant 0 : i32
      %dma_start3A_617 = tpu.memref_slice %arg7[%add3A_608, %dma_start3A_616] : memref<40x64xi32, #tpu.memory_space<vmem>> -> memref<1x64xi32, #tpu.memory_space<vmem>>
      %dma_start3A_618 = tpu.memref_squeeze %dma_start3A_617 : memref<1x64xi32, #tpu.memory_space<vmem>> -> memref<64xi32, #tpu.memory_space<vmem>>
      %dma_start3A_619 = arith.constant 0 : i32
      %dma_start3A_620 = arith.constant 0 : i32
      %dma_start3A_621 = tpu.memref_slice %arg2[%dma_start3A_619, %dma_start3A_620] : memref<10240x128xf32, #tpu.memory_space<hbm>> -> memref<10240x128xf32, #tpu.memory_space<hbm>>
      tpu.enqueue_indirect_dma source(%dma_start3A_621 : memref<10240x128xf32, #tpu.memory_space<hbm>>) target(%arg12 : memref<64x128xf32, #tpu.memory_space<vmem>>) offsets(%dma_start3A_618 : memref<64xi32, #tpu.memory_space<vmem>>) semaphore(%arg16 : memref<!tpu.dma_semaphore, #tpu.memory_space<semaphore_mem>>)
    }
    %scan3A_34 = arith.constant 9 : i32
    %dma_wait3A = arith.constant 0 : i32
    %dma_wait3A_35 = arith.constant 0 : i32
    %dma_wait3A_36 = tpu.memref_slice %arg7[%dma_wait3A, %dma_wait3A_35] : memref<40x64xi32, #tpu.memory_space<vmem>> -> memref<1x64xi32, #tpu.memory_space<vmem>>
    %dma_wait3A_37 = tpu.memref_squeeze %dma_wait3A_36 : memref<1x64xi32, #tpu.memory_space<vmem>> -> memref<64xi32, #tpu.memory_space<vmem>>
    %dma_wait3A_38 = arith.constant 0 : i32
    %dma_wait3A_39 = arith.constant 0 : i32
    %dma_wait3A_40 = tpu.memref_slice %arg2[%dma_wait3A_38, %dma_wait3A_39] : memref<10240x128xf32, #tpu.memory_space<hbm>> -> memref<10240x128xf32, #tpu.memory_space<hbm>>
    tpu.wait_indirect_dma semaphore(%arg13 : memref<!tpu.dma_semaphore, #tpu.memory_space<semaphore_mem>>) src(%dma_wait3A_40 : memref<10240x128xf32, #tpu.memory_space<hbm>>) dst(%arg9 : memref<64x128xf32, #tpu.memory_space<vmem>>)
    %dma_start3A_41 = arith.constant 36 : i32
    %dma_start3A_42 = arith.constant 0 : i32
    %dma_start3A_43 = tpu.memref_slice %arg8[%dma_start3A_41, %dma_start3A_42] : memref<40x64xi32, #tpu.memory_space<vmem>> -> memref<1x64xi32, #tpu.memory_space<vmem>>
    %dma_start3A_44 = tpu.memref_squeeze %dma_start3A_43 : memref<1x64xi32, #tpu.memory_space<vmem>> -> memref<64xi32, #tpu.memory_space<vmem>>
    %dma_start3A_45 = arith.constant 0 : i32
    %dma_start3A_46 = arith.constant 0 : i32
    %dma_start3A_47 = tpu.memref_slice %arg21[%dma_start3A_45, %dma_start3A_46] : memref<10240x128xf32, #tpu.memory_space<vmem_shared>> -> memref<10240x128xf32, #tpu.memory_space<vmem_shared>>
    tpu.enqueue_indirect_dma source(%arg9 : memref<64x128xf32, #tpu.memory_space<vmem>>) target(%dma_start3A_47 : memref<10240x128xf32, #tpu.memory_space<vmem_shared>>) offsets(%dma_start3A_44 : memref<64xi32, #tpu.memory_space<vmem>>) semaphore(%arg17 : memref<!tpu.dma_semaphore, #tpu.memory_space<semaphore_mem>>) {add = true}
    %dma_wait3A_48 = arith.constant 0 : i32
    %dma_wait3A_49 = arith.constant 0 : i32
    %dma_wait3A_50 = tpu.memref_slice %arg7[%dma_wait3A_48, %dma_wait3A_49] : memref<40x64xi32, #tpu.memory_space<vmem>> -> memref<1x64xi32, #tpu.memory_space<vmem>>
    %dma_wait3A_51 = tpu.memref_squeeze %dma_wait3A_50 : memref<1x64xi32, #tpu.memory_space<vmem>> -> memref<64xi32, #tpu.memory_space<vmem>>
    %dma_wait3A_52 = arith.constant 0 : i32
    %dma_wait3A_53 = arith.constant 0 : i32
    %dma_wait3A_54 = tpu.memref_slice %arg2[%dma_wait3A_52, %dma_wait3A_53] : memref<10240x128xf32, #tpu.memory_space<hbm>> -> memref<10240x128xf32, #tpu.memory_space<hbm>>
    tpu.wait_indirect_dma semaphore(%arg14 : memref<!tpu.dma_semaphore, #tpu.memory_space<semaphore_mem>>) src(%dma_wait3A_54 : memref<10240x128xf32, #tpu.memory_space<hbm>>) dst(%arg10 : memref<64x128xf32, #tpu.memory_space<vmem>>)
    %dma_start3A_55 = arith.constant 37 : i32
    %dma_start3A_56 = arith.constant 0 : i32
    %dma_start3A_57 = tpu.memref_slice %arg8[%dma_start3A_55, %dma_start3A_56] : memref<40x64xi32, #tpu.memory_space<vmem>> -> memref<1x64xi32, #tpu.memory_space<vmem>>
    %dma_start3A_58 = tpu.memref_squeeze %dma_start3A_57 : memref<1x64xi32, #tpu.memory_space<vmem>> -> memref<64xi32, #tpu.memory_space<vmem>>
    %dma_start3A_59 = arith.constant 0 : i32
    %dma_start3A_60 = arith.constant 0 : i32
    %dma_start3A_61 = tpu.memref_slice %arg21[%dma_start3A_59, %dma_start3A_60] : memref<10240x128xf32, #tpu.memory_space<vmem_shared>> -> memref<10240x128xf32, #tpu.memory_space<vmem_shared>>
    tpu.enqueue_indirect_dma source(%arg10 : memref<64x128xf32, #tpu.memory_space<vmem>>) target(%dma_start3A_61 : memref<10240x128xf32, #tpu.memory_space<vmem_shared>>) offsets(%dma_start3A_58 : memref<64xi32, #tpu.memory_space<vmem>>) semaphore(%arg18 : memref<!tpu.dma_semaphore, #tpu.memory_space<semaphore_mem>>) {add = true}
    %dma_wait3A_62 = arith.constant 0 : i32
    %dma_wait3A_63 = arith.constant 0 : i32
    %dma_wait3A_64 = tpu.memref_slice %arg7[%dma_wait3A_62, %dma_wait3A_63] : memref<40x64xi32, #tpu.memory_space<vmem>> -> memref<1x64xi32, #tpu.memory_space<vmem>>
    %dma_wait3A_65 = tpu.memref_squeeze %dma_wait3A_64 : memref<1x64xi32, #tpu.memory_space<vmem>> -> memref<64xi32, #tpu.memory_space<vmem>>
    %dma_wait3A_66 = arith.constant 0 : i32
    %dma_wait3A_67 = arith.constant 0 : i32
    %dma_wait3A_68 = tpu.memref_slice %arg2[%dma_wait3A_66, %dma_wait3A_67] : memref<10240x128xf32, #tpu.memory_space<hbm>> -> memref<10240x128xf32, #tpu.memory_space<hbm>>
    tpu.wait_indirect_dma semaphore(%arg15 : memref<!tpu.dma_semaphore, #tpu.memory_space<semaphore_mem>>) src(%dma_wait3A_68 : memref<10240x128xf32, #tpu.memory_space<hbm>>) dst(%arg11 : memref<64x128xf32, #tpu.memory_space<vmem>>)
    %dma_start3A_69 = arith.constant 38 : i32
    %dma_start3A_70 = arith.constant 0 : i32
    %dma_start3A_71 = tpu.memref_slice %arg8[%dma_start3A_69, %dma_start3A_70] : memref<40x64xi32, #tpu.memory_space<vmem>> -> memref<1x64xi32, #tpu.memory_space<vmem>>
    %dma_start3A_72 = tpu.memref_squeeze %dma_start3A_71 : memref<1x64xi32, #tpu.memory_space<vmem>> -> memref<64xi32, #tpu.memory_space<vmem>>
    %dma_start3A_73 = arith.constant 0 : i32
    %dma_start3A_74 = arith.constant 0 : i32
    %dma_start3A_75 = tpu.memref_slice %arg21[%dma_start3A_73, %dma_start3A_74] : memref<10240x128xf32, #tpu.memory_space<vmem_shared>> -> memref<10240x128xf32, #tpu.memory_space<vmem_shared>>
    tpu.enqueue_indirect_dma source(%arg11 : memref<64x128xf32, #tpu.memory_space<vmem>>) target(%dma_start3A_75 : memref<10240x128xf32, #tpu.memory_space<vmem_shared>>) offsets(%dma_start3A_72 : memref<64xi32, #tpu.memory_space<vmem>>) semaphore(%arg19 : memref<!tpu.dma_semaphore, #tpu.memory_space<semaphore_mem>>) {add = true}
    %dma_wait3A_76 = arith.constant 0 : i32
    %dma_wait3A_77 = arith.constant 0 : i32
    %dma_wait3A_78 = tpu.memref_slice %arg7[%dma_wait3A_76, %dma_wait3A_77] : memref<40x64xi32, #tpu.memory_space<vmem>> -> memref<1x64xi32, #tpu.memory_space<vmem>>
    %dma_wait3A_79 = tpu.memref_squeeze %dma_wait3A_78 : memref<1x64xi32, #tpu.memory_space<vmem>> -> memref<64xi32, #tpu.memory_space<vmem>>
    %dma_wait3A_80 = arith.constant 0 : i32
    %dma_wait3A_81 = arith.constant 0 : i32
    %dma_wait3A_82 = tpu.memref_slice %arg2[%dma_wait3A_80, %dma_wait3A_81] : memref<10240x128xf32, #tpu.memory_space<hbm>> -> memref<10240x128xf32, #tpu.memory_space<hbm>>
    tpu.wait_indirect_dma semaphore(%arg16 : memref<!tpu.dma_semaphore, #tpu.memory_space<semaphore_mem>>) src(%dma_wait3A_82 : memref<10240x128xf32, #tpu.memory_space<hbm>>) dst(%arg12 : memref<64x128xf32, #tpu.memory_space<vmem>>)
    %dma_start3A_83 = arith.constant 39 : i32
    %dma_start3A_84 = arith.constant 0 : i32
    %dma_start3A_85 = tpu.memref_slice %arg8[%dma_start3A_83, %dma_start3A_84] : memref<40x64xi32, #tpu.memory_space<vmem>> -> memref<1x64xi32, #tpu.memory_space<vmem>>
    %dma_start3A_86 = tpu.memref_squeeze %dma_start3A_85 : memref<1x64xi32, #tpu.memory_space<vmem>> -> memref<64xi32, #tpu.memory_space<vmem>>
    %dma_start3A_87 = arith.constant 0 : i32
    %dma_start3A_88 = arith.constant 0 : i32
    %dma_start3A_89 = tpu.memref_slice %arg21[%dma_start3A_87, %dma_start3A_88] : memref<10240x128xf32, #tpu.memory_space<vmem_shared>> -> memref<10240x128xf32, #tpu.memory_space<vmem_shared>>
    tpu.enqueue_indirect_dma source(%arg12 : memref<64x128xf32, #tpu.memory_space<vmem>>) target(%dma_start3A_89 : memref<10240x128xf32, #tpu.memory_space<vmem_shared>>) offsets(%dma_start3A_86 : memref<64xi32, #tpu.memory_space<vmem>>) semaphore(%arg20 : memref<!tpu.dma_semaphore, #tpu.memory_space<semaphore_mem>>) {add = true}
    %dma_wait3A_90 = arith.constant 0 : i32
    %dma_wait3A_91 = arith.constant 0 : i32
    %dma_wait3A_92 = tpu.memref_slice %arg8[%dma_wait3A_90, %dma_wait3A_91] : memref<40x64xi32, #tpu.memory_space<vmem>> -> memref<1x64xi32, #tpu.memory_space<vmem>>
    %dma_wait3A_93 = tpu.memref_squeeze %dma_wait3A_92 : memref<1x64xi32, #tpu.memory_space<vmem>> -> memref<64xi32, #tpu.memory_space<vmem>>
    %dma_wait3A_94 = arith.constant 0 : i32
    %dma_wait3A_95 = arith.constant 0 : i32
    %dma_wait3A_96 = tpu.memref_slice %arg21[%dma_wait3A_94, %dma_wait3A_95] : memref<10240x128xf32, #tpu.memory_space<vmem_shared>> -> memref<10240x128xf32, #tpu.memory_space<vmem_shared>>
    tpu.wait_indirect_dma semaphore(%arg17 : memref<!tpu.dma_semaphore, #tpu.memory_space<semaphore_mem>>) src(%arg9 : memref<64x128xf32, #tpu.memory_space<vmem>>) dst(%dma_wait3A_96 : memref<10240x128xf32, #tpu.memory_space<vmem_shared>>)
    %dma_wait3A_97 = arith.constant 0 : i32
    %dma_wait3A_98 = arith.constant 0 : i32
    %dma_wait3A_99 = tpu.memref_slice %arg8[%dma_wait3A_97, %dma_wait3A_98] : memref<40x64xi32, #tpu.memory_space<vmem>> -> memref<1x64xi32, #tpu.memory_space<vmem>>
    %dma_wait3A_100 = tpu.memref_squeeze %dma_wait3A_99 : memref<1x64xi32, #tpu.memory_space<vmem>> -> memref<64xi32, #tpu.memory_space<vmem>>
    %dma_wait3A_101 = arith.constant 0 : i32
    %dma_wait3A_102 = arith.constant 0 : i32
    %dma_wait3A_103 = tpu.memref_slice %arg21[%dma_wait3A_101, %dma_wait3A_102] : memref<10240x128xf32, #tpu.memory_space<vmem_shared>> -> memref<10240x128xf32, #tpu.memory_space<vmem_shared>>
    tpu.wait_indirect_dma semaphore(%arg18 : memref<!tpu.dma_semaphore, #tpu.memory_space<semaphore_mem>>) src(%arg10 : memref<64x128xf32, #tpu.memory_space<vmem>>) dst(%dma_wait3A_103 : memref<10240x128xf32, #tpu.memory_space<vmem_shared>>)
    %dma_wait3A_104 = arith.constant 0 : i32
    %dma_wait3A_105 = arith.constant 0 : i32
    %dma_wait3A_106 = tpu.memref_slice %arg8[%dma_wait3A_104, %dma_wait3A_105] : memref<40x64xi32, #tpu.memory_space<vmem>> -> memref<1x64xi32, #tpu.memory_space<vmem>>
    %dma_wait3A_107 = tpu.memref_squeeze %dma_wait3A_106 : memref<1x64xi32, #tpu.memory_space<vmem>> -> memref<64xi32, #tpu.memory_space<vmem>>
    %dma_wait3A_108 = arith.constant 0 : i32
    %dma_wait3A_109 = arith.constant 0 : i32
    %dma_wait3A_110 = tpu.memref_slice %arg21[%dma_wait3A_108, %dma_wait3A_109] : memref<10240x128xf32, #tpu.memory_space<vmem_shared>> -> memref<10240x128xf32, #tpu.memory_space<vmem_shared>>
    tpu.wait_indirect_dma semaphore(%arg19 : memref<!tpu.dma_semaphore, #tpu.memory_space<semaphore_mem>>) src(%arg11 : memref<64x128xf32, #tpu.memory_space<vmem>>) dst(%dma_wait3A_110 : memref<10240x128xf32, #tpu.memory_space<vmem_shared>>)
    %dma_wait3A_111 = arith.constant 0 : i32
    %dma_wait3A_112 = arith.constant 0 : i32
    %dma_wait3A_113 = tpu.memref_slice %arg8[%dma_wait3A_111, %dma_wait3A_112] : memref<40x64xi32, #tpu.memory_space<vmem>> -> memref<1x64xi32, #tpu.memory_space<vmem>>
    %dma_wait3A_114 = tpu.memref_squeeze %dma_wait3A_113 : memref<1x64xi32, #tpu.memory_space<vmem>> -> memref<64xi32, #tpu.memory_space<vmem>>
    %dma_wait3A_115 = arith.constant 0 : i32
    %dma_wait3A_116 = arith.constant 0 : i32
    %dma_wait3A_117 = tpu.memref_slice %arg21[%dma_wait3A_115, %dma_wait3A_116] : memref<10240x128xf32, #tpu.memory_space<vmem_shared>> -> memref<10240x128xf32, #tpu.memory_space<vmem_shared>>
    tpu.wait_indirect_dma semaphore(%arg20 : memref<!tpu.dma_semaphore, #tpu.memory_space<semaphore_mem>>) src(%arg12 : memref<64x128xf32, #tpu.memory_space<vmem>>) dst(%dma_wait3A_117 : memref<10240x128xf32, #tpu.memory_space<vmem_shared>>)
    "tpu.region"() ({
      %run_scoped3A = tpu.sem_alloc : memref<!tpu.dma_semaphore, #tpu.memory_space<semaphore_mem>>
      %dma_start3A_477 = arith.constant 40 : i32
      %dma_start3A_478 = arith.constant 0 : i32
      %dma_start3A_479 = tpu.memref_slice %arg3[%add3A, %dma_start3A_477, %dma_start3A_478] : memref<32x160x64xi32, #tpu.memory_space<hbm>> -> memref<1x40x64xi32, #tpu.memory_space<hbm>>
      %dma_start3A_480 = tpu.memref_squeeze %dma_start3A_479 : memref<1x40x64xi32, #tpu.memory_space<hbm>> -> memref<40x64xi32, #tpu.memory_space<hbm>>
      %dma_start3A_481 = arith.constant 40 : i32
      %dma_start3A_482 = arith.constant 0 : i32
      %dma_start3A_483 = tpu.memref_slice %arg3[%add3A, %dma_start3A_481, %dma_start3A_482] : memref<32x160x64xi32, #tpu.memory_space<hbm>> -> memref<1x40x64xi32, #tpu.memory_space<hbm>>
      %dma_start3A_484 = tpu.memref_squeeze %dma_start3A_483 : memref<1x40x64xi32, #tpu.memory_space<hbm>> -> memref<40x64xi32, #tpu.memory_space<hbm>>
      tpu.enqueue_dma source(%dma_start3A_484 : memref<40x64xi32, #tpu.memory_space<hbm>>) target(%arg7 : memref<40x64xi32, #tpu.memory_space<vmem>>) target_semaphore(%run_scoped3A : memref<!tpu.dma_semaphore, #tpu.memory_space<semaphore_mem>>)
      %dma_wait3A_485 = arith.constant 40 : i32
      %dma_wait3A_486 = arith.constant 0 : i32
      %dma_wait3A_487 = tpu.memref_slice %arg3[%add3A, %dma_wait3A_485, %dma_wait3A_486] : memref<32x160x64xi32, #tpu.memory_space<hbm>> -> memref<1x40x64xi32, #tpu.memory_space<hbm>>
      %dma_wait3A_488 = tpu.memref_squeeze %dma_wait3A_487 : memref<1x40x64xi32, #tpu.memory_space<hbm>> -> memref<40x64xi32, #tpu.memory_space<hbm>>
      %dma_wait3A_489 = arith.constant 40 : i32
      %dma_wait3A_490 = arith.constant 0 : i32
      %dma_wait3A_491 = tpu.memref_slice %arg3[%add3A, %dma_wait3A_489, %dma_wait3A_490] : memref<32x160x64xi32, #tpu.memory_space<hbm>> -> memref<1x40x64xi32, #tpu.memory_space<hbm>>
      %dma_wait3A_492 = tpu.memref_squeeze %dma_wait3A_491 : memref<1x40x64xi32, #tpu.memory_space<hbm>> -> memref<40x64xi32, #tpu.memory_space<hbm>>
      tpu.wait_dma2 semaphore(%run_scoped3A : memref<!tpu.dma_semaphore, #tpu.memory_space<semaphore_mem>>) src(%dma_wait3A_492 : memref<40x64xi32, #tpu.memory_space<hbm>>) dst(%arg7 : memref<40x64xi32, #tpu.memory_space<vmem>>)
      tpu.yield
    }) : () -> ()
    "tpu.region"() ({
      %run_scoped3A = tpu.sem_alloc : memref<!tpu.dma_semaphore, #tpu.memory_space<semaphore_mem>>
      %dma_start3A_477 = arith.constant 40 : i32
      %dma_start3A_478 = arith.constant 0 : i32
      %dma_start3A_479 = tpu.memref_slice %arg4[%add3A, %dma_start3A_477, %dma_start3A_478] : memref<32x160x64xi32, #tpu.memory_space<hbm>> -> memref<1x40x64xi32, #tpu.memory_space<hbm>>
      %dma_start3A_480 = tpu.memref_squeeze %dma_start3A_479 : memref<1x40x64xi32, #tpu.memory_space<hbm>> -> memref<40x64xi32, #tpu.memory_space<hbm>>
      %dma_start3A_481 = arith.constant 40 : i32
      %dma_start3A_482 = arith.constant 0 : i32
      %dma_start3A_483 = tpu.memref_slice %arg4[%add3A, %dma_start3A_481, %dma_start3A_482] : memref<32x160x64xi32, #tpu.memory_space<hbm>> -> memref<1x40x64xi32, #tpu.memory_space<hbm>>
      %dma_start3A_484 = tpu.memref_squeeze %dma_start3A_483 : memref<1x40x64xi32, #tpu.memory_space<hbm>> -> memref<40x64xi32, #tpu.memory_space<hbm>>
      tpu.enqueue_dma source(%dma_start3A_484 : memref<40x64xi32, #tpu.memory_space<hbm>>) target(%arg8 : memref<40x64xi32, #tpu.memory_space<vmem>>) target_semaphore(%run_scoped3A : memref<!tpu.dma_semaphore, #tpu.memory_space<semaphore_mem>>)
      %dma_wait3A_485 = arith.constant 40 : i32
      %dma_wait3A_486 = arith.constant 0 : i32
      %dma_wait3A_487 = tpu.memref_slice %arg4[%add3A, %dma_wait3A_485, %dma_wait3A_486] : memref<32x160x64xi32, #tpu.memory_space<hbm>> -> memref<1x40x64xi32, #tpu.memory_space<hbm>>
      %dma_wait3A_488 = tpu.memref_squeeze %dma_wait3A_487 : memref<1x40x64xi32, #tpu.memory_space<hbm>> -> memref<40x64xi32, #tpu.memory_space<hbm>>
      %dma_wait3A_489 = arith.constant 40 : i32
      %dma_wait3A_490 = arith.constant 0 : i32
      %dma_wait3A_491 = tpu.memref_slice %arg4[%add3A, %dma_wait3A_489, %dma_wait3A_490] : memref<32x160x64xi32, #tpu.memory_space<hbm>> -> memref<1x40x64xi32, #tpu.memory_space<hbm>>
      %dma_wait3A_492 = tpu.memref_squeeze %dma_wait3A_491 : memref<1x40x64xi32, #tpu.memory_space<hbm>> -> memref<40x64xi32, #tpu.memory_space<hbm>>
      tpu.wait_dma2 semaphore(%run_scoped3A : memref<!tpu.dma_semaphore, #tpu.memory_space<semaphore_mem>>) src(%dma_wait3A_492 : memref<40x64xi32, #tpu.memory_space<hbm>>) dst(%arg8 : memref<40x64xi32, #tpu.memory_space<vmem>>)
      tpu.yield
    }) : () -> ()
    %dma_start3A_118 = arith.constant 0 : i32
    %dma_start3A_119 = arith.constant 0 : i32
    %dma_start3A_120 = tpu.memref_slice %arg7[%dma_start3A_118, %dma_start3A_119] : memref<40x64xi32, #tpu.memory_space<vmem>> -> memref<1x64xi32, #tpu.memory_space<vmem>>
    %dma_start3A_121 = tpu.memref_squeeze %dma_start3A_120 : memref<1x64xi32, #tpu.memory_space<vmem>> -> memref<64xi32, #tpu.memory_space<vmem>>
    %dma_start3A_122 = arith.constant 0 : i32
    %dma_start3A_123 = arith.constant 0 : i32
    %dma_start3A_124 = tpu.memref_slice %arg2[%dma_start3A_122, %dma_start3A_123] : memref<10240x128xf32, #tpu.memory_space<hbm>> -> memref<10240x128xf32, #tpu.memory_space<hbm>>
    tpu.enqueue_indirect_dma source(%dma_start3A_124 : memref<10240x128xf32, #tpu.memory_space<hbm>>) target(%arg9 : memref<64x128xf32, #tpu.memory_space<vmem>>) offsets(%dma_start3A_121 : memref<64xi32, #tpu.memory_space<vmem>>) semaphore(%arg13 : memref<!tpu.dma_semaphore, #tpu.memory_space<semaphore_mem>>)
    %dma_start3A_125 = arith.constant 1 : i32
    %dma_start3A_126 = arith.constant 0 : i32
    %dma_start3A_127 = tpu.memref_slice %arg7[%dma_start3A_125, %dma_start3A_126] : memref<40x64xi32, #tpu.memory_space<vmem>> -> memref<1x64xi32, #tpu.memory_space<vmem>>
    %dma_start3A_128 = tpu.memref_squeeze %dma_start3A_127 : memref<1x64xi32, #tpu.memory_space<vmem>> -> memref<64xi32, #tpu.memory_space<vmem>>
    %dma_start3A_129 = arith.constant 0 : i32
    %dma_start3A_130 = arith.constant 0 : i32
    %dma_start3A_131 = tpu.memref_slice %arg2[%dma_start3A_129, %dma_start3A_130] : memref<10240x128xf32, #tpu.memory_space<hbm>> -> memref<10240x128xf32, #tpu.memory_space<hbm>>
    tpu.enqueue_indirect_dma source(%dma_start3A_131 : memref<10240x128xf32, #tpu.memory_space<hbm>>) target(%arg10 : memref<64x128xf32, #tpu.memory_space<vmem>>) offsets(%dma_start3A_128 : memref<64xi32, #tpu.memory_space<vmem>>) semaphore(%arg14 : memref<!tpu.dma_semaphore, #tpu.memory_space<semaphore_mem>>)
    %dma_start3A_132 = arith.constant 2 : i32
    %dma_start3A_133 = arith.constant 0 : i32
    %dma_start3A_134 = tpu.memref_slice %arg7[%dma_start3A_132, %dma_start3A_133] : memref<40x64xi32, #tpu.memory_space<vmem>> -> memref<1x64xi32, #tpu.memory_space<vmem>>
    %dma_start3A_135 = tpu.memref_squeeze %dma_start3A_134 : memref<1x64xi32, #tpu.memory_space<vmem>> -> memref<64xi32, #tpu.memory_space<vmem>>
    %dma_start3A_136 = arith.constant 0 : i32
    %dma_start3A_137 = arith.constant 0 : i32
    %dma_start3A_138 = tpu.memref_slice %arg2[%dma_start3A_136, %dma_start3A_137] : memref<10240x128xf32, #tpu.memory_space<hbm>> -> memref<10240x128xf32, #tpu.memory_space<hbm>>
    tpu.enqueue_indirect_dma source(%dma_start3A_138 : memref<10240x128xf32, #tpu.memory_space<hbm>>) target(%arg11 : memref<64x128xf32, #tpu.memory_space<vmem>>) offsets(%dma_start3A_135 : memref<64xi32, #tpu.memory_space<vmem>>) semaphore(%arg15 : memref<!tpu.dma_semaphore, #tpu.memory_space<semaphore_mem>>)
    %dma_start3A_139 = arith.constant 3 : i32
    %dma_start3A_140 = arith.constant 0 : i32
    %dma_start3A_141 = tpu.memref_slice %arg7[%dma_start3A_139, %dma_start3A_140] : memref<40x64xi32, #tpu.memory_space<vmem>> -> memref<1x64xi32, #tpu.memory_space<vmem>>
    %dma_start3A_142 = tpu.memref_squeeze %dma_start3A_141 : memref<1x64xi32, #tpu.memory_space<vmem>> -> memref<64xi32, #tpu.memory_space<vmem>>
    %dma_start3A_143 = arith.constant 0 : i32
    %dma_start3A_144 = arith.constant 0 : i32
    %dma_start3A_145 = tpu.memref_slice %arg2[%dma_start3A_143, %dma_start3A_144] : memref<10240x128xf32, #tpu.memory_space<hbm>> -> memref<10240x128xf32, #tpu.memory_space<hbm>>
    tpu.enqueue_indirect_dma source(%dma_start3A_145 : memref<10240x128xf32, #tpu.memory_space<hbm>>) target(%arg12 : memref<64x128xf32, #tpu.memory_space<vmem>>) offsets(%dma_start3A_142 : memref<64xi32, #tpu.memory_space<vmem>>) semaphore(%arg16 : memref<!tpu.dma_semaphore, #tpu.memory_space<semaphore_mem>>)
    %scan3A_146 = arith.constant 0 : i32
    %scan3A_147 = arith.constant 0 : i32
    %scan3A_148 = arith.constant 9 : i32
    %scan3A_149 = arith.addi %scan3A_147, %scan3A_148 : i32
    %scan3A_150 = arith.constant 1 : i32
    scf.for %scan3A_477 = %scan3A_147 to %scan3A_149 step %scan3A_150  : i32 {
      %mul3A_478 = arith.constant 4 : i32
      %mul3A_479 = arith.muli %mul3A_478, %scan3A_477 : i32
      %add3A_480 = arith.constant 0 : i32
      %add3A_481 = arith.addi %mul3A_479, %add3A_480 : i32
      %dma_wait3A_482 = arith.constant 0 : i32
      %dma_wait3A_483 = arith.constant 0 : i32
      %dma_wait3A_484 = tpu.memref_slice %arg7[%dma_wait3A_482, %dma_wait3A_483] : memref<40x64xi32, #tpu.memory_space<vmem>> -> memref<1x64xi32, #tpu.memory_space<vmem>>
      %dma_wait3A_485 = tpu.memref_squeeze %dma_wait3A_484 : memref<1x64xi32, #tpu.memory_space<vmem>> -> memref<64xi32, #tpu.memory_space<vmem>>
      %dma_wait3A_486 = arith.constant 0 : i32
      %dma_wait3A_487 = arith.constant 0 : i32
      %dma_wait3A_488 = tpu.memref_slice %arg2[%dma_wait3A_486, %dma_wait3A_487] : memref<10240x128xf32, #tpu.memory_space<hbm>> -> memref<10240x128xf32, #tpu.memory_space<hbm>>
      tpu.wait_indirect_dma semaphore(%arg13 : memref<!tpu.dma_semaphore, #tpu.memory_space<semaphore_mem>>) src(%dma_wait3A_488 : memref<10240x128xf32, #tpu.memory_space<hbm>>) dst(%arg9 : memref<64x128xf32, #tpu.memory_space<vmem>>)
      %dma_start3A_489 = arith.constant 0 : i32
      %dma_start3A_490 = tpu.memref_slice %arg8[%add3A_481, %dma_start3A_489] : memref<40x64xi32, #tpu.memory_space<vmem>> -> memref<1x64xi32, #tpu.memory_space<vmem>>
      %dma_start3A_491 = tpu.memref_squeeze %dma_start3A_490 : memref<1x64xi32, #tpu.memory_space<vmem>> -> memref<64xi32, #tpu.memory_space<vmem>>
      %dma_start3A_492 = arith.constant 0 : i32
      %dma_start3A_493 = arith.constant 0 : i32
      %dma_start3A_494 = tpu.memref_slice %arg21[%dma_start3A_492, %dma_start3A_493] : memref<10240x128xf32, #tpu.memory_space<vmem_shared>> -> memref<10240x128xf32, #tpu.memory_space<vmem_shared>>
      tpu.enqueue_indirect_dma source(%arg9 : memref<64x128xf32, #tpu.memory_space<vmem>>) target(%dma_start3A_494 : memref<10240x128xf32, #tpu.memory_space<vmem_shared>>) offsets(%dma_start3A_491 : memref<64xi32, #tpu.memory_space<vmem>>) semaphore(%arg17 : memref<!tpu.dma_semaphore, #tpu.memory_space<semaphore_mem>>) {add = true}
      %mul3A_495 = arith.constant 4 : i32
      %mul3A_496 = arith.muli %mul3A_495, %scan3A_477 : i32
      %add3A_497 = arith.constant 1 : i32
      %add3A_498 = arith.addi %mul3A_496, %add3A_497 : i32
      %dma_wait3A_499 = arith.constant 0 : i32
      %dma_wait3A_500 = arith.constant 0 : i32
      %dma_wait3A_501 = tpu.memref_slice %arg7[%dma_wait3A_499, %dma_wait3A_500] : memref<40x64xi32, #tpu.memory_space<vmem>> -> memref<1x64xi32, #tpu.memory_space<vmem>>
      %dma_wait3A_502 = tpu.memref_squeeze %dma_wait3A_501 : memref<1x64xi32, #tpu.memory_space<vmem>> -> memref<64xi32, #tpu.memory_space<vmem>>
      %dma_wait3A_503 = arith.constant 0 : i32
      %dma_wait3A_504 = arith.constant 0 : i32
      %dma_wait3A_505 = tpu.memref_slice %arg2[%dma_wait3A_503, %dma_wait3A_504] : memref<10240x128xf32, #tpu.memory_space<hbm>> -> memref<10240x128xf32, #tpu.memory_space<hbm>>
      tpu.wait_indirect_dma semaphore(%arg14 : memref<!tpu.dma_semaphore, #tpu.memory_space<semaphore_mem>>) src(%dma_wait3A_505 : memref<10240x128xf32, #tpu.memory_space<hbm>>) dst(%arg10 : memref<64x128xf32, #tpu.memory_space<vmem>>)
      %dma_start3A_506 = arith.constant 0 : i32
      %dma_start3A_507 = tpu.memref_slice %arg8[%add3A_498, %dma_start3A_506] : memref<40x64xi32, #tpu.memory_space<vmem>> -> memref<1x64xi32, #tpu.memory_space<vmem>>
      %dma_start3A_508 = tpu.memref_squeeze %dma_start3A_507 : memref<1x64xi32, #tpu.memory_space<vmem>> -> memref<64xi32, #tpu.memory_space<vmem>>
      %dma_start3A_509 = arith.constant 0 : i32
      %dma_start3A_510 = arith.constant 0 : i32
      %dma_start3A_511 = tpu.memref_slice %arg21[%dma_start3A_509, %dma_start3A_510] : memref<10240x128xf32, #tpu.memory_space<vmem_shared>> -> memref<10240x128xf32, #tpu.memory_space<vmem_shared>>
      tpu.enqueue_indirect_dma source(%arg10 : memref<64x128xf32, #tpu.memory_space<vmem>>) target(%dma_start3A_511 : memref<10240x128xf32, #tpu.memory_space<vmem_shared>>) offsets(%dma_start3A_508 : memref<64xi32, #tpu.memory_space<vmem>>) semaphore(%arg18 : memref<!tpu.dma_semaphore, #tpu.memory_space<semaphore_mem>>) {add = true}
      %mul3A_512 = arith.constant 4 : i32
      %mul3A_513 = arith.muli %mul3A_512, %scan3A_477 : i32
      %add3A_514 = arith.constant 2 : i32
      %add3A_515 = arith.addi %mul3A_513, %add3A_514 : i32
      %dma_wait3A_516 = arith.constant 0 : i32
      %dma_wait3A_517 = arith.constant 0 : i32
      %dma_wait3A_518 = tpu.memref_slice %arg7[%dma_wait3A_516, %dma_wait3A_517] : memref<40x64xi32, #tpu.memory_space<vmem>> -> memref<1x64xi32, #tpu.memory_space<vmem>>
      %dma_wait3A_519 = tpu.memref_squeeze %dma_wait3A_518 : memref<1x64xi32, #tpu.memory_space<vmem>> -> memref<64xi32, #tpu.memory_space<vmem>>
      %dma_wait3A_520 = arith.constant 0 : i32
      %dma_wait3A_521 = arith.constant 0 : i32
      %dma_wait3A_522 = tpu.memref_slice %arg2[%dma_wait3A_520, %dma_wait3A_521] : memref<10240x128xf32, #tpu.memory_space<hbm>> -> memref<10240x128xf32, #tpu.memory_space<hbm>>
      tpu.wait_indirect_dma semaphore(%arg15 : memref<!tpu.dma_semaphore, #tpu.memory_space<semaphore_mem>>) src(%dma_wait3A_522 : memref<10240x128xf32, #tpu.memory_space<hbm>>) dst(%arg11 : memref<64x128xf32, #tpu.memory_space<vmem>>)
      %dma_start3A_523 = arith.constant 0 : i32
      %dma_start3A_524 = tpu.memref_slice %arg8[%add3A_515, %dma_start3A_523] : memref<40x64xi32, #tpu.memory_space<vmem>> -> memref<1x64xi32, #tpu.memory_space<vmem>>
      %dma_start3A_525 = tpu.memref_squeeze %dma_start3A_524 : memref<1x64xi32, #tpu.memory_space<vmem>> -> memref<64xi32, #tpu.memory_space<vmem>>
      %dma_start3A_526 = arith.constant 0 : i32
      %dma_start3A_527 = arith.constant 0 : i32
      %dma_start3A_528 = tpu.memref_slice %arg21[%dma_start3A_526, %dma_start3A_527] : memref<10240x128xf32, #tpu.memory_space<vmem_shared>> -> memref<10240x128xf32, #tpu.memory_space<vmem_shared>>
      tpu.enqueue_indirect_dma source(%arg11 : memref<64x128xf32, #tpu.memory_space<vmem>>) target(%dma_start3A_528 : memref<10240x128xf32, #tpu.memory_space<vmem_shared>>) offsets(%dma_start3A_525 : memref<64xi32, #tpu.memory_space<vmem>>) semaphore(%arg19 : memref<!tpu.dma_semaphore, #tpu.memory_space<semaphore_mem>>) {add = true}
      %mul3A_529 = arith.constant 4 : i32
      %mul3A_530 = arith.muli %mul3A_529, %scan3A_477 : i32
      %add3A_531 = arith.constant 3 : i32
      %add3A_532 = arith.addi %mul3A_530, %add3A_531 : i32
      %dma_wait3A_533 = arith.constant 0 : i32
      %dma_wait3A_534 = arith.constant 0 : i32
      %dma_wait3A_535 = tpu.memref_slice %arg7[%dma_wait3A_533, %dma_wait3A_534] : memref<40x64xi32, #tpu.memory_space<vmem>> -> memref<1x64xi32, #tpu.memory_space<vmem>>
      %dma_wait3A_536 = tpu.memref_squeeze %dma_wait3A_535 : memref<1x64xi32, #tpu.memory_space<vmem>> -> memref<64xi32, #tpu.memory_space<vmem>>
      %dma_wait3A_537 = arith.constant 0 : i32
      %dma_wait3A_538 = arith.constant 0 : i32
      %dma_wait3A_539 = tpu.memref_slice %arg2[%dma_wait3A_537, %dma_wait3A_538] : memref<10240x128xf32, #tpu.memory_space<hbm>> -> memref<10240x128xf32, #tpu.memory_space<hbm>>
      tpu.wait_indirect_dma semaphore(%arg16 : memref<!tpu.dma_semaphore, #tpu.memory_space<semaphore_mem>>) src(%dma_wait3A_539 : memref<10240x128xf32, #tpu.memory_space<hbm>>) dst(%arg12 : memref<64x128xf32, #tpu.memory_space<vmem>>)
      %dma_start3A_540 = arith.constant 0 : i32
      %dma_start3A_541 = tpu.memref_slice %arg8[%add3A_532, %dma_start3A_540] : memref<40x64xi32, #tpu.memory_space<vmem>> -> memref<1x64xi32, #tpu.memory_space<vmem>>
      %dma_start3A_542 = tpu.memref_squeeze %dma_start3A_541 : memref<1x64xi32, #tpu.memory_space<vmem>> -> memref<64xi32, #tpu.memory_space<vmem>>
      %dma_start3A_543 = arith.constant 0 : i32
      %dma_start3A_544 = arith.constant 0 : i32
      %dma_start3A_545 = tpu.memref_slice %arg21[%dma_start3A_543, %dma_start3A_544] : memref<10240x128xf32, #tpu.memory_space<vmem_shared>> -> memref<10240x128xf32, #tpu.memory_space<vmem_shared>>
      tpu.enqueue_indirect_dma source(%arg12 : memref<64x128xf32, #tpu.memory_space<vmem>>) target(%dma_start3A_545 : memref<10240x128xf32, #tpu.memory_space<vmem_shared>>) offsets(%dma_start3A_542 : memref<64xi32, #tpu.memory_space<vmem>>) semaphore(%arg20 : memref<!tpu.dma_semaphore, #tpu.memory_space<semaphore_mem>>) {add = true}
      %mul3A_546 = arith.constant 4 : i32
      %mul3A_547 = arith.muli %mul3A_546, %scan3A_477 : i32
      %add3A_548 = arith.constant 0 : i32
      %add3A_549 = arith.addi %mul3A_547, %add3A_548 : i32
      %add3A_550 = arith.constant 4 : i32
      %add3A_551 = arith.addi %add3A_549, %add3A_550 : i32
      %dma_wait3A_552 = arith.constant 0 : i32
      %dma_wait3A_553 = arith.constant 0 : i32
      %dma_wait3A_554 = tpu.memref_slice %arg8[%dma_wait3A_552, %dma_wait3A_553] : memref<40x64xi32, #tpu.memory_space<vmem>> -> memref<1x64xi32, #tpu.memory_space<vmem>>
      %dma_wait3A_555 = tpu.memref_squeeze %dma_wait3A_554 : memref<1x64xi32, #tpu.memory_space<vmem>> -> memref<64xi32, #tpu.memory_space<vmem>>
      %dma_wait3A_556 = arith.constant 0 : i32
      %dma_wait3A_557 = arith.constant 0 : i32
      %dma_wait3A_558 = tpu.memref_slice %arg21[%dma_wait3A_556, %dma_wait3A_557] : memref<10240x128xf32, #tpu.memory_space<vmem_shared>> -> memref<10240x128xf32, #tpu.memory_space<vmem_shared>>
      tpu.wait_indirect_dma semaphore(%arg17 : memref<!tpu.dma_semaphore, #tpu.memory_space<semaphore_mem>>) src(%arg9 : memref<64x128xf32, #tpu.memory_space<vmem>>) dst(%dma_wait3A_558 : memref<10240x128xf32, #tpu.memory_space<vmem_shared>>)
      %dma_start3A_559 = arith.constant 0 : i32
      %dma_start3A_560 = tpu.memref_slice %arg7[%add3A_551, %dma_start3A_559] : memref<40x64xi32, #tpu.memory_space<vmem>> -> memref<1x64xi32, #tpu.memory_space<vmem>>
      %dma_start3A_561 = tpu.memref_squeeze %dma_start3A_560 : memref<1x64xi32, #tpu.memory_space<vmem>> -> memref<64xi32, #tpu.memory_space<vmem>>
      %dma_start3A_562 = arith.constant 0 : i32
      %dma_start3A_563 = arith.constant 0 : i32
      %dma_start3A_564 = tpu.memref_slice %arg2[%dma_start3A_562, %dma_start3A_563] : memref<10240x128xf32, #tpu.memory_space<hbm>> -> memref<10240x128xf32, #tpu.memory_space<hbm>>
      tpu.enqueue_indirect_dma source(%dma_start3A_564 : memref<10240x128xf32, #tpu.memory_space<hbm>>) target(%arg9 : memref<64x128xf32, #tpu.memory_space<vmem>>) offsets(%dma_start3A_561 : memref<64xi32, #tpu.memory_space<vmem>>) semaphore(%arg13 : memref<!tpu.dma_semaphore, #tpu.memory_space<semaphore_mem>>)
      %mul3A_565 = arith.constant 4 : i32
      %mul3A_566 = arith.muli %mul3A_565, %scan3A_477 : i32
      %add3A_567 = arith.constant 1 : i32
      %add3A_568 = arith.addi %mul3A_566, %add3A_567 : i32
      %add3A_569 = arith.constant 4 : i32
      %add3A_570 = arith.addi %add3A_568, %add3A_569 : i32
      %dma_wait3A_571 = arith.constant 0 : i32
      %dma_wait3A_572 = arith.constant 0 : i32
      %dma_wait3A_573 = tpu.memref_slice %arg8[%dma_wait3A_571, %dma_wait3A_572] : memref<40x64xi32, #tpu.memory_space<vmem>> -> memref<1x64xi32, #tpu.memory_space<vmem>>
      %dma_wait3A_574 = tpu.memref_squeeze %dma_wait3A_573 : memref<1x64xi32, #tpu.memory_space<vmem>> -> memref<64xi32, #tpu.memory_space<vmem>>
      %dma_wait3A_575 = arith.constant 0 : i32
      %dma_wait3A_576 = arith.constant 0 : i32
      %dma_wait3A_577 = tpu.memref_slice %arg21[%dma_wait3A_575, %dma_wait3A_576] : memref<10240x128xf32, #tpu.memory_space<vmem_shared>> -> memref<10240x128xf32, #tpu.memory_space<vmem_shared>>
      tpu.wait_indirect_dma semaphore(%arg18 : memref<!tpu.dma_semaphore, #tpu.memory_space<semaphore_mem>>) src(%arg10 : memref<64x128xf32, #tpu.memory_space<vmem>>) dst(%dma_wait3A_577 : memref<10240x128xf32, #tpu.memory_space<vmem_shared>>)
      %dma_start3A_578 = arith.constant 0 : i32
      %dma_start3A_579 = tpu.memref_slice %arg7[%add3A_570, %dma_start3A_578] : memref<40x64xi32, #tpu.memory_space<vmem>> -> memref<1x64xi32, #tpu.memory_space<vmem>>
      %dma_start3A_580 = tpu.memref_squeeze %dma_start3A_579 : memref<1x64xi32, #tpu.memory_space<vmem>> -> memref<64xi32, #tpu.memory_space<vmem>>
      %dma_start3A_581 = arith.constant 0 : i32
      %dma_start3A_582 = arith.constant 0 : i32
      %dma_start3A_583 = tpu.memref_slice %arg2[%dma_start3A_581, %dma_start3A_582] : memref<10240x128xf32, #tpu.memory_space<hbm>> -> memref<10240x128xf32, #tpu.memory_space<hbm>>
      tpu.enqueue_indirect_dma source(%dma_start3A_583 : memref<10240x128xf32, #tpu.memory_space<hbm>>) target(%arg10 : memref<64x128xf32, #tpu.memory_space<vmem>>) offsets(%dma_start3A_580 : memref<64xi32, #tpu.memory_space<vmem>>) semaphore(%arg14 : memref<!tpu.dma_semaphore, #tpu.memory_space<semaphore_mem>>)
      %mul3A_584 = arith.constant 4 : i32
      %mul3A_585 = arith.muli %mul3A_584, %scan3A_477 : i32
      %add3A_586 = arith.constant 2 : i32
      %add3A_587 = arith.addi %mul3A_585, %add3A_586 : i32
      %add3A_588 = arith.constant 4 : i32
      %add3A_589 = arith.addi %add3A_587, %add3A_588 : i32
      %dma_wait3A_590 = arith.constant 0 : i32
      %dma_wait3A_591 = arith.constant 0 : i32
      %dma_wait3A_592 = tpu.memref_slice %arg8[%dma_wait3A_590, %dma_wait3A_591] : memref<40x64xi32, #tpu.memory_space<vmem>> -> memref<1x64xi32, #tpu.memory_space<vmem>>
      %dma_wait3A_593 = tpu.memref_squeeze %dma_wait3A_592 : memref<1x64xi32, #tpu.memory_space<vmem>> -> memref<64xi32, #tpu.memory_space<vmem>>
      %dma_wait3A_594 = arith.constant 0 : i32
      %dma_wait3A_595 = arith.constant 0 : i32
      %dma_wait3A_596 = tpu.memref_slice %arg21[%dma_wait3A_594, %dma_wait3A_595] : memref<10240x128xf32, #tpu.memory_space<vmem_shared>> -> memref<10240x128xf32, #tpu.memory_space<vmem_shared>>
      tpu.wait_indirect_dma semaphore(%arg19 : memref<!tpu.dma_semaphore, #tpu.memory_space<semaphore_mem>>) src(%arg11 : memref<64x128xf32, #tpu.memory_space<vmem>>) dst(%dma_wait3A_596 : memref<10240x128xf32, #tpu.memory_space<vmem_shared>>)
      %dma_start3A_597 = arith.constant 0 : i32
      %dma_start3A_598 = tpu.memref_slice %arg7[%add3A_589, %dma_start3A_597] : memref<40x64xi32, #tpu.memory_space<vmem>> -> memref<1x64xi32, #tpu.memory_space<vmem>>
      %dma_start3A_599 = tpu.memref_squeeze %dma_start3A_598 : memref<1x64xi32, #tpu.memory_space<vmem>> -> memref<64xi32, #tpu.memory_space<vmem>>
      %dma_start3A_600 = arith.constant 0 : i32
      %dma_start3A_601 = arith.constant 0 : i32
      %dma_start3A_602 = tpu.memref_slice %arg2[%dma_start3A_600, %dma_start3A_601] : memref<10240x128xf32, #tpu.memory_space<hbm>> -> memref<10240x128xf32, #tpu.memory_space<hbm>>
      tpu.enqueue_indirect_dma source(%dma_start3A_602 : memref<10240x128xf32, #tpu.memory_space<hbm>>) target(%arg11 : memref<64x128xf32, #tpu.memory_space<vmem>>) offsets(%dma_start3A_599 : memref<64xi32, #tpu.memory_space<vmem>>) semaphore(%arg15 : memref<!tpu.dma_semaphore, #tpu.memory_space<semaphore_mem>>)
      %mul3A_603 = arith.constant 4 : i32
      %mul3A_604 = arith.muli %mul3A_603, %scan3A_477 : i32
      %add3A_605 = arith.constant 3 : i32
      %add3A_606 = arith.addi %mul3A_604, %add3A_605 : i32
      %add3A_607 = arith.constant 4 : i32
      %add3A_608 = arith.addi %add3A_606, %add3A_607 : i32
      %dma_wait3A_609 = arith.constant 0 : i32
      %dma_wait3A_610 = arith.constant 0 : i32
      %dma_wait3A_611 = tpu.memref_slice %arg8[%dma_wait3A_609, %dma_wait3A_610] : memref<40x64xi32, #tpu.memory_space<vmem>> -> memref<1x64xi32, #tpu.memory_space<vmem>>
      %dma_wait3A_612 = tpu.memref_squeeze %dma_wait3A_611 : memref<1x64xi32, #tpu.memory_space<vmem>> -> memref<64xi32, #tpu.memory_space<vmem>>
      %dma_wait3A_613 = arith.constant 0 : i32
      %dma_wait3A_614 = arith.constant 0 : i32
      %dma_wait3A_615 = tpu.memref_slice %arg21[%dma_wait3A_613, %dma_wait3A_614] : memref<10240x128xf32, #tpu.memory_space<vmem_shared>> -> memref<10240x128xf32, #tpu.memory_space<vmem_shared>>
      tpu.wait_indirect_dma semaphore(%arg20 : memref<!tpu.dma_semaphore, #tpu.memory_space<semaphore_mem>>) src(%arg12 : memref<64x128xf32, #tpu.memory_space<vmem>>) dst(%dma_wait3A_615 : memref<10240x128xf32, #tpu.memory_space<vmem_shared>>)
      %dma_start3A_616 = arith.constant 0 : i32
      %dma_start3A_617 = tpu.memref_slice %arg7[%add3A_608, %dma_start3A_616] : memref<40x64xi32, #tpu.memory_space<vmem>> -> memref<1x64xi32, #tpu.memory_space<vmem>>
      %dma_start3A_618 = tpu.memref_squeeze %dma_start3A_617 : memref<1x64xi32, #tpu.memory_space<vmem>> -> memref<64xi32, #tpu.memory_space<vmem>>
      %dma_start3A_619 = arith.constant 0 : i32
      %dma_start3A_620 = arith.constant 0 : i32
      %dma_start3A_621 = tpu.memref_slice %arg2[%dma_start3A_619, %dma_start3A_620] : memref<10240x128xf32, #tpu.memory_space<hbm>> -> memref<10240x128xf32, #tpu.memory_space<hbm>>
      tpu.enqueue_indirect_dma source(%dma_start3A_621 : memref<10240x128xf32, #tpu.memory_space<hbm>>) target(%arg12 : memref<64x128xf32, #tpu.memory_space<vmem>>) offsets(%dma_start3A_618 : memref<64xi32, #tpu.memory_space<vmem>>) semaphore(%arg16 : memref<!tpu.dma_semaphore, #tpu.memory_space<semaphore_mem>>)
    }
    %scan3A_151 = arith.constant 9 : i32
    %dma_wait3A_152 = arith.constant 0 : i32
    %dma_wait3A_153 = arith.constant 0 : i32
    %dma_wait3A_154 = tpu.memref_slice %arg7[%dma_wait3A_152, %dma_wait3A_153] : memref<40x64xi32, #tpu.memory_space<vmem>> -> memref<1x64xi32, #tpu.memory_space<vmem>>
    %dma_wait3A_155 = tpu.memref_squeeze %dma_wait3A_154 : memref<1x64xi32, #tpu.memory_space<vmem>> -> memref<64xi32, #tpu.memory_space<vmem>>
    %dma_wait3A_156 = arith.constant 0 : i32
    %dma_wait3A_157 = arith.constant 0 : i32
    %dma_wait3A_158 = tpu.memref_slice %arg2[%dma_wait3A_156, %dma_wait3A_157] : memref<10240x128xf32, #tpu.memory_space<hbm>> -> memref<10240x128xf32, #tpu.memory_space<hbm>>
    tpu.wait_indirect_dma semaphore(%arg13 : memref<!tpu.dma_semaphore, #tpu.memory_space<semaphore_mem>>) src(%dma_wait3A_158 : memref<10240x128xf32, #tpu.memory_space<hbm>>) dst(%arg9 : memref<64x128xf32, #tpu.memory_space<vmem>>)
    %dma_start3A_159 = arith.constant 36 : i32
    %dma_start3A_160 = arith.constant 0 : i32
    %dma_start3A_161 = tpu.memref_slice %arg8[%dma_start3A_159, %dma_start3A_160] : memref<40x64xi32, #tpu.memory_space<vmem>> -> memref<1x64xi32, #tpu.memory_space<vmem>>
    %dma_start3A_162 = tpu.memref_squeeze %dma_start3A_161 : memref<1x64xi32, #tpu.memory_space<vmem>> -> memref<64xi32, #tpu.memory_space<vmem>>
    %dma_start3A_163 = arith.constant 0 : i32
    %dma_start3A_164 = arith.constant 0 : i32
    %dma_start3A_165 = tpu.memref_slice %arg21[%dma_start3A_163, %dma_start3A_164] : memref<10240x128xf32, #tpu.memory_space<vmem_shared>> -> memref<10240x128xf32, #tpu.memory_space<vmem_shared>>
    tpu.enqueue_indirect_dma source(%arg9 : memref<64x128xf32, #tpu.memory_space<vmem>>) target(%dma_start3A_165 : memref<10240x128xf32, #tpu.memory_space<vmem_shared>>) offsets(%dma_start3A_162 : memref<64xi32, #tpu.memory_space<vmem>>) semaphore(%arg17 : memref<!tpu.dma_semaphore, #tpu.memory_space<semaphore_mem>>) {add = true}
    %dma_wait3A_166 = arith.constant 0 : i32
    %dma_wait3A_167 = arith.constant 0 : i32
    %dma_wait3A_168 = tpu.memref_slice %arg7[%dma_wait3A_166, %dma_wait3A_167] : memref<40x64xi32, #tpu.memory_space<vmem>> -> memref<1x64xi32, #tpu.memory_space<vmem>>
    %dma_wait3A_169 = tpu.memref_squeeze %dma_wait3A_168 : memref<1x64xi32, #tpu.memory_space<vmem>> -> memref<64xi32, #tpu.memory_space<vmem>>
    %dma_wait3A_170 = arith.constant 0 : i32
    %dma_wait3A_171 = arith.constant 0 : i32
    %dma_wait3A_172 = tpu.memref_slice %arg2[%dma_wait3A_170, %dma_wait3A_171] : memref<10240x128xf32, #tpu.memory_space<hbm>> -> memref<10240x128xf32, #tpu.memory_space<hbm>>
    tpu.wait_indirect_dma semaphore(%arg14 : memref<!tpu.dma_semaphore, #tpu.memory_space<semaphore_mem>>) src(%dma_wait3A_172 : memref<10240x128xf32, #tpu.memory_space<hbm>>) dst(%arg10 : memref<64x128xf32, #tpu.memory_space<vmem>>)
    %dma_start3A_173 = arith.constant 37 : i32
    %dma_start3A_174 = arith.constant 0 : i32
    %dma_start3A_175 = tpu.memref_slice %arg8[%dma_start3A_173, %dma_start3A_174] : memref<40x64xi32, #tpu.memory_space<vmem>> -> memref<1x64xi32, #tpu.memory_space<vmem>>
    %dma_start3A_176 = tpu.memref_squeeze %dma_start3A_175 : memref<1x64xi32, #tpu.memory_space<vmem>> -> memref<64xi32, #tpu.memory_space<vmem>>
    %dma_start3A_177 = arith.constant 0 : i32
    %dma_start3A_178 = arith.constant 0 : i32
    %dma_start3A_179 = tpu.memref_slice %arg21[%dma_start3A_177, %dma_start3A_178] : memref<10240x128xf32, #tpu.memory_space<vmem_shared>> -> memref<10240x128xf32, #tpu.memory_space<vmem_shared>>
    tpu.enqueue_indirect_dma source(%arg10 : memref<64x128xf32, #tpu.memory_space<vmem>>) target(%dma_start3A_179 : memref<10240x128xf32, #tpu.memory_space<vmem_shared>>) offsets(%dma_start3A_176 : memref<64xi32, #tpu.memory_space<vmem>>) semaphore(%arg18 : memref<!tpu.dma_semaphore, #tpu.memory_space<semaphore_mem>>) {add = true}
    %dma_wait3A_180 = arith.constant 0 : i32
    %dma_wait3A_181 = arith.constant 0 : i32
    %dma_wait3A_182 = tpu.memref_slice %arg7[%dma_wait3A_180, %dma_wait3A_181] : memref<40x64xi32, #tpu.memory_space<vmem>> -> memref<1x64xi32, #tpu.memory_space<vmem>>
    %dma_wait3A_183 = tpu.memref_squeeze %dma_wait3A_182 : memref<1x64xi32, #tpu.memory_space<vmem>> -> memref<64xi32, #tpu.memory_space<vmem>>
    %dma_wait3A_184 = arith.constant 0 : i32
    %dma_wait3A_185 = arith.constant 0 : i32
    %dma_wait3A_186 = tpu.memref_slice %arg2[%dma_wait3A_184, %dma_wait3A_185] : memref<10240x128xf32, #tpu.memory_space<hbm>> -> memref<10240x128xf32, #tpu.memory_space<hbm>>
    tpu.wait_indirect_dma semaphore(%arg15 : memref<!tpu.dma_semaphore, #tpu.memory_space<semaphore_mem>>) src(%dma_wait3A_186 : memref<10240x128xf32, #tpu.memory_space<hbm>>) dst(%arg11 : memref<64x128xf32, #tpu.memory_space<vmem>>)
    %dma_start3A_187 = arith.constant 38 : i32
    %dma_start3A_188 = arith.constant 0 : i32
    %dma_start3A_189 = tpu.memref_slice %arg8[%dma_start3A_187, %dma_start3A_188] : memref<40x64xi32, #tpu.memory_space<vmem>> -> memref<1x64xi32, #tpu.memory_space<vmem>>
    %dma_start3A_190 = tpu.memref_squeeze %dma_start3A_189 : memref<1x64xi32, #tpu.memory_space<vmem>> -> memref<64xi32, #tpu.memory_space<vmem>>
    %dma_start3A_191 = arith.constant 0 : i32
    %dma_start3A_192 = arith.constant 0 : i32
    %dma_start3A_193 = tpu.memref_slice %arg21[%dma_start3A_191, %dma_start3A_192] : memref<10240x128xf32, #tpu.memory_space<vmem_shared>> -> memref<10240x128xf32, #tpu.memory_space<vmem_shared>>
    tpu.enqueue_indirect_dma source(%arg11 : memref<64x128xf32, #tpu.memory_space<vmem>>) target(%dma_start3A_193 : memref<10240x128xf32, #tpu.memory_space<vmem_shared>>) offsets(%dma_start3A_190 : memref<64xi32, #tpu.memory_space<vmem>>) semaphore(%arg19 : memref<!tpu.dma_semaphore, #tpu.memory_space<semaphore_mem>>) {add = true}
    %dma_wait3A_194 = arith.constant 0 : i32
    %dma_wait3A_195 = arith.constant 0 : i32
    %dma_wait3A_196 = tpu.memref_slice %arg7[%dma_wait3A_194, %dma_wait3A_195] : memref<40x64xi32, #tpu.memory_space<vmem>> -> memref<1x64xi32, #tpu.memory_space<vmem>>
    %dma_wait3A_197 = tpu.memref_squeeze %dma_wait3A_196 : memref<1x64xi32, #tpu.memory_space<vmem>> -> memref<64xi32, #tpu.memory_space<vmem>>
    %dma_wait3A_198 = arith.constant 0 : i32
    %dma_wait3A_199 = arith.constant 0 : i32
    %dma_wait3A_200 = tpu.memref_slice %arg2[%dma_wait3A_198, %dma_wait3A_199] : memref<10240x128xf32, #tpu.memory_space<hbm>> -> memref<10240x128xf32, #tpu.memory_space<hbm>>
    tpu.wait_indirect_dma semaphore(%arg16 : memref<!tpu.dma_semaphore, #tpu.memory_space<semaphore_mem>>) src(%dma_wait3A_200 : memref<10240x128xf32, #tpu.memory_space<hbm>>) dst(%arg12 : memref<64x128xf32, #tpu.memory_space<vmem>>)
    %dma_start3A_201 = arith.constant 39 : i32
    %dma_start3A_202 = arith.constant 0 : i32
    %dma_start3A_203 = tpu.memref_slice %arg8[%dma_start3A_201, %dma_start3A_202] : memref<40x64xi32, #tpu.memory_space<vmem>> -> memref<1x64xi32, #tpu.memory_space<vmem>>
    %dma_start3A_204 = tpu.memref_squeeze %dma_start3A_203 : memref<1x64xi32, #tpu.memory_space<vmem>> -> memref<64xi32, #tpu.memory_space<vmem>>
    %dma_start3A_205 = arith.constant 0 : i32
    %dma_start3A_206 = arith.constant 0 : i32
    %dma_start3A_207 = tpu.memref_slice %arg21[%dma_start3A_205, %dma_start3A_206] : memref<10240x128xf32, #tpu.memory_space<vmem_shared>> -> memref<10240x128xf32, #tpu.memory_space<vmem_shared>>
    tpu.enqueue_indirect_dma source(%arg12 : memref<64x128xf32, #tpu.memory_space<vmem>>) target(%dma_start3A_207 : memref<10240x128xf32, #tpu.memory_space<vmem_shared>>) offsets(%dma_start3A_204 : memref<64xi32, #tpu.memory_space<vmem>>) semaphore(%arg20 : memref<!tpu.dma_semaphore, #tpu.memory_space<semaphore_mem>>) {add = true}
    %dma_wait3A_208 = arith.constant 0 : i32
    %dma_wait3A_209 = arith.constant 0 : i32
    %dma_wait3A_210 = tpu.memref_slice %arg8[%dma_wait3A_208, %dma_wait3A_209] : memref<40x64xi32, #tpu.memory_space<vmem>> -> memref<1x64xi32, #tpu.memory_space<vmem>>
    %dma_wait3A_211 = tpu.memref_squeeze %dma_wait3A_210 : memref<1x64xi32, #tpu.memory_space<vmem>> -> memref<64xi32, #tpu.memory_space<vmem>>
    %dma_wait3A_212 = arith.constant 0 : i32
    %dma_wait3A_213 = arith.constant 0 : i32
    %dma_wait3A_214 = tpu.memref_slice %arg21[%dma_wait3A_212, %dma_wait3A_213] : memref<10240x128xf32, #tpu.memory_space<vmem_shared>> -> memref<10240x128xf32, #tpu.memory_space<vmem_shared>>
    tpu.wait_indirect_dma semaphore(%arg17 : memref<!tpu.dma_semaphore, #tpu.memory_space<semaphore_mem>>) src(%arg9 : memref<64x128xf32, #tpu.memory_space<vmem>>) dst(%dma_wait3A_214 : memref<10240x128xf32, #tpu.memory_space<vmem_shared>>)
    %dma_wait3A_215 = arith.constant 0 : i32
    %dma_wait3A_216 = arith.constant 0 : i32
    %dma_wait3A_217 = tpu.memref_slice %arg8[%dma_wait3A_215, %dma_wait3A_216] : memref<40x64xi32, #tpu.memory_space<vmem>> -> memref<1x64xi32, #tpu.memory_space<vmem>>
    %dma_wait3A_218 = tpu.memref_squeeze %dma_wait3A_217 : memref<1x64xi32, #tpu.memory_space<vmem>> -> memref<64xi32, #tpu.memory_space<vmem>>
    %dma_wait3A_219 = arith.constant 0 : i32
    %dma_wait3A_220 = arith.constant 0 : i32
    %dma_wait3A_221 = tpu.memref_slice %arg21[%dma_wait3A_219, %dma_wait3A_220] : memref<10240x128xf32, #tpu.memory_space<vmem_shared>> -> memref<10240x128xf32, #tpu.memory_space<vmem_shared>>
    tpu.wait_indirect_dma semaphore(%arg18 : memref<!tpu.dma_semaphore, #tpu.memory_space<semaphore_mem>>) src(%arg10 : memref<64x128xf32, #tpu.memory_space<vmem>>) dst(%dma_wait3A_221 : memref<10240x128xf32, #tpu.memory_space<vmem_shared>>)
    %dma_wait3A_222 = arith.constant 0 : i32
    %dma_wait3A_223 = arith.constant 0 : i32
    %dma_wait3A_224 = tpu.memref_slice %arg8[%dma_wait3A_222, %dma_wait3A_223] : memref<40x64xi32, #tpu.memory_space<vmem>> -> memref<1x64xi32, #tpu.memory_space<vmem>>
    %dma_wait3A_225 = tpu.memref_squeeze %dma_wait3A_224 : memref<1x64xi32, #tpu.memory_space<vmem>> -> memref<64xi32, #tpu.memory_space<vmem>>
    %dma_wait3A_226 = arith.constant 0 : i32
    %dma_wait3A_227 = arith.constant 0 : i32
    %dma_wait3A_228 = tpu.memref_slice %arg21[%dma_wait3A_226, %dma_wait3A_227] : memref<10240x128xf32, #tpu.memory_space<vmem_shared>> -> memref<10240x128xf32, #tpu.memory_space<vmem_shared>>
    tpu.wait_indirect_dma semaphore(%arg19 : memref<!tpu.dma_semaphore, #tpu.memory_space<semaphore_mem>>) src(%arg11 : memref<64x128xf32, #tpu.memory_space<vmem>>) dst(%dma_wait3A_228 : memref<10240x128xf32, #tpu.memory_space<vmem_shared>>)
    %dma_wait3A_229 = arith.constant 0 : i32
    %dma_wait3A_230 = arith.constant 0 : i32
    %dma_wait3A_231 = tpu.memref_slice %arg8[%dma_wait3A_229, %dma_wait3A_230] : memref<40x64xi32, #tpu.memory_space<vmem>> -> memref<1x64xi32, #tpu.memory_space<vmem>>
    %dma_wait3A_232 = tpu.memref_squeeze %dma_wait3A_231 : memref<1x64xi32, #tpu.memory_space<vmem>> -> memref<64xi32, #tpu.memory_space<vmem>>
    %dma_wait3A_233 = arith.constant 0 : i32
    %dma_wait3A_234 = arith.constant 0 : i32
    %dma_wait3A_235 = tpu.memref_slice %arg21[%dma_wait3A_233, %dma_wait3A_234] : memref<10240x128xf32, #tpu.memory_space<vmem_shared>> -> memref<10240x128xf32, #tpu.memory_space<vmem_shared>>
    tpu.wait_indirect_dma semaphore(%arg20 : memref<!tpu.dma_semaphore, #tpu.memory_space<semaphore_mem>>) src(%arg12 : memref<64x128xf32, #tpu.memory_space<vmem>>) dst(%dma_wait3A_235 : memref<10240x128xf32, #tpu.memory_space<vmem_shared>>)
    "tpu.region"() ({
      %run_scoped3A = tpu.sem_alloc : memref<!tpu.dma_semaphore, #tpu.memory_space<semaphore_mem>>
      %dma_start3A_477 = arith.constant 80 : i32
      %dma_start3A_478 = arith.constant 0 : i32
      %dma_start3A_479 = tpu.memref_slice %arg3[%add3A, %dma_start3A_477, %dma_start3A_478] : memref<32x160x64xi32, #tpu.memory_space<hbm>> -> memref<1x40x64xi32, #tpu.memory_space<hbm>>
      %dma_start3A_480 = tpu.memref_squeeze %dma_start3A_479 : memref<1x40x64xi32, #tpu.memory_space<hbm>> -> memref<40x64xi32, #tpu.memory_space<hbm>>
      %dma_start3A_481 = arith.constant 80 : i32
      %dma_start3A_482 = arith.constant 0 : i32
      %dma_start3A_483 = tpu.memref_slice %arg3[%add3A, %dma_start3A_481, %dma_start3A_482] : memref<32x160x64xi32, #tpu.memory_space<hbm>> -> memref<1x40x64xi32, #tpu.memory_space<hbm>>
      %dma_start3A_484 = tpu.memref_squeeze %dma_start3A_483 : memref<1x40x64xi32, #tpu.memory_space<hbm>> -> memref<40x64xi32, #tpu.memory_space<hbm>>
      tpu.enqueue_dma source(%dma_start3A_484 : memref<40x64xi32, #tpu.memory_space<hbm>>) target(%arg7 : memref<40x64xi32, #tpu.memory_space<vmem>>) target_semaphore(%run_scoped3A : memref<!tpu.dma_semaphore, #tpu.memory_space<semaphore_mem>>)
      %dma_wait3A_485 = arith.constant 80 : i32
      %dma_wait3A_486 = arith.constant 0 : i32
      %dma_wait3A_487 = tpu.memref_slice %arg3[%add3A, %dma_wait3A_485, %dma_wait3A_486] : memref<32x160x64xi32, #tpu.memory_space<hbm>> -> memref<1x40x64xi32, #tpu.memory_space<hbm>>
      %dma_wait3A_488 = tpu.memref_squeeze %dma_wait3A_487 : memref<1x40x64xi32, #tpu.memory_space<hbm>> -> memref<40x64xi32, #tpu.memory_space<hbm>>
      %dma_wait3A_489 = arith.constant 80 : i32
      %dma_wait3A_490 = arith.constant 0 : i32
      %dma_wait3A_491 = tpu.memref_slice %arg3[%add3A, %dma_wait3A_489, %dma_wait3A_490] : memref<32x160x64xi32, #tpu.memory_space<hbm>> -> memref<1x40x64xi32, #tpu.memory_space<hbm>>
      %dma_wait3A_492 = tpu.memref_squeeze %dma_wait3A_491 : memref<1x40x64xi32, #tpu.memory_space<hbm>> -> memref<40x64xi32, #tpu.memory_space<hbm>>
      tpu.wait_dma2 semaphore(%run_scoped3A : memref<!tpu.dma_semaphore, #tpu.memory_space<semaphore_mem>>) src(%dma_wait3A_492 : memref<40x64xi32, #tpu.memory_space<hbm>>) dst(%arg7 : memref<40x64xi32, #tpu.memory_space<vmem>>)
      tpu.yield
    }) : () -> ()
    "tpu.region"() ({
      %run_scoped3A = tpu.sem_alloc : memref<!tpu.dma_semaphore, #tpu.memory_space<semaphore_mem>>
      %dma_start3A_477 = arith.constant 80 : i32
      %dma_start3A_478 = arith.constant 0 : i32
      %dma_start3A_479 = tpu.memref_slice %arg4[%add3A, %dma_start3A_477, %dma_start3A_478] : memref<32x160x64xi32, #tpu.memory_space<hbm>> -> memref<1x40x64xi32, #tpu.memory_space<hbm>>
      %dma_start3A_480 = tpu.memref_squeeze %dma_start3A_479 : memref<1x40x64xi32, #tpu.memory_space<hbm>> -> memref<40x64xi32, #tpu.memory_space<hbm>>
      %dma_start3A_481 = arith.constant 80 : i32
      %dma_start3A_482 = arith.constant 0 : i32
      %dma_start3A_483 = tpu.memref_slice %arg4[%add3A, %dma_start3A_481, %dma_start3A_482] : memref<32x160x64xi32, #tpu.memory_space<hbm>> -> memref<1x40x64xi32, #tpu.memory_space<hbm>>
      %dma_start3A_484 = tpu.memref_squeeze %dma_start3A_483 : memref<1x40x64xi32, #tpu.memory_space<hbm>> -> memref<40x64xi32, #tpu.memory_space<hbm>>
      tpu.enqueue_dma source(%dma_start3A_484 : memref<40x64xi32, #tpu.memory_space<hbm>>) target(%arg8 : memref<40x64xi32, #tpu.memory_space<vmem>>) target_semaphore(%run_scoped3A : memref<!tpu.dma_semaphore, #tpu.memory_space<semaphore_mem>>)
      %dma_wait3A_485 = arith.constant 80 : i32
      %dma_wait3A_486 = arith.constant 0 : i32
      %dma_wait3A_487 = tpu.memref_slice %arg4[%add3A, %dma_wait3A_485, %dma_wait3A_486] : memref<32x160x64xi32, #tpu.memory_space<hbm>> -> memref<1x40x64xi32, #tpu.memory_space<hbm>>
      %dma_wait3A_488 = tpu.memref_squeeze %dma_wait3A_487 : memref<1x40x64xi32, #tpu.memory_space<hbm>> -> memref<40x64xi32, #tpu.memory_space<hbm>>
      %dma_wait3A_489 = arith.constant 80 : i32
      %dma_wait3A_490 = arith.constant 0 : i32
      %dma_wait3A_491 = tpu.memref_slice %arg4[%add3A, %dma_wait3A_489, %dma_wait3A_490] : memref<32x160x64xi32, #tpu.memory_space<hbm>> -> memref<1x40x64xi32, #tpu.memory_space<hbm>>
      %dma_wait3A_492 = tpu.memref_squeeze %dma_wait3A_491 : memref<1x40x64xi32, #tpu.memory_space<hbm>> -> memref<40x64xi32, #tpu.memory_space<hbm>>
      tpu.wait_dma2 semaphore(%run_scoped3A : memref<!tpu.dma_semaphore, #tpu.memory_space<semaphore_mem>>) src(%dma_wait3A_492 : memref<40x64xi32, #tpu.memory_space<hbm>>) dst(%arg8 : memref<40x64xi32, #tpu.memory_space<vmem>>)
      tpu.yield
    }) : () -> ()
    %dma_start3A_236 = arith.constant 0 : i32
    %dma_start3A_237 = arith.constant 0 : i32
    %dma_start3A_238 = tpu.memref_slice %arg7[%dma_start3A_236, %dma_start3A_237] : memref<40x64xi32, #tpu.memory_space<vmem>> -> memref<1x64xi32, #tpu.memory_space<vmem>>
    %dma_start3A_239 = tpu.memref_squeeze %dma_start3A_238 : memref<1x64xi32, #tpu.memory_space<vmem>> -> memref<64xi32, #tpu.memory_space<vmem>>
    %dma_start3A_240 = arith.constant 0 : i32
    %dma_start3A_241 = arith.constant 0 : i32
    %dma_start3A_242 = tpu.memref_slice %arg2[%dma_start3A_240, %dma_start3A_241] : memref<10240x128xf32, #tpu.memory_space<hbm>> -> memref<10240x128xf32, #tpu.memory_space<hbm>>
    tpu.enqueue_indirect_dma source(%dma_start3A_242 : memref<10240x128xf32, #tpu.memory_space<hbm>>) target(%arg9 : memref<64x128xf32, #tpu.memory_space<vmem>>) offsets(%dma_start3A_239 : memref<64xi32, #tpu.memory_space<vmem>>) semaphore(%arg13 : memref<!tpu.dma_semaphore, #tpu.memory_space<semaphore_mem>>)
    %dma_start3A_243 = arith.constant 1 : i32
    %dma_start3A_244 = arith.constant 0 : i32
    %dma_start3A_245 = tpu.memref_slice %arg7[%dma_start3A_243, %dma_start3A_244] : memref<40x64xi32, #tpu.memory_space<vmem>> -> memref<1x64xi32, #tpu.memory_space<vmem>>
    %dma_start3A_246 = tpu.memref_squeeze %dma_start3A_245 : memref<1x64xi32, #tpu.memory_space<vmem>> -> memref<64xi32, #tpu.memory_space<vmem>>
    %dma_start3A_247 = arith.constant 0 : i32
    %dma_start3A_248 = arith.constant 0 : i32
    %dma_start3A_249 = tpu.memref_slice %arg2[%dma_start3A_247, %dma_start3A_248] : memref<10240x128xf32, #tpu.memory_space<hbm>> -> memref<10240x128xf32, #tpu.memory_space<hbm>>
    tpu.enqueue_indirect_dma source(%dma_start3A_249 : memref<10240x128xf32, #tpu.memory_space<hbm>>) target(%arg10 : memref<64x128xf32, #tpu.memory_space<vmem>>) offsets(%dma_start3A_246 : memref<64xi32, #tpu.memory_space<vmem>>) semaphore(%arg14 : memref<!tpu.dma_semaphore, #tpu.memory_space<semaphore_mem>>)
    %dma_start3A_250 = arith.constant 2 : i32
    %dma_start3A_251 = arith.constant 0 : i32
    %dma_start3A_252 = tpu.memref_slice %arg7[%dma_start3A_250, %dma_start3A_251] : memref<40x64xi32, #tpu.memory_space<vmem>> -> memref<1x64xi32, #tpu.memory_space<vmem>>
    %dma_start3A_253 = tpu.memref_squeeze %dma_start3A_252 : memref<1x64xi32, #tpu.memory_space<vmem>> -> memref<64xi32, #tpu.memory_space<vmem>>
    %dma_start3A_254 = arith.constant 0 : i32
    %dma_start3A_255 = arith.constant 0 : i32
    %dma_start3A_256 = tpu.memref_slice %arg2[%dma_start3A_254, %dma_start3A_255] : memref<10240x128xf32, #tpu.memory_space<hbm>> -> memref<10240x128xf32, #tpu.memory_space<hbm>>
    tpu.enqueue_indirect_dma source(%dma_start3A_256 : memref<10240x128xf32, #tpu.memory_space<hbm>>) target(%arg11 : memref<64x128xf32, #tpu.memory_space<vmem>>) offsets(%dma_start3A_253 : memref<64xi32, #tpu.memory_space<vmem>>) semaphore(%arg15 : memref<!tpu.dma_semaphore, #tpu.memory_space<semaphore_mem>>)
    %dma_start3A_257 = arith.constant 3 : i32
    %dma_start3A_258 = arith.constant 0 : i32
    %dma_start3A_259 = tpu.memref_slice %arg7[%dma_start3A_257, %dma_start3A_258] : memref<40x64xi32, #tpu.memory_space<vmem>> -> memref<1x64xi32, #tpu.memory_space<vmem>>
    %dma_start3A_260 = tpu.memref_squeeze %dma_start3A_259 : memref<1x64xi32, #tpu.memory_space<vmem>> -> memref<64xi32, #tpu.memory_space<vmem>>
    %dma_start3A_261 = arith.constant 0 : i32
    %dma_start3A_262 = arith.constant 0 : i32
    %dma_start3A_263 = tpu.memref_slice %arg2[%dma_start3A_261, %dma_start3A_262] : memref<10240x128xf32, #tpu.memory_space<hbm>> -> memref<10240x128xf32, #tpu.memory_space<hbm>>
    tpu.enqueue_indirect_dma source(%dma_start3A_263 : memref<10240x128xf32, #tpu.memory_space<hbm>>) target(%arg12 : memref<64x128xf32, #tpu.memory_space<vmem>>) offsets(%dma_start3A_260 : memref<64xi32, #tpu.memory_space<vmem>>) semaphore(%arg16 : memref<!tpu.dma_semaphore, #tpu.memory_space<semaphore_mem>>)
    %scan3A_264 = arith.constant 0 : i32
    %scan3A_265 = arith.constant 0 : i32
    %scan3A_266 = arith.constant 9 : i32
    %scan3A_267 = arith.addi %scan3A_265, %scan3A_266 : i32
    %scan3A_268 = arith.constant 1 : i32
    scf.for %scan3A_477 = %scan3A_265 to %scan3A_267 step %scan3A_268  : i32 {
      %mul3A_478 = arith.constant 4 : i32
      %mul3A_479 = arith.muli %mul3A_478, %scan3A_477 : i32
      %add3A_480 = arith.constant 0 : i32
      %add3A_481 = arith.addi %mul3A_479, %add3A_480 : i32
      %dma_wait3A_482 = arith.constant 0 : i32
      %dma_wait3A_483 = arith.constant 0 : i32
      %dma_wait3A_484 = tpu.memref_slice %arg7[%dma_wait3A_482, %dma_wait3A_483] : memref<40x64xi32, #tpu.memory_space<vmem>> -> memref<1x64xi32, #tpu.memory_space<vmem>>
      %dma_wait3A_485 = tpu.memref_squeeze %dma_wait3A_484 : memref<1x64xi32, #tpu.memory_space<vmem>> -> memref<64xi32, #tpu.memory_space<vmem>>
      %dma_wait3A_486 = arith.constant 0 : i32
      %dma_wait3A_487 = arith.constant 0 : i32
      %dma_wait3A_488 = tpu.memref_slice %arg2[%dma_wait3A_486, %dma_wait3A_487] : memref<10240x128xf32, #tpu.memory_space<hbm>> -> memref<10240x128xf32, #tpu.memory_space<hbm>>
      tpu.wait_indirect_dma semaphore(%arg13 : memref<!tpu.dma_semaphore, #tpu.memory_space<semaphore_mem>>) src(%dma_wait3A_488 : memref<10240x128xf32, #tpu.memory_space<hbm>>) dst(%arg9 : memref<64x128xf32, #tpu.memory_space<vmem>>)
      %dma_start3A_489 = arith.constant 0 : i32
      %dma_start3A_490 = tpu.memref_slice %arg8[%add3A_481, %dma_start3A_489] : memref<40x64xi32, #tpu.memory_space<vmem>> -> memref<1x64xi32, #tpu.memory_space<vmem>>
      %dma_start3A_491 = tpu.memref_squeeze %dma_start3A_490 : memref<1x64xi32, #tpu.memory_space<vmem>> -> memref<64xi32, #tpu.memory_space<vmem>>
      %dma_start3A_492 = arith.constant 0 : i32
      %dma_start3A_493 = arith.constant 0 : i32
      %dma_start3A_494 = tpu.memref_slice %arg21[%dma_start3A_492, %dma_start3A_493] : memref<10240x128xf32, #tpu.memory_space<vmem_shared>> -> memref<10240x128xf32, #tpu.memory_space<vmem_shared>>
      tpu.enqueue_indirect_dma source(%arg9 : memref<64x128xf32, #tpu.memory_space<vmem>>) target(%dma_start3A_494 : memref<10240x128xf32, #tpu.memory_space<vmem_shared>>) offsets(%dma_start3A_491 : memref<64xi32, #tpu.memory_space<vmem>>) semaphore(%arg17 : memref<!tpu.dma_semaphore, #tpu.memory_space<semaphore_mem>>) {add = true}
      %mul3A_495 = arith.constant 4 : i32
      %mul3A_496 = arith.muli %mul3A_495, %scan3A_477 : i32
      %add3A_497 = arith.constant 1 : i32
      %add3A_498 = arith.addi %mul3A_496, %add3A_497 : i32
      %dma_wait3A_499 = arith.constant 0 : i32
      %dma_wait3A_500 = arith.constant 0 : i32
      %dma_wait3A_501 = tpu.memref_slice %arg7[%dma_wait3A_499, %dma_wait3A_500] : memref<40x64xi32, #tpu.memory_space<vmem>> -> memref<1x64xi32, #tpu.memory_space<vmem>>
      %dma_wait3A_502 = tpu.memref_squeeze %dma_wait3A_501 : memref<1x64xi32, #tpu.memory_space<vmem>> -> memref<64xi32, #tpu.memory_space<vmem>>
      %dma_wait3A_503 = arith.constant 0 : i32
      %dma_wait3A_504 = arith.constant 0 : i32
      %dma_wait3A_505 = tpu.memref_slice %arg2[%dma_wait3A_503, %dma_wait3A_504] : memref<10240x128xf32, #tpu.memory_space<hbm>> -> memref<10240x128xf32, #tpu.memory_space<hbm>>
      tpu.wait_indirect_dma semaphore(%arg14 : memref<!tpu.dma_semaphore, #tpu.memory_space<semaphore_mem>>) src(%dma_wait3A_505 : memref<10240x128xf32, #tpu.memory_space<hbm>>) dst(%arg10 : memref<64x128xf32, #tpu.memory_space<vmem>>)
      %dma_start3A_506 = arith.constant 0 : i32
      %dma_start3A_507 = tpu.memref_slice %arg8[%add3A_498, %dma_start3A_506] : memref<40x64xi32, #tpu.memory_space<vmem>> -> memref<1x64xi32, #tpu.memory_space<vmem>>
      %dma_start3A_508 = tpu.memref_squeeze %dma_start3A_507 : memref<1x64xi32, #tpu.memory_space<vmem>> -> memref<64xi32, #tpu.memory_space<vmem>>
      %dma_start3A_509 = arith.constant 0 : i32
      %dma_start3A_510 = arith.constant 0 : i32
      %dma_start3A_511 = tpu.memref_slice %arg21[%dma_start3A_509, %dma_start3A_510] : memref<10240x128xf32, #tpu.memory_space<vmem_shared>> -> memref<10240x128xf32, #tpu.memory_space<vmem_shared>>
      tpu.enqueue_indirect_dma source(%arg10 : memref<64x128xf32, #tpu.memory_space<vmem>>) target(%dma_start3A_511 : memref<10240x128xf32, #tpu.memory_space<vmem_shared>>) offsets(%dma_start3A_508 : memref<64xi32, #tpu.memory_space<vmem>>) semaphore(%arg18 : memref<!tpu.dma_semaphore, #tpu.memory_space<semaphore_mem>>) {add = true}
      %mul3A_512 = arith.constant 4 : i32
      %mul3A_513 = arith.muli %mul3A_512, %scan3A_477 : i32
      %add3A_514 = arith.constant 2 : i32
      %add3A_515 = arith.addi %mul3A_513, %add3A_514 : i32
      %dma_wait3A_516 = arith.constant 0 : i32
      %dma_wait3A_517 = arith.constant 0 : i32
      %dma_wait3A_518 = tpu.memref_slice %arg7[%dma_wait3A_516, %dma_wait3A_517] : memref<40x64xi32, #tpu.memory_space<vmem>> -> memref<1x64xi32, #tpu.memory_space<vmem>>
      %dma_wait3A_519 = tpu.memref_squeeze %dma_wait3A_518 : memref<1x64xi32, #tpu.memory_space<vmem>> -> memref<64xi32, #tpu.memory_space<vmem>>
      %dma_wait3A_520 = arith.constant 0 : i32
      %dma_wait3A_521 = arith.constant 0 : i32
      %dma_wait3A_522 = tpu.memref_slice %arg2[%dma_wait3A_520, %dma_wait3A_521] : memref<10240x128xf32, #tpu.memory_space<hbm>> -> memref<10240x128xf32, #tpu.memory_space<hbm>>
      tpu.wait_indirect_dma semaphore(%arg15 : memref<!tpu.dma_semaphore, #tpu.memory_space<semaphore_mem>>) src(%dma_wait3A_522 : memref<10240x128xf32, #tpu.memory_space<hbm>>) dst(%arg11 : memref<64x128xf32, #tpu.memory_space<vmem>>)
      %dma_start3A_523 = arith.constant 0 : i32
      %dma_start3A_524 = tpu.memref_slice %arg8[%add3A_515, %dma_start3A_523] : memref<40x64xi32, #tpu.memory_space<vmem>> -> memref<1x64xi32, #tpu.memory_space<vmem>>
      %dma_start3A_525 = tpu.memref_squeeze %dma_start3A_524 : memref<1x64xi32, #tpu.memory_space<vmem>> -> memref<64xi32, #tpu.memory_space<vmem>>
      %dma_start3A_526 = arith.constant 0 : i32
      %dma_start3A_527 = arith.constant 0 : i32
      %dma_start3A_528 = tpu.memref_slice %arg21[%dma_start3A_526, %dma_start3A_527] : memref<10240x128xf32, #tpu.memory_space<vmem_shared>> -> memref<10240x128xf32, #tpu.memory_space<vmem_shared>>
      tpu.enqueue_indirect_dma source(%arg11 : memref<64x128xf32, #tpu.memory_space<vmem>>) target(%dma_start3A_528 : memref<10240x128xf32, #tpu.memory_space<vmem_shared>>) offsets(%dma_start3A_525 : memref<64xi32, #tpu.memory_space<vmem>>) semaphore(%arg19 : memref<!tpu.dma_semaphore, #tpu.memory_space<semaphore_mem>>) {add = true}
      %mul3A_529 = arith.constant 4 : i32
      %mul3A_530 = arith.muli %mul3A_529, %scan3A_477 : i32
      %add3A_531 = arith.constant 3 : i32
      %add3A_532 = arith.addi %mul3A_530, %add3A_531 : i32
      %dma_wait3A_533 = arith.constant 0 : i32
      %dma_wait3A_534 = arith.constant 0 : i32
      %dma_wait3A_535 = tpu.memref_slice %arg7[%dma_wait3A_533, %dma_wait3A_534] : memref<40x64xi32, #tpu.memory_space<vmem>> -> memref<1x64xi32, #tpu.memory_space<vmem>>
      %dma_wait3A_536 = tpu.memref_squeeze %dma_wait3A_535 : memref<1x64xi32, #tpu.memory_space<vmem>> -> memref<64xi32, #tpu.memory_space<vmem>>
      %dma_wait3A_537 = arith.constant 0 : i32
      %dma_wait3A_538 = arith.constant 0 : i32
      %dma_wait3A_539 = tpu.memref_slice %arg2[%dma_wait3A_537, %dma_wait3A_538] : memref<10240x128xf32, #tpu.memory_space<hbm>> -> memref<10240x128xf32, #tpu.memory_space<hbm>>
      tpu.wait_indirect_dma semaphore(%arg16 : memref<!tpu.dma_semaphore, #tpu.memory_space<semaphore_mem>>) src(%dma_wait3A_539 : memref<10240x128xf32, #tpu.memory_space<hbm>>) dst(%arg12 : memref<64x128xf32, #tpu.memory_space<vmem>>)
      %dma_start3A_540 = arith.constant 0 : i32
      %dma_start3A_541 = tpu.memref_slice %arg8[%add3A_532, %dma_start3A_540] : memref<40x64xi32, #tpu.memory_space<vmem>> -> memref<1x64xi32, #tpu.memory_space<vmem>>
      %dma_start3A_542 = tpu.memref_squeeze %dma_start3A_541 : memref<1x64xi32, #tpu.memory_space<vmem>> -> memref<64xi32, #tpu.memory_space<vmem>>
      %dma_start3A_543 = arith.constant 0 : i32
      %dma_start3A_544 = arith.constant 0 : i32
      %dma_start3A_545 = tpu.memref_slice %arg21[%dma_start3A_543, %dma_start3A_544] : memref<10240x128xf32, #tpu.memory_space<vmem_shared>> -> memref<10240x128xf32, #tpu.memory_space<vmem_shared>>
      tpu.enqueue_indirect_dma source(%arg12 : memref<64x128xf32, #tpu.memory_space<vmem>>) target(%dma_start3A_545 : memref<10240x128xf32, #tpu.memory_space<vmem_shared>>) offsets(%dma_start3A_542 : memref<64xi32, #tpu.memory_space<vmem>>) semaphore(%arg20 : memref<!tpu.dma_semaphore, #tpu.memory_space<semaphore_mem>>) {add = true}
      %mul3A_546 = arith.constant 4 : i32
      %mul3A_547 = arith.muli %mul3A_546, %scan3A_477 : i32
      %add3A_548 = arith.constant 0 : i32
      %add3A_549 = arith.addi %mul3A_547, %add3A_548 : i32
      %add3A_550 = arith.constant 4 : i32
      %add3A_551 = arith.addi %add3A_549, %add3A_550 : i32
      %dma_wait3A_552 = arith.constant 0 : i32
      %dma_wait3A_553 = arith.constant 0 : i32
      %dma_wait3A_554 = tpu.memref_slice %arg8[%dma_wait3A_552, %dma_wait3A_553] : memref<40x64xi32, #tpu.memory_space<vmem>> -> memref<1x64xi32, #tpu.memory_space<vmem>>
      %dma_wait3A_555 = tpu.memref_squeeze %dma_wait3A_554 : memref<1x64xi32, #tpu.memory_space<vmem>> -> memref<64xi32, #tpu.memory_space<vmem>>
      %dma_wait3A_556 = arith.constant 0 : i32
      %dma_wait3A_557 = arith.constant 0 : i32
      %dma_wait3A_558 = tpu.memref_slice %arg21[%dma_wait3A_556, %dma_wait3A_557] : memref<10240x128xf32, #tpu.memory_space<vmem_shared>> -> memref<10240x128xf32, #tpu.memory_space<vmem_shared>>
      tpu.wait_indirect_dma semaphore(%arg17 : memref<!tpu.dma_semaphore, #tpu.memory_space<semaphore_mem>>) src(%arg9 : memref<64x128xf32, #tpu.memory_space<vmem>>) dst(%dma_wait3A_558 : memref<10240x128xf32, #tpu.memory_space<vmem_shared>>)
      %dma_start3A_559 = arith.constant 0 : i32
      %dma_start3A_560 = tpu.memref_slice %arg7[%add3A_551, %dma_start3A_559] : memref<40x64xi32, #tpu.memory_space<vmem>> -> memref<1x64xi32, #tpu.memory_space<vmem>>
      %dma_start3A_561 = tpu.memref_squeeze %dma_start3A_560 : memref<1x64xi32, #tpu.memory_space<vmem>> -> memref<64xi32, #tpu.memory_space<vmem>>
      %dma_start3A_562 = arith.constant 0 : i32
      %dma_start3A_563 = arith.constant 0 : i32
      %dma_start3A_564 = tpu.memref_slice %arg2[%dma_start3A_562, %dma_start3A_563] : memref<10240x128xf32, #tpu.memory_space<hbm>> -> memref<10240x128xf32, #tpu.memory_space<hbm>>
      tpu.enqueue_indirect_dma source(%dma_start3A_564 : memref<10240x128xf32, #tpu.memory_space<hbm>>) target(%arg9 : memref<64x128xf32, #tpu.memory_space<vmem>>) offsets(%dma_start3A_561 : memref<64xi32, #tpu.memory_space<vmem>>) semaphore(%arg13 : memref<!tpu.dma_semaphore, #tpu.memory_space<semaphore_mem>>)
      %mul3A_565 = arith.constant 4 : i32
      %mul3A_566 = arith.muli %mul3A_565, %scan3A_477 : i32
      %add3A_567 = arith.constant 1 : i32
      %add3A_568 = arith.addi %mul3A_566, %add3A_567 : i32
      %add3A_569 = arith.constant 4 : i32
      %add3A_570 = arith.addi %add3A_568, %add3A_569 : i32
      %dma_wait3A_571 = arith.constant 0 : i32
      %dma_wait3A_572 = arith.constant 0 : i32
      %dma_wait3A_573 = tpu.memref_slice %arg8[%dma_wait3A_571, %dma_wait3A_572] : memref<40x64xi32, #tpu.memory_space<vmem>> -> memref<1x64xi32, #tpu.memory_space<vmem>>
      %dma_wait3A_574 = tpu.memref_squeeze %dma_wait3A_573 : memref<1x64xi32, #tpu.memory_space<vmem>> -> memref<64xi32, #tpu.memory_space<vmem>>
      %dma_wait3A_575 = arith.constant 0 : i32
      %dma_wait3A_576 = arith.constant 0 : i32
      %dma_wait3A_577 = tpu.memref_slice %arg21[%dma_wait3A_575, %dma_wait3A_576] : memref<10240x128xf32, #tpu.memory_space<vmem_shared>> -> memref<10240x128xf32, #tpu.memory_space<vmem_shared>>
      tpu.wait_indirect_dma semaphore(%arg18 : memref<!tpu.dma_semaphore, #tpu.memory_space<semaphore_mem>>) src(%arg10 : memref<64x128xf32, #tpu.memory_space<vmem>>) dst(%dma_wait3A_577 : memref<10240x128xf32, #tpu.memory_space<vmem_shared>>)
      %dma_start3A_578 = arith.constant 0 : i32
      %dma_start3A_579 = tpu.memref_slice %arg7[%add3A_570, %dma_start3A_578] : memref<40x64xi32, #tpu.memory_space<vmem>> -> memref<1x64xi32, #tpu.memory_space<vmem>>
      %dma_start3A_580 = tpu.memref_squeeze %dma_start3A_579 : memref<1x64xi32, #tpu.memory_space<vmem>> -> memref<64xi32, #tpu.memory_space<vmem>>
      %dma_start3A_581 = arith.constant 0 : i32
      %dma_start3A_582 = arith.constant 0 : i32
      %dma_start3A_583 = tpu.memref_slice %arg2[%dma_start3A_581, %dma_start3A_582] : memref<10240x128xf32, #tpu.memory_space<hbm>> -> memref<10240x128xf32, #tpu.memory_space<hbm>>
      tpu.enqueue_indirect_dma source(%dma_start3A_583 : memref<10240x128xf32, #tpu.memory_space<hbm>>) target(%arg10 : memref<64x128xf32, #tpu.memory_space<vmem>>) offsets(%dma_start3A_580 : memref<64xi32, #tpu.memory_space<vmem>>) semaphore(%arg14 : memref<!tpu.dma_semaphore, #tpu.memory_space<semaphore_mem>>)
      %mul3A_584 = arith.constant 4 : i32
      %mul3A_585 = arith.muli %mul3A_584, %scan3A_477 : i32
      %add3A_586 = arith.constant 2 : i32
      %add3A_587 = arith.addi %mul3A_585, %add3A_586 : i32
      %add3A_588 = arith.constant 4 : i32
      %add3A_589 = arith.addi %add3A_587, %add3A_588 : i32
      %dma_wait3A_590 = arith.constant 0 : i32
      %dma_wait3A_591 = arith.constant 0 : i32
      %dma_wait3A_592 = tpu.memref_slice %arg8[%dma_wait3A_590, %dma_wait3A_591] : memref<40x64xi32, #tpu.memory_space<vmem>> -> memref<1x64xi32, #tpu.memory_space<vmem>>
      %dma_wait3A_593 = tpu.memref_squeeze %dma_wait3A_592 : memref<1x64xi32, #tpu.memory_space<vmem>> -> memref<64xi32, #tpu.memory_space<vmem>>
      %dma_wait3A_594 = arith.constant 0 : i32
      %dma_wait3A_595 = arith.constant 0 : i32
      %dma_wait3A_596 = tpu.memref_slice %arg21[%dma_wait3A_594, %dma_wait3A_595] : memref<10240x128xf32, #tpu.memory_space<vmem_shared>> -> memref<10240x128xf32, #tpu.memory_space<vmem_shared>>
      tpu.wait_indirect_dma semaphore(%arg19 : memref<!tpu.dma_semaphore, #tpu.memory_space<semaphore_mem>>) src(%arg11 : memref<64x128xf32, #tpu.memory_space<vmem>>) dst(%dma_wait3A_596 : memref<10240x128xf32, #tpu.memory_space<vmem_shared>>)
      %dma_start3A_597 = arith.constant 0 : i32
      %dma_start3A_598 = tpu.memref_slice %arg7[%add3A_589, %dma_start3A_597] : memref<40x64xi32, #tpu.memory_space<vmem>> -> memref<1x64xi32, #tpu.memory_space<vmem>>
      %dma_start3A_599 = tpu.memref_squeeze %dma_start3A_598 : memref<1x64xi32, #tpu.memory_space<vmem>> -> memref<64xi32, #tpu.memory_space<vmem>>
      %dma_start3A_600 = arith.constant 0 : i32
      %dma_start3A_601 = arith.constant 0 : i32
      %dma_start3A_602 = tpu.memref_slice %arg2[%dma_start3A_600, %dma_start3A_601] : memref<10240x128xf32, #tpu.memory_space<hbm>> -> memref<10240x128xf32, #tpu.memory_space<hbm>>
      tpu.enqueue_indirect_dma source(%dma_start3A_602 : memref<10240x128xf32, #tpu.memory_space<hbm>>) target(%arg11 : memref<64x128xf32, #tpu.memory_space<vmem>>) offsets(%dma_start3A_599 : memref<64xi32, #tpu.memory_space<vmem>>) semaphore(%arg15 : memref<!tpu.dma_semaphore, #tpu.memory_space<semaphore_mem>>)
      %mul3A_603 = arith.constant 4 : i32
      %mul3A_604 = arith.muli %mul3A_603, %scan3A_477 : i32
      %add3A_605 = arith.constant 3 : i32
      %add3A_606 = arith.addi %mul3A_604, %add3A_605 : i32
      %add3A_607 = arith.constant 4 : i32
      %add3A_608 = arith.addi %add3A_606, %add3A_607 : i32
      %dma_wait3A_609 = arith.constant 0 : i32
      %dma_wait3A_610 = arith.constant 0 : i32
      %dma_wait3A_611 = tpu.memref_slice %arg8[%dma_wait3A_609, %dma_wait3A_610] : memref<40x64xi32, #tpu.memory_space<vmem>> -> memref<1x64xi32, #tpu.memory_space<vmem>>
      %dma_wait3A_612 = tpu.memref_squeeze %dma_wait3A_611 : memref<1x64xi32, #tpu.memory_space<vmem>> -> memref<64xi32, #tpu.memory_space<vmem>>
      %dma_wait3A_613 = arith.constant 0 : i32
      %dma_wait3A_614 = arith.constant 0 : i32
      %dma_wait3A_615 = tpu.memref_slice %arg21[%dma_wait3A_613, %dma_wait3A_614] : memref<10240x128xf32, #tpu.memory_space<vmem_shared>> -> memref<10240x128xf32, #tpu.memory_space<vmem_shared>>
      tpu.wait_indirect_dma semaphore(%arg20 : memref<!tpu.dma_semaphore, #tpu.memory_space<semaphore_mem>>) src(%arg12 : memref<64x128xf32, #tpu.memory_space<vmem>>) dst(%dma_wait3A_615 : memref<10240x128xf32, #tpu.memory_space<vmem_shared>>)
      %dma_start3A_616 = arith.constant 0 : i32
      %dma_start3A_617 = tpu.memref_slice %arg7[%add3A_608, %dma_start3A_616] : memref<40x64xi32, #tpu.memory_space<vmem>> -> memref<1x64xi32, #tpu.memory_space<vmem>>
      %dma_start3A_618 = tpu.memref_squeeze %dma_start3A_617 : memref<1x64xi32, #tpu.memory_space<vmem>> -> memref<64xi32, #tpu.memory_space<vmem>>
      %dma_start3A_619 = arith.constant 0 : i32
      %dma_start3A_620 = arith.constant 0 : i32
      %dma_start3A_621 = tpu.memref_slice %arg2[%dma_start3A_619, %dma_start3A_620] : memref<10240x128xf32, #tpu.memory_space<hbm>> -> memref<10240x128xf32, #tpu.memory_space<hbm>>
      tpu.enqueue_indirect_dma source(%dma_start3A_621 : memref<10240x128xf32, #tpu.memory_space<hbm>>) target(%arg12 : memref<64x128xf32, #tpu.memory_space<vmem>>) offsets(%dma_start3A_618 : memref<64xi32, #tpu.memory_space<vmem>>) semaphore(%arg16 : memref<!tpu.dma_semaphore, #tpu.memory_space<semaphore_mem>>)
    }
    %scan3A_269 = arith.constant 9 : i32
    %dma_wait3A_270 = arith.constant 0 : i32
    %dma_wait3A_271 = arith.constant 0 : i32
    %dma_wait3A_272 = tpu.memref_slice %arg7[%dma_wait3A_270, %dma_wait3A_271] : memref<40x64xi32, #tpu.memory_space<vmem>> -> memref<1x64xi32, #tpu.memory_space<vmem>>
    %dma_wait3A_273 = tpu.memref_squeeze %dma_wait3A_272 : memref<1x64xi32, #tpu.memory_space<vmem>> -> memref<64xi32, #tpu.memory_space<vmem>>
    %dma_wait3A_274 = arith.constant 0 : i32
    %dma_wait3A_275 = arith.constant 0 : i32
    %dma_wait3A_276 = tpu.memref_slice %arg2[%dma_wait3A_274, %dma_wait3A_275] : memref<10240x128xf32, #tpu.memory_space<hbm>> -> memref<10240x128xf32, #tpu.memory_space<hbm>>
    tpu.wait_indirect_dma semaphore(%arg13 : memref<!tpu.dma_semaphore, #tpu.memory_space<semaphore_mem>>) src(%dma_wait3A_276 : memref<10240x128xf32, #tpu.memory_space<hbm>>) dst(%arg9 : memref<64x128xf32, #tpu.memory_space<vmem>>)
    %dma_start3A_277 = arith.constant 36 : i32
    %dma_start3A_278 = arith.constant 0 : i32
    %dma_start3A_279 = tpu.memref_slice %arg8[%dma_start3A_277, %dma_start3A_278] : memref<40x64xi32, #tpu.memory_space<vmem>> -> memref<1x64xi32, #tpu.memory_space<vmem>>
    %dma_start3A_280 = tpu.memref_squeeze %dma_start3A_279 : memref<1x64xi32, #tpu.memory_space<vmem>> -> memref<64xi32, #tpu.memory_space<vmem>>
    %dma_start3A_281 = arith.constant 0 : i32
    %dma_start3A_282 = arith.constant 0 : i32
    %dma_start3A_283 = tpu.memref_slice %arg21[%dma_start3A_281, %dma_start3A_282] : memref<10240x128xf32, #tpu.memory_space<vmem_shared>> -> memref<10240x128xf32, #tpu.memory_space<vmem_shared>>
    tpu.enqueue_indirect_dma source(%arg9 : memref<64x128xf32, #tpu.memory_space<vmem>>) target(%dma_start3A_283 : memref<10240x128xf32, #tpu.memory_space<vmem_shared>>) offsets(%dma_start3A_280 : memref<64xi32, #tpu.memory_space<vmem>>) semaphore(%arg17 : memref<!tpu.dma_semaphore, #tpu.memory_space<semaphore_mem>>) {add = true}
    %dma_wait3A_284 = arith.constant 0 : i32
    %dma_wait3A_285 = arith.constant 0 : i32
    %dma_wait3A_286 = tpu.memref_slice %arg7[%dma_wait3A_284, %dma_wait3A_285] : memref<40x64xi32, #tpu.memory_space<vmem>> -> memref<1x64xi32, #tpu.memory_space<vmem>>
    %dma_wait3A_287 = tpu.memref_squeeze %dma_wait3A_286 : memref<1x64xi32, #tpu.memory_space<vmem>> -> memref<64xi32, #tpu.memory_space<vmem>>
    %dma_wait3A_288 = arith.constant 0 : i32
    %dma_wait3A_289 = arith.constant 0 : i32
    %dma_wait3A_290 = tpu.memref_slice %arg2[%dma_wait3A_288, %dma_wait3A_289] : memref<10240x128xf32, #tpu.memory_space<hbm>> -> memref<10240x128xf32, #tpu.memory_space<hbm>>
    tpu.wait_indirect_dma semaphore(%arg14 : memref<!tpu.dma_semaphore, #tpu.memory_space<semaphore_mem>>) src(%dma_wait3A_290 : memref<10240x128xf32, #tpu.memory_space<hbm>>) dst(%arg10 : memref<64x128xf32, #tpu.memory_space<vmem>>)
    %dma_start3A_291 = arith.constant 37 : i32
    %dma_start3A_292 = arith.constant 0 : i32
    %dma_start3A_293 = tpu.memref_slice %arg8[%dma_start3A_291, %dma_start3A_292] : memref<40x64xi32, #tpu.memory_space<vmem>> -> memref<1x64xi32, #tpu.memory_space<vmem>>
    %dma_start3A_294 = tpu.memref_squeeze %dma_start3A_293 : memref<1x64xi32, #tpu.memory_space<vmem>> -> memref<64xi32, #tpu.memory_space<vmem>>
    %dma_start3A_295 = arith.constant 0 : i32
    %dma_start3A_296 = arith.constant 0 : i32
    %dma_start3A_297 = tpu.memref_slice %arg21[%dma_start3A_295, %dma_start3A_296] : memref<10240x128xf32, #tpu.memory_space<vmem_shared>> -> memref<10240x128xf32, #tpu.memory_space<vmem_shared>>
    tpu.enqueue_indirect_dma source(%arg10 : memref<64x128xf32, #tpu.memory_space<vmem>>) target(%dma_start3A_297 : memref<10240x128xf32, #tpu.memory_space<vmem_shared>>) offsets(%dma_start3A_294 : memref<64xi32, #tpu.memory_space<vmem>>) semaphore(%arg18 : memref<!tpu.dma_semaphore, #tpu.memory_space<semaphore_mem>>) {add = true}
    %dma_wait3A_298 = arith.constant 0 : i32
    %dma_wait3A_299 = arith.constant 0 : i32
    %dma_wait3A_300 = tpu.memref_slice %arg7[%dma_wait3A_298, %dma_wait3A_299] : memref<40x64xi32, #tpu.memory_space<vmem>> -> memref<1x64xi32, #tpu.memory_space<vmem>>
    %dma_wait3A_301 = tpu.memref_squeeze %dma_wait3A_300 : memref<1x64xi32, #tpu.memory_space<vmem>> -> memref<64xi32, #tpu.memory_space<vmem>>
    %dma_wait3A_302 = arith.constant 0 : i32
    %dma_wait3A_303 = arith.constant 0 : i32
    %dma_wait3A_304 = tpu.memref_slice %arg2[%dma_wait3A_302, %dma_wait3A_303] : memref<10240x128xf32, #tpu.memory_space<hbm>> -> memref<10240x128xf32, #tpu.memory_space<hbm>>
    tpu.wait_indirect_dma semaphore(%arg15 : memref<!tpu.dma_semaphore, #tpu.memory_space<semaphore_mem>>) src(%dma_wait3A_304 : memref<10240x128xf32, #tpu.memory_space<hbm>>) dst(%arg11 : memref<64x128xf32, #tpu.memory_space<vmem>>)
    %dma_start3A_305 = arith.constant 38 : i32
    %dma_start3A_306 = arith.constant 0 : i32
    %dma_start3A_307 = tpu.memref_slice %arg8[%dma_start3A_305, %dma_start3A_306] : memref<40x64xi32, #tpu.memory_space<vmem>> -> memref<1x64xi32, #tpu.memory_space<vmem>>
    %dma_start3A_308 = tpu.memref_squeeze %dma_start3A_307 : memref<1x64xi32, #tpu.memory_space<vmem>> -> memref<64xi32, #tpu.memory_space<vmem>>
    %dma_start3A_309 = arith.constant 0 : i32
    %dma_start3A_310 = arith.constant 0 : i32
    %dma_start3A_311 = tpu.memref_slice %arg21[%dma_start3A_309, %dma_start3A_310] : memref<10240x128xf32, #tpu.memory_space<vmem_shared>> -> memref<10240x128xf32, #tpu.memory_space<vmem_shared>>
    tpu.enqueue_indirect_dma source(%arg11 : memref<64x128xf32, #tpu.memory_space<vmem>>) target(%dma_start3A_311 : memref<10240x128xf32, #tpu.memory_space<vmem_shared>>) offsets(%dma_start3A_308 : memref<64xi32, #tpu.memory_space<vmem>>) semaphore(%arg19 : memref<!tpu.dma_semaphore, #tpu.memory_space<semaphore_mem>>) {add = true}
    %dma_wait3A_312 = arith.constant 0 : i32
    %dma_wait3A_313 = arith.constant 0 : i32
    %dma_wait3A_314 = tpu.memref_slice %arg7[%dma_wait3A_312, %dma_wait3A_313] : memref<40x64xi32, #tpu.memory_space<vmem>> -> memref<1x64xi32, #tpu.memory_space<vmem>>
    %dma_wait3A_315 = tpu.memref_squeeze %dma_wait3A_314 : memref<1x64xi32, #tpu.memory_space<vmem>> -> memref<64xi32, #tpu.memory_space<vmem>>
    %dma_wait3A_316 = arith.constant 0 : i32
    %dma_wait3A_317 = arith.constant 0 : i32
    %dma_wait3A_318 = tpu.memref_slice %arg2[%dma_wait3A_316, %dma_wait3A_317] : memref<10240x128xf32, #tpu.memory_space<hbm>> -> memref<10240x128xf32, #tpu.memory_space<hbm>>
    tpu.wait_indirect_dma semaphore(%arg16 : memref<!tpu.dma_semaphore, #tpu.memory_space<semaphore_mem>>) src(%dma_wait3A_318 : memref<10240x128xf32, #tpu.memory_space<hbm>>) dst(%arg12 : memref<64x128xf32, #tpu.memory_space<vmem>>)
    %dma_start3A_319 = arith.constant 39 : i32
    %dma_start3A_320 = arith.constant 0 : i32
    %dma_start3A_321 = tpu.memref_slice %arg8[%dma_start3A_319, %dma_start3A_320] : memref<40x64xi32, #tpu.memory_space<vmem>> -> memref<1x64xi32, #tpu.memory_space<vmem>>
    %dma_start3A_322 = tpu.memref_squeeze %dma_start3A_321 : memref<1x64xi32, #tpu.memory_space<vmem>> -> memref<64xi32, #tpu.memory_space<vmem>>
    %dma_start3A_323 = arith.constant 0 : i32
    %dma_start3A_324 = arith.constant 0 : i32
    %dma_start3A_325 = tpu.memref_slice %arg21[%dma_start3A_323, %dma_start3A_324] : memref<10240x128xf32, #tpu.memory_space<vmem_shared>> -> memref<10240x128xf32, #tpu.memory_space<vmem_shared>>
    tpu.enqueue_indirect_dma source(%arg12 : memref<64x128xf32, #tpu.memory_space<vmem>>) target(%dma_start3A_325 : memref<10240x128xf32, #tpu.memory_space<vmem_shared>>) offsets(%dma_start3A_322 : memref<64xi32, #tpu.memory_space<vmem>>) semaphore(%arg20 : memref<!tpu.dma_semaphore, #tpu.memory_space<semaphore_mem>>) {add = true}
    %dma_wait3A_326 = arith.constant 0 : i32
    %dma_wait3A_327 = arith.constant 0 : i32
    %dma_wait3A_328 = tpu.memref_slice %arg8[%dma_wait3A_326, %dma_wait3A_327] : memref<40x64xi32, #tpu.memory_space<vmem>> -> memref<1x64xi32, #tpu.memory_space<vmem>>
    %dma_wait3A_329 = tpu.memref_squeeze %dma_wait3A_328 : memref<1x64xi32, #tpu.memory_space<vmem>> -> memref<64xi32, #tpu.memory_space<vmem>>
    %dma_wait3A_330 = arith.constant 0 : i32
    %dma_wait3A_331 = arith.constant 0 : i32
    %dma_wait3A_332 = tpu.memref_slice %arg21[%dma_wait3A_330, %dma_wait3A_331] : memref<10240x128xf32, #tpu.memory_space<vmem_shared>> -> memref<10240x128xf32, #tpu.memory_space<vmem_shared>>
    tpu.wait_indirect_dma semaphore(%arg17 : memref<!tpu.dma_semaphore, #tpu.memory_space<semaphore_mem>>) src(%arg9 : memref<64x128xf32, #tpu.memory_space<vmem>>) dst(%dma_wait3A_332 : memref<10240x128xf32, #tpu.memory_space<vmem_shared>>)
    %dma_wait3A_333 = arith.constant 0 : i32
    %dma_wait3A_334 = arith.constant 0 : i32
    %dma_wait3A_335 = tpu.memref_slice %arg8[%dma_wait3A_333, %dma_wait3A_334] : memref<40x64xi32, #tpu.memory_space<vmem>> -> memref<1x64xi32, #tpu.memory_space<vmem>>
    %dma_wait3A_336 = tpu.memref_squeeze %dma_wait3A_335 : memref<1x64xi32, #tpu.memory_space<vmem>> -> memref<64xi32, #tpu.memory_space<vmem>>
    %dma_wait3A_337 = arith.constant 0 : i32
    %dma_wait3A_338 = arith.constant 0 : i32
    %dma_wait3A_339 = tpu.memref_slice %arg21[%dma_wait3A_337, %dma_wait3A_338] : memref<10240x128xf32, #tpu.memory_space<vmem_shared>> -> memref<10240x128xf32, #tpu.memory_space<vmem_shared>>
    tpu.wait_indirect_dma semaphore(%arg18 : memref<!tpu.dma_semaphore, #tpu.memory_space<semaphore_mem>>) src(%arg10 : memref<64x128xf32, #tpu.memory_space<vmem>>) dst(%dma_wait3A_339 : memref<10240x128xf32, #tpu.memory_space<vmem_shared>>)
    %dma_wait3A_340 = arith.constant 0 : i32
    %dma_wait3A_341 = arith.constant 0 : i32
    %dma_wait3A_342 = tpu.memref_slice %arg8[%dma_wait3A_340, %dma_wait3A_341] : memref<40x64xi32, #tpu.memory_space<vmem>> -> memref<1x64xi32, #tpu.memory_space<vmem>>
    %dma_wait3A_343 = tpu.memref_squeeze %dma_wait3A_342 : memref<1x64xi32, #tpu.memory_space<vmem>> -> memref<64xi32, #tpu.memory_space<vmem>>
    %dma_wait3A_344 = arith.constant 0 : i32
    %dma_wait3A_345 = arith.constant 0 : i32
    %dma_wait3A_346 = tpu.memref_slice %arg21[%dma_wait3A_344, %dma_wait3A_345] : memref<10240x128xf32, #tpu.memory_space<vmem_shared>> -> memref<10240x128xf32, #tpu.memory_space<vmem_shared>>
    tpu.wait_indirect_dma semaphore(%arg19 : memref<!tpu.dma_semaphore, #tpu.memory_space<semaphore_mem>>) src(%arg11 : memref<64x128xf32, #tpu.memory_space<vmem>>) dst(%dma_wait3A_346 : memref<10240x128xf32, #tpu.memory_space<vmem_shared>>)
    %dma_wait3A_347 = arith.constant 0 : i32
    %dma_wait3A_348 = arith.constant 0 : i32
    %dma_wait3A_349 = tpu.memref_slice %arg8[%dma_wait3A_347, %dma_wait3A_348] : memref<40x64xi32, #tpu.memory_space<vmem>> -> memref<1x64xi32, #tpu.memory_space<vmem>>
    %dma_wait3A_350 = tpu.memref_squeeze %dma_wait3A_349 : memref<1x64xi32, #tpu.memory_space<vmem>> -> memref<64xi32, #tpu.memory_space<vmem>>
    %dma_wait3A_351 = arith.constant 0 : i32
    %dma_wait3A_352 = arith.constant 0 : i32
    %dma_wait3A_353 = tpu.memref_slice %arg21[%dma_wait3A_351, %dma_wait3A_352] : memref<10240x128xf32, #tpu.memory_space<vmem_shared>> -> memref<10240x128xf32, #tpu.memory_space<vmem_shared>>
    tpu.wait_indirect_dma semaphore(%arg20 : memref<!tpu.dma_semaphore, #tpu.memory_space<semaphore_mem>>) src(%arg12 : memref<64x128xf32, #tpu.memory_space<vmem>>) dst(%dma_wait3A_353 : memref<10240x128xf32, #tpu.memory_space<vmem_shared>>)
    "tpu.region"() ({
      %run_scoped3A = tpu.sem_alloc : memref<!tpu.dma_semaphore, #tpu.memory_space<semaphore_mem>>
      %dma_start3A_477 = arith.constant 120 : i32
      %dma_start3A_478 = arith.constant 0 : i32
      %dma_start3A_479 = tpu.memref_slice %arg3[%add3A, %dma_start3A_477, %dma_start3A_478] : memref<32x160x64xi32, #tpu.memory_space<hbm>> -> memref<1x40x64xi32, #tpu.memory_space<hbm>>
      %dma_start3A_480 = tpu.memref_squeeze %dma_start3A_479 : memref<1x40x64xi32, #tpu.memory_space<hbm>> -> memref<40x64xi32, #tpu.memory_space<hbm>>
      %dma_start3A_481 = arith.constant 120 : i32
      %dma_start3A_482 = arith.constant 0 : i32
      %dma_start3A_483 = tpu.memref_slice %arg3[%add3A, %dma_start3A_481, %dma_start3A_482] : memref<32x160x64xi32, #tpu.memory_space<hbm>> -> memref<1x40x64xi32, #tpu.memory_space<hbm>>
      %dma_start3A_484 = tpu.memref_squeeze %dma_start3A_483 : memref<1x40x64xi32, #tpu.memory_space<hbm>> -> memref<40x64xi32, #tpu.memory_space<hbm>>
      tpu.enqueue_dma source(%dma_start3A_484 : memref<40x64xi32, #tpu.memory_space<hbm>>) target(%arg7 : memref<40x64xi32, #tpu.memory_space<vmem>>) target_semaphore(%run_scoped3A : memref<!tpu.dma_semaphore, #tpu.memory_space<semaphore_mem>>)
      %dma_wait3A_485 = arith.constant 120 : i32
      %dma_wait3A_486 = arith.constant 0 : i32
      %dma_wait3A_487 = tpu.memref_slice %arg3[%add3A, %dma_wait3A_485, %dma_wait3A_486] : memref<32x160x64xi32, #tpu.memory_space<hbm>> -> memref<1x40x64xi32, #tpu.memory_space<hbm>>
      %dma_wait3A_488 = tpu.memref_squeeze %dma_wait3A_487 : memref<1x40x64xi32, #tpu.memory_space<hbm>> -> memref<40x64xi32, #tpu.memory_space<hbm>>
      %dma_wait3A_489 = arith.constant 120 : i32
      %dma_wait3A_490 = arith.constant 0 : i32
      %dma_wait3A_491 = tpu.memref_slice %arg3[%add3A, %dma_wait3A_489, %dma_wait3A_490] : memref<32x160x64xi32, #tpu.memory_space<hbm>> -> memref<1x40x64xi32, #tpu.memory_space<hbm>>
      %dma_wait3A_492 = tpu.memref_squeeze %dma_wait3A_491 : memref<1x40x64xi32, #tpu.memory_space<hbm>> -> memref<40x64xi32, #tpu.memory_space<hbm>>
      tpu.wait_dma2 semaphore(%run_scoped3A : memref<!tpu.dma_semaphore, #tpu.memory_space<semaphore_mem>>) src(%dma_wait3A_492 : memref<40x64xi32, #tpu.memory_space<hbm>>) dst(%arg7 : memref<40x64xi32, #tpu.memory_space<vmem>>)
      tpu.yield
    }) : () -> ()
    "tpu.region"() ({
      %run_scoped3A = tpu.sem_alloc : memref<!tpu.dma_semaphore, #tpu.memory_space<semaphore_mem>>
      %dma_start3A_477 = arith.constant 120 : i32
      %dma_start3A_478 = arith.constant 0 : i32
      %dma_start3A_479 = tpu.memref_slice %arg4[%add3A, %dma_start3A_477, %dma_start3A_478] : memref<32x160x64xi32, #tpu.memory_space<hbm>> -> memref<1x40x64xi32, #tpu.memory_space<hbm>>
      %dma_start3A_480 = tpu.memref_squeeze %dma_start3A_479 : memref<1x40x64xi32, #tpu.memory_space<hbm>> -> memref<40x64xi32, #tpu.memory_space<hbm>>
      %dma_start3A_481 = arith.constant 120 : i32
      %dma_start3A_482 = arith.constant 0 : i32
      %dma_start3A_483 = tpu.memref_slice %arg4[%add3A, %dma_start3A_481, %dma_start3A_482] : memref<32x160x64xi32, #tpu.memory_space<hbm>> -> memref<1x40x64xi32, #tpu.memory_space<hbm>>
      %dma_start3A_484 = tpu.memref_squeeze %dma_start3A_483 : memref<1x40x64xi32, #tpu.memory_space<hbm>> -> memref<40x64xi32, #tpu.memory_space<hbm>>
      tpu.enqueue_dma source(%dma_start3A_484 : memref<40x64xi32, #tpu.memory_space<hbm>>) target(%arg8 : memref<40x64xi32, #tpu.memory_space<vmem>>) target_semaphore(%run_scoped3A : memref<!tpu.dma_semaphore, #tpu.memory_space<semaphore_mem>>)
      %dma_wait3A_485 = arith.constant 120 : i32
      %dma_wait3A_486 = arith.constant 0 : i32
      %dma_wait3A_487 = tpu.memref_slice %arg4[%add3A, %dma_wait3A_485, %dma_wait3A_486] : memref<32x160x64xi32, #tpu.memory_space<hbm>> -> memref<1x40x64xi32, #tpu.memory_space<hbm>>
      %dma_wait3A_488 = tpu.memref_squeeze %dma_wait3A_487 : memref<1x40x64xi32, #tpu.memory_space<hbm>> -> memref<40x64xi32, #tpu.memory_space<hbm>>
      %dma_wait3A_489 = arith.constant 120 : i32
      %dma_wait3A_490 = arith.constant 0 : i32
      %dma_wait3A_491 = tpu.memref_slice %arg4[%add3A, %dma_wait3A_489, %dma_wait3A_490] : memref<32x160x64xi32, #tpu.memory_space<hbm>> -> memref<1x40x64xi32, #tpu.memory_space<hbm>>
      %dma_wait3A_492 = tpu.memref_squeeze %dma_wait3A_491 : memref<1x40x64xi32, #tpu.memory_space<hbm>> -> memref<40x64xi32, #tpu.memory_space<hbm>>
      tpu.wait_dma2 semaphore(%run_scoped3A : memref<!tpu.dma_semaphore, #tpu.memory_space<semaphore_mem>>) src(%dma_wait3A_492 : memref<40x64xi32, #tpu.memory_space<hbm>>) dst(%arg8 : memref<40x64xi32, #tpu.memory_space<vmem>>)
      tpu.yield
    }) : () -> ()
    %dma_start3A_354 = arith.constant 0 : i32
    %dma_start3A_355 = arith.constant 0 : i32
    %dma_start3A_356 = tpu.memref_slice %arg7[%dma_start3A_354, %dma_start3A_355] : memref<40x64xi32, #tpu.memory_space<vmem>> -> memref<1x64xi32, #tpu.memory_space<vmem>>
    %dma_start3A_357 = tpu.memref_squeeze %dma_start3A_356 : memref<1x64xi32, #tpu.memory_space<vmem>> -> memref<64xi32, #tpu.memory_space<vmem>>
    %dma_start3A_358 = arith.constant 0 : i32
    %dma_start3A_359 = arith.constant 0 : i32
    %dma_start3A_360 = tpu.memref_slice %arg2[%dma_start3A_358, %dma_start3A_359] : memref<10240x128xf32, #tpu.memory_space<hbm>> -> memref<10240x128xf32, #tpu.memory_space<hbm>>
    tpu.enqueue_indirect_dma source(%dma_start3A_360 : memref<10240x128xf32, #tpu.memory_space<hbm>>) target(%arg9 : memref<64x128xf32, #tpu.memory_space<vmem>>) offsets(%dma_start3A_357 : memref<64xi32, #tpu.memory_space<vmem>>) semaphore(%arg13 : memref<!tpu.dma_semaphore, #tpu.memory_space<semaphore_mem>>)
    %dma_start3A_361 = arith.constant 1 : i32
    %dma_start3A_362 = arith.constant 0 : i32
    %dma_start3A_363 = tpu.memref_slice %arg7[%dma_start3A_361, %dma_start3A_362] : memref<40x64xi32, #tpu.memory_space<vmem>> -> memref<1x64xi32, #tpu.memory_space<vmem>>
    %dma_start3A_364 = tpu.memref_squeeze %dma_start3A_363 : memref<1x64xi32, #tpu.memory_space<vmem>> -> memref<64xi32, #tpu.memory_space<vmem>>
    %dma_start3A_365 = arith.constant 0 : i32
    %dma_start3A_366 = arith.constant 0 : i32
    %dma_start3A_367 = tpu.memref_slice %arg2[%dma_start3A_365, %dma_start3A_366] : memref<10240x128xf32, #tpu.memory_space<hbm>> -> memref<10240x128xf32, #tpu.memory_space<hbm>>
    tpu.enqueue_indirect_dma source(%dma_start3A_367 : memref<10240x128xf32, #tpu.memory_space<hbm>>) target(%arg10 : memref<64x128xf32, #tpu.memory_space<vmem>>) offsets(%dma_start3A_364 : memref<64xi32, #tpu.memory_space<vmem>>) semaphore(%arg14 : memref<!tpu.dma_semaphore, #tpu.memory_space<semaphore_mem>>)
    %dma_start3A_368 = arith.constant 2 : i32
    %dma_start3A_369 = arith.constant 0 : i32
    %dma_start3A_370 = tpu.memref_slice %arg7[%dma_start3A_368, %dma_start3A_369] : memref<40x64xi32, #tpu.memory_space<vmem>> -> memref<1x64xi32, #tpu.memory_space<vmem>>
    %dma_start3A_371 = tpu.memref_squeeze %dma_start3A_370 : memref<1x64xi32, #tpu.memory_space<vmem>> -> memref<64xi32, #tpu.memory_space<vmem>>
    %dma_start3A_372 = arith.constant 0 : i32
    %dma_start3A_373 = arith.constant 0 : i32
    %dma_start3A_374 = tpu.memref_slice %arg2[%dma_start3A_372, %dma_start3A_373] : memref<10240x128xf32, #tpu.memory_space<hbm>> -> memref<10240x128xf32, #tpu.memory_space<hbm>>
    tpu.enqueue_indirect_dma source(%dma_start3A_374 : memref<10240x128xf32, #tpu.memory_space<hbm>>) target(%arg11 : memref<64x128xf32, #tpu.memory_space<vmem>>) offsets(%dma_start3A_371 : memref<64xi32, #tpu.memory_space<vmem>>) semaphore(%arg15 : memref<!tpu.dma_semaphore, #tpu.memory_space<semaphore_mem>>)
    %dma_start3A_375 = arith.constant 3 : i32
    %dma_start3A_376 = arith.constant 0 : i32
    %dma_start3A_377 = tpu.memref_slice %arg7[%dma_start3A_375, %dma_start3A_376] : memref<40x64xi32, #tpu.memory_space<vmem>> -> memref<1x64xi32, #tpu.memory_space<vmem>>
    %dma_start3A_378 = tpu.memref_squeeze %dma_start3A_377 : memref<1x64xi32, #tpu.memory_space<vmem>> -> memref<64xi32, #tpu.memory_space<vmem>>
    %dma_start3A_379 = arith.constant 0 : i32
    %dma_start3A_380 = arith.constant 0 : i32
    %dma_start3A_381 = tpu.memref_slice %arg2[%dma_start3A_379, %dma_start3A_380] : memref<10240x128xf32, #tpu.memory_space<hbm>> -> memref<10240x128xf32, #tpu.memory_space<hbm>>
    tpu.enqueue_indirect_dma source(%dma_start3A_381 : memref<10240x128xf32, #tpu.memory_space<hbm>>) target(%arg12 : memref<64x128xf32, #tpu.memory_space<vmem>>) offsets(%dma_start3A_378 : memref<64xi32, #tpu.memory_space<vmem>>) semaphore(%arg16 : memref<!tpu.dma_semaphore, #tpu.memory_space<semaphore_mem>>)
    %scan3A_382 = arith.constant 0 : i32
    %scan3A_383 = arith.constant 0 : i32
    %scan3A_384 = arith.constant 9 : i32
    %scan3A_385 = arith.addi %scan3A_383, %scan3A_384 : i32
    %scan3A_386 = arith.constant 1 : i32
    scf.for %scan3A_477 = %scan3A_383 to %scan3A_385 step %scan3A_386  : i32 {
      %mul3A_478 = arith.constant 4 : i32
      %mul3A_479 = arith.muli %mul3A_478, %scan3A_477 : i32
      %add3A_480 = arith.constant 0 : i32
      %add3A_481 = arith.addi %mul3A_479, %add3A_480 : i32
      %dma_wait3A_482 = arith.constant 0 : i32
      %dma_wait3A_483 = arith.constant 0 : i32
      %dma_wait3A_484 = tpu.memref_slice %arg7[%dma_wait3A_482, %dma_wait3A_483] : memref<40x64xi32, #tpu.memory_space<vmem>> -> memref<1x64xi32, #tpu.memory_space<vmem>>
      %dma_wait3A_485 = tpu.memref_squeeze %dma_wait3A_484 : memref<1x64xi32, #tpu.memory_space<vmem>> -> memref<64xi32, #tpu.memory_space<vmem>>
      %dma_wait3A_486 = arith.constant 0 : i32
      %dma_wait3A_487 = arith.constant 0 : i32
      %dma_wait3A_488 = tpu.memref_slice %arg2[%dma_wait3A_486, %dma_wait3A_487] : memref<10240x128xf32, #tpu.memory_space<hbm>> -> memref<10240x128xf32, #tpu.memory_space<hbm>>
      tpu.wait_indirect_dma semaphore(%arg13 : memref<!tpu.dma_semaphore, #tpu.memory_space<semaphore_mem>>) src(%dma_wait3A_488 : memref<10240x128xf32, #tpu.memory_space<hbm>>) dst(%arg9 : memref<64x128xf32, #tpu.memory_space<vmem>>)
      %dma_start3A_489 = arith.constant 0 : i32
      %dma_start3A_490 = tpu.memref_slice %arg8[%add3A_481, %dma_start3A_489] : memref<40x64xi32, #tpu.memory_space<vmem>> -> memref<1x64xi32, #tpu.memory_space<vmem>>
      %dma_start3A_491 = tpu.memref_squeeze %dma_start3A_490 : memref<1x64xi32, #tpu.memory_space<vmem>> -> memref<64xi32, #tpu.memory_space<vmem>>
      %dma_start3A_492 = arith.constant 0 : i32
      %dma_start3A_493 = arith.constant 0 : i32
      %dma_start3A_494 = tpu.memref_slice %arg21[%dma_start3A_492, %dma_start3A_493] : memref<10240x128xf32, #tpu.memory_space<vmem_shared>> -> memref<10240x128xf32, #tpu.memory_space<vmem_shared>>
      tpu.enqueue_indirect_dma source(%arg9 : memref<64x128xf32, #tpu.memory_space<vmem>>) target(%dma_start3A_494 : memref<10240x128xf32, #tpu.memory_space<vmem_shared>>) offsets(%dma_start3A_491 : memref<64xi32, #tpu.memory_space<vmem>>) semaphore(%arg17 : memref<!tpu.dma_semaphore, #tpu.memory_space<semaphore_mem>>) {add = true}
      %mul3A_495 = arith.constant 4 : i32
      %mul3A_496 = arith.muli %mul3A_495, %scan3A_477 : i32
      %add3A_497 = arith.constant 1 : i32
      %add3A_498 = arith.addi %mul3A_496, %add3A_497 : i32
      %dma_wait3A_499 = arith.constant 0 : i32
      %dma_wait3A_500 = arith.constant 0 : i32
      %dma_wait3A_501 = tpu.memref_slice %arg7[%dma_wait3A_499, %dma_wait3A_500] : memref<40x64xi32, #tpu.memory_space<vmem>> -> memref<1x64xi32, #tpu.memory_space<vmem>>
      %dma_wait3A_502 = tpu.memref_squeeze %dma_wait3A_501 : memref<1x64xi32, #tpu.memory_space<vmem>> -> memref<64xi32, #tpu.memory_space<vmem>>
      %dma_wait3A_503 = arith.constant 0 : i32
      %dma_wait3A_504 = arith.constant 0 : i32
      %dma_wait3A_505 = tpu.memref_slice %arg2[%dma_wait3A_503, %dma_wait3A_504] : memref<10240x128xf32, #tpu.memory_space<hbm>> -> memref<10240x128xf32, #tpu.memory_space<hbm>>
      tpu.wait_indirect_dma semaphore(%arg14 : memref<!tpu.dma_semaphore, #tpu.memory_space<semaphore_mem>>) src(%dma_wait3A_505 : memref<10240x128xf32, #tpu.memory_space<hbm>>) dst(%arg10 : memref<64x128xf32, #tpu.memory_space<vmem>>)
      %dma_start3A_506 = arith.constant 0 : i32
      %dma_start3A_507 = tpu.memref_slice %arg8[%add3A_498, %dma_start3A_506] : memref<40x64xi32, #tpu.memory_space<vmem>> -> memref<1x64xi32, #tpu.memory_space<vmem>>
      %dma_start3A_508 = tpu.memref_squeeze %dma_start3A_507 : memref<1x64xi32, #tpu.memory_space<vmem>> -> memref<64xi32, #tpu.memory_space<vmem>>
      %dma_start3A_509 = arith.constant 0 : i32
      %dma_start3A_510 = arith.constant 0 : i32
      %dma_start3A_511 = tpu.memref_slice %arg21[%dma_start3A_509, %dma_start3A_510] : memref<10240x128xf32, #tpu.memory_space<vmem_shared>> -> memref<10240x128xf32, #tpu.memory_space<vmem_shared>>
      tpu.enqueue_indirect_dma source(%arg10 : memref<64x128xf32, #tpu.memory_space<vmem>>) target(%dma_start3A_511 : memref<10240x128xf32, #tpu.memory_space<vmem_shared>>) offsets(%dma_start3A_508 : memref<64xi32, #tpu.memory_space<vmem>>) semaphore(%arg18 : memref<!tpu.dma_semaphore, #tpu.memory_space<semaphore_mem>>) {add = true}
      %mul3A_512 = arith.constant 4 : i32
      %mul3A_513 = arith.muli %mul3A_512, %scan3A_477 : i32
      %add3A_514 = arith.constant 2 : i32
      %add3A_515 = arith.addi %mul3A_513, %add3A_514 : i32
      %dma_wait3A_516 = arith.constant 0 : i32
      %dma_wait3A_517 = arith.constant 0 : i32
      %dma_wait3A_518 = tpu.memref_slice %arg7[%dma_wait3A_516, %dma_wait3A_517] : memref<40x64xi32, #tpu.memory_space<vmem>> -> memref<1x64xi32, #tpu.memory_space<vmem>>
      %dma_wait3A_519 = tpu.memref_squeeze %dma_wait3A_518 : memref<1x64xi32, #tpu.memory_space<vmem>> -> memref<64xi32, #tpu.memory_space<vmem>>
      %dma_wait3A_520 = arith.constant 0 : i32
      %dma_wait3A_521 = arith.constant 0 : i32
      %dma_wait3A_522 = tpu.memref_slice %arg2[%dma_wait3A_520, %dma_wait3A_521] : memref<10240x128xf32, #tpu.memory_space<hbm>> -> memref<10240x128xf32, #tpu.memory_space<hbm>>
      tpu.wait_indirect_dma semaphore(%arg15 : memref<!tpu.dma_semaphore, #tpu.memory_space<semaphore_mem>>) src(%dma_wait3A_522 : memref<10240x128xf32, #tpu.memory_space<hbm>>) dst(%arg11 : memref<64x128xf32, #tpu.memory_space<vmem>>)
      %dma_start3A_523 = arith.constant 0 : i32
      %dma_start3A_524 = tpu.memref_slice %arg8[%add3A_515, %dma_start3A_523] : memref<40x64xi32, #tpu.memory_space<vmem>> -> memref<1x64xi32, #tpu.memory_space<vmem>>
      %dma_start3A_525 = tpu.memref_squeeze %dma_start3A_524 : memref<1x64xi32, #tpu.memory_space<vmem>> -> memref<64xi32, #tpu.memory_space<vmem>>
      %dma_start3A_526 = arith.constant 0 : i32
      %dma_start3A_527 = arith.constant 0 : i32
      %dma_start3A_528 = tpu.memref_slice %arg21[%dma_start3A_526, %dma_start3A_527] : memref<10240x128xf32, #tpu.memory_space<vmem_shared>> -> memref<10240x128xf32, #tpu.memory_space<vmem_shared>>
      tpu.enqueue_indirect_dma source(%arg11 : memref<64x128xf32, #tpu.memory_space<vmem>>) target(%dma_start3A_528 : memref<10240x128xf32, #tpu.memory_space<vmem_shared>>) offsets(%dma_start3A_525 : memref<64xi32, #tpu.memory_space<vmem>>) semaphore(%arg19 : memref<!tpu.dma_semaphore, #tpu.memory_space<semaphore_mem>>) {add = true}
      %mul3A_529 = arith.constant 4 : i32
      %mul3A_530 = arith.muli %mul3A_529, %scan3A_477 : i32
      %add3A_531 = arith.constant 3 : i32
      %add3A_532 = arith.addi %mul3A_530, %add3A_531 : i32
      %dma_wait3A_533 = arith.constant 0 : i32
      %dma_wait3A_534 = arith.constant 0 : i32
      %dma_wait3A_535 = tpu.memref_slice %arg7[%dma_wait3A_533, %dma_wait3A_534] : memref<40x64xi32, #tpu.memory_space<vmem>> -> memref<1x64xi32, #tpu.memory_space<vmem>>
      %dma_wait3A_536 = tpu.memref_squeeze %dma_wait3A_535 : memref<1x64xi32, #tpu.memory_space<vmem>> -> memref<64xi32, #tpu.memory_space<vmem>>
      %dma_wait3A_537 = arith.constant 0 : i32
      %dma_wait3A_538 = arith.constant 0 : i32
      %dma_wait3A_539 = tpu.memref_slice %arg2[%dma_wait3A_537, %dma_wait3A_538] : memref<10240x128xf32, #tpu.memory_space<hbm>> -> memref<10240x128xf32, #tpu.memory_space<hbm>>
      tpu.wait_indirect_dma semaphore(%arg16 : memref<!tpu.dma_semaphore, #tpu.memory_space<semaphore_mem>>) src(%dma_wait3A_539 : memref<10240x128xf32, #tpu.memory_space<hbm>>) dst(%arg12 : memref<64x128xf32, #tpu.memory_space<vmem>>)
      %dma_start3A_540 = arith.constant 0 : i32
      %dma_start3A_541 = tpu.memref_slice %arg8[%add3A_532, %dma_start3A_540] : memref<40x64xi32, #tpu.memory_space<vmem>> -> memref<1x64xi32, #tpu.memory_space<vmem>>
      %dma_start3A_542 = tpu.memref_squeeze %dma_start3A_541 : memref<1x64xi32, #tpu.memory_space<vmem>> -> memref<64xi32, #tpu.memory_space<vmem>>
      %dma_start3A_543 = arith.constant 0 : i32
      %dma_start3A_544 = arith.constant 0 : i32
      %dma_start3A_545 = tpu.memref_slice %arg21[%dma_start3A_543, %dma_start3A_544] : memref<10240x128xf32, #tpu.memory_space<vmem_shared>> -> memref<10240x128xf32, #tpu.memory_space<vmem_shared>>
      tpu.enqueue_indirect_dma source(%arg12 : memref<64x128xf32, #tpu.memory_space<vmem>>) target(%dma_start3A_545 : memref<10240x128xf32, #tpu.memory_space<vmem_shared>>) offsets(%dma_start3A_542 : memref<64xi32, #tpu.memory_space<vmem>>) semaphore(%arg20 : memref<!tpu.dma_semaphore, #tpu.memory_space<semaphore_mem>>) {add = true}
      %mul3A_546 = arith.constant 4 : i32
      %mul3A_547 = arith.muli %mul3A_546, %scan3A_477 : i32
      %add3A_548 = arith.constant 0 : i32
      %add3A_549 = arith.addi %mul3A_547, %add3A_548 : i32
      %add3A_550 = arith.constant 4 : i32
      %add3A_551 = arith.addi %add3A_549, %add3A_550 : i32
      %dma_wait3A_552 = arith.constant 0 : i32
      %dma_wait3A_553 = arith.constant 0 : i32
      %dma_wait3A_554 = tpu.memref_slice %arg8[%dma_wait3A_552, %dma_wait3A_553] : memref<40x64xi32, #tpu.memory_space<vmem>> -> memref<1x64xi32, #tpu.memory_space<vmem>>
      %dma_wait3A_555 = tpu.memref_squeeze %dma_wait3A_554 : memref<1x64xi32, #tpu.memory_space<vmem>> -> memref<64xi32, #tpu.memory_space<vmem>>
      %dma_wait3A_556 = arith.constant 0 : i32
      %dma_wait3A_557 = arith.constant 0 : i32
      %dma_wait3A_558 = tpu.memref_slice %arg21[%dma_wait3A_556, %dma_wait3A_557] : memref<10240x128xf32, #tpu.memory_space<vmem_shared>> -> memref<10240x128xf32, #tpu.memory_space<vmem_shared>>
      tpu.wait_indirect_dma semaphore(%arg17 : memref<!tpu.dma_semaphore, #tpu.memory_space<semaphore_mem>>) src(%arg9 : memref<64x128xf32, #tpu.memory_space<vmem>>) dst(%dma_wait3A_558 : memref<10240x128xf32, #tpu.memory_space<vmem_shared>>)
      %dma_start3A_559 = arith.constant 0 : i32
      %dma_start3A_560 = tpu.memref_slice %arg7[%add3A_551, %dma_start3A_559] : memref<40x64xi32, #tpu.memory_space<vmem>> -> memref<1x64xi32, #tpu.memory_space<vmem>>
      %dma_start3A_561 = tpu.memref_squeeze %dma_start3A_560 : memref<1x64xi32, #tpu.memory_space<vmem>> -> memref<64xi32, #tpu.memory_space<vmem>>
      %dma_start3A_562 = arith.constant 0 : i32
      %dma_start3A_563 = arith.constant 0 : i32
      %dma_start3A_564 = tpu.memref_slice %arg2[%dma_start3A_562, %dma_start3A_563] : memref<10240x128xf32, #tpu.memory_space<hbm>> -> memref<10240x128xf32, #tpu.memory_space<hbm>>
      tpu.enqueue_indirect_dma source(%dma_start3A_564 : memref<10240x128xf32, #tpu.memory_space<hbm>>) target(%arg9 : memref<64x128xf32, #tpu.memory_space<vmem>>) offsets(%dma_start3A_561 : memref<64xi32, #tpu.memory_space<vmem>>) semaphore(%arg13 : memref<!tpu.dma_semaphore, #tpu.memory_space<semaphore_mem>>)
      %mul3A_565 = arith.constant 4 : i32
      %mul3A_566 = arith.muli %mul3A_565, %scan3A_477 : i32
      %add3A_567 = arith.constant 1 : i32
      %add3A_568 = arith.addi %mul3A_566, %add3A_567 : i32
      %add3A_569 = arith.constant 4 : i32
      %add3A_570 = arith.addi %add3A_568, %add3A_569 : i32
      %dma_wait3A_571 = arith.constant 0 : i32
      %dma_wait3A_572 = arith.constant 0 : i32
      %dma_wait3A_573 = tpu.memref_slice %arg8[%dma_wait3A_571, %dma_wait3A_572] : memref<40x64xi32, #tpu.memory_space<vmem>> -> memref<1x64xi32, #tpu.memory_space<vmem>>
      %dma_wait3A_574 = tpu.memref_squeeze %dma_wait3A_573 : memref<1x64xi32, #tpu.memory_space<vmem>> -> memref<64xi32, #tpu.memory_space<vmem>>
      %dma_wait3A_575 = arith.constant 0 : i32
      %dma_wait3A_576 = arith.constant 0 : i32
      %dma_wait3A_577 = tpu.memref_slice %arg21[%dma_wait3A_575, %dma_wait3A_576] : memref<10240x128xf32, #tpu.memory_space<vmem_shared>> -> memref<10240x128xf32, #tpu.memory_space<vmem_shared>>
      tpu.wait_indirect_dma semaphore(%arg18 : memref<!tpu.dma_semaphore, #tpu.memory_space<semaphore_mem>>) src(%arg10 : memref<64x128xf32, #tpu.memory_space<vmem>>) dst(%dma_wait3A_577 : memref<10240x128xf32, #tpu.memory_space<vmem_shared>>)
      %dma_start3A_578 = arith.constant 0 : i32
      %dma_start3A_579 = tpu.memref_slice %arg7[%add3A_570, %dma_start3A_578] : memref<40x64xi32, #tpu.memory_space<vmem>> -> memref<1x64xi32, #tpu.memory_space<vmem>>
      %dma_start3A_580 = tpu.memref_squeeze %dma_start3A_579 : memref<1x64xi32, #tpu.memory_space<vmem>> -> memref<64xi32, #tpu.memory_space<vmem>>
      %dma_start3A_581 = arith.constant 0 : i32
      %dma_start3A_582 = arith.constant 0 : i32
      %dma_start3A_583 = tpu.memref_slice %arg2[%dma_start3A_581, %dma_start3A_582] : memref<10240x128xf32, #tpu.memory_space<hbm>> -> memref<10240x128xf32, #tpu.memory_space<hbm>>
      tpu.enqueue_indirect_dma source(%dma_start3A_583 : memref<10240x128xf32, #tpu.memory_space<hbm>>) target(%arg10 : memref<64x128xf32, #tpu.memory_space<vmem>>) offsets(%dma_start3A_580 : memref<64xi32, #tpu.memory_space<vmem>>) semaphore(%arg14 : memref<!tpu.dma_semaphore, #tpu.memory_space<semaphore_mem>>)
      %mul3A_584 = arith.constant 4 : i32
      %mul3A_585 = arith.muli %mul3A_584, %scan3A_477 : i32
      %add3A_586 = arith.constant 2 : i32
      %add3A_587 = arith.addi %mul3A_585, %add3A_586 : i32
      %add3A_588 = arith.constant 4 : i32
      %add3A_589 = arith.addi %add3A_587, %add3A_588 : i32
      %dma_wait3A_590 = arith.constant 0 : i32
      %dma_wait3A_591 = arith.constant 0 : i32
      %dma_wait3A_592 = tpu.memref_slice %arg8[%dma_wait3A_590, %dma_wait3A_591] : memref<40x64xi32, #tpu.memory_space<vmem>> -> memref<1x64xi32, #tpu.memory_space<vmem>>
      %dma_wait3A_593 = tpu.memref_squeeze %dma_wait3A_592 : memref<1x64xi32, #tpu.memory_space<vmem>> -> memref<64xi32, #tpu.memory_space<vmem>>
      %dma_wait3A_594 = arith.constant 0 : i32
      %dma_wait3A_595 = arith.constant 0 : i32
      %dma_wait3A_596 = tpu.memref_slice %arg21[%dma_wait3A_594, %dma_wait3A_595] : memref<10240x128xf32, #tpu.memory_space<vmem_shared>> -> memref<10240x128xf32, #tpu.memory_space<vmem_shared>>
      tpu.wait_indirect_dma semaphore(%arg19 : memref<!tpu.dma_semaphore, #tpu.memory_space<semaphore_mem>>) src(%arg11 : memref<64x128xf32, #tpu.memory_space<vmem>>) dst(%dma_wait3A_596 : memref<10240x128xf32, #tpu.memory_space<vmem_shared>>)
      %dma_start3A_597 = arith.constant 0 : i32
      %dma_start3A_598 = tpu.memref_slice %arg7[%add3A_589, %dma_start3A_597] : memref<40x64xi32, #tpu.memory_space<vmem>> -> memref<1x64xi32, #tpu.memory_space<vmem>>
      %dma_start3A_599 = tpu.memref_squeeze %dma_start3A_598 : memref<1x64xi32, #tpu.memory_space<vmem>> -> memref<64xi32, #tpu.memory_space<vmem>>
      %dma_start3A_600 = arith.constant 0 : i32
      %dma_start3A_601 = arith.constant 0 : i32
      %dma_start3A_602 = tpu.memref_slice %arg2[%dma_start3A_600, %dma_start3A_601] : memref<10240x128xf32, #tpu.memory_space<hbm>> -> memref<10240x128xf32, #tpu.memory_space<hbm>>
      tpu.enqueue_indirect_dma source(%dma_start3A_602 : memref<10240x128xf32, #tpu.memory_space<hbm>>) target(%arg11 : memref<64x128xf32, #tpu.memory_space<vmem>>) offsets(%dma_start3A_599 : memref<64xi32, #tpu.memory_space<vmem>>) semaphore(%arg15 : memref<!tpu.dma_semaphore, #tpu.memory_space<semaphore_mem>>)
      %mul3A_603 = arith.constant 4 : i32
      %mul3A_604 = arith.muli %mul3A_603, %scan3A_477 : i32
      %add3A_605 = arith.constant 3 : i32
      %add3A_606 = arith.addi %mul3A_604, %add3A_605 : i32
      %add3A_607 = arith.constant 4 : i32
      %add3A_608 = arith.addi %add3A_606, %add3A_607 : i32
      %dma_wait3A_609 = arith.constant 0 : i32
      %dma_wait3A_610 = arith.constant 0 : i32
      %dma_wait3A_611 = tpu.memref_slice %arg8[%dma_wait3A_609, %dma_wait3A_610] : memref<40x64xi32, #tpu.memory_space<vmem>> -> memref<1x64xi32, #tpu.memory_space<vmem>>
      %dma_wait3A_612 = tpu.memref_squeeze %dma_wait3A_611 : memref<1x64xi32, #tpu.memory_space<vmem>> -> memref<64xi32, #tpu.memory_space<vmem>>
      %dma_wait3A_613 = arith.constant 0 : i32
      %dma_wait3A_614 = arith.constant 0 : i32
      %dma_wait3A_615 = tpu.memref_slice %arg21[%dma_wait3A_613, %dma_wait3A_614] : memref<10240x128xf32, #tpu.memory_space<vmem_shared>> -> memref<10240x128xf32, #tpu.memory_space<vmem_shared>>
      tpu.wait_indirect_dma semaphore(%arg20 : memref<!tpu.dma_semaphore, #tpu.memory_space<semaphore_mem>>) src(%arg12 : memref<64x128xf32, #tpu.memory_space<vmem>>) dst(%dma_wait3A_615 : memref<10240x128xf32, #tpu.memory_space<vmem_shared>>)
      %dma_start3A_616 = arith.constant 0 : i32
      %dma_start3A_617 = tpu.memref_slice %arg7[%add3A_608, %dma_start3A_616] : memref<40x64xi32, #tpu.memory_space<vmem>> -> memref<1x64xi32, #tpu.memory_space<vmem>>
      %dma_start3A_618 = tpu.memref_squeeze %dma_start3A_617 : memref<1x64xi32, #tpu.memory_space<vmem>> -> memref<64xi32, #tpu.memory_space<vmem>>
      %dma_start3A_619 = arith.constant 0 : i32
      %dma_start3A_620 = arith.constant 0 : i32
      %dma_start3A_621 = tpu.memref_slice %arg2[%dma_start3A_619, %dma_start3A_620] : memref<10240x128xf32, #tpu.memory_space<hbm>> -> memref<10240x128xf32, #tpu.memory_space<hbm>>
      tpu.enqueue_indirect_dma source(%dma_start3A_621 : memref<10240x128xf32, #tpu.memory_space<hbm>>) target(%arg12 : memref<64x128xf32, #tpu.memory_space<vmem>>) offsets(%dma_start3A_618 : memref<64xi32, #tpu.memory_space<vmem>>) semaphore(%arg16 : memref<!tpu.dma_semaphore, #tpu.memory_space<semaphore_mem>>)
    }
    %scan3A_387 = arith.constant 9 : i32
    %dma_wait3A_388 = arith.constant 0 : i32
    %dma_wait3A_389 = arith.constant 0 : i32
    %dma_wait3A_390 = tpu.memref_slice %arg7[%dma_wait3A_388, %dma_wait3A_389] : memref<40x64xi32, #tpu.memory_space<vmem>> -> memref<1x64xi32, #tpu.memory_space<vmem>>
    %dma_wait3A_391 = tpu.memref_squeeze %dma_wait3A_390 : memref<1x64xi32, #tpu.memory_space<vmem>> -> memref<64xi32, #tpu.memory_space<vmem>>
    %dma_wait3A_392 = arith.constant 0 : i32
    %dma_wait3A_393 = arith.constant 0 : i32
    %dma_wait3A_394 = tpu.memref_slice %arg2[%dma_wait3A_392, %dma_wait3A_393] : memref<10240x128xf32, #tpu.memory_space<hbm>> -> memref<10240x128xf32, #tpu.memory_space<hbm>>
    tpu.wait_indirect_dma semaphore(%arg13 : memref<!tpu.dma_semaphore, #tpu.memory_space<semaphore_mem>>) src(%dma_wait3A_394 : memref<10240x128xf32, #tpu.memory_space<hbm>>) dst(%arg9 : memref<64x128xf32, #tpu.memory_space<vmem>>)
    %dma_start3A_395 = arith.constant 36 : i32
    %dma_start3A_396 = arith.constant 0 : i32
    %dma_start3A_397 = tpu.memref_slice %arg8[%dma_start3A_395, %dma_start3A_396] : memref<40x64xi32, #tpu.memory_space<vmem>> -> memref<1x64xi32, #tpu.memory_space<vmem>>
    %dma_start3A_398 = tpu.memref_squeeze %dma_start3A_397 : memref<1x64xi32, #tpu.memory_space<vmem>> -> memref<64xi32, #tpu.memory_space<vmem>>
    %dma_start3A_399 = arith.constant 0 : i32
    %dma_start3A_400 = arith.constant 0 : i32
    %dma_start3A_401 = tpu.memref_slice %arg21[%dma_start3A_399, %dma_start3A_400] : memref<10240x128xf32, #tpu.memory_space<vmem_shared>> -> memref<10240x128xf32, #tpu.memory_space<vmem_shared>>
    tpu.enqueue_indirect_dma source(%arg9 : memref<64x128xf32, #tpu.memory_space<vmem>>) target(%dma_start3A_401 : memref<10240x128xf32, #tpu.memory_space<vmem_shared>>) offsets(%dma_start3A_398 : memref<64xi32, #tpu.memory_space<vmem>>) semaphore(%arg17 : memref<!tpu.dma_semaphore, #tpu.memory_space<semaphore_mem>>) {add = true}
    %dma_wait3A_402 = arith.constant 0 : i32
    %dma_wait3A_403 = arith.constant 0 : i32
    %dma_wait3A_404 = tpu.memref_slice %arg7[%dma_wait3A_402, %dma_wait3A_403] : memref<40x64xi32, #tpu.memory_space<vmem>> -> memref<1x64xi32, #tpu.memory_space<vmem>>
    %dma_wait3A_405 = tpu.memref_squeeze %dma_wait3A_404 : memref<1x64xi32, #tpu.memory_space<vmem>> -> memref<64xi32, #tpu.memory_space<vmem>>
    %dma_wait3A_406 = arith.constant 0 : i32
    %dma_wait3A_407 = arith.constant 0 : i32
    %dma_wait3A_408 = tpu.memref_slice %arg2[%dma_wait3A_406, %dma_wait3A_407] : memref<10240x128xf32, #tpu.memory_space<hbm>> -> memref<10240x128xf32, #tpu.memory_space<hbm>>
    tpu.wait_indirect_dma semaphore(%arg14 : memref<!tpu.dma_semaphore, #tpu.memory_space<semaphore_mem>>) src(%dma_wait3A_408 : memref<10240x128xf32, #tpu.memory_space<hbm>>) dst(%arg10 : memref<64x128xf32, #tpu.memory_space<vmem>>)
    %dma_start3A_409 = arith.constant 37 : i32
    %dma_start3A_410 = arith.constant 0 : i32
    %dma_start3A_411 = tpu.memref_slice %arg8[%dma_start3A_409, %dma_start3A_410] : memref<40x64xi32, #tpu.memory_space<vmem>> -> memref<1x64xi32, #tpu.memory_space<vmem>>
    %dma_start3A_412 = tpu.memref_squeeze %dma_start3A_411 : memref<1x64xi32, #tpu.memory_space<vmem>> -> memref<64xi32, #tpu.memory_space<vmem>>
    %dma_start3A_413 = arith.constant 0 : i32
    %dma_start3A_414 = arith.constant 0 : i32
    %dma_start3A_415 = tpu.memref_slice %arg21[%dma_start3A_413, %dma_start3A_414] : memref<10240x128xf32, #tpu.memory_space<vmem_shared>> -> memref<10240x128xf32, #tpu.memory_space<vmem_shared>>
    tpu.enqueue_indirect_dma source(%arg10 : memref<64x128xf32, #tpu.memory_space<vmem>>) target(%dma_start3A_415 : memref<10240x128xf32, #tpu.memory_space<vmem_shared>>) offsets(%dma_start3A_412 : memref<64xi32, #tpu.memory_space<vmem>>) semaphore(%arg18 : memref<!tpu.dma_semaphore, #tpu.memory_space<semaphore_mem>>) {add = true}
    %dma_wait3A_416 = arith.constant 0 : i32
    %dma_wait3A_417 = arith.constant 0 : i32
    %dma_wait3A_418 = tpu.memref_slice %arg7[%dma_wait3A_416, %dma_wait3A_417] : memref<40x64xi32, #tpu.memory_space<vmem>> -> memref<1x64xi32, #tpu.memory_space<vmem>>
    %dma_wait3A_419 = tpu.memref_squeeze %dma_wait3A_418 : memref<1x64xi32, #tpu.memory_space<vmem>> -> memref<64xi32, #tpu.memory_space<vmem>>
    %dma_wait3A_420 = arith.constant 0 : i32
    %dma_wait3A_421 = arith.constant 0 : i32
    %dma_wait3A_422 = tpu.memref_slice %arg2[%dma_wait3A_420, %dma_wait3A_421] : memref<10240x128xf32, #tpu.memory_space<hbm>> -> memref<10240x128xf32, #tpu.memory_space<hbm>>
    tpu.wait_indirect_dma semaphore(%arg15 : memref<!tpu.dma_semaphore, #tpu.memory_space<semaphore_mem>>) src(%dma_wait3A_422 : memref<10240x128xf32, #tpu.memory_space<hbm>>) dst(%arg11 : memref<64x128xf32, #tpu.memory_space<vmem>>)
    %dma_start3A_423 = arith.constant 38 : i32
    %dma_start3A_424 = arith.constant 0 : i32
    %dma_start3A_425 = tpu.memref_slice %arg8[%dma_start3A_423, %dma_start3A_424] : memref<40x64xi32, #tpu.memory_space<vmem>> -> memref<1x64xi32, #tpu.memory_space<vmem>>
    %dma_start3A_426 = tpu.memref_squeeze %dma_start3A_425 : memref<1x64xi32, #tpu.memory_space<vmem>> -> memref<64xi32, #tpu.memory_space<vmem>>
    %dma_start3A_427 = arith.constant 0 : i32
    %dma_start3A_428 = arith.constant 0 : i32
    %dma_start3A_429 = tpu.memref_slice %arg21[%dma_start3A_427, %dma_start3A_428] : memref<10240x128xf32, #tpu.memory_space<vmem_shared>> -> memref<10240x128xf32, #tpu.memory_space<vmem_shared>>
    tpu.enqueue_indirect_dma source(%arg11 : memref<64x128xf32, #tpu.memory_space<vmem>>) target(%dma_start3A_429 : memref<10240x128xf32, #tpu.memory_space<vmem_shared>>) offsets(%dma_start3A_426 : memref<64xi32, #tpu.memory_space<vmem>>) semaphore(%arg19 : memref<!tpu.dma_semaphore, #tpu.memory_space<semaphore_mem>>) {add = true}
    %dma_wait3A_430 = arith.constant 0 : i32
    %dma_wait3A_431 = arith.constant 0 : i32
    %dma_wait3A_432 = tpu.memref_slice %arg7[%dma_wait3A_430, %dma_wait3A_431] : memref<40x64xi32, #tpu.memory_space<vmem>> -> memref<1x64xi32, #tpu.memory_space<vmem>>
    %dma_wait3A_433 = tpu.memref_squeeze %dma_wait3A_432 : memref<1x64xi32, #tpu.memory_space<vmem>> -> memref<64xi32, #tpu.memory_space<vmem>>
    %dma_wait3A_434 = arith.constant 0 : i32
    %dma_wait3A_435 = arith.constant 0 : i32
    %dma_wait3A_436 = tpu.memref_slice %arg2[%dma_wait3A_434, %dma_wait3A_435] : memref<10240x128xf32, #tpu.memory_space<hbm>> -> memref<10240x128xf32, #tpu.memory_space<hbm>>
    tpu.wait_indirect_dma semaphore(%arg16 : memref<!tpu.dma_semaphore, #tpu.memory_space<semaphore_mem>>) src(%dma_wait3A_436 : memref<10240x128xf32, #tpu.memory_space<hbm>>) dst(%arg12 : memref<64x128xf32, #tpu.memory_space<vmem>>)
    %dma_start3A_437 = arith.constant 39 : i32
    %dma_start3A_438 = arith.constant 0 : i32
    %dma_start3A_439 = tpu.memref_slice %arg8[%dma_start3A_437, %dma_start3A_438] : memref<40x64xi32, #tpu.memory_space<vmem>> -> memref<1x64xi32, #tpu.memory_space<vmem>>
    %dma_start3A_440 = tpu.memref_squeeze %dma_start3A_439 : memref<1x64xi32, #tpu.memory_space<vmem>> -> memref<64xi32, #tpu.memory_space<vmem>>
    %dma_start3A_441 = arith.constant 0 : i32
    %dma_start3A_442 = arith.constant 0 : i32
    %dma_start3A_443 = tpu.memref_slice %arg21[%dma_start3A_441, %dma_start3A_442] : memref<10240x128xf32, #tpu.memory_space<vmem_shared>> -> memref<10240x128xf32, #tpu.memory_space<vmem_shared>>
    tpu.enqueue_indirect_dma source(%arg12 : memref<64x128xf32, #tpu.memory_space<vmem>>) target(%dma_start3A_443 : memref<10240x128xf32, #tpu.memory_space<vmem_shared>>) offsets(%dma_start3A_440 : memref<64xi32, #tpu.memory_space<vmem>>) semaphore(%arg20 : memref<!tpu.dma_semaphore, #tpu.memory_space<semaphore_mem>>) {add = true}
    %dma_wait3A_444 = arith.constant 0 : i32
    %dma_wait3A_445 = arith.constant 0 : i32
    %dma_wait3A_446 = tpu.memref_slice %arg8[%dma_wait3A_444, %dma_wait3A_445] : memref<40x64xi32, #tpu.memory_space<vmem>> -> memref<1x64xi32, #tpu.memory_space<vmem>>
    %dma_wait3A_447 = tpu.memref_squeeze %dma_wait3A_446 : memref<1x64xi32, #tpu.memory_space<vmem>> -> memref<64xi32, #tpu.memory_space<vmem>>
    %dma_wait3A_448 = arith.constant 0 : i32
    %dma_wait3A_449 = arith.constant 0 : i32
    %dma_wait3A_450 = tpu.memref_slice %arg21[%dma_wait3A_448, %dma_wait3A_449] : memref<10240x128xf32, #tpu.memory_space<vmem_shared>> -> memref<10240x128xf32, #tpu.memory_space<vmem_shared>>
    tpu.wait_indirect_dma semaphore(%arg17 : memref<!tpu.dma_semaphore, #tpu.memory_space<semaphore_mem>>) src(%arg9 : memref<64x128xf32, #tpu.memory_space<vmem>>) dst(%dma_wait3A_450 : memref<10240x128xf32, #tpu.memory_space<vmem_shared>>)
    %dma_wait3A_451 = arith.constant 0 : i32
    %dma_wait3A_452 = arith.constant 0 : i32
    %dma_wait3A_453 = tpu.memref_slice %arg8[%dma_wait3A_451, %dma_wait3A_452] : memref<40x64xi32, #tpu.memory_space<vmem>> -> memref<1x64xi32, #tpu.memory_space<vmem>>
    %dma_wait3A_454 = tpu.memref_squeeze %dma_wait3A_453 : memref<1x64xi32, #tpu.memory_space<vmem>> -> memref<64xi32, #tpu.memory_space<vmem>>
    %dma_wait3A_455 = arith.constant 0 : i32
    %dma_wait3A_456 = arith.constant 0 : i32
    %dma_wait3A_457 = tpu.memref_slice %arg21[%dma_wait3A_455, %dma_wait3A_456] : memref<10240x128xf32, #tpu.memory_space<vmem_shared>> -> memref<10240x128xf32, #tpu.memory_space<vmem_shared>>
    tpu.wait_indirect_dma semaphore(%arg18 : memref<!tpu.dma_semaphore, #tpu.memory_space<semaphore_mem>>) src(%arg10 : memref<64x128xf32, #tpu.memory_space<vmem>>) dst(%dma_wait3A_457 : memref<10240x128xf32, #tpu.memory_space<vmem_shared>>)
    %dma_wait3A_458 = arith.constant 0 : i32
    %dma_wait3A_459 = arith.constant 0 : i32
    %dma_wait3A_460 = tpu.memref_slice %arg8[%dma_wait3A_458, %dma_wait3A_459] : memref<40x64xi32, #tpu.memory_space<vmem>> -> memref<1x64xi32, #tpu.memory_space<vmem>>
    %dma_wait3A_461 = tpu.memref_squeeze %dma_wait3A_460 : memref<1x64xi32, #tpu.memory_space<vmem>> -> memref<64xi32, #tpu.memory_space<vmem>>
    %dma_wait3A_462 = arith.constant 0 : i32
    %dma_wait3A_463 = arith.constant 0 : i32
    %dma_wait3A_464 = tpu.memref_slice %arg21[%dma_wait3A_462, %dma_wait3A_463] : memref<10240x128xf32, #tpu.memory_space<vmem_shared>> -> memref<10240x128xf32, #tpu.memory_space<vmem_shared>>
    tpu.wait_indirect_dma semaphore(%arg19 : memref<!tpu.dma_semaphore, #tpu.memory_space<semaphore_mem>>) src(%arg11 : memref<64x128xf32, #tpu.memory_space<vmem>>) dst(%dma_wait3A_464 : memref<10240x128xf32, #tpu.memory_space<vmem_shared>>)
    %dma_wait3A_465 = arith.constant 0 : i32
    %dma_wait3A_466 = arith.constant 0 : i32
    %dma_wait3A_467 = tpu.memref_slice %arg8[%dma_wait3A_465, %dma_wait3A_466] : memref<40x64xi32, #tpu.memory_space<vmem>> -> memref<1x64xi32, #tpu.memory_space<vmem>>
    %dma_wait3A_468 = tpu.memref_squeeze %dma_wait3A_467 : memref<1x64xi32, #tpu.memory_space<vmem>> -> memref<64xi32, #tpu.memory_space<vmem>>
    %dma_wait3A_469 = arith.constant 0 : i32
    %dma_wait3A_470 = arith.constant 0 : i32
    %dma_wait3A_471 = tpu.memref_slice %arg21[%dma_wait3A_469, %dma_wait3A_470] : memref<10240x128xf32, #tpu.memory_space<vmem_shared>> -> memref<10240x128xf32, #tpu.memory_space<vmem_shared>>
    tpu.wait_indirect_dma semaphore(%arg20 : memref<!tpu.dma_semaphore, #tpu.memory_space<semaphore_mem>>) src(%arg12 : memref<64x128xf32, #tpu.memory_space<vmem>>) dst(%dma_wait3A_471 : memref<10240x128xf32, #tpu.memory_space<vmem_shared>>)
    %barrier3A_472 = arith.constant 0 : index
    tpu.barrier barrier_id(%barrier3A_472)
    %mul3A_473 = arith.constant 640 : i32
    %mul3A_474 = arith.muli %arg1, %mul3A_473 : i32
    %mul3A_475 = arith.constant 640 : i32
    %mul3A_476 = arith.muli %arg1, %mul3A_475 : i32
    "tpu.region"() ({
      %run_scoped3A = tpu.sem_alloc : memref<!tpu.dma_semaphore, #tpu.memory_space<semaphore_mem>>
      %dma_start3A_477 = arith.constant 0 : i32
      %dma_start3A_478 = tpu.memref_slice %arg6[%arg0, %mul3A_476, %dma_start3A_477] : memref<2x10240x128xf32, #tpu.memory_space<hbm>> -> memref<1x640x128xf32, #tpu.memory_space<hbm>>
      %dma_start3A_479 = tpu.memref_squeeze %dma_start3A_478 : memref<1x640x128xf32, #tpu.memory_space<hbm>> -> memref<640x128xf32, #tpu.memory_space<hbm>>
      %dma_start3A_480 = arith.constant 0 : i32
      %dma_start3A_481 = tpu.memref_slice %arg21[%mul3A_474, %dma_start3A_480] : memref<10240x128xf32, #tpu.memory_space<vmem_shared>> -> memref<640x128xf32, #tpu.memory_space<vmem_shared>>
      tpu.enqueue_dma source(%dma_start3A_481 : memref<640x128xf32, #tpu.memory_space<vmem_shared>>) target(%dma_start3A_479 : memref<640x128xf32, #tpu.memory_space<hbm>>) target_semaphore(%run_scoped3A : memref<!tpu.dma_semaphore, #tpu.memory_space<semaphore_mem>>)
      %dma_wait3A_482 = arith.constant 0 : i32
      %dma_wait3A_483 = tpu.memref_slice %arg6[%arg0, %mul3A_476, %dma_wait3A_482] : memref<2x10240x128xf32, #tpu.memory_space<hbm>> -> memref<1x640x128xf32, #tpu.memory_space<hbm>>
      %dma_wait3A_484 = tpu.memref_squeeze %dma_wait3A_483 : memref<1x640x128xf32, #tpu.memory_space<hbm>> -> memref<640x128xf32, #tpu.memory_space<hbm>>
      %dma_wait3A_485 = arith.constant 0 : i32
      %dma_wait3A_486 = tpu.memref_slice %arg21[%mul3A_474, %dma_wait3A_485] : memref<10240x128xf32, #tpu.memory_space<vmem_shared>> -> memref<640x128xf32, #tpu.memory_space<vmem_shared>>
      tpu.wait_dma2 semaphore(%run_scoped3A : memref<!tpu.dma_semaphore, #tpu.memory_space<semaphore_mem>>) src(%dma_wait3A_486 : memref<640x128xf32, #tpu.memory_space<vmem_shared>>) dst(%dma_wait3A_484 : memref<640x128xf32, #tpu.memory_space<hbm>>)
      tpu.yield
    }) : () -> ()
    return
  }
}

#map = affine_map<(d0, d1) -> (0, 0)>
#map1 = affine_map<(d0, d1) -> (0, 0, 0)>
module attributes {stable_mosaic.version = 14 : i64} {
  func.func @_agg_kernel(%arg0: i32, %arg1: i32, %arg2: memref<10240x128xf32, #tpu.memory_space<hbm>>, %arg3: memref<32x160x64xi32, #tpu.memory_space<hbm>>, %arg4: memref<32x160x64xi32, #tpu.memory_space<hbm>>, %arg5: memref<640x128xf32, #tpu.memory_space<hbm>>, %arg6: memref<2x10240x128xf32, #tpu.memory_space<hbm>>, %arg7: memref<40x64xi32, #tpu.memory_space<vmem>>, %arg8: memref<40x64xi32, #tpu.memory_space<vmem>>, %arg9: memref<64x128xf32, #tpu.memory_space<vmem>>, %arg10: memref<64x128xf32, #tpu.memory_space<vmem>>, %arg11: memref<64x128xf32, #tpu.memory_space<vmem>>, %arg12: memref<64x128xf32, #tpu.memory_space<vmem>>, %arg13: memref<!tpu.dma_semaphore, #tpu.memory_space<semaphore_mem>>, %arg14: memref<!tpu.dma_semaphore, #tpu.memory_space<semaphore_mem>>, %arg15: memref<!tpu.dma_semaphore, #tpu.memory_space<semaphore_mem>>, %arg16: memref<!tpu.dma_semaphore, #tpu.memory_space<semaphore_mem>>, %arg17: memref<!tpu.dma_semaphore, #tpu.memory_space<semaphore_mem>>, %arg18: memref<!tpu.dma_semaphore, #tpu.memory_space<semaphore_mem>>, %arg19: memref<!tpu.dma_semaphore, #tpu.memory_space<semaphore_mem>>, %arg20: memref<!tpu.dma_semaphore, #tpu.memory_space<semaphore_mem>>, %arg21: memref<10240x128xf32, #tpu.memory_space<vmem_shared>>) attributes {dimension_semantics = [#tpu.dimension_semantics<core_parallel>, #tpu.dimension_semantics<subcore_parallel>], iteration_bounds = array<i64: 2, 16>, scalar_prefetch = 0 : i64, scratch_operands = 15 : i64, tpu.core_type = #tpu.core_type<sc_vector_subcore>, window_params = [{transform_indices = #map}, {transform_indices = #map1}, {transform_indices = #map1}, {transform_indices = #map}, {transform_indices = #map1}]} {
    %mul3A = arith.constant 2 : i32
    %mul3A_0 = arith.muli %arg1, %mul3A : i32
    %add3A = arith.addi %mul3A_0, %arg0 : i32
    %mul3A_1 = arith.constant 640 : i32
    %mul3A_2 = arith.muli %arg1, %mul3A_1 : i32
    "tpu.region"() ({
      %run_scoped3A = tpu.sem_alloc : memref<!tpu.dma_semaphore, #tpu.memory_space<semaphore_mem>>
      %dma_start3A_477 = arith.constant 0 : i32
      %dma_start3A_478 = tpu.memref_slice %arg21[%mul3A_2, %dma_start3A_477] : memref<10240x128xf32, #tpu.memory_space<vmem_shared>> -> memref<640x128xf32, #tpu.memory_space<vmem_shared>>
      tpu.enqueue_dma source(%arg5 : memref<640x128xf32, #tpu.memory_space<hbm>>) target(%dma_start3A_478 : memref<640x128xf32, #tpu.memory_space<vmem_shared>>) target_semaphore(%run_scoped3A : memref<!tpu.dma_semaphore, #tpu.memory_space<semaphore_mem>>)
      %dma_wait3A_479 = arith.constant 0 : i32
      %dma_wait3A_480 = tpu.memref_slice %arg21[%mul3A_2, %dma_wait3A_479] : memref<10240x128xf32, #tpu.memory_space<vmem_shared>> -> memref<640x128xf32, #tpu.memory_space<vmem_shared>>
      tpu.wait_dma2 semaphore(%run_scoped3A : memref<!tpu.dma_semaphore, #tpu.memory_space<semaphore_mem>>) src(%arg5 : memref<640x128xf32, #tpu.memory_space<hbm>>) dst(%dma_wait3A_480 : memref<640x128xf32, #tpu.memory_space<vmem_shared>>)
      tpu.yield
    }) : () -> ()
    %barrier3A = arith.constant 0 : index
    tpu.barrier barrier_id(%barrier3A)
    "tpu.region"() ({
      %run_scoped3A = tpu.sem_alloc : memref<!tpu.dma_semaphore, #tpu.memory_space<semaphore_mem>>
      %dma_start3A_477 = arith.constant 0 : i32
      %dma_start3A_478 = arith.constant 0 : i32
      %dma_start3A_479 = tpu.memref_slice %arg3[%add3A, %dma_start3A_477, %dma_start3A_478] : memref<32x160x64xi32, #tpu.memory_space<hbm>> -> memref<1x40x64xi32, #tpu.memory_space<hbm>>
      %dma_start3A_480 = tpu.memref_squeeze %dma_start3A_479 : memref<1x40x64xi32, #tpu.memory_space<hbm>> -> memref<40x64xi32, #tpu.memory_space<hbm>>
      %dma_start3A_481 = arith.constant 0 : i32
      %dma_start3A_482 = arith.constant 0 : i32
      %dma_start3A_483 = tpu.memref_slice %arg3[%add3A, %dma_start3A_481, %dma_start3A_482] : memref<32x160x64xi32, #tpu.memory_space<hbm>> -> memref<1x40x64xi32, #tpu.memory_space<hbm>>
      %dma_start3A_484 = tpu.memref_squeeze %dma_start3A_483 : memref<1x40x64xi32, #tpu.memory_space<hbm>> -> memref<40x64xi32, #tpu.memory_space<hbm>>
      tpu.enqueue_dma source(%dma_start3A_484 : memref<40x64xi32, #tpu.memory_space<hbm>>) target(%arg7 : memref<40x64xi32, #tpu.memory_space<vmem>>) target_semaphore(%run_scoped3A : memref<!tpu.dma_semaphore, #tpu.memory_space<semaphore_mem>>)
      %dma_wait3A_485 = arith.constant 0 : i32
      %dma_wait3A_486 = arith.constant 0 : i32
      %dma_wait3A_487 = tpu.memref_slice %arg3[%add3A, %dma_wait3A_485, %dma_wait3A_486] : memref<32x160x64xi32, #tpu.memory_space<hbm>> -> memref<1x40x64xi32, #tpu.memory_space<hbm>>
      %dma_wait3A_488 = tpu.memref_squeeze %dma_wait3A_487 : memref<1x40x64xi32, #tpu.memory_space<hbm>> -> memref<40x64xi32, #tpu.memory_space<hbm>>
      %dma_wait3A_489 = arith.constant 0 : i32
      %dma_wait3A_490 = arith.constant 0 : i32
      %dma_wait3A_491 = tpu.memref_slice %arg3[%add3A, %dma_wait3A_489, %dma_wait3A_490] : memref<32x160x64xi32, #tpu.memory_space<hbm>> -> memref<1x40x64xi32, #tpu.memory_space<hbm>>
      %dma_wait3A_492 = tpu.memref_squeeze %dma_wait3A_491 : memref<1x40x64xi32, #tpu.memory_space<hbm>> -> memref<40x64xi32, #tpu.memory_space<hbm>>
      tpu.wait_dma2 semaphore(%run_scoped3A : memref<!tpu.dma_semaphore, #tpu.memory_space<semaphore_mem>>) src(%dma_wait3A_492 : memref<40x64xi32, #tpu.memory_space<hbm>>) dst(%arg7 : memref<40x64xi32, #tpu.memory_space<vmem>>)
      tpu.yield
    }) : () -> ()
    "tpu.region"() ({
      %run_scoped3A = tpu.sem_alloc : memref<!tpu.dma_semaphore, #tpu.memory_space<semaphore_mem>>
      %dma_start3A_477 = arith.constant 0 : i32
      %dma_start3A_478 = arith.constant 0 : i32
      %dma_start3A_479 = tpu.memref_slice %arg4[%add3A, %dma_start3A_477, %dma_start3A_478] : memref<32x160x64xi32, #tpu.memory_space<hbm>> -> memref<1x40x64xi32, #tpu.memory_space<hbm>>
      %dma_start3A_480 = tpu.memref_squeeze %dma_start3A_479 : memref<1x40x64xi32, #tpu.memory_space<hbm>> -> memref<40x64xi32, #tpu.memory_space<hbm>>
      %dma_start3A_481 = arith.constant 0 : i32
      %dma_start3A_482 = arith.constant 0 : i32
      %dma_start3A_483 = tpu.memref_slice %arg4[%add3A, %dma_start3A_481, %dma_start3A_482] : memref<32x160x64xi32, #tpu.memory_space<hbm>> -> memref<1x40x64xi32, #tpu.memory_space<hbm>>
      %dma_start3A_484 = tpu.memref_squeeze %dma_start3A_483 : memref<1x40x64xi32, #tpu.memory_space<hbm>> -> memref<40x64xi32, #tpu.memory_space<hbm>>
      tpu.enqueue_dma source(%dma_start3A_484 : memref<40x64xi32, #tpu.memory_space<hbm>>) target(%arg8 : memref<40x64xi32, #tpu.memory_space<vmem>>) target_semaphore(%run_scoped3A : memref<!tpu.dma_semaphore, #tpu.memory_space<semaphore_mem>>)
      %dma_wait3A_485 = arith.constant 0 : i32
      %dma_wait3A_486 = arith.constant 0 : i32
      %dma_wait3A_487 = tpu.memref_slice %arg4[%add3A, %dma_wait3A_485, %dma_wait3A_486] : memref<32x160x64xi32, #tpu.memory_space<hbm>> -> memref<1x40x64xi32, #tpu.memory_space<hbm>>
      %dma_wait3A_488 = tpu.memref_squeeze %dma_wait3A_487 : memref<1x40x64xi32, #tpu.memory_space<hbm>> -> memref<40x64xi32, #tpu.memory_space<hbm>>
      %dma_wait3A_489 = arith.constant 0 : i32
      %dma_wait3A_490 = arith.constant 0 : i32
      %dma_wait3A_491 = tpu.memref_slice %arg4[%add3A, %dma_wait3A_489, %dma_wait3A_490] : memref<32x160x64xi32, #tpu.memory_space<hbm>> -> memref<1x40x64xi32, #tpu.memory_space<hbm>>
      %dma_wait3A_492 = tpu.memref_squeeze %dma_wait3A_491 : memref<1x40x64xi32, #tpu.memory_space<hbm>> -> memref<40x64xi32, #tpu.memory_space<hbm>>
      tpu.wait_dma2 semaphore(%run_scoped3A : memref<!tpu.dma_semaphore, #tpu.memory_space<semaphore_mem>>) src(%dma_wait3A_492 : memref<40x64xi32, #tpu.memory_space<hbm>>) dst(%arg8 : memref<40x64xi32, #tpu.memory_space<vmem>>)
      tpu.yield
    }) : () -> ()
    %dma_start3A = arith.constant 0 : i32
    %dma_start3A_3 = arith.constant 0 : i32
    %dma_start3A_4 = tpu.memref_slice %arg7[%dma_start3A, %dma_start3A_3] : memref<40x64xi32, #tpu.memory_space<vmem>> -> memref<1x64xi32, #tpu.memory_space<vmem>>
    %dma_start3A_5 = tpu.memref_squeeze %dma_start3A_4 : memref<1x64xi32, #tpu.memory_space<vmem>> -> memref<64xi32, #tpu.memory_space<vmem>>
    %dma_start3A_6 = arith.constant 0 : i32
    %dma_start3A_7 = arith.constant 0 : i32
    %dma_start3A_8 = tpu.memref_slice %arg2[%dma_start3A_6, %dma_start3A_7] : memref<10240x128xf32, #tpu.memory_space<hbm>> -> memref<10240x128xf32, #tpu.memory_space<hbm>>
    tpu.enqueue_indirect_dma source(%dma_start3A_8 : memref<10240x128xf32, #tpu.memory_space<hbm>>) target(%arg9 : memref<64x128xf32, #tpu.memory_space<vmem>>) offsets(%dma_start3A_5 : memref<64xi32, #tpu.memory_space<vmem>>) semaphore(%arg13 : memref<!tpu.dma_semaphore, #tpu.memory_space<semaphore_mem>>)
    %dma_start3A_9 = arith.constant 1 : i32
    %dma_start3A_10 = arith.constant 0 : i32
    %dma_start3A_11 = tpu.memref_slice %arg7[%dma_start3A_9, %dma_start3A_10] : memref<40x64xi32, #tpu.memory_space<vmem>> -> memref<1x64xi32, #tpu.memory_space<vmem>>
    %dma_start3A_12 = tpu.memref_squeeze %dma_start3A_11 : memref<1x64xi32, #tpu.memory_space<vmem>> -> memref<64xi32, #tpu.memory_space<vmem>>
    %dma_start3A_13 = arith.constant 0 : i32
    %dma_start3A_14 = arith.constant 0 : i32
    %dma_start3A_15 = tpu.memref_slice %arg2[%dma_start3A_13, %dma_start3A_14] : memref<10240x128xf32, #tpu.memory_space<hbm>> -> memref<10240x128xf32, #tpu.memory_space<hbm>>
    tpu.enqueue_indirect_dma source(%dma_start3A_15 : memref<10240x128xf32, #tpu.memory_space<hbm>>) target(%arg10 : memref<64x128xf32, #tpu.memory_space<vmem>>) offsets(%dma_start3A_12 : memref<64xi32, #tpu.memory_space<vmem>>) semaphore(%arg14 : memref<!tpu.dma_semaphore, #tpu.memory_space<semaphore_mem>>)
    %dma_start3A_16 = arith.constant 2 : i32
    %dma_start3A_17 = arith.constant 0 : i32
    %dma_start3A_18 = tpu.memref_slice %arg7[%dma_start3A_16, %dma_start3A_17] : memref<40x64xi32, #tpu.memory_space<vmem>> -> memref<1x64xi32, #tpu.memory_space<vmem>>
    %dma_start3A_19 = tpu.memref_squeeze %dma_start3A_18 : memref<1x64xi32, #tpu.memory_space<vmem>> -> memref<64xi32, #tpu.memory_space<vmem>>
    %dma_start3A_20 = arith.constant 0 : i32
    %dma_start3A_21 = arith.constant 0 : i32
    %dma_start3A_22 = tpu.memref_slice %arg2[%dma_start3A_20, %dma_start3A_21] : memref<10240x128xf32, #tpu.memory_space<hbm>> -> memref<10240x128xf32, #tpu.memory_space<hbm>>
    tpu.enqueue_indirect_dma source(%dma_start3A_22 : memref<10240x128xf32, #tpu.memory_space<hbm>>) target(%arg11 : memref<64x128xf32, #tpu.memory_space<vmem>>) offsets(%dma_start3A_19 : memref<64xi32, #tpu.memory_space<vmem>>) semaphore(%arg15 : memref<!tpu.dma_semaphore, #tpu.memory_space<semaphore_mem>>)
    %dma_start3A_23 = arith.constant 3 : i32
    %dma_start3A_24 = arith.constant 0 : i32
    %dma_start3A_25 = tpu.memref_slice %arg7[%dma_start3A_23, %dma_start3A_24] : memref<40x64xi32, #tpu.memory_space<vmem>> -> memref<1x64xi32, #tpu.memory_space<vmem>>
    %dma_start3A_26 = tpu.memref_squeeze %dma_start3A_25 : memref<1x64xi32, #tpu.memory_space<vmem>> -> memref<64xi32, #tpu.memory_space<vmem>>
    %dma_start3A_27 = arith.constant 0 : i32
    %dma_start3A_28 = arith.constant 0 : i32
    %dma_start3A_29 = tpu.memref_slice %arg2[%dma_start3A_27, %dma_start3A_28] : memref<10240x128xf32, #tpu.memory_space<hbm>> -> memref<10240x128xf32, #tpu.memory_space<hbm>>
    tpu.enqueue_indirect_dma source(%dma_start3A_29 : memref<10240x128xf32, #tpu.memory_space<hbm>>) target(%arg12 : memref<64x128xf32, #tpu.memory_space<vmem>>) offsets(%dma_start3A_26 : memref<64xi32, #tpu.memory_space<vmem>>) semaphore(%arg16 : memref<!tpu.dma_semaphore, #tpu.memory_space<semaphore_mem>>)
    %scan3A = arith.constant 0 : i32
    %scan3A_30 = arith.constant 0 : i32
    %scan3A_31 = arith.constant 9 : i32
    %scan3A_32 = arith.addi %scan3A_30, %scan3A_31 : i32
    %scan3A_33 = arith.constant 1 : i32
    scf.for %scan3A_477 = %scan3A_30 to %scan3A_32 step %scan3A_33  : i32 {
      %mul3A_478 = arith.constant 4 : i32
      %mul3A_479 = arith.muli %mul3A_478, %scan3A_477 : i32
      %add3A_480 = arith.constant 0 : i32
      %add3A_481 = arith.addi %mul3A_479, %add3A_480 : i32
      %dma_wait3A_482 = arith.constant 0 : i32
      %dma_wait3A_483 = arith.constant 0 : i32
      %dma_wait3A_484 = tpu.memref_slice %arg7[%dma_wait3A_482, %dma_wait3A_483] : memref<40x64xi32, #tpu.memory_space<vmem>> -> memref<1x64xi32, #tpu.memory_space<vmem>>
      %dma_wait3A_485 = tpu.memref_squeeze %dma_wait3A_484 : memref<1x64xi32, #tpu.memory_space<vmem>> -> memref<64xi32, #tpu.memory_space<vmem>>
      %dma_wait3A_486 = arith.constant 0 : i32
      %dma_wait3A_487 = arith.constant 0 : i32
      %dma_wait3A_488 = tpu.memref_slice %arg2[%dma_wait3A_486, %dma_wait3A_487] : memref<10240x128xf32, #tpu.memory_space<hbm>> -> memref<10240x128xf32, #tpu.memory_space<hbm>>
      tpu.wait_indirect_dma semaphore(%arg13 : memref<!tpu.dma_semaphore, #tpu.memory_space<semaphore_mem>>) src(%dma_wait3A_488 : memref<10240x128xf32, #tpu.memory_space<hbm>>) dst(%arg9 : memref<64x128xf32, #tpu.memory_space<vmem>>)
      %dma_start3A_489 = arith.constant 0 : i32
      %dma_start3A_490 = tpu.memref_slice %arg8[%add3A_481, %dma_start3A_489] : memref<40x64xi32, #tpu.memory_space<vmem>> -> memref<1x64xi32, #tpu.memory_space<vmem>>
      %dma_start3A_491 = tpu.memref_squeeze %dma_start3A_490 : memref<1x64xi32, #tpu.memory_space<vmem>> -> memref<64xi32, #tpu.memory_space<vmem>>
      %dma_start3A_492 = arith.constant 0 : i32
      %dma_start3A_493 = arith.constant 0 : i32
      %dma_start3A_494 = tpu.memref_slice %arg21[%dma_start3A_492, %dma_start3A_493] : memref<10240x128xf32, #tpu.memory_space<vmem_shared>> -> memref<10240x128xf32, #tpu.memory_space<vmem_shared>>
      tpu.enqueue_indirect_dma source(%arg9 : memref<64x128xf32, #tpu.memory_space<vmem>>) target(%dma_start3A_494 : memref<10240x128xf32, #tpu.memory_space<vmem_shared>>) offsets(%dma_start3A_491 : memref<64xi32, #tpu.memory_space<vmem>>) semaphore(%arg17 : memref<!tpu.dma_semaphore, #tpu.memory_space<semaphore_mem>>) {add = true}
      %mul3A_495 = arith.constant 4 : i32
      %mul3A_496 = arith.muli %mul3A_495, %scan3A_477 : i32
      %add3A_497 = arith.constant 1 : i32
      %add3A_498 = arith.addi %mul3A_496, %add3A_497 : i32
      %dma_wait3A_499 = arith.constant 0 : i32
      %dma_wait3A_500 = arith.constant 0 : i32
      %dma_wait3A_501 = tpu.memref_slice %arg7[%dma_wait3A_499, %dma_wait3A_500] : memref<40x64xi32, #tpu.memory_space<vmem>> -> memref<1x64xi32, #tpu.memory_space<vmem>>
      %dma_wait3A_502 = tpu.memref_squeeze %dma_wait3A_501 : memref<1x64xi32, #tpu.memory_space<vmem>> -> memref<64xi32, #tpu.memory_space<vmem>>
      %dma_wait3A_503 = arith.constant 0 : i32
      %dma_wait3A_504 = arith.constant 0 : i32
      %dma_wait3A_505 = tpu.memref_slice %arg2[%dma_wait3A_503, %dma_wait3A_504] : memref<10240x128xf32, #tpu.memory_space<hbm>> -> memref<10240x128xf32, #tpu.memory_space<hbm>>
      tpu.wait_indirect_dma semaphore(%arg14 : memref<!tpu.dma_semaphore, #tpu.memory_space<semaphore_mem>>) src(%dma_wait3A_505 : memref<10240x128xf32, #tpu.memory_space<hbm>>) dst(%arg10 : memref<64x128xf32, #tpu.memory_space<vmem>>)
      %dma_start3A_506 = arith.constant 0 : i32
      %dma_start3A_507 = tpu.memref_slice %arg8[%add3A_498, %dma_start3A_506] : memref<40x64xi32, #tpu.memory_space<vmem>> -> memref<1x64xi32, #tpu.memory_space<vmem>>
      %dma_start3A_508 = tpu.memref_squeeze %dma_start3A_507 : memref<1x64xi32, #tpu.memory_space<vmem>> -> memref<64xi32, #tpu.memory_space<vmem>>
      %dma_start3A_509 = arith.constant 0 : i32
      %dma_start3A_510 = arith.constant 0 : i32
      %dma_start3A_511 = tpu.memref_slice %arg21[%dma_start3A_509, %dma_start3A_510] : memref<10240x128xf32, #tpu.memory_space<vmem_shared>> -> memref<10240x128xf32, #tpu.memory_space<vmem_shared>>
      tpu.enqueue_indirect_dma source(%arg10 : memref<64x128xf32, #tpu.memory_space<vmem>>) target(%dma_start3A_511 : memref<10240x128xf32, #tpu.memory_space<vmem_shared>>) offsets(%dma_start3A_508 : memref<64xi32, #tpu.memory_space<vmem>>) semaphore(%arg18 : memref<!tpu.dma_semaphore, #tpu.memory_space<semaphore_mem>>) {add = true}
      %mul3A_512 = arith.constant 4 : i32
      %mul3A_513 = arith.muli %mul3A_512, %scan3A_477 : i32
      %add3A_514 = arith.constant 2 : i32
      %add3A_515 = arith.addi %mul3A_513, %add3A_514 : i32
      %dma_wait3A_516 = arith.constant 0 : i32
      %dma_wait3A_517 = arith.constant 0 : i32
      %dma_wait3A_518 = tpu.memref_slice %arg7[%dma_wait3A_516, %dma_wait3A_517] : memref<40x64xi32, #tpu.memory_space<vmem>> -> memref<1x64xi32, #tpu.memory_space<vmem>>
      %dma_wait3A_519 = tpu.memref_squeeze %dma_wait3A_518 : memref<1x64xi32, #tpu.memory_space<vmem>> -> memref<64xi32, #tpu.memory_space<vmem>>
      %dma_wait3A_520 = arith.constant 0 : i32
      %dma_wait3A_521 = arith.constant 0 : i32
      %dma_wait3A_522 = tpu.memref_slice %arg2[%dma_wait3A_520, %dma_wait3A_521] : memref<10240x128xf32, #tpu.memory_space<hbm>> -> memref<10240x128xf32, #tpu.memory_space<hbm>>
      tpu.wait_indirect_dma semaphore(%arg15 : memref<!tpu.dma_semaphore, #tpu.memory_space<semaphore_mem>>) src(%dma_wait3A_522 : memref<10240x128xf32, #tpu.memory_space<hbm>>) dst(%arg11 : memref<64x128xf32, #tpu.memory_space<vmem>>)
      %dma_start3A_523 = arith.constant 0 : i32
      %dma_start3A_524 = tpu.memref_slice %arg8[%add3A_515, %dma_start3A_523] : memref<40x64xi32, #tpu.memory_space<vmem>> -> memref<1x64xi32, #tpu.memory_space<vmem>>
      %dma_start3A_525 = tpu.memref_squeeze %dma_start3A_524 : memref<1x64xi32, #tpu.memory_space<vmem>> -> memref<64xi32, #tpu.memory_space<vmem>>
      %dma_start3A_526 = arith.constant 0 : i32
      %dma_start3A_527 = arith.constant 0 : i32
      %dma_start3A_528 = tpu.memref_slice %arg21[%dma_start3A_526, %dma_start3A_527] : memref<10240x128xf32, #tpu.memory_space<vmem_shared>> -> memref<10240x128xf32, #tpu.memory_space<vmem_shared>>
      tpu.enqueue_indirect_dma source(%arg11 : memref<64x128xf32, #tpu.memory_space<vmem>>) target(%dma_start3A_528 : memref<10240x128xf32, #tpu.memory_space<vmem_shared>>) offsets(%dma_start3A_525 : memref<64xi32, #tpu.memory_space<vmem>>) semaphore(%arg19 : memref<!tpu.dma_semaphore, #tpu.memory_space<semaphore_mem>>) {add = true}
      %mul3A_529 = arith.constant 4 : i32
      %mul3A_530 = arith.muli %mul3A_529, %scan3A_477 : i32
      %add3A_531 = arith.constant 3 : i32
      %add3A_532 = arith.addi %mul3A_530, %add3A_531 : i32
      %dma_wait3A_533 = arith.constant 0 : i32
      %dma_wait3A_534 = arith.constant 0 : i32
      %dma_wait3A_535 = tpu.memref_slice %arg7[%dma_wait3A_533, %dma_wait3A_534] : memref<40x64xi32, #tpu.memory_space<vmem>> -> memref<1x64xi32, #tpu.memory_space<vmem>>
      %dma_wait3A_536 = tpu.memref_squeeze %dma_wait3A_535 : memref<1x64xi32, #tpu.memory_space<vmem>> -> memref<64xi32, #tpu.memory_space<vmem>>
      %dma_wait3A_537 = arith.constant 0 : i32
      %dma_wait3A_538 = arith.constant 0 : i32
      %dma_wait3A_539 = tpu.memref_slice %arg2[%dma_wait3A_537, %dma_wait3A_538] : memref<10240x128xf32, #tpu.memory_space<hbm>> -> memref<10240x128xf32, #tpu.memory_space<hbm>>
      tpu.wait_indirect_dma semaphore(%arg16 : memref<!tpu.dma_semaphore, #tpu.memory_space<semaphore_mem>>) src(%dma_wait3A_539 : memref<10240x128xf32, #tpu.memory_space<hbm>>) dst(%arg12 : memref<64x128xf32, #tpu.memory_space<vmem>>)
      %dma_start3A_540 = arith.constant 0 : i32
      %dma_start3A_541 = tpu.memref_slice %arg8[%add3A_532, %dma_start3A_540] : memref<40x64xi32, #tpu.memory_space<vmem>> -> memref<1x64xi32, #tpu.memory_space<vmem>>
      %dma_start3A_542 = tpu.memref_squeeze %dma_start3A_541 : memref<1x64xi32, #tpu.memory_space<vmem>> -> memref<64xi32, #tpu.memory_space<vmem>>
      %dma_start3A_543 = arith.constant 0 : i32
      %dma_start3A_544 = arith.constant 0 : i32
      %dma_start3A_545 = tpu.memref_slice %arg21[%dma_start3A_543, %dma_start3A_544] : memref<10240x128xf32, #tpu.memory_space<vmem_shared>> -> memref<10240x128xf32, #tpu.memory_space<vmem_shared>>
      tpu.enqueue_indirect_dma source(%arg12 : memref<64x128xf32, #tpu.memory_space<vmem>>) target(%dma_start3A_545 : memref<10240x128xf32, #tpu.memory_space<vmem_shared>>) offsets(%dma_start3A_542 : memref<64xi32, #tpu.memory_space<vmem>>) semaphore(%arg20 : memref<!tpu.dma_semaphore, #tpu.memory_space<semaphore_mem>>) {add = true}
      %mul3A_546 = arith.constant 4 : i32
      %mul3A_547 = arith.muli %mul3A_546, %scan3A_477 : i32
      %add3A_548 = arith.constant 0 : i32
      %add3A_549 = arith.addi %mul3A_547, %add3A_548 : i32
      %add3A_550 = arith.constant 4 : i32
      %add3A_551 = arith.addi %add3A_549, %add3A_550 : i32
      %dma_wait3A_552 = arith.constant 0 : i32
      %dma_wait3A_553 = arith.constant 0 : i32
      %dma_wait3A_554 = tpu.memref_slice %arg8[%dma_wait3A_552, %dma_wait3A_553] : memref<40x64xi32, #tpu.memory_space<vmem>> -> memref<1x64xi32, #tpu.memory_space<vmem>>
      %dma_wait3A_555 = tpu.memref_squeeze %dma_wait3A_554 : memref<1x64xi32, #tpu.memory_space<vmem>> -> memref<64xi32, #tpu.memory_space<vmem>>
      %dma_wait3A_556 = arith.constant 0 : i32
      %dma_wait3A_557 = arith.constant 0 : i32
      %dma_wait3A_558 = tpu.memref_slice %arg21[%dma_wait3A_556, %dma_wait3A_557] : memref<10240x128xf32, #tpu.memory_space<vmem_shared>> -> memref<10240x128xf32, #tpu.memory_space<vmem_shared>>
      tpu.wait_indirect_dma semaphore(%arg17 : memref<!tpu.dma_semaphore, #tpu.memory_space<semaphore_mem>>) src(%arg9 : memref<64x128xf32, #tpu.memory_space<vmem>>) dst(%dma_wait3A_558 : memref<10240x128xf32, #tpu.memory_space<vmem_shared>>)
      %dma_start3A_559 = arith.constant 0 : i32
      %dma_start3A_560 = tpu.memref_slice %arg7[%add3A_551, %dma_start3A_559] : memref<40x64xi32, #tpu.memory_space<vmem>> -> memref<1x64xi32, #tpu.memory_space<vmem>>
      %dma_start3A_561 = tpu.memref_squeeze %dma_start3A_560 : memref<1x64xi32, #tpu.memory_space<vmem>> -> memref<64xi32, #tpu.memory_space<vmem>>
      %dma_start3A_562 = arith.constant 0 : i32
      %dma_start3A_563 = arith.constant 0 : i32
      %dma_start3A_564 = tpu.memref_slice %arg2[%dma_start3A_562, %dma_start3A_563] : memref<10240x128xf32, #tpu.memory_space<hbm>> -> memref<10240x128xf32, #tpu.memory_space<hbm>>
      tpu.enqueue_indirect_dma source(%dma_start3A_564 : memref<10240x128xf32, #tpu.memory_space<hbm>>) target(%arg9 : memref<64x128xf32, #tpu.memory_space<vmem>>) offsets(%dma_start3A_561 : memref<64xi32, #tpu.memory_space<vmem>>) semaphore(%arg13 : memref<!tpu.dma_semaphore, #tpu.memory_space<semaphore_mem>>)
      %mul3A_565 = arith.constant 4 : i32
      %mul3A_566 = arith.muli %mul3A_565, %scan3A_477 : i32
      %add3A_567 = arith.constant 1 : i32
      %add3A_568 = arith.addi %mul3A_566, %add3A_567 : i32
      %add3A_569 = arith.constant 4 : i32
      %add3A_570 = arith.addi %add3A_568, %add3A_569 : i32
      %dma_wait3A_571 = arith.constant 0 : i32
      %dma_wait3A_572 = arith.constant 0 : i32
      %dma_wait3A_573 = tpu.memref_slice %arg8[%dma_wait3A_571, %dma_wait3A_572] : memref<40x64xi32, #tpu.memory_space<vmem>> -> memref<1x64xi32, #tpu.memory_space<vmem>>
      %dma_wait3A_574 = tpu.memref_squeeze %dma_wait3A_573 : memref<1x64xi32, #tpu.memory_space<vmem>> -> memref<64xi32, #tpu.memory_space<vmem>>
      %dma_wait3A_575 = arith.constant 0 : i32
      %dma_wait3A_576 = arith.constant 0 : i32
      %dma_wait3A_577 = tpu.memref_slice %arg21[%dma_wait3A_575, %dma_wait3A_576] : memref<10240x128xf32, #tpu.memory_space<vmem_shared>> -> memref<10240x128xf32, #tpu.memory_space<vmem_shared>>
      tpu.wait_indirect_dma semaphore(%arg18 : memref<!tpu.dma_semaphore, #tpu.memory_space<semaphore_mem>>) src(%arg10 : memref<64x128xf32, #tpu.memory_space<vmem>>) dst(%dma_wait3A_577 : memref<10240x128xf32, #tpu.memory_space<vmem_shared>>)
      %dma_start3A_578 = arith.constant 0 : i32
      %dma_start3A_579 = tpu.memref_slice %arg7[%add3A_570, %dma_start3A_578] : memref<40x64xi32, #tpu.memory_space<vmem>> -> memref<1x64xi32, #tpu.memory_space<vmem>>
      %dma_start3A_580 = tpu.memref_squeeze %dma_start3A_579 : memref<1x64xi32, #tpu.memory_space<vmem>> -> memref<64xi32, #tpu.memory_space<vmem>>
      %dma_start3A_581 = arith.constant 0 : i32
      %dma_start3A_582 = arith.constant 0 : i32
      %dma_start3A_583 = tpu.memref_slice %arg2[%dma_start3A_581, %dma_start3A_582] : memref<10240x128xf32, #tpu.memory_space<hbm>> -> memref<10240x128xf32, #tpu.memory_space<hbm>>
      tpu.enqueue_indirect_dma source(%dma_start3A_583 : memref<10240x128xf32, #tpu.memory_space<hbm>>) target(%arg10 : memref<64x128xf32, #tpu.memory_space<vmem>>) offsets(%dma_start3A_580 : memref<64xi32, #tpu.memory_space<vmem>>) semaphore(%arg14 : memref<!tpu.dma_semaphore, #tpu.memory_space<semaphore_mem>>)
      %mul3A_584 = arith.constant 4 : i32
      %mul3A_585 = arith.muli %mul3A_584, %scan3A_477 : i32
      %add3A_586 = arith.constant 2 : i32
      %add3A_587 = arith.addi %mul3A_585, %add3A_586 : i32
      %add3A_588 = arith.constant 4 : i32
      %add3A_589 = arith.addi %add3A_587, %add3A_588 : i32
      %dma_wait3A_590 = arith.constant 0 : i32
      %dma_wait3A_591 = arith.constant 0 : i32
      %dma_wait3A_592 = tpu.memref_slice %arg8[%dma_wait3A_590, %dma_wait3A_591] : memref<40x64xi32, #tpu.memory_space<vmem>> -> memref<1x64xi32, #tpu.memory_space<vmem>>
      %dma_wait3A_593 = tpu.memref_squeeze %dma_wait3A_592 : memref<1x64xi32, #tpu.memory_space<vmem>> -> memref<64xi32, #tpu.memory_space<vmem>>
      %dma_wait3A_594 = arith.constant 0 : i32
      %dma_wait3A_595 = arith.constant 0 : i32
      %dma_wait3A_596 = tpu.memref_slice %arg21[%dma_wait3A_594, %dma_wait3A_595] : memref<10240x128xf32, #tpu.memory_space<vmem_shared>> -> memref<10240x128xf32, #tpu.memory_space<vmem_shared>>
      tpu.wait_indirect_dma semaphore(%arg19 : memref<!tpu.dma_semaphore, #tpu.memory_space<semaphore_mem>>) src(%arg11 : memref<64x128xf32, #tpu.memory_space<vmem>>) dst(%dma_wait3A_596 : memref<10240x128xf32, #tpu.memory_space<vmem_shared>>)
      %dma_start3A_597 = arith.constant 0 : i32
      %dma_start3A_598 = tpu.memref_slice %arg7[%add3A_589, %dma_start3A_597] : memref<40x64xi32, #tpu.memory_space<vmem>> -> memref<1x64xi32, #tpu.memory_space<vmem>>
      %dma_start3A_599 = tpu.memref_squeeze %dma_start3A_598 : memref<1x64xi32, #tpu.memory_space<vmem>> -> memref<64xi32, #tpu.memory_space<vmem>>
      %dma_start3A_600 = arith.constant 0 : i32
      %dma_start3A_601 = arith.constant 0 : i32
      %dma_start3A_602 = tpu.memref_slice %arg2[%dma_start3A_600, %dma_start3A_601] : memref<10240x128xf32, #tpu.memory_space<hbm>> -> memref<10240x128xf32, #tpu.memory_space<hbm>>
      tpu.enqueue_indirect_dma source(%dma_start3A_602 : memref<10240x128xf32, #tpu.memory_space<hbm>>) target(%arg11 : memref<64x128xf32, #tpu.memory_space<vmem>>) offsets(%dma_start3A_599 : memref<64xi32, #tpu.memory_space<vmem>>) semaphore(%arg15 : memref<!tpu.dma_semaphore, #tpu.memory_space<semaphore_mem>>)
      %mul3A_603 = arith.constant 4 : i32
      %mul3A_604 = arith.muli %mul3A_603, %scan3A_477 : i32
      %add3A_605 = arith.constant 3 : i32
      %add3A_606 = arith.addi %mul3A_604, %add3A_605 : i32
      %add3A_607 = arith.constant 4 : i32
      %add3A_608 = arith.addi %add3A_606, %add3A_607 : i32
      %dma_wait3A_609 = arith.constant 0 : i32
      %dma_wait3A_610 = arith.constant 0 : i32
      %dma_wait3A_611 = tpu.memref_slice %arg8[%dma_wait3A_609, %dma_wait3A_610] : memref<40x64xi32, #tpu.memory_space<vmem>> -> memref<1x64xi32, #tpu.memory_space<vmem>>
      %dma_wait3A_612 = tpu.memref_squeeze %dma_wait3A_611 : memref<1x64xi32, #tpu.memory_space<vmem>> -> memref<64xi32, #tpu.memory_space<vmem>>
      %dma_wait3A_613 = arith.constant 0 : i32
      %dma_wait3A_614 = arith.constant 0 : i32
      %dma_wait3A_615 = tpu.memref_slice %arg21[%dma_wait3A_613, %dma_wait3A_614] : memref<10240x128xf32, #tpu.memory_space<vmem_shared>> -> memref<10240x128xf32, #tpu.memory_space<vmem_shared>>
      tpu.wait_indirect_dma semaphore(%arg20 : memref<!tpu.dma_semaphore, #tpu.memory_space<semaphore_mem>>) src(%arg12 : memref<64x128xf32, #tpu.memory_space<vmem>>) dst(%dma_wait3A_615 : memref<10240x128xf32, #tpu.memory_space<vmem_shared>>)
      %dma_start3A_616 = arith.constant 0 : i32
      %dma_start3A_617 = tpu.memref_slice %arg7[%add3A_608, %dma_start3A_616] : memref<40x64xi32, #tpu.memory_space<vmem>> -> memref<1x64xi32, #tpu.memory_space<vmem>>
      %dma_start3A_618 = tpu.memref_squeeze %dma_start3A_617 : memref<1x64xi32, #tpu.memory_space<vmem>> -> memref<64xi32, #tpu.memory_space<vmem>>
      %dma_start3A_619 = arith.constant 0 : i32
      %dma_start3A_620 = arith.constant 0 : i32
      %dma_start3A_621 = tpu.memref_slice %arg2[%dma_start3A_619, %dma_start3A_620] : memref<10240x128xf32, #tpu.memory_space<hbm>> -> memref<10240x128xf32, #tpu.memory_space<hbm>>
      tpu.enqueue_indirect_dma source(%dma_start3A_621 : memref<10240x128xf32, #tpu.memory_space<hbm>>) target(%arg12 : memref<64x128xf32, #tpu.memory_space<vmem>>) offsets(%dma_start3A_618 : memref<64xi32, #tpu.memory_space<vmem>>) semaphore(%arg16 : memref<!tpu.dma_semaphore, #tpu.memory_space<semaphore_mem>>)
    }
    %scan3A_34 = arith.constant 9 : i32
    %dma_wait3A = arith.constant 0 : i32
    %dma_wait3A_35 = arith.constant 0 : i32
    %dma_wait3A_36 = tpu.memref_slice %arg7[%dma_wait3A, %dma_wait3A_35] : memref<40x64xi32, #tpu.memory_space<vmem>> -> memref<1x64xi32, #tpu.memory_space<vmem>>
    %dma_wait3A_37 = tpu.memref_squeeze %dma_wait3A_36 : memref<1x64xi32, #tpu.memory_space<vmem>> -> memref<64xi32, #tpu.memory_space<vmem>>
    %dma_wait3A_38 = arith.constant 0 : i32
    %dma_wait3A_39 = arith.constant 0 : i32
    %dma_wait3A_40 = tpu.memref_slice %arg2[%dma_wait3A_38, %dma_wait3A_39] : memref<10240x128xf32, #tpu.memory_space<hbm>> -> memref<10240x128xf32, #tpu.memory_space<hbm>>
    tpu.wait_indirect_dma semaphore(%arg13 : memref<!tpu.dma_semaphore, #tpu.memory_space<semaphore_mem>>) src(%dma_wait3A_40 : memref<10240x128xf32, #tpu.memory_space<hbm>>) dst(%arg9 : memref<64x128xf32, #tpu.memory_space<vmem>>)
    %dma_start3A_41 = arith.constant 36 : i32
    %dma_start3A_42 = arith.constant 0 : i32
    %dma_start3A_43 = tpu.memref_slice %arg8[%dma_start3A_41, %dma_start3A_42] : memref<40x64xi32, #tpu.memory_space<vmem>> -> memref<1x64xi32, #tpu.memory_space<vmem>>
    %dma_start3A_44 = tpu.memref_squeeze %dma_start3A_43 : memref<1x64xi32, #tpu.memory_space<vmem>> -> memref<64xi32, #tpu.memory_space<vmem>>
    %dma_start3A_45 = arith.constant 0 : i32
    %dma_start3A_46 = arith.constant 0 : i32
    %dma_start3A_47 = tpu.memref_slice %arg21[%dma_start3A_45, %dma_start3A_46] : memref<10240x128xf32, #tpu.memory_space<vmem_shared>> -> memref<10240x128xf32, #tpu.memory_space<vmem_shared>>
    tpu.enqueue_indirect_dma source(%arg9 : memref<64x128xf32, #tpu.memory_space<vmem>>) target(%dma_start3A_47 : memref<10240x128xf32, #tpu.memory_space<vmem_shared>>) offsets(%dma_start3A_44 : memref<64xi32, #tpu.memory_space<vmem>>) semaphore(%arg17 : memref<!tpu.dma_semaphore, #tpu.memory_space<semaphore_mem>>) {add = true}
    %dma_wait3A_48 = arith.constant 0 : i32
    %dma_wait3A_49 = arith.constant 0 : i32
    %dma_wait3A_50 = tpu.memref_slice %arg7[%dma_wait3A_48, %dma_wait3A_49] : memref<40x64xi32, #tpu.memory_space<vmem>> -> memref<1x64xi32, #tpu.memory_space<vmem>>
    %dma_wait3A_51 = tpu.memref_squeeze %dma_wait3A_50 : memref<1x64xi32, #tpu.memory_space<vmem>> -> memref<64xi32, #tpu.memory_space<vmem>>
    %dma_wait3A_52 = arith.constant 0 : i32
    %dma_wait3A_53 = arith.constant 0 : i32
    %dma_wait3A_54 = tpu.memref_slice %arg2[%dma_wait3A_52, %dma_wait3A_53] : memref<10240x128xf32, #tpu.memory_space<hbm>> -> memref<10240x128xf32, #tpu.memory_space<hbm>>
    tpu.wait_indirect_dma semaphore(%arg14 : memref<!tpu.dma_semaphore, #tpu.memory_space<semaphore_mem>>) src(%dma_wait3A_54 : memref<10240x128xf32, #tpu.memory_space<hbm>>) dst(%arg10 : memref<64x128xf32, #tpu.memory_space<vmem>>)
    %dma_start3A_55 = arith.constant 37 : i32
    %dma_start3A_56 = arith.constant 0 : i32
    %dma_start3A_57 = tpu.memref_slice %arg8[%dma_start3A_55, %dma_start3A_56] : memref<40x64xi32, #tpu.memory_space<vmem>> -> memref<1x64xi32, #tpu.memory_space<vmem>>
    %dma_start3A_58 = tpu.memref_squeeze %dma_start3A_57 : memref<1x64xi32, #tpu.memory_space<vmem>> -> memref<64xi32, #tpu.memory_space<vmem>>
    %dma_start3A_59 = arith.constant 0 : i32
    %dma_start3A_60 = arith.constant 0 : i32
    %dma_start3A_61 = tpu.memref_slice %arg21[%dma_start3A_59, %dma_start3A_60] : memref<10240x128xf32, #tpu.memory_space<vmem_shared>> -> memref<10240x128xf32, #tpu.memory_space<vmem_shared>>
    tpu.enqueue_indirect_dma source(%arg10 : memref<64x128xf32, #tpu.memory_space<vmem>>) target(%dma_start3A_61 : memref<10240x128xf32, #tpu.memory_space<vmem_shared>>) offsets(%dma_start3A_58 : memref<64xi32, #tpu.memory_space<vmem>>) semaphore(%arg18 : memref<!tpu.dma_semaphore, #tpu.memory_space<semaphore_mem>>) {add = true}
    %dma_wait3A_62 = arith.constant 0 : i32
    %dma_wait3A_63 = arith.constant 0 : i32
    %dma_wait3A_64 = tpu.memref_slice %arg7[%dma_wait3A_62, %dma_wait3A_63] : memref<40x64xi32, #tpu.memory_space<vmem>> -> memref<1x64xi32, #tpu.memory_space<vmem>>
    %dma_wait3A_65 = tpu.memref_squeeze %dma_wait3A_64 : memref<1x64xi32, #tpu.memory_space<vmem>> -> memref<64xi32, #tpu.memory_space<vmem>>
    %dma_wait3A_66 = arith.constant 0 : i32
    %dma_wait3A_67 = arith.constant 0 : i32
    %dma_wait3A_68 = tpu.memref_slice %arg2[%dma_wait3A_66, %dma_wait3A_67] : memref<10240x128xf32, #tpu.memory_space<hbm>> -> memref<10240x128xf32, #tpu.memory_space<hbm>>
    tpu.wait_indirect_dma semaphore(%arg15 : memref<!tpu.dma_semaphore, #tpu.memory_space<semaphore_mem>>) src(%dma_wait3A_68 : memref<10240x128xf32, #tpu.memory_space<hbm>>) dst(%arg11 : memref<64x128xf32, #tpu.memory_space<vmem>>)
    %dma_start3A_69 = arith.constant 38 : i32
    %dma_start3A_70 = arith.constant 0 : i32
    %dma_start3A_71 = tpu.memref_slice %arg8[%dma_start3A_69, %dma_start3A_70] : memref<40x64xi32, #tpu.memory_space<vmem>> -> memref<1x64xi32, #tpu.memory_space<vmem>>
    %dma_start3A_72 = tpu.memref_squeeze %dma_start3A_71 : memref<1x64xi32, #tpu.memory_space<vmem>> -> memref<64xi32, #tpu.memory_space<vmem>>
    %dma_start3A_73 = arith.constant 0 : i32
    %dma_start3A_74 = arith.constant 0 : i32
    %dma_start3A_75 = tpu.memref_slice %arg21[%dma_start3A_73, %dma_start3A_74] : memref<10240x128xf32, #tpu.memory_space<vmem_shared>> -> memref<10240x128xf32, #tpu.memory_space<vmem_shared>>
    tpu.enqueue_indirect_dma source(%arg11 : memref<64x128xf32, #tpu.memory_space<vmem>>) target(%dma_start3A_75 : memref<10240x128xf32, #tpu.memory_space<vmem_shared>>) offsets(%dma_start3A_72 : memref<64xi32, #tpu.memory_space<vmem>>) semaphore(%arg19 : memref<!tpu.dma_semaphore, #tpu.memory_space<semaphore_mem>>) {add = true}
    %dma_wait3A_76 = arith.constant 0 : i32
    %dma_wait3A_77 = arith.constant 0 : i32
    %dma_wait3A_78 = tpu.memref_slice %arg7[%dma_wait3A_76, %dma_wait3A_77] : memref<40x64xi32, #tpu.memory_space<vmem>> -> memref<1x64xi32, #tpu.memory_space<vmem>>
    %dma_wait3A_79 = tpu.memref_squeeze %dma_wait3A_78 : memref<1x64xi32, #tpu.memory_space<vmem>> -> memref<64xi32, #tpu.memory_space<vmem>>
    %dma_wait3A_80 = arith.constant 0 : i32
    %dma_wait3A_81 = arith.constant 0 : i32
    %dma_wait3A_82 = tpu.memref_slice %arg2[%dma_wait3A_80, %dma_wait3A_81] : memref<10240x128xf32, #tpu.memory_space<hbm>> -> memref<10240x128xf32, #tpu.memory_space<hbm>>
    tpu.wait_indirect_dma semaphore(%arg16 : memref<!tpu.dma_semaphore, #tpu.memory_space<semaphore_mem>>) src(%dma_wait3A_82 : memref<10240x128xf32, #tpu.memory_space<hbm>>) dst(%arg12 : memref<64x128xf32, #tpu.memory_space<vmem>>)
    %dma_start3A_83 = arith.constant 39 : i32
    %dma_start3A_84 = arith.constant 0 : i32
    %dma_start3A_85 = tpu.memref_slice %arg8[%dma_start3A_83, %dma_start3A_84] : memref<40x64xi32, #tpu.memory_space<vmem>> -> memref<1x64xi32, #tpu.memory_space<vmem>>
    %dma_start3A_86 = tpu.memref_squeeze %dma_start3A_85 : memref<1x64xi32, #tpu.memory_space<vmem>> -> memref<64xi32, #tpu.memory_space<vmem>>
    %dma_start3A_87 = arith.constant 0 : i32
    %dma_start3A_88 = arith.constant 0 : i32
    %dma_start3A_89 = tpu.memref_slice %arg21[%dma_start3A_87, %dma_start3A_88] : memref<10240x128xf32, #tpu.memory_space<vmem_shared>> -> memref<10240x128xf32, #tpu.memory_space<vmem_shared>>
    tpu.enqueue_indirect_dma source(%arg12 : memref<64x128xf32, #tpu.memory_space<vmem>>) target(%dma_start3A_89 : memref<10240x128xf32, #tpu.memory_space<vmem_shared>>) offsets(%dma_start3A_86 : memref<64xi32, #tpu.memory_space<vmem>>) semaphore(%arg20 : memref<!tpu.dma_semaphore, #tpu.memory_space<semaphore_mem>>) {add = true}
    %dma_wait3A_90 = arith.constant 0 : i32
    %dma_wait3A_91 = arith.constant 0 : i32
    %dma_wait3A_92 = tpu.memref_slice %arg8[%dma_wait3A_90, %dma_wait3A_91] : memref<40x64xi32, #tpu.memory_space<vmem>> -> memref<1x64xi32, #tpu.memory_space<vmem>>
    %dma_wait3A_93 = tpu.memref_squeeze %dma_wait3A_92 : memref<1x64xi32, #tpu.memory_space<vmem>> -> memref<64xi32, #tpu.memory_space<vmem>>
    %dma_wait3A_94 = arith.constant 0 : i32
    %dma_wait3A_95 = arith.constant 0 : i32
    %dma_wait3A_96 = tpu.memref_slice %arg21[%dma_wait3A_94, %dma_wait3A_95] : memref<10240x128xf32, #tpu.memory_space<vmem_shared>> -> memref<10240x128xf32, #tpu.memory_space<vmem_shared>>
    tpu.wait_indirect_dma semaphore(%arg17 : memref<!tpu.dma_semaphore, #tpu.memory_space<semaphore_mem>>) src(%arg9 : memref<64x128xf32, #tpu.memory_space<vmem>>) dst(%dma_wait3A_96 : memref<10240x128xf32, #tpu.memory_space<vmem_shared>>)
    %dma_wait3A_97 = arith.constant 0 : i32
    %dma_wait3A_98 = arith.constant 0 : i32
    %dma_wait3A_99 = tpu.memref_slice %arg8[%dma_wait3A_97, %dma_wait3A_98] : memref<40x64xi32, #tpu.memory_space<vmem>> -> memref<1x64xi32, #tpu.memory_space<vmem>>
    %dma_wait3A_100 = tpu.memref_squeeze %dma_wait3A_99 : memref<1x64xi32, #tpu.memory_space<vmem>> -> memref<64xi32, #tpu.memory_space<vmem>>
    %dma_wait3A_101 = arith.constant 0 : i32
    %dma_wait3A_102 = arith.constant 0 : i32
    %dma_wait3A_103 = tpu.memref_slice %arg21[%dma_wait3A_101, %dma_wait3A_102] : memref<10240x128xf32, #tpu.memory_space<vmem_shared>> -> memref<10240x128xf32, #tpu.memory_space<vmem_shared>>
    tpu.wait_indirect_dma semaphore(%arg18 : memref<!tpu.dma_semaphore, #tpu.memory_space<semaphore_mem>>) src(%arg10 : memref<64x128xf32, #tpu.memory_space<vmem>>) dst(%dma_wait3A_103 : memref<10240x128xf32, #tpu.memory_space<vmem_shared>>)
    %dma_wait3A_104 = arith.constant 0 : i32
    %dma_wait3A_105 = arith.constant 0 : i32
    %dma_wait3A_106 = tpu.memref_slice %arg8[%dma_wait3A_104, %dma_wait3A_105] : memref<40x64xi32, #tpu.memory_space<vmem>> -> memref<1x64xi32, #tpu.memory_space<vmem>>
    %dma_wait3A_107 = tpu.memref_squeeze %dma_wait3A_106 : memref<1x64xi32, #tpu.memory_space<vmem>> -> memref<64xi32, #tpu.memory_space<vmem>>
    %dma_wait3A_108 = arith.constant 0 : i32
    %dma_wait3A_109 = arith.constant 0 : i32
    %dma_wait3A_110 = tpu.memref_slice %arg21[%dma_wait3A_108, %dma_wait3A_109] : memref<10240x128xf32, #tpu.memory_space<vmem_shared>> -> memref<10240x128xf32, #tpu.memory_space<vmem_shared>>
    tpu.wait_indirect_dma semaphore(%arg19 : memref<!tpu.dma_semaphore, #tpu.memory_space<semaphore_mem>>) src(%arg11 : memref<64x128xf32, #tpu.memory_space<vmem>>) dst(%dma_wait3A_110 : memref<10240x128xf32, #tpu.memory_space<vmem_shared>>)
    %dma_wait3A_111 = arith.constant 0 : i32
    %dma_wait3A_112 = arith.constant 0 : i32
    %dma_wait3A_113 = tpu.memref_slice %arg8[%dma_wait3A_111, %dma_wait3A_112] : memref<40x64xi32, #tpu.memory_space<vmem>> -> memref<1x64xi32, #tpu.memory_space<vmem>>
    %dma_wait3A_114 = tpu.memref_squeeze %dma_wait3A_113 : memref<1x64xi32, #tpu.memory_space<vmem>> -> memref<64xi32, #tpu.memory_space<vmem>>
    %dma_wait3A_115 = arith.constant 0 : i32
    %dma_wait3A_116 = arith.constant 0 : i32
    %dma_wait3A_117 = tpu.memref_slice %arg21[%dma_wait3A_115, %dma_wait3A_116] : memref<10240x128xf32, #tpu.memory_space<vmem_shared>> -> memref<10240x128xf32, #tpu.memory_space<vmem_shared>>
    tpu.wait_indirect_dma semaphore(%arg20 : memref<!tpu.dma_semaphore, #tpu.memory_space<semaphore_mem>>) src(%arg12 : memref<64x128xf32, #tpu.memory_space<vmem>>) dst(%dma_wait3A_117 : memref<10240x128xf32, #tpu.memory_space<vmem_shared>>)
    "tpu.region"() ({
      %run_scoped3A = tpu.sem_alloc : memref<!tpu.dma_semaphore, #tpu.memory_space<semaphore_mem>>
      %dma_start3A_477 = arith.constant 40 : i32
      %dma_start3A_478 = arith.constant 0 : i32
      %dma_start3A_479 = tpu.memref_slice %arg3[%add3A, %dma_start3A_477, %dma_start3A_478] : memref<32x160x64xi32, #tpu.memory_space<hbm>> -> memref<1x40x64xi32, #tpu.memory_space<hbm>>
      %dma_start3A_480 = tpu.memref_squeeze %dma_start3A_479 : memref<1x40x64xi32, #tpu.memory_space<hbm>> -> memref<40x64xi32, #tpu.memory_space<hbm>>
      %dma_start3A_481 = arith.constant 40 : i32
      %dma_start3A_482 = arith.constant 0 : i32
      %dma_start3A_483 = tpu.memref_slice %arg3[%add3A, %dma_start3A_481, %dma_start3A_482] : memref<32x160x64xi32, #tpu.memory_space<hbm>> -> memref<1x40x64xi32, #tpu.memory_space<hbm>>
      %dma_start3A_484 = tpu.memref_squeeze %dma_start3A_483 : memref<1x40x64xi32, #tpu.memory_space<hbm>> -> memref<40x64xi32, #tpu.memory_space<hbm>>
      tpu.enqueue_dma source(%dma_start3A_484 : memref<40x64xi32, #tpu.memory_space<hbm>>) target(%arg7 : memref<40x64xi32, #tpu.memory_space<vmem>>) target_semaphore(%run_scoped3A : memref<!tpu.dma_semaphore, #tpu.memory_space<semaphore_mem>>)
      %dma_wait3A_485 = arith.constant 40 : i32
      %dma_wait3A_486 = arith.constant 0 : i32
      %dma_wait3A_487 = tpu.memref_slice %arg3[%add3A, %dma_wait3A_485, %dma_wait3A_486] : memref<32x160x64xi32, #tpu.memory_space<hbm>> -> memref<1x40x64xi32, #tpu.memory_space<hbm>>
      %dma_wait3A_488 = tpu.memref_squeeze %dma_wait3A_487 : memref<1x40x64xi32, #tpu.memory_space<hbm>> -> memref<40x64xi32, #tpu.memory_space<hbm>>
      %dma_wait3A_489 = arith.constant 40 : i32
      %dma_wait3A_490 = arith.constant 0 : i32
      %dma_wait3A_491 = tpu.memref_slice %arg3[%add3A, %dma_wait3A_489, %dma_wait3A_490] : memref<32x160x64xi32, #tpu.memory_space<hbm>> -> memref<1x40x64xi32, #tpu.memory_space<hbm>>
      %dma_wait3A_492 = tpu.memref_squeeze %dma_wait3A_491 : memref<1x40x64xi32, #tpu.memory_space<hbm>> -> memref<40x64xi32, #tpu.memory_space<hbm>>
      tpu.wait_dma2 semaphore(%run_scoped3A : memref<!tpu.dma_semaphore, #tpu.memory_space<semaphore_mem>>) src(%dma_wait3A_492 : memref<40x64xi32, #tpu.memory_space<hbm>>) dst(%arg7 : memref<40x64xi32, #tpu.memory_space<vmem>>)
      tpu.yield
    }) : () -> ()
    "tpu.region"() ({
      %run_scoped3A = tpu.sem_alloc : memref<!tpu.dma_semaphore, #tpu.memory_space<semaphore_mem>>
      %dma_start3A_477 = arith.constant 40 : i32
      %dma_start3A_478 = arith.constant 0 : i32
      %dma_start3A_479 = tpu.memref_slice %arg4[%add3A, %dma_start3A_477, %dma_start3A_478] : memref<32x160x64xi32, #tpu.memory_space<hbm>> -> memref<1x40x64xi32, #tpu.memory_space<hbm>>
      %dma_start3A_480 = tpu.memref_squeeze %dma_start3A_479 : memref<1x40x64xi32, #tpu.memory_space<hbm>> -> memref<40x64xi32, #tpu.memory_space<hbm>>
      %dma_start3A_481 = arith.constant 40 : i32
      %dma_start3A_482 = arith.constant 0 : i32
      %dma_start3A_483 = tpu.memref_slice %arg4[%add3A, %dma_start3A_481, %dma_start3A_482] : memref<32x160x64xi32, #tpu.memory_space<hbm>> -> memref<1x40x64xi32, #tpu.memory_space<hbm>>
      %dma_start3A_484 = tpu.memref_squeeze %dma_start3A_483 : memref<1x40x64xi32, #tpu.memory_space<hbm>> -> memref<40x64xi32, #tpu.memory_space<hbm>>
      tpu.enqueue_dma source(%dma_start3A_484 : memref<40x64xi32, #tpu.memory_space<hbm>>) target(%arg8 : memref<40x64xi32, #tpu.memory_space<vmem>>) target_semaphore(%run_scoped3A : memref<!tpu.dma_semaphore, #tpu.memory_space<semaphore_mem>>)
      %dma_wait3A_485 = arith.constant 40 : i32
      %dma_wait3A_486 = arith.constant 0 : i32
      %dma_wait3A_487 = tpu.memref_slice %arg4[%add3A, %dma_wait3A_485, %dma_wait3A_486] : memref<32x160x64xi32, #tpu.memory_space<hbm>> -> memref<1x40x64xi32, #tpu.memory_space<hbm>>
      %dma_wait3A_488 = tpu.memref_squeeze %dma_wait3A_487 : memref<1x40x64xi32, #tpu.memory_space<hbm>> -> memref<40x64xi32, #tpu.memory_space<hbm>>
      %dma_wait3A_489 = arith.constant 40 : i32
      %dma_wait3A_490 = arith.constant 0 : i32
      %dma_wait3A_491 = tpu.memref_slice %arg4[%add3A, %dma_wait3A_489, %dma_wait3A_490] : memref<32x160x64xi32, #tpu.memory_space<hbm>> -> memref<1x40x64xi32, #tpu.memory_space<hbm>>
      %dma_wait3A_492 = tpu.memref_squeeze %dma_wait3A_491 : memref<1x40x64xi32, #tpu.memory_space<hbm>> -> memref<40x64xi32, #tpu.memory_space<hbm>>
      tpu.wait_dma2 semaphore(%run_scoped3A : memref<!tpu.dma_semaphore, #tpu.memory_space<semaphore_mem>>) src(%dma_wait3A_492 : memref<40x64xi32, #tpu.memory_space<hbm>>) dst(%arg8 : memref<40x64xi32, #tpu.memory_space<vmem>>)
      tpu.yield
    }) : () -> ()
    %dma_start3A_118 = arith.constant 0 : i32
    %dma_start3A_119 = arith.constant 0 : i32
    %dma_start3A_120 = tpu.memref_slice %arg7[%dma_start3A_118, %dma_start3A_119] : memref<40x64xi32, #tpu.memory_space<vmem>> -> memref<1x64xi32, #tpu.memory_space<vmem>>
    %dma_start3A_121 = tpu.memref_squeeze %dma_start3A_120 : memref<1x64xi32, #tpu.memory_space<vmem>> -> memref<64xi32, #tpu.memory_space<vmem>>
    %dma_start3A_122 = arith.constant 0 : i32
    %dma_start3A_123 = arith.constant 0 : i32
    %dma_start3A_124 = tpu.memref_slice %arg2[%dma_start3A_122, %dma_start3A_123] : memref<10240x128xf32, #tpu.memory_space<hbm>> -> memref<10240x128xf32, #tpu.memory_space<hbm>>
    tpu.enqueue_indirect_dma source(%dma_start3A_124 : memref<10240x128xf32, #tpu.memory_space<hbm>>) target(%arg9 : memref<64x128xf32, #tpu.memory_space<vmem>>) offsets(%dma_start3A_121 : memref<64xi32, #tpu.memory_space<vmem>>) semaphore(%arg13 : memref<!tpu.dma_semaphore, #tpu.memory_space<semaphore_mem>>)
    %dma_start3A_125 = arith.constant 1 : i32
    %dma_start3A_126 = arith.constant 0 : i32
    %dma_start3A_127 = tpu.memref_slice %arg7[%dma_start3A_125, %dma_start3A_126] : memref<40x64xi32, #tpu.memory_space<vmem>> -> memref<1x64xi32, #tpu.memory_space<vmem>>
    %dma_start3A_128 = tpu.memref_squeeze %dma_start3A_127 : memref<1x64xi32, #tpu.memory_space<vmem>> -> memref<64xi32, #tpu.memory_space<vmem>>
    %dma_start3A_129 = arith.constant 0 : i32
    %dma_start3A_130 = arith.constant 0 : i32
    %dma_start3A_131 = tpu.memref_slice %arg2[%dma_start3A_129, %dma_start3A_130] : memref<10240x128xf32, #tpu.memory_space<hbm>> -> memref<10240x128xf32, #tpu.memory_space<hbm>>
    tpu.enqueue_indirect_dma source(%dma_start3A_131 : memref<10240x128xf32, #tpu.memory_space<hbm>>) target(%arg10 : memref<64x128xf32, #tpu.memory_space<vmem>>) offsets(%dma_start3A_128 : memref<64xi32, #tpu.memory_space<vmem>>) semaphore(%arg14 : memref<!tpu.dma_semaphore, #tpu.memory_space<semaphore_mem>>)
    %dma_start3A_132 = arith.constant 2 : i32
    %dma_start3A_133 = arith.constant 0 : i32
    %dma_start3A_134 = tpu.memref_slice %arg7[%dma_start3A_132, %dma_start3A_133] : memref<40x64xi32, #tpu.memory_space<vmem>> -> memref<1x64xi32, #tpu.memory_space<vmem>>
    %dma_start3A_135 = tpu.memref_squeeze %dma_start3A_134 : memref<1x64xi32, #tpu.memory_space<vmem>> -> memref<64xi32, #tpu.memory_space<vmem>>
    %dma_start3A_136 = arith.constant 0 : i32
    %dma_start3A_137 = arith.constant 0 : i32
    %dma_start3A_138 = tpu.memref_slice %arg2[%dma_start3A_136, %dma_start3A_137] : memref<10240x128xf32, #tpu.memory_space<hbm>> -> memref<10240x128xf32, #tpu.memory_space<hbm>>
    tpu.enqueue_indirect_dma source(%dma_start3A_138 : memref<10240x128xf32, #tpu.memory_space<hbm>>) target(%arg11 : memref<64x128xf32, #tpu.memory_space<vmem>>) offsets(%dma_start3A_135 : memref<64xi32, #tpu.memory_space<vmem>>) semaphore(%arg15 : memref<!tpu.dma_semaphore, #tpu.memory_space<semaphore_mem>>)
    %dma_start3A_139 = arith.constant 3 : i32
    %dma_start3A_140 = arith.constant 0 : i32
    %dma_start3A_141 = tpu.memref_slice %arg7[%dma_start3A_139, %dma_start3A_140] : memref<40x64xi32, #tpu.memory_space<vmem>> -> memref<1x64xi32, #tpu.memory_space<vmem>>
    %dma_start3A_142 = tpu.memref_squeeze %dma_start3A_141 : memref<1x64xi32, #tpu.memory_space<vmem>> -> memref<64xi32, #tpu.memory_space<vmem>>
    %dma_start3A_143 = arith.constant 0 : i32
    %dma_start3A_144 = arith.constant 0 : i32
    %dma_start3A_145 = tpu.memref_slice %arg2[%dma_start3A_143, %dma_start3A_144] : memref<10240x128xf32, #tpu.memory_space<hbm>> -> memref<10240x128xf32, #tpu.memory_space<hbm>>
    tpu.enqueue_indirect_dma source(%dma_start3A_145 : memref<10240x128xf32, #tpu.memory_space<hbm>>) target(%arg12 : memref<64x128xf32, #tpu.memory_space<vmem>>) offsets(%dma_start3A_142 : memref<64xi32, #tpu.memory_space<vmem>>) semaphore(%arg16 : memref<!tpu.dma_semaphore, #tpu.memory_space<semaphore_mem>>)
    %scan3A_146 = arith.constant 0 : i32
    %scan3A_147 = arith.constant 0 : i32
    %scan3A_148 = arith.constant 9 : i32
    %scan3A_149 = arith.addi %scan3A_147, %scan3A_148 : i32
    %scan3A_150 = arith.constant 1 : i32
    scf.for %scan3A_477 = %scan3A_147 to %scan3A_149 step %scan3A_150  : i32 {
      %mul3A_478 = arith.constant 4 : i32
      %mul3A_479 = arith.muli %mul3A_478, %scan3A_477 : i32
      %add3A_480 = arith.constant 0 : i32
      %add3A_481 = arith.addi %mul3A_479, %add3A_480 : i32
      %dma_wait3A_482 = arith.constant 0 : i32
      %dma_wait3A_483 = arith.constant 0 : i32
      %dma_wait3A_484 = tpu.memref_slice %arg7[%dma_wait3A_482, %dma_wait3A_483] : memref<40x64xi32, #tpu.memory_space<vmem>> -> memref<1x64xi32, #tpu.memory_space<vmem>>
      %dma_wait3A_485 = tpu.memref_squeeze %dma_wait3A_484 : memref<1x64xi32, #tpu.memory_space<vmem>> -> memref<64xi32, #tpu.memory_space<vmem>>
      %dma_wait3A_486 = arith.constant 0 : i32
      %dma_wait3A_487 = arith.constant 0 : i32
      %dma_wait3A_488 = tpu.memref_slice %arg2[%dma_wait3A_486, %dma_wait3A_487] : memref<10240x128xf32, #tpu.memory_space<hbm>> -> memref<10240x128xf32, #tpu.memory_space<hbm>>
      tpu.wait_indirect_dma semaphore(%arg13 : memref<!tpu.dma_semaphore, #tpu.memory_space<semaphore_mem>>) src(%dma_wait3A_488 : memref<10240x128xf32, #tpu.memory_space<hbm>>) dst(%arg9 : memref<64x128xf32, #tpu.memory_space<vmem>>)
      %dma_start3A_489 = arith.constant 0 : i32
      %dma_start3A_490 = tpu.memref_slice %arg8[%add3A_481, %dma_start3A_489] : memref<40x64xi32, #tpu.memory_space<vmem>> -> memref<1x64xi32, #tpu.memory_space<vmem>>
      %dma_start3A_491 = tpu.memref_squeeze %dma_start3A_490 : memref<1x64xi32, #tpu.memory_space<vmem>> -> memref<64xi32, #tpu.memory_space<vmem>>
      %dma_start3A_492 = arith.constant 0 : i32
      %dma_start3A_493 = arith.constant 0 : i32
      %dma_start3A_494 = tpu.memref_slice %arg21[%dma_start3A_492, %dma_start3A_493] : memref<10240x128xf32, #tpu.memory_space<vmem_shared>> -> memref<10240x128xf32, #tpu.memory_space<vmem_shared>>
      tpu.enqueue_indirect_dma source(%arg9 : memref<64x128xf32, #tpu.memory_space<vmem>>) target(%dma_start3A_494 : memref<10240x128xf32, #tpu.memory_space<vmem_shared>>) offsets(%dma_start3A_491 : memref<64xi32, #tpu.memory_space<vmem>>) semaphore(%arg17 : memref<!tpu.dma_semaphore, #tpu.memory_space<semaphore_mem>>) {add = true}
      %mul3A_495 = arith.constant 4 : i32
      %mul3A_496 = arith.muli %mul3A_495, %scan3A_477 : i32
      %add3A_497 = arith.constant 1 : i32
      %add3A_498 = arith.addi %mul3A_496, %add3A_497 : i32
      %dma_wait3A_499 = arith.constant 0 : i32
      %dma_wait3A_500 = arith.constant 0 : i32
      %dma_wait3A_501 = tpu.memref_slice %arg7[%dma_wait3A_499, %dma_wait3A_500] : memref<40x64xi32, #tpu.memory_space<vmem>> -> memref<1x64xi32, #tpu.memory_space<vmem>>
      %dma_wait3A_502 = tpu.memref_squeeze %dma_wait3A_501 : memref<1x64xi32, #tpu.memory_space<vmem>> -> memref<64xi32, #tpu.memory_space<vmem>>
      %dma_wait3A_503 = arith.constant 0 : i32
      %dma_wait3A_504 = arith.constant 0 : i32
      %dma_wait3A_505 = tpu.memref_slice %arg2[%dma_wait3A_503, %dma_wait3A_504] : memref<10240x128xf32, #tpu.memory_space<hbm>> -> memref<10240x128xf32, #tpu.memory_space<hbm>>
      tpu.wait_indirect_dma semaphore(%arg14 : memref<!tpu.dma_semaphore, #tpu.memory_space<semaphore_mem>>) src(%dma_wait3A_505 : memref<10240x128xf32, #tpu.memory_space<hbm>>) dst(%arg10 : memref<64x128xf32, #tpu.memory_space<vmem>>)
      %dma_start3A_506 = arith.constant 0 : i32
      %dma_start3A_507 = tpu.memref_slice %arg8[%add3A_498, %dma_start3A_506] : memref<40x64xi32, #tpu.memory_space<vmem>> -> memref<1x64xi32, #tpu.memory_space<vmem>>
      %dma_start3A_508 = tpu.memref_squeeze %dma_start3A_507 : memref<1x64xi32, #tpu.memory_space<vmem>> -> memref<64xi32, #tpu.memory_space<vmem>>
      %dma_start3A_509 = arith.constant 0 : i32
      %dma_start3A_510 = arith.constant 0 : i32
      %dma_start3A_511 = tpu.memref_slice %arg21[%dma_start3A_509, %dma_start3A_510] : memref<10240x128xf32, #tpu.memory_space<vmem_shared>> -> memref<10240x128xf32, #tpu.memory_space<vmem_shared>>
      tpu.enqueue_indirect_dma source(%arg10 : memref<64x128xf32, #tpu.memory_space<vmem>>) target(%dma_start3A_511 : memref<10240x128xf32, #tpu.memory_space<vmem_shared>>) offsets(%dma_start3A_508 : memref<64xi32, #tpu.memory_space<vmem>>) semaphore(%arg18 : memref<!tpu.dma_semaphore, #tpu.memory_space<semaphore_mem>>) {add = true}
      %mul3A_512 = arith.constant 4 : i32
      %mul3A_513 = arith.muli %mul3A_512, %scan3A_477 : i32
      %add3A_514 = arith.constant 2 : i32
      %add3A_515 = arith.addi %mul3A_513, %add3A_514 : i32
      %dma_wait3A_516 = arith.constant 0 : i32
      %dma_wait3A_517 = arith.constant 0 : i32
      %dma_wait3A_518 = tpu.memref_slice %arg7[%dma_wait3A_516, %dma_wait3A_517] : memref<40x64xi32, #tpu.memory_space<vmem>> -> memref<1x64xi32, #tpu.memory_space<vmem>>
      %dma_wait3A_519 = tpu.memref_squeeze %dma_wait3A_518 : memref<1x64xi32, #tpu.memory_space<vmem>> -> memref<64xi32, #tpu.memory_space<vmem>>
      %dma_wait3A_520 = arith.constant 0 : i32
      %dma_wait3A_521 = arith.constant 0 : i32
      %dma_wait3A_522 = tpu.memref_slice %arg2[%dma_wait3A_520, %dma_wait3A_521] : memref<10240x128xf32, #tpu.memory_space<hbm>> -> memref<10240x128xf32, #tpu.memory_space<hbm>>
      tpu.wait_indirect_dma semaphore(%arg15 : memref<!tpu.dma_semaphore, #tpu.memory_space<semaphore_mem>>) src(%dma_wait3A_522 : memref<10240x128xf32, #tpu.memory_space<hbm>>) dst(%arg11 : memref<64x128xf32, #tpu.memory_space<vmem>>)
      %dma_start3A_523 = arith.constant 0 : i32
      %dma_start3A_524 = tpu.memref_slice %arg8[%add3A_515, %dma_start3A_523] : memref<40x64xi32, #tpu.memory_space<vmem>> -> memref<1x64xi32, #tpu.memory_space<vmem>>
      %dma_start3A_525 = tpu.memref_squeeze %dma_start3A_524 : memref<1x64xi32, #tpu.memory_space<vmem>> -> memref<64xi32, #tpu.memory_space<vmem>>
      %dma_start3A_526 = arith.constant 0 : i32
      %dma_start3A_527 = arith.constant 0 : i32
      %dma_start3A_528 = tpu.memref_slice %arg21[%dma_start3A_526, %dma_start3A_527] : memref<10240x128xf32, #tpu.memory_space<vmem_shared>> -> memref<10240x128xf32, #tpu.memory_space<vmem_shared>>
      tpu.enqueue_indirect_dma source(%arg11 : memref<64x128xf32, #tpu.memory_space<vmem>>) target(%dma_start3A_528 : memref<10240x128xf32, #tpu.memory_space<vmem_shared>>) offsets(%dma_start3A_525 : memref<64xi32, #tpu.memory_space<vmem>>) semaphore(%arg19 : memref<!tpu.dma_semaphore, #tpu.memory_space<semaphore_mem>>) {add = true}
      %mul3A_529 = arith.constant 4 : i32
      %mul3A_530 = arith.muli %mul3A_529, %scan3A_477 : i32
      %add3A_531 = arith.constant 3 : i32
      %add3A_532 = arith.addi %mul3A_530, %add3A_531 : i32
      %dma_wait3A_533 = arith.constant 0 : i32
      %dma_wait3A_534 = arith.constant 0 : i32
      %dma_wait3A_535 = tpu.memref_slice %arg7[%dma_wait3A_533, %dma_wait3A_534] : memref<40x64xi32, #tpu.memory_space<vmem>> -> memref<1x64xi32, #tpu.memory_space<vmem>>
      %dma_wait3A_536 = tpu.memref_squeeze %dma_wait3A_535 : memref<1x64xi32, #tpu.memory_space<vmem>> -> memref<64xi32, #tpu.memory_space<vmem>>
      %dma_wait3A_537 = arith.constant 0 : i32
      %dma_wait3A_538 = arith.constant 0 : i32
      %dma_wait3A_539 = tpu.memref_slice %arg2[%dma_wait3A_537, %dma_wait3A_538] : memref<10240x128xf32, #tpu.memory_space<hbm>> -> memref<10240x128xf32, #tpu.memory_space<hbm>>
      tpu.wait_indirect_dma semaphore(%arg16 : memref<!tpu.dma_semaphore, #tpu.memory_space<semaphore_mem>>) src(%dma_wait3A_539 : memref<10240x128xf32, #tpu.memory_space<hbm>>) dst(%arg12 : memref<64x128xf32, #tpu.memory_space<vmem>>)
      %dma_start3A_540 = arith.constant 0 : i32
      %dma_start3A_541 = tpu.memref_slice %arg8[%add3A_532, %dma_start3A_540] : memref<40x64xi32, #tpu.memory_space<vmem>> -> memref<1x64xi32, #tpu.memory_space<vmem>>
      %dma_start3A_542 = tpu.memref_squeeze %dma_start3A_541 : memref<1x64xi32, #tpu.memory_space<vmem>> -> memref<64xi32, #tpu.memory_space<vmem>>
      %dma_start3A_543 = arith.constant 0 : i32
      %dma_start3A_544 = arith.constant 0 : i32
      %dma_start3A_545 = tpu.memref_slice %arg21[%dma_start3A_543, %dma_start3A_544] : memref<10240x128xf32, #tpu.memory_space<vmem_shared>> -> memref<10240x128xf32, #tpu.memory_space<vmem_shared>>
      tpu.enqueue_indirect_dma source(%arg12 : memref<64x128xf32, #tpu.memory_space<vmem>>) target(%dma_start3A_545 : memref<10240x128xf32, #tpu.memory_space<vmem_shared>>) offsets(%dma_start3A_542 : memref<64xi32, #tpu.memory_space<vmem>>) semaphore(%arg20 : memref<!tpu.dma_semaphore, #tpu.memory_space<semaphore_mem>>) {add = true}
      %mul3A_546 = arith.constant 4 : i32
      %mul3A_547 = arith.muli %mul3A_546, %scan3A_477 : i32
      %add3A_548 = arith.constant 0 : i32
      %add3A_549 = arith.addi %mul3A_547, %add3A_548 : i32
      %add3A_550 = arith.constant 4 : i32
      %add3A_551 = arith.addi %add3A_549, %add3A_550 : i32
      %dma_wait3A_552 = arith.constant 0 : i32
      %dma_wait3A_553 = arith.constant 0 : i32
      %dma_wait3A_554 = tpu.memref_slice %arg8[%dma_wait3A_552, %dma_wait3A_553] : memref<40x64xi32, #tpu.memory_space<vmem>> -> memref<1x64xi32, #tpu.memory_space<vmem>>
      %dma_wait3A_555 = tpu.memref_squeeze %dma_wait3A_554 : memref<1x64xi32, #tpu.memory_space<vmem>> -> memref<64xi32, #tpu.memory_space<vmem>>
      %dma_wait3A_556 = arith.constant 0 : i32
      %dma_wait3A_557 = arith.constant 0 : i32
      %dma_wait3A_558 = tpu.memref_slice %arg21[%dma_wait3A_556, %dma_wait3A_557] : memref<10240x128xf32, #tpu.memory_space<vmem_shared>> -> memref<10240x128xf32, #tpu.memory_space<vmem_shared>>
      tpu.wait_indirect_dma semaphore(%arg17 : memref<!tpu.dma_semaphore, #tpu.memory_space<semaphore_mem>>) src(%arg9 : memref<64x128xf32, #tpu.memory_space<vmem>>) dst(%dma_wait3A_558 : memref<10240x128xf32, #tpu.memory_space<vmem_shared>>)
      %dma_start3A_559 = arith.constant 0 : i32
      %dma_start3A_560 = tpu.memref_slice %arg7[%add3A_551, %dma_start3A_559] : memref<40x64xi32, #tpu.memory_space<vmem>> -> memref<1x64xi32, #tpu.memory_space<vmem>>
      %dma_start3A_561 = tpu.memref_squeeze %dma_start3A_560 : memref<1x64xi32, #tpu.memory_space<vmem>> -> memref<64xi32, #tpu.memory_space<vmem>>
      %dma_start3A_562 = arith.constant 0 : i32
      %dma_start3A_563 = arith.constant 0 : i32
      %dma_start3A_564 = tpu.memref_slice %arg2[%dma_start3A_562, %dma_start3A_563] : memref<10240x128xf32, #tpu.memory_space<hbm>> -> memref<10240x128xf32, #tpu.memory_space<hbm>>
      tpu.enqueue_indirect_dma source(%dma_start3A_564 : memref<10240x128xf32, #tpu.memory_space<hbm>>) target(%arg9 : memref<64x128xf32, #tpu.memory_space<vmem>>) offsets(%dma_start3A_561 : memref<64xi32, #tpu.memory_space<vmem>>) semaphore(%arg13 : memref<!tpu.dma_semaphore, #tpu.memory_space<semaphore_mem>>)
      %mul3A_565 = arith.constant 4 : i32
      %mul3A_566 = arith.muli %mul3A_565, %scan3A_477 : i32
      %add3A_567 = arith.constant 1 : i32
      %add3A_568 = arith.addi %mul3A_566, %add3A_567 : i32
      %add3A_569 = arith.constant 4 : i32
      %add3A_570 = arith.addi %add3A_568, %add3A_569 : i32
      %dma_wait3A_571 = arith.constant 0 : i32
      %dma_wait3A_572 = arith.constant 0 : i32
      %dma_wait3A_573 = tpu.memref_slice %arg8[%dma_wait3A_571, %dma_wait3A_572] : memref<40x64xi32, #tpu.memory_space<vmem>> -> memref<1x64xi32, #tpu.memory_space<vmem>>
      %dma_wait3A_574 = tpu.memref_squeeze %dma_wait3A_573 : memref<1x64xi32, #tpu.memory_space<vmem>> -> memref<64xi32, #tpu.memory_space<vmem>>
      %dma_wait3A_575 = arith.constant 0 : i32
      %dma_wait3A_576 = arith.constant 0 : i32
      %dma_wait3A_577 = tpu.memref_slice %arg21[%dma_wait3A_575, %dma_wait3A_576] : memref<10240x128xf32, #tpu.memory_space<vmem_shared>> -> memref<10240x128xf32, #tpu.memory_space<vmem_shared>>
      tpu.wait_indirect_dma semaphore(%arg18 : memref<!tpu.dma_semaphore, #tpu.memory_space<semaphore_mem>>) src(%arg10 : memref<64x128xf32, #tpu.memory_space<vmem>>) dst(%dma_wait3A_577 : memref<10240x128xf32, #tpu.memory_space<vmem_shared>>)
      %dma_start3A_578 = arith.constant 0 : i32
      %dma_start3A_579 = tpu.memref_slice %arg7[%add3A_570, %dma_start3A_578] : memref<40x64xi32, #tpu.memory_space<vmem>> -> memref<1x64xi32, #tpu.memory_space<vmem>>
      %dma_start3A_580 = tpu.memref_squeeze %dma_start3A_579 : memref<1x64xi32, #tpu.memory_space<vmem>> -> memref<64xi32, #tpu.memory_space<vmem>>
      %dma_start3A_581 = arith.constant 0 : i32
      %dma_start3A_582 = arith.constant 0 : i32
      %dma_start3A_583 = tpu.memref_slice %arg2[%dma_start3A_581, %dma_start3A_582] : memref<10240x128xf32, #tpu.memory_space<hbm>> -> memref<10240x128xf32, #tpu.memory_space<hbm>>
      tpu.enqueue_indirect_dma source(%dma_start3A_583 : memref<10240x128xf32, #tpu.memory_space<hbm>>) target(%arg10 : memref<64x128xf32, #tpu.memory_space<vmem>>) offsets(%dma_start3A_580 : memref<64xi32, #tpu.memory_space<vmem>>) semaphore(%arg14 : memref<!tpu.dma_semaphore, #tpu.memory_space<semaphore_mem>>)
      %mul3A_584 = arith.constant 4 : i32
      %mul3A_585 = arith.muli %mul3A_584, %scan3A_477 : i32
      %add3A_586 = arith.constant 2 : i32
      %add3A_587 = arith.addi %mul3A_585, %add3A_586 : i32
      %add3A_588 = arith.constant 4 : i32
      %add3A_589 = arith.addi %add3A_587, %add3A_588 : i32
      %dma_wait3A_590 = arith.constant 0 : i32
      %dma_wait3A_591 = arith.constant 0 : i32
      %dma_wait3A_592 = tpu.memref_slice %arg8[%dma_wait3A_590, %dma_wait3A_591] : memref<40x64xi32, #tpu.memory_space<vmem>> -> memref<1x64xi32, #tpu.memory_space<vmem>>
      %dma_wait3A_593 = tpu.memref_squeeze %dma_wait3A_592 : memref<1x64xi32, #tpu.memory_space<vmem>> -> memref<64xi32, #tpu.memory_space<vmem>>
      %dma_wait3A_594 = arith.constant 0 : i32
      %dma_wait3A_595 = arith.constant 0 : i32
      %dma_wait3A_596 = tpu.memref_slice %arg21[%dma_wait3A_594, %dma_wait3A_595] : memref<10240x128xf32, #tpu.memory_space<vmem_shared>> -> memref<10240x128xf32, #tpu.memory_space<vmem_shared>>
      tpu.wait_indirect_dma semaphore(%arg19 : memref<!tpu.dma_semaphore, #tpu.memory_space<semaphore_mem>>) src(%arg11 : memref<64x128xf32, #tpu.memory_space<vmem>>) dst(%dma_wait3A_596 : memref<10240x128xf32, #tpu.memory_space<vmem_shared>>)
      %dma_start3A_597 = arith.constant 0 : i32
      %dma_start3A_598 = tpu.memref_slice %arg7[%add3A_589, %dma_start3A_597] : memref<40x64xi32, #tpu.memory_space<vmem>> -> memref<1x64xi32, #tpu.memory_space<vmem>>
      %dma_start3A_599 = tpu.memref_squeeze %dma_start3A_598 : memref<1x64xi32, #tpu.memory_space<vmem>> -> memref<64xi32, #tpu.memory_space<vmem>>
      %dma_start3A_600 = arith.constant 0 : i32
      %dma_start3A_601 = arith.constant 0 : i32
      %dma_start3A_602 = tpu.memref_slice %arg2[%dma_start3A_600, %dma_start3A_601] : memref<10240x128xf32, #tpu.memory_space<hbm>> -> memref<10240x128xf32, #tpu.memory_space<hbm>>
      tpu.enqueue_indirect_dma source(%dma_start3A_602 : memref<10240x128xf32, #tpu.memory_space<hbm>>) target(%arg11 : memref<64x128xf32, #tpu.memory_space<vmem>>) offsets(%dma_start3A_599 : memref<64xi32, #tpu.memory_space<vmem>>) semaphore(%arg15 : memref<!tpu.dma_semaphore, #tpu.memory_space<semaphore_mem>>)
      %mul3A_603 = arith.constant 4 : i32
      %mul3A_604 = arith.muli %mul3A_603, %scan3A_477 : i32
      %add3A_605 = arith.constant 3 : i32
      %add3A_606 = arith.addi %mul3A_604, %add3A_605 : i32
      %add3A_607 = arith.constant 4 : i32
      %add3A_608 = arith.addi %add3A_606, %add3A_607 : i32
      %dma_wait3A_609 = arith.constant 0 : i32
      %dma_wait3A_610 = arith.constant 0 : i32
      %dma_wait3A_611 = tpu.memref_slice %arg8[%dma_wait3A_609, %dma_wait3A_610] : memref<40x64xi32, #tpu.memory_space<vmem>> -> memref<1x64xi32, #tpu.memory_space<vmem>>
      %dma_wait3A_612 = tpu.memref_squeeze %dma_wait3A_611 : memref<1x64xi32, #tpu.memory_space<vmem>> -> memref<64xi32, #tpu.memory_space<vmem>>
      %dma_wait3A_613 = arith.constant 0 : i32
      %dma_wait3A_614 = arith.constant 0 : i32
      %dma_wait3A_615 = tpu.memref_slice %arg21[%dma_wait3A_613, %dma_wait3A_614] : memref<10240x128xf32, #tpu.memory_space<vmem_shared>> -> memref<10240x128xf32, #tpu.memory_space<vmem_shared>>
      tpu.wait_indirect_dma semaphore(%arg20 : memref<!tpu.dma_semaphore, #tpu.memory_space<semaphore_mem>>) src(%arg12 : memref<64x128xf32, #tpu.memory_space<vmem>>) dst(%dma_wait3A_615 : memref<10240x128xf32, #tpu.memory_space<vmem_shared>>)
      %dma_start3A_616 = arith.constant 0 : i32
      %dma_start3A_617 = tpu.memref_slice %arg7[%add3A_608, %dma_start3A_616] : memref<40x64xi32, #tpu.memory_space<vmem>> -> memref<1x64xi32, #tpu.memory_space<vmem>>
      %dma_start3A_618 = tpu.memref_squeeze %dma_start3A_617 : memref<1x64xi32, #tpu.memory_space<vmem>> -> memref<64xi32, #tpu.memory_space<vmem>>
      %dma_start3A_619 = arith.constant 0 : i32
      %dma_start3A_620 = arith.constant 0 : i32
      %dma_start3A_621 = tpu.memref_slice %arg2[%dma_start3A_619, %dma_start3A_620] : memref<10240x128xf32, #tpu.memory_space<hbm>> -> memref<10240x128xf32, #tpu.memory_space<hbm>>
      tpu.enqueue_indirect_dma source(%dma_start3A_621 : memref<10240x128xf32, #tpu.memory_space<hbm>>) target(%arg12 : memref<64x128xf32, #tpu.memory_space<vmem>>) offsets(%dma_start3A_618 : memref<64xi32, #tpu.memory_space<vmem>>) semaphore(%arg16 : memref<!tpu.dma_semaphore, #tpu.memory_space<semaphore_mem>>)
    }
    %scan3A_151 = arith.constant 9 : i32
    %dma_wait3A_152 = arith.constant 0 : i32
    %dma_wait3A_153 = arith.constant 0 : i32
    %dma_wait3A_154 = tpu.memref_slice %arg7[%dma_wait3A_152, %dma_wait3A_153] : memref<40x64xi32, #tpu.memory_space<vmem>> -> memref<1x64xi32, #tpu.memory_space<vmem>>
    %dma_wait3A_155 = tpu.memref_squeeze %dma_wait3A_154 : memref<1x64xi32, #tpu.memory_space<vmem>> -> memref<64xi32, #tpu.memory_space<vmem>>
    %dma_wait3A_156 = arith.constant 0 : i32
    %dma_wait3A_157 = arith.constant 0 : i32
    %dma_wait3A_158 = tpu.memref_slice %arg2[%dma_wait3A_156, %dma_wait3A_157] : memref<10240x128xf32, #tpu.memory_space<hbm>> -> memref<10240x128xf32, #tpu.memory_space<hbm>>
    tpu.wait_indirect_dma semaphore(%arg13 : memref<!tpu.dma_semaphore, #tpu.memory_space<semaphore_mem>>) src(%dma_wait3A_158 : memref<10240x128xf32, #tpu.memory_space<hbm>>) dst(%arg9 : memref<64x128xf32, #tpu.memory_space<vmem>>)
    %dma_start3A_159 = arith.constant 36 : i32
    %dma_start3A_160 = arith.constant 0 : i32
    %dma_start3A_161 = tpu.memref_slice %arg8[%dma_start3A_159, %dma_start3A_160] : memref<40x64xi32, #tpu.memory_space<vmem>> -> memref<1x64xi32, #tpu.memory_space<vmem>>
    %dma_start3A_162 = tpu.memref_squeeze %dma_start3A_161 : memref<1x64xi32, #tpu.memory_space<vmem>> -> memref<64xi32, #tpu.memory_space<vmem>>
    %dma_start3A_163 = arith.constant 0 : i32
    %dma_start3A_164 = arith.constant 0 : i32
    %dma_start3A_165 = tpu.memref_slice %arg21[%dma_start3A_163, %dma_start3A_164] : memref<10240x128xf32, #tpu.memory_space<vmem_shared>> -> memref<10240x128xf32, #tpu.memory_space<vmem_shared>>
    tpu.enqueue_indirect_dma source(%arg9 : memref<64x128xf32, #tpu.memory_space<vmem>>) target(%dma_start3A_165 : memref<10240x128xf32, #tpu.memory_space<vmem_shared>>) offsets(%dma_start3A_162 : memref<64xi32, #tpu.memory_space<vmem>>) semaphore(%arg17 : memref<!tpu.dma_semaphore, #tpu.memory_space<semaphore_mem>>) {add = true}
    %dma_wait3A_166 = arith.constant 0 : i32
    %dma_wait3A_167 = arith.constant 0 : i32
    %dma_wait3A_168 = tpu.memref_slice %arg7[%dma_wait3A_166, %dma_wait3A_167] : memref<40x64xi32, #tpu.memory_space<vmem>> -> memref<1x64xi32, #tpu.memory_space<vmem>>
    %dma_wait3A_169 = tpu.memref_squeeze %dma_wait3A_168 : memref<1x64xi32, #tpu.memory_space<vmem>> -> memref<64xi32, #tpu.memory_space<vmem>>
    %dma_wait3A_170 = arith.constant 0 : i32
    %dma_wait3A_171 = arith.constant 0 : i32
    %dma_wait3A_172 = tpu.memref_slice %arg2[%dma_wait3A_170, %dma_wait3A_171] : memref<10240x128xf32, #tpu.memory_space<hbm>> -> memref<10240x128xf32, #tpu.memory_space<hbm>>
    tpu.wait_indirect_dma semaphore(%arg14 : memref<!tpu.dma_semaphore, #tpu.memory_space<semaphore_mem>>) src(%dma_wait3A_172 : memref<10240x128xf32, #tpu.memory_space<hbm>>) dst(%arg10 : memref<64x128xf32, #tpu.memory_space<vmem>>)
    %dma_start3A_173 = arith.constant 37 : i32
    %dma_start3A_174 = arith.constant 0 : i32
    %dma_start3A_175 = tpu.memref_slice %arg8[%dma_start3A_173, %dma_start3A_174] : memref<40x64xi32, #tpu.memory_space<vmem>> -> memref<1x64xi32, #tpu.memory_space<vmem>>
    %dma_start3A_176 = tpu.memref_squeeze %dma_start3A_175 : memref<1x64xi32, #tpu.memory_space<vmem>> -> memref<64xi32, #tpu.memory_space<vmem>>
    %dma_start3A_177 = arith.constant 0 : i32
    %dma_start3A_178 = arith.constant 0 : i32
    %dma_start3A_179 = tpu.memref_slice %arg21[%dma_start3A_177, %dma_start3A_178] : memref<10240x128xf32, #tpu.memory_space<vmem_shared>> -> memref<10240x128xf32, #tpu.memory_space<vmem_shared>>
    tpu.enqueue_indirect_dma source(%arg10 : memref<64x128xf32, #tpu.memory_space<vmem>>) target(%dma_start3A_179 : memref<10240x128xf32, #tpu.memory_space<vmem_shared>>) offsets(%dma_start3A_176 : memref<64xi32, #tpu.memory_space<vmem>>) semaphore(%arg18 : memref<!tpu.dma_semaphore, #tpu.memory_space<semaphore_mem>>) {add = true}
    %dma_wait3A_180 = arith.constant 0 : i32
    %dma_wait3A_181 = arith.constant 0 : i32
    %dma_wait3A_182 = tpu.memref_slice %arg7[%dma_wait3A_180, %dma_wait3A_181] : memref<40x64xi32, #tpu.memory_space<vmem>> -> memref<1x64xi32, #tpu.memory_space<vmem>>
    %dma_wait3A_183 = tpu.memref_squeeze %dma_wait3A_182 : memref<1x64xi32, #tpu.memory_space<vmem>> -> memref<64xi32, #tpu.memory_space<vmem>>
    %dma_wait3A_184 = arith.constant 0 : i32
    %dma_wait3A_185 = arith.constant 0 : i32
    %dma_wait3A_186 = tpu.memref_slice %arg2[%dma_wait3A_184, %dma_wait3A_185] : memref<10240x128xf32, #tpu.memory_space<hbm>> -> memref<10240x128xf32, #tpu.memory_space<hbm>>
    tpu.wait_indirect_dma semaphore(%arg15 : memref<!tpu.dma_semaphore, #tpu.memory_space<semaphore_mem>>) src(%dma_wait3A_186 : memref<10240x128xf32, #tpu.memory_space<hbm>>) dst(%arg11 : memref<64x128xf32, #tpu.memory_space<vmem>>)
    %dma_start3A_187 = arith.constant 38 : i32
    %dma_start3A_188 = arith.constant 0 : i32
    %dma_start3A_189 = tpu.memref_slice %arg8[%dma_start3A_187, %dma_start3A_188] : memref<40x64xi32, #tpu.memory_space<vmem>> -> memref<1x64xi32, #tpu.memory_space<vmem>>
    %dma_start3A_190 = tpu.memref_squeeze %dma_start3A_189 : memref<1x64xi32, #tpu.memory_space<vmem>> -> memref<64xi32, #tpu.memory_space<vmem>>
    %dma_start3A_191 = arith.constant 0 : i32
    %dma_start3A_192 = arith.constant 0 : i32
    %dma_start3A_193 = tpu.memref_slice %arg21[%dma_start3A_191, %dma_start3A_192] : memref<10240x128xf32, #tpu.memory_space<vmem_shared>> -> memref<10240x128xf32, #tpu.memory_space<vmem_shared>>
    tpu.enqueue_indirect_dma source(%arg11 : memref<64x128xf32, #tpu.memory_space<vmem>>) target(%dma_start3A_193 : memref<10240x128xf32, #tpu.memory_space<vmem_shared>>) offsets(%dma_start3A_190 : memref<64xi32, #tpu.memory_space<vmem>>) semaphore(%arg19 : memref<!tpu.dma_semaphore, #tpu.memory_space<semaphore_mem>>) {add = true}
    %dma_wait3A_194 = arith.constant 0 : i32
    %dma_wait3A_195 = arith.constant 0 : i32
    %dma_wait3A_196 = tpu.memref_slice %arg7[%dma_wait3A_194, %dma_wait3A_195] : memref<40x64xi32, #tpu.memory_space<vmem>> -> memref<1x64xi32, #tpu.memory_space<vmem>>
    %dma_wait3A_197 = tpu.memref_squeeze %dma_wait3A_196 : memref<1x64xi32, #tpu.memory_space<vmem>> -> memref<64xi32, #tpu.memory_space<vmem>>
    %dma_wait3A_198 = arith.constant 0 : i32
    %dma_wait3A_199 = arith.constant 0 : i32
    %dma_wait3A_200 = tpu.memref_slice %arg2[%dma_wait3A_198, %dma_wait3A_199] : memref<10240x128xf32, #tpu.memory_space<hbm>> -> memref<10240x128xf32, #tpu.memory_space<hbm>>
    tpu.wait_indirect_dma semaphore(%arg16 : memref<!tpu.dma_semaphore, #tpu.memory_space<semaphore_mem>>) src(%dma_wait3A_200 : memref<10240x128xf32, #tpu.memory_space<hbm>>) dst(%arg12 : memref<64x128xf32, #tpu.memory_space<vmem>>)
    %dma_start3A_201 = arith.constant 39 : i32
    %dma_start3A_202 = arith.constant 0 : i32
    %dma_start3A_203 = tpu.memref_slice %arg8[%dma_start3A_201, %dma_start3A_202] : memref<40x64xi32, #tpu.memory_space<vmem>> -> memref<1x64xi32, #tpu.memory_space<vmem>>
    %dma_start3A_204 = tpu.memref_squeeze %dma_start3A_203 : memref<1x64xi32, #tpu.memory_space<vmem>> -> memref<64xi32, #tpu.memory_space<vmem>>
    %dma_start3A_205 = arith.constant 0 : i32
    %dma_start3A_206 = arith.constant 0 : i32
    %dma_start3A_207 = tpu.memref_slice %arg21[%dma_start3A_205, %dma_start3A_206] : memref<10240x128xf32, #tpu.memory_space<vmem_shared>> -> memref<10240x128xf32, #tpu.memory_space<vmem_shared>>
    tpu.enqueue_indirect_dma source(%arg12 : memref<64x128xf32, #tpu.memory_space<vmem>>) target(%dma_start3A_207 : memref<10240x128xf32, #tpu.memory_space<vmem_shared>>) offsets(%dma_start3A_204 : memref<64xi32, #tpu.memory_space<vmem>>) semaphore(%arg20 : memref<!tpu.dma_semaphore, #tpu.memory_space<semaphore_mem>>) {add = true}
    %dma_wait3A_208 = arith.constant 0 : i32
    %dma_wait3A_209 = arith.constant 0 : i32
    %dma_wait3A_210 = tpu.memref_slice %arg8[%dma_wait3A_208, %dma_wait3A_209] : memref<40x64xi32, #tpu.memory_space<vmem>> -> memref<1x64xi32, #tpu.memory_space<vmem>>
    %dma_wait3A_211 = tpu.memref_squeeze %dma_wait3A_210 : memref<1x64xi32, #tpu.memory_space<vmem>> -> memref<64xi32, #tpu.memory_space<vmem>>
    %dma_wait3A_212 = arith.constant 0 : i32
    %dma_wait3A_213 = arith.constant 0 : i32
    %dma_wait3A_214 = tpu.memref_slice %arg21[%dma_wait3A_212, %dma_wait3A_213] : memref<10240x128xf32, #tpu.memory_space<vmem_shared>> -> memref<10240x128xf32, #tpu.memory_space<vmem_shared>>
    tpu.wait_indirect_dma semaphore(%arg17 : memref<!tpu.dma_semaphore, #tpu.memory_space<semaphore_mem>>) src(%arg9 : memref<64x128xf32, #tpu.memory_space<vmem>>) dst(%dma_wait3A_214 : memref<10240x128xf32, #tpu.memory_space<vmem_shared>>)
    %dma_wait3A_215 = arith.constant 0 : i32
    %dma_wait3A_216 = arith.constant 0 : i32
    %dma_wait3A_217 = tpu.memref_slice %arg8[%dma_wait3A_215, %dma_wait3A_216] : memref<40x64xi32, #tpu.memory_space<vmem>> -> memref<1x64xi32, #tpu.memory_space<vmem>>
    %dma_wait3A_218 = tpu.memref_squeeze %dma_wait3A_217 : memref<1x64xi32, #tpu.memory_space<vmem>> -> memref<64xi32, #tpu.memory_space<vmem>>
    %dma_wait3A_219 = arith.constant 0 : i32
    %dma_wait3A_220 = arith.constant 0 : i32
    %dma_wait3A_221 = tpu.memref_slice %arg21[%dma_wait3A_219, %dma_wait3A_220] : memref<10240x128xf32, #tpu.memory_space<vmem_shared>> -> memref<10240x128xf32, #tpu.memory_space<vmem_shared>>
    tpu.wait_indirect_dma semaphore(%arg18 : memref<!tpu.dma_semaphore, #tpu.memory_space<semaphore_mem>>) src(%arg10 : memref<64x128xf32, #tpu.memory_space<vmem>>) dst(%dma_wait3A_221 : memref<10240x128xf32, #tpu.memory_space<vmem_shared>>)
    %dma_wait3A_222 = arith.constant 0 : i32
    %dma_wait3A_223 = arith.constant 0 : i32
    %dma_wait3A_224 = tpu.memref_slice %arg8[%dma_wait3A_222, %dma_wait3A_223] : memref<40x64xi32, #tpu.memory_space<vmem>> -> memref<1x64xi32, #tpu.memory_space<vmem>>
    %dma_wait3A_225 = tpu.memref_squeeze %dma_wait3A_224 : memref<1x64xi32, #tpu.memory_space<vmem>> -> memref<64xi32, #tpu.memory_space<vmem>>
    %dma_wait3A_226 = arith.constant 0 : i32
    %dma_wait3A_227 = arith.constant 0 : i32
    %dma_wait3A_228 = tpu.memref_slice %arg21[%dma_wait3A_226, %dma_wait3A_227] : memref<10240x128xf32, #tpu.memory_space<vmem_shared>> -> memref<10240x128xf32, #tpu.memory_space<vmem_shared>>
    tpu.wait_indirect_dma semaphore(%arg19 : memref<!tpu.dma_semaphore, #tpu.memory_space<semaphore_mem>>) src(%arg11 : memref<64x128xf32, #tpu.memory_space<vmem>>) dst(%dma_wait3A_228 : memref<10240x128xf32, #tpu.memory_space<vmem_shared>>)
    %dma_wait3A_229 = arith.constant 0 : i32
    %dma_wait3A_230 = arith.constant 0 : i32
    %dma_wait3A_231 = tpu.memref_slice %arg8[%dma_wait3A_229, %dma_wait3A_230] : memref<40x64xi32, #tpu.memory_space<vmem>> -> memref<1x64xi32, #tpu.memory_space<vmem>>
    %dma_wait3A_232 = tpu.memref_squeeze %dma_wait3A_231 : memref<1x64xi32, #tpu.memory_space<vmem>> -> memref<64xi32, #tpu.memory_space<vmem>>
    %dma_wait3A_233 = arith.constant 0 : i32
    %dma_wait3A_234 = arith.constant 0 : i32
    %dma_wait3A_235 = tpu.memref_slice %arg21[%dma_wait3A_233, %dma_wait3A_234] : memref<10240x128xf32, #tpu.memory_space<vmem_shared>> -> memref<10240x128xf32, #tpu.memory_space<vmem_shared>>
    tpu.wait_indirect_dma semaphore(%arg20 : memref<!tpu.dma_semaphore, #tpu.memory_space<semaphore_mem>>) src(%arg12 : memref<64x128xf32, #tpu.memory_space<vmem>>) dst(%dma_wait3A_235 : memref<10240x128xf32, #tpu.memory_space<vmem_shared>>)
    "tpu.region"() ({
      %run_scoped3A = tpu.sem_alloc : memref<!tpu.dma_semaphore, #tpu.memory_space<semaphore_mem>>
      %dma_start3A_477 = arith.constant 80 : i32
      %dma_start3A_478 = arith.constant 0 : i32
      %dma_start3A_479 = tpu.memref_slice %arg3[%add3A, %dma_start3A_477, %dma_start3A_478] : memref<32x160x64xi32, #tpu.memory_space<hbm>> -> memref<1x40x64xi32, #tpu.memory_space<hbm>>
      %dma_start3A_480 = tpu.memref_squeeze %dma_start3A_479 : memref<1x40x64xi32, #tpu.memory_space<hbm>> -> memref<40x64xi32, #tpu.memory_space<hbm>>
      %dma_start3A_481 = arith.constant 80 : i32
      %dma_start3A_482 = arith.constant 0 : i32
      %dma_start3A_483 = tpu.memref_slice %arg3[%add3A, %dma_start3A_481, %dma_start3A_482] : memref<32x160x64xi32, #tpu.memory_space<hbm>> -> memref<1x40x64xi32, #tpu.memory_space<hbm>>
      %dma_start3A_484 = tpu.memref_squeeze %dma_start3A_483 : memref<1x40x64xi32, #tpu.memory_space<hbm>> -> memref<40x64xi32, #tpu.memory_space<hbm>>
      tpu.enqueue_dma source(%dma_start3A_484 : memref<40x64xi32, #tpu.memory_space<hbm>>) target(%arg7 : memref<40x64xi32, #tpu.memory_space<vmem>>) target_semaphore(%run_scoped3A : memref<!tpu.dma_semaphore, #tpu.memory_space<semaphore_mem>>)
      %dma_wait3A_485 = arith.constant 80 : i32
      %dma_wait3A_486 = arith.constant 0 : i32
      %dma_wait3A_487 = tpu.memref_slice %arg3[%add3A, %dma_wait3A_485, %dma_wait3A_486] : memref<32x160x64xi32, #tpu.memory_space<hbm>> -> memref<1x40x64xi32, #tpu.memory_space<hbm>>
      %dma_wait3A_488 = tpu.memref_squeeze %dma_wait3A_487 : memref<1x40x64xi32, #tpu.memory_space<hbm>> -> memref<40x64xi32, #tpu.memory_space<hbm>>
      %dma_wait3A_489 = arith.constant 80 : i32
      %dma_wait3A_490 = arith.constant 0 : i32
      %dma_wait3A_491 = tpu.memref_slice %arg3[%add3A, %dma_wait3A_489, %dma_wait3A_490] : memref<32x160x64xi32, #tpu.memory_space<hbm>> -> memref<1x40x64xi32, #tpu.memory_space<hbm>>
      %dma_wait3A_492 = tpu.memref_squeeze %dma_wait3A_491 : memref<1x40x64xi32, #tpu.memory_space<hbm>> -> memref<40x64xi32, #tpu.memory_space<hbm>>
      tpu.wait_dma2 semaphore(%run_scoped3A : memref<!tpu.dma_semaphore, #tpu.memory_space<semaphore_mem>>) src(%dma_wait3A_492 : memref<40x64xi32, #tpu.memory_space<hbm>>) dst(%arg7 : memref<40x64xi32, #tpu.memory_space<vmem>>)
      tpu.yield
    }) : () -> ()
    "tpu.region"() ({
      %run_scoped3A = tpu.sem_alloc : memref<!tpu.dma_semaphore, #tpu.memory_space<semaphore_mem>>
      %dma_start3A_477 = arith.constant 80 : i32
      %dma_start3A_478 = arith.constant 0 : i32
      %dma_start3A_479 = tpu.memref_slice %arg4[%add3A, %dma_start3A_477, %dma_start3A_478] : memref<32x160x64xi32, #tpu.memory_space<hbm>> -> memref<1x40x64xi32, #tpu.memory_space<hbm>>
      %dma_start3A_480 = tpu.memref_squeeze %dma_start3A_479 : memref<1x40x64xi32, #tpu.memory_space<hbm>> -> memref<40x64xi32, #tpu.memory_space<hbm>>
      %dma_start3A_481 = arith.constant 80 : i32
      %dma_start3A_482 = arith.constant 0 : i32
      %dma_start3A_483 = tpu.memref_slice %arg4[%add3A, %dma_start3A_481, %dma_start3A_482] : memref<32x160x64xi32, #tpu.memory_space<hbm>> -> memref<1x40x64xi32, #tpu.memory_space<hbm>>
      %dma_start3A_484 = tpu.memref_squeeze %dma_start3A_483 : memref<1x40x64xi32, #tpu.memory_space<hbm>> -> memref<40x64xi32, #tpu.memory_space<hbm>>
      tpu.enqueue_dma source(%dma_start3A_484 : memref<40x64xi32, #tpu.memory_space<hbm>>) target(%arg8 : memref<40x64xi32, #tpu.memory_space<vmem>>) target_semaphore(%run_scoped3A : memref<!tpu.dma_semaphore, #tpu.memory_space<semaphore_mem>>)
      %dma_wait3A_485 = arith.constant 80 : i32
      %dma_wait3A_486 = arith.constant 0 : i32
      %dma_wait3A_487 = tpu.memref_slice %arg4[%add3A, %dma_wait3A_485, %dma_wait3A_486] : memref<32x160x64xi32, #tpu.memory_space<hbm>> -> memref<1x40x64xi32, #tpu.memory_space<hbm>>
      %dma_wait3A_488 = tpu.memref_squeeze %dma_wait3A_487 : memref<1x40x64xi32, #tpu.memory_space<hbm>> -> memref<40x64xi32, #tpu.memory_space<hbm>>
      %dma_wait3A_489 = arith.constant 80 : i32
      %dma_wait3A_490 = arith.constant 0 : i32
      %dma_wait3A_491 = tpu.memref_slice %arg4[%add3A, %dma_wait3A_489, %dma_wait3A_490] : memref<32x160x64xi32, #tpu.memory_space<hbm>> -> memref<1x40x64xi32, #tpu.memory_space<hbm>>
      %dma_wait3A_492 = tpu.memref_squeeze %dma_wait3A_491 : memref<1x40x64xi32, #tpu.memory_space<hbm>> -> memref<40x64xi32, #tpu.memory_space<hbm>>
      tpu.wait_dma2 semaphore(%run_scoped3A : memref<!tpu.dma_semaphore, #tpu.memory_space<semaphore_mem>>) src(%dma_wait3A_492 : memref<40x64xi32, #tpu.memory_space<hbm>>) dst(%arg8 : memref<40x64xi32, #tpu.memory_space<vmem>>)
      tpu.yield
    }) : () -> ()
    %dma_start3A_236 = arith.constant 0 : i32
    %dma_start3A_237 = arith.constant 0 : i32
    %dma_start3A_238 = tpu.memref_slice %arg7[%dma_start3A_236, %dma_start3A_237] : memref<40x64xi32, #tpu.memory_space<vmem>> -> memref<1x64xi32, #tpu.memory_space<vmem>>
    %dma_start3A_239 = tpu.memref_squeeze %dma_start3A_238 : memref<1x64xi32, #tpu.memory_space<vmem>> -> memref<64xi32, #tpu.memory_space<vmem>>
    %dma_start3A_240 = arith.constant 0 : i32
    %dma_start3A_241 = arith.constant 0 : i32
    %dma_start3A_242 = tpu.memref_slice %arg2[%dma_start3A_240, %dma_start3A_241] : memref<10240x128xf32, #tpu.memory_space<hbm>> -> memref<10240x128xf32, #tpu.memory_space<hbm>>
    tpu.enqueue_indirect_dma source(%dma_start3A_242 : memref<10240x128xf32, #tpu.memory_space<hbm>>) target(%arg9 : memref<64x128xf32, #tpu.memory_space<vmem>>) offsets(%dma_start3A_239 : memref<64xi32, #tpu.memory_space<vmem>>) semaphore(%arg13 : memref<!tpu.dma_semaphore, #tpu.memory_space<semaphore_mem>>)
    %dma_start3A_243 = arith.constant 1 : i32
    %dma_start3A_244 = arith.constant 0 : i32
    %dma_start3A_245 = tpu.memref_slice %arg7[%dma_start3A_243, %dma_start3A_244] : memref<40x64xi32, #tpu.memory_space<vmem>> -> memref<1x64xi32, #tpu.memory_space<vmem>>
    %dma_start3A_246 = tpu.memref_squeeze %dma_start3A_245 : memref<1x64xi32, #tpu.memory_space<vmem>> -> memref<64xi32, #tpu.memory_space<vmem>>
    %dma_start3A_247 = arith.constant 0 : i32
    %dma_start3A_248 = arith.constant 0 : i32
    %dma_start3A_249 = tpu.memref_slice %arg2[%dma_start3A_247, %dma_start3A_248] : memref<10240x128xf32, #tpu.memory_space<hbm>> -> memref<10240x128xf32, #tpu.memory_space<hbm>>
    tpu.enqueue_indirect_dma source(%dma_start3A_249 : memref<10240x128xf32, #tpu.memory_space<hbm>>) target(%arg10 : memref<64x128xf32, #tpu.memory_space<vmem>>) offsets(%dma_start3A_246 : memref<64xi32, #tpu.memory_space<vmem>>) semaphore(%arg14 : memref<!tpu.dma_semaphore, #tpu.memory_space<semaphore_mem>>)
    %dma_start3A_250 = arith.constant 2 : i32
    %dma_start3A_251 = arith.constant 0 : i32
    %dma_start3A_252 = tpu.memref_slice %arg7[%dma_start3A_250, %dma_start3A_251] : memref<40x64xi32, #tpu.memory_space<vmem>> -> memref<1x64xi32, #tpu.memory_space<vmem>>
    %dma_start3A_253 = tpu.memref_squeeze %dma_start3A_252 : memref<1x64xi32, #tpu.memory_space<vmem>> -> memref<64xi32, #tpu.memory_space<vmem>>
    %dma_start3A_254 = arith.constant 0 : i32
    %dma_start3A_255 = arith.constant 0 : i32
    %dma_start3A_256 = tpu.memref_slice %arg2[%dma_start3A_254, %dma_start3A_255] : memref<10240x128xf32, #tpu.memory_space<hbm>> -> memref<10240x128xf32, #tpu.memory_space<hbm>>
    tpu.enqueue_indirect_dma source(%dma_start3A_256 : memref<10240x128xf32, #tpu.memory_space<hbm>>) target(%arg11 : memref<64x128xf32, #tpu.memory_space<vmem>>) offsets(%dma_start3A_253 : memref<64xi32, #tpu.memory_space<vmem>>) semaphore(%arg15 : memref<!tpu.dma_semaphore, #tpu.memory_space<semaphore_mem>>)
    %dma_start3A_257 = arith.constant 3 : i32
    %dma_start3A_258 = arith.constant 0 : i32
    %dma_start3A_259 = tpu.memref_slice %arg7[%dma_start3A_257, %dma_start3A_258] : memref<40x64xi32, #tpu.memory_space<vmem>> -> memref<1x64xi32, #tpu.memory_space<vmem>>
    %dma_start3A_260 = tpu.memref_squeeze %dma_start3A_259 : memref<1x64xi32, #tpu.memory_space<vmem>> -> memref<64xi32, #tpu.memory_space<vmem>>
    %dma_start3A_261 = arith.constant 0 : i32
    %dma_start3A_262 = arith.constant 0 : i32
    %dma_start3A_263 = tpu.memref_slice %arg2[%dma_start3A_261, %dma_start3A_262] : memref<10240x128xf32, #tpu.memory_space<hbm>> -> memref<10240x128xf32, #tpu.memory_space<hbm>>
    tpu.enqueue_indirect_dma source(%dma_start3A_263 : memref<10240x128xf32, #tpu.memory_space<hbm>>) target(%arg12 : memref<64x128xf32, #tpu.memory_space<vmem>>) offsets(%dma_start3A_260 : memref<64xi32, #tpu.memory_space<vmem>>) semaphore(%arg16 : memref<!tpu.dma_semaphore, #tpu.memory_space<semaphore_mem>>)
    %scan3A_264 = arith.constant 0 : i32
    %scan3A_265 = arith.constant 0 : i32
    %scan3A_266 = arith.constant 9 : i32
    %scan3A_267 = arith.addi %scan3A_265, %scan3A_266 : i32
    %scan3A_268 = arith.constant 1 : i32
    scf.for %scan3A_477 = %scan3A_265 to %scan3A_267 step %scan3A_268  : i32 {
      %mul3A_478 = arith.constant 4 : i32
      %mul3A_479 = arith.muli %mul3A_478, %scan3A_477 : i32
      %add3A_480 = arith.constant 0 : i32
      %add3A_481 = arith.addi %mul3A_479, %add3A_480 : i32
      %dma_wait3A_482 = arith.constant 0 : i32
      %dma_wait3A_483 = arith.constant 0 : i32
      %dma_wait3A_484 = tpu.memref_slice %arg7[%dma_wait3A_482, %dma_wait3A_483] : memref<40x64xi32, #tpu.memory_space<vmem>> -> memref<1x64xi32, #tpu.memory_space<vmem>>
      %dma_wait3A_485 = tpu.memref_squeeze %dma_wait3A_484 : memref<1x64xi32, #tpu.memory_space<vmem>> -> memref<64xi32, #tpu.memory_space<vmem>>
      %dma_wait3A_486 = arith.constant 0 : i32
      %dma_wait3A_487 = arith.constant 0 : i32
      %dma_wait3A_488 = tpu.memref_slice %arg2[%dma_wait3A_486, %dma_wait3A_487] : memref<10240x128xf32, #tpu.memory_space<hbm>> -> memref<10240x128xf32, #tpu.memory_space<hbm>>
      tpu.wait_indirect_dma semaphore(%arg13 : memref<!tpu.dma_semaphore, #tpu.memory_space<semaphore_mem>>) src(%dma_wait3A_488 : memref<10240x128xf32, #tpu.memory_space<hbm>>) dst(%arg9 : memref<64x128xf32, #tpu.memory_space<vmem>>)
      %dma_start3A_489 = arith.constant 0 : i32
      %dma_start3A_490 = tpu.memref_slice %arg8[%add3A_481, %dma_start3A_489] : memref<40x64xi32, #tpu.memory_space<vmem>> -> memref<1x64xi32, #tpu.memory_space<vmem>>
      %dma_start3A_491 = tpu.memref_squeeze %dma_start3A_490 : memref<1x64xi32, #tpu.memory_space<vmem>> -> memref<64xi32, #tpu.memory_space<vmem>>
      %dma_start3A_492 = arith.constant 0 : i32
      %dma_start3A_493 = arith.constant 0 : i32
      %dma_start3A_494 = tpu.memref_slice %arg21[%dma_start3A_492, %dma_start3A_493] : memref<10240x128xf32, #tpu.memory_space<vmem_shared>> -> memref<10240x128xf32, #tpu.memory_space<vmem_shared>>
      tpu.enqueue_indirect_dma source(%arg9 : memref<64x128xf32, #tpu.memory_space<vmem>>) target(%dma_start3A_494 : memref<10240x128xf32, #tpu.memory_space<vmem_shared>>) offsets(%dma_start3A_491 : memref<64xi32, #tpu.memory_space<vmem>>) semaphore(%arg17 : memref<!tpu.dma_semaphore, #tpu.memory_space<semaphore_mem>>) {add = true}
      %mul3A_495 = arith.constant 4 : i32
      %mul3A_496 = arith.muli %mul3A_495, %scan3A_477 : i32
      %add3A_497 = arith.constant 1 : i32
      %add3A_498 = arith.addi %mul3A_496, %add3A_497 : i32
      %dma_wait3A_499 = arith.constant 0 : i32
      %dma_wait3A_500 = arith.constant 0 : i32
      %dma_wait3A_501 = tpu.memref_slice %arg7[%dma_wait3A_499, %dma_wait3A_500] : memref<40x64xi32, #tpu.memory_space<vmem>> -> memref<1x64xi32, #tpu.memory_space<vmem>>
      %dma_wait3A_502 = tpu.memref_squeeze %dma_wait3A_501 : memref<1x64xi32, #tpu.memory_space<vmem>> -> memref<64xi32, #tpu.memory_space<vmem>>
      %dma_wait3A_503 = arith.constant 0 : i32
      %dma_wait3A_504 = arith.constant 0 : i32
      %dma_wait3A_505 = tpu.memref_slice %arg2[%dma_wait3A_503, %dma_wait3A_504] : memref<10240x128xf32, #tpu.memory_space<hbm>> -> memref<10240x128xf32, #tpu.memory_space<hbm>>
      tpu.wait_indirect_dma semaphore(%arg14 : memref<!tpu.dma_semaphore, #tpu.memory_space<semaphore_mem>>) src(%dma_wait3A_505 : memref<10240x128xf32, #tpu.memory_space<hbm>>) dst(%arg10 : memref<64x128xf32, #tpu.memory_space<vmem>>)
      %dma_start3A_506 = arith.constant 0 : i32
      %dma_start3A_507 = tpu.memref_slice %arg8[%add3A_498, %dma_start3A_506] : memref<40x64xi32, #tpu.memory_space<vmem>> -> memref<1x64xi32, #tpu.memory_space<vmem>>
      %dma_start3A_508 = tpu.memref_squeeze %dma_start3A_507 : memref<1x64xi32, #tpu.memory_space<vmem>> -> memref<64xi32, #tpu.memory_space<vmem>>
      %dma_start3A_509 = arith.constant 0 : i32
      %dma_start3A_510 = arith.constant 0 : i32
      %dma_start3A_511 = tpu.memref_slice %arg21[%dma_start3A_509, %dma_start3A_510] : memref<10240x128xf32, #tpu.memory_space<vmem_shared>> -> memref<10240x128xf32, #tpu.memory_space<vmem_shared>>
      tpu.enqueue_indirect_dma source(%arg10 : memref<64x128xf32, #tpu.memory_space<vmem>>) target(%dma_start3A_511 : memref<10240x128xf32, #tpu.memory_space<vmem_shared>>) offsets(%dma_start3A_508 : memref<64xi32, #tpu.memory_space<vmem>>) semaphore(%arg18 : memref<!tpu.dma_semaphore, #tpu.memory_space<semaphore_mem>>) {add = true}
      %mul3A_512 = arith.constant 4 : i32
      %mul3A_513 = arith.muli %mul3A_512, %scan3A_477 : i32
      %add3A_514 = arith.constant 2 : i32
      %add3A_515 = arith.addi %mul3A_513, %add3A_514 : i32
      %dma_wait3A_516 = arith.constant 0 : i32
      %dma_wait3A_517 = arith.constant 0 : i32
      %dma_wait3A_518 = tpu.memref_slice %arg7[%dma_wait3A_516, %dma_wait3A_517] : memref<40x64xi32, #tpu.memory_space<vmem>> -> memref<1x64xi32, #tpu.memory_space<vmem>>
      %dma_wait3A_519 = tpu.memref_squeeze %dma_wait3A_518 : memref<1x64xi32, #tpu.memory_space<vmem>> -> memref<64xi32, #tpu.memory_space<vmem>>
      %dma_wait3A_520 = arith.constant 0 : i32
      %dma_wait3A_521 = arith.constant 0 : i32
      %dma_wait3A_522 = tpu.memref_slice %arg2[%dma_wait3A_520, %dma_wait3A_521] : memref<10240x128xf32, #tpu.memory_space<hbm>> -> memref<10240x128xf32, #tpu.memory_space<hbm>>
      tpu.wait_indirect_dma semaphore(%arg15 : memref<!tpu.dma_semaphore, #tpu.memory_space<semaphore_mem>>) src(%dma_wait3A_522 : memref<10240x128xf32, #tpu.memory_space<hbm>>) dst(%arg11 : memref<64x128xf32, #tpu.memory_space<vmem>>)
      %dma_start3A_523 = arith.constant 0 : i32
      %dma_start3A_524 = tpu.memref_slice %arg8[%add3A_515, %dma_start3A_523] : memref<40x64xi32, #tpu.memory_space<vmem>> -> memref<1x64xi32, #tpu.memory_space<vmem>>
      %dma_start3A_525 = tpu.memref_squeeze %dma_start3A_524 : memref<1x64xi32, #tpu.memory_space<vmem>> -> memref<64xi32, #tpu.memory_space<vmem>>
      %dma_start3A_526 = arith.constant 0 : i32
      %dma_start3A_527 = arith.constant 0 : i32
      %dma_start3A_528 = tpu.memref_slice %arg21[%dma_start3A_526, %dma_start3A_527] : memref<10240x128xf32, #tpu.memory_space<vmem_shared>> -> memref<10240x128xf32, #tpu.memory_space<vmem_shared>>
      tpu.enqueue_indirect_dma source(%arg11 : memref<64x128xf32, #tpu.memory_space<vmem>>) target(%dma_start3A_528 : memref<10240x128xf32, #tpu.memory_space<vmem_shared>>) offsets(%dma_start3A_525 : memref<64xi32, #tpu.memory_space<vmem>>) semaphore(%arg19 : memref<!tpu.dma_semaphore, #tpu.memory_space<semaphore_mem>>) {add = true}
      %mul3A_529 = arith.constant 4 : i32
      %mul3A_530 = arith.muli %mul3A_529, %scan3A_477 : i32
      %add3A_531 = arith.constant 3 : i32
      %add3A_532 = arith.addi %mul3A_530, %add3A_531 : i32
      %dma_wait3A_533 = arith.constant 0 : i32
      %dma_wait3A_534 = arith.constant 0 : i32
      %dma_wait3A_535 = tpu.memref_slice %arg7[%dma_wait3A_533, %dma_wait3A_534] : memref<40x64xi32, #tpu.memory_space<vmem>> -> memref<1x64xi32, #tpu.memory_space<vmem>>
      %dma_wait3A_536 = tpu.memref_squeeze %dma_wait3A_535 : memref<1x64xi32, #tpu.memory_space<vmem>> -> memref<64xi32, #tpu.memory_space<vmem>>
      %dma_wait3A_537 = arith.constant 0 : i32
      %dma_wait3A_538 = arith.constant 0 : i32
      %dma_wait3A_539 = tpu.memref_slice %arg2[%dma_wait3A_537, %dma_wait3A_538] : memref<10240x128xf32, #tpu.memory_space<hbm>> -> memref<10240x128xf32, #tpu.memory_space<hbm>>
      tpu.wait_indirect_dma semaphore(%arg16 : memref<!tpu.dma_semaphore, #tpu.memory_space<semaphore_mem>>) src(%dma_wait3A_539 : memref<10240x128xf32, #tpu.memory_space<hbm>>) dst(%arg12 : memref<64x128xf32, #tpu.memory_space<vmem>>)
      %dma_start3A_540 = arith.constant 0 : i32
      %dma_start3A_541 = tpu.memref_slice %arg8[%add3A_532, %dma_start3A_540] : memref<40x64xi32, #tpu.memory_space<vmem>> -> memref<1x64xi32, #tpu.memory_space<vmem>>
      %dma_start3A_542 = tpu.memref_squeeze %dma_start3A_541 : memref<1x64xi32, #tpu.memory_space<vmem>> -> memref<64xi32, #tpu.memory_space<vmem>>
      %dma_start3A_543 = arith.constant 0 : i32
      %dma_start3A_544 = arith.constant 0 : i32
      %dma_start3A_545 = tpu.memref_slice %arg21[%dma_start3A_543, %dma_start3A_544] : memref<10240x128xf32, #tpu.memory_space<vmem_shared>> -> memref<10240x128xf32, #tpu.memory_space<vmem_shared>>
      tpu.enqueue_indirect_dma source(%arg12 : memref<64x128xf32, #tpu.memory_space<vmem>>) target(%dma_start3A_545 : memref<10240x128xf32, #tpu.memory_space<vmem_shared>>) offsets(%dma_start3A_542 : memref<64xi32, #tpu.memory_space<vmem>>) semaphore(%arg20 : memref<!tpu.dma_semaphore, #tpu.memory_space<semaphore_mem>>) {add = true}
      %mul3A_546 = arith.constant 4 : i32
      %mul3A_547 = arith.muli %mul3A_546, %scan3A_477 : i32
      %add3A_548 = arith.constant 0 : i32
      %add3A_549 = arith.addi %mul3A_547, %add3A_548 : i32
      %add3A_550 = arith.constant 4 : i32
      %add3A_551 = arith.addi %add3A_549, %add3A_550 : i32
      %dma_wait3A_552 = arith.constant 0 : i32
      %dma_wait3A_553 = arith.constant 0 : i32
      %dma_wait3A_554 = tpu.memref_slice %arg8[%dma_wait3A_552, %dma_wait3A_553] : memref<40x64xi32, #tpu.memory_space<vmem>> -> memref<1x64xi32, #tpu.memory_space<vmem>>
      %dma_wait3A_555 = tpu.memref_squeeze %dma_wait3A_554 : memref<1x64xi32, #tpu.memory_space<vmem>> -> memref<64xi32, #tpu.memory_space<vmem>>
      %dma_wait3A_556 = arith.constant 0 : i32
      %dma_wait3A_557 = arith.constant 0 : i32
      %dma_wait3A_558 = tpu.memref_slice %arg21[%dma_wait3A_556, %dma_wait3A_557] : memref<10240x128xf32, #tpu.memory_space<vmem_shared>> -> memref<10240x128xf32, #tpu.memory_space<vmem_shared>>
      tpu.wait_indirect_dma semaphore(%arg17 : memref<!tpu.dma_semaphore, #tpu.memory_space<semaphore_mem>>) src(%arg9 : memref<64x128xf32, #tpu.memory_space<vmem>>) dst(%dma_wait3A_558 : memref<10240x128xf32, #tpu.memory_space<vmem_shared>>)
      %dma_start3A_559 = arith.constant 0 : i32
      %dma_start3A_560 = tpu.memref_slice %arg7[%add3A_551, %dma_start3A_559] : memref<40x64xi32, #tpu.memory_space<vmem>> -> memref<1x64xi32, #tpu.memory_space<vmem>>
      %dma_start3A_561 = tpu.memref_squeeze %dma_start3A_560 : memref<1x64xi32, #tpu.memory_space<vmem>> -> memref<64xi32, #tpu.memory_space<vmem>>
      %dma_start3A_562 = arith.constant 0 : i32
      %dma_start3A_563 = arith.constant 0 : i32
      %dma_start3A_564 = tpu.memref_slice %arg2[%dma_start3A_562, %dma_start3A_563] : memref<10240x128xf32, #tpu.memory_space<hbm>> -> memref<10240x128xf32, #tpu.memory_space<hbm>>
      tpu.enqueue_indirect_dma source(%dma_start3A_564 : memref<10240x128xf32, #tpu.memory_space<hbm>>) target(%arg9 : memref<64x128xf32, #tpu.memory_space<vmem>>) offsets(%dma_start3A_561 : memref<64xi32, #tpu.memory_space<vmem>>) semaphore(%arg13 : memref<!tpu.dma_semaphore, #tpu.memory_space<semaphore_mem>>)
      %mul3A_565 = arith.constant 4 : i32
      %mul3A_566 = arith.muli %mul3A_565, %scan3A_477 : i32
      %add3A_567 = arith.constant 1 : i32
      %add3A_568 = arith.addi %mul3A_566, %add3A_567 : i32
      %add3A_569 = arith.constant 4 : i32
      %add3A_570 = arith.addi %add3A_568, %add3A_569 : i32
      %dma_wait3A_571 = arith.constant 0 : i32
      %dma_wait3A_572 = arith.constant 0 : i32
      %dma_wait3A_573 = tpu.memref_slice %arg8[%dma_wait3A_571, %dma_wait3A_572] : memref<40x64xi32, #tpu.memory_space<vmem>> -> memref<1x64xi32, #tpu.memory_space<vmem>>
      %dma_wait3A_574 = tpu.memref_squeeze %dma_wait3A_573 : memref<1x64xi32, #tpu.memory_space<vmem>> -> memref<64xi32, #tpu.memory_space<vmem>>
      %dma_wait3A_575 = arith.constant 0 : i32
      %dma_wait3A_576 = arith.constant 0 : i32
      %dma_wait3A_577 = tpu.memref_slice %arg21[%dma_wait3A_575, %dma_wait3A_576] : memref<10240x128xf32, #tpu.memory_space<vmem_shared>> -> memref<10240x128xf32, #tpu.memory_space<vmem_shared>>
      tpu.wait_indirect_dma semaphore(%arg18 : memref<!tpu.dma_semaphore, #tpu.memory_space<semaphore_mem>>) src(%arg10 : memref<64x128xf32, #tpu.memory_space<vmem>>) dst(%dma_wait3A_577 : memref<10240x128xf32, #tpu.memory_space<vmem_shared>>)
      %dma_start3A_578 = arith.constant 0 : i32
      %dma_start3A_579 = tpu.memref_slice %arg7[%add3A_570, %dma_start3A_578] : memref<40x64xi32, #tpu.memory_space<vmem>> -> memref<1x64xi32, #tpu.memory_space<vmem>>
      %dma_start3A_580 = tpu.memref_squeeze %dma_start3A_579 : memref<1x64xi32, #tpu.memory_space<vmem>> -> memref<64xi32, #tpu.memory_space<vmem>>
      %dma_start3A_581 = arith.constant 0 : i32
      %dma_start3A_582 = arith.constant 0 : i32
      %dma_start3A_583 = tpu.memref_slice %arg2[%dma_start3A_581, %dma_start3A_582] : memref<10240x128xf32, #tpu.memory_space<hbm>> -> memref<10240x128xf32, #tpu.memory_space<hbm>>
      tpu.enqueue_indirect_dma source(%dma_start3A_583 : memref<10240x128xf32, #tpu.memory_space<hbm>>) target(%arg10 : memref<64x128xf32, #tpu.memory_space<vmem>>) offsets(%dma_start3A_580 : memref<64xi32, #tpu.memory_space<vmem>>) semaphore(%arg14 : memref<!tpu.dma_semaphore, #tpu.memory_space<semaphore_mem>>)
      %mul3A_584 = arith.constant 4 : i32
      %mul3A_585 = arith.muli %mul3A_584, %scan3A_477 : i32
      %add3A_586 = arith.constant 2 : i32
      %add3A_587 = arith.addi %mul3A_585, %add3A_586 : i32
      %add3A_588 = arith.constant 4 : i32
      %add3A_589 = arith.addi %add3A_587, %add3A_588 : i32
      %dma_wait3A_590 = arith.constant 0 : i32
      %dma_wait3A_591 = arith.constant 0 : i32
      %dma_wait3A_592 = tpu.memref_slice %arg8[%dma_wait3A_590, %dma_wait3A_591] : memref<40x64xi32, #tpu.memory_space<vmem>> -> memref<1x64xi32, #tpu.memory_space<vmem>>
      %dma_wait3A_593 = tpu.memref_squeeze %dma_wait3A_592 : memref<1x64xi32, #tpu.memory_space<vmem>> -> memref<64xi32, #tpu.memory_space<vmem>>
      %dma_wait3A_594 = arith.constant 0 : i32
      %dma_wait3A_595 = arith.constant 0 : i32
      %dma_wait3A_596 = tpu.memref_slice %arg21[%dma_wait3A_594, %dma_wait3A_595] : memref<10240x128xf32, #tpu.memory_space<vmem_shared>> -> memref<10240x128xf32, #tpu.memory_space<vmem_shared>>
      tpu.wait_indirect_dma semaphore(%arg19 : memref<!tpu.dma_semaphore, #tpu.memory_space<semaphore_mem>>) src(%arg11 : memref<64x128xf32, #tpu.memory_space<vmem>>) dst(%dma_wait3A_596 : memref<10240x128xf32, #tpu.memory_space<vmem_shared>>)
      %dma_start3A_597 = arith.constant 0 : i32
      %dma_start3A_598 = tpu.memref_slice %arg7[%add3A_589, %dma_start3A_597] : memref<40x64xi32, #tpu.memory_space<vmem>> -> memref<1x64xi32, #tpu.memory_space<vmem>>
      %dma_start3A_599 = tpu.memref_squeeze %dma_start3A_598 : memref<1x64xi32, #tpu.memory_space<vmem>> -> memref<64xi32, #tpu.memory_space<vmem>>
      %dma_start3A_600 = arith.constant 0 : i32
      %dma_start3A_601 = arith.constant 0 : i32
      %dma_start3A_602 = tpu.memref_slice %arg2[%dma_start3A_600, %dma_start3A_601] : memref<10240x128xf32, #tpu.memory_space<hbm>> -> memref<10240x128xf32, #tpu.memory_space<hbm>>
      tpu.enqueue_indirect_dma source(%dma_start3A_602 : memref<10240x128xf32, #tpu.memory_space<hbm>>) target(%arg11 : memref<64x128xf32, #tpu.memory_space<vmem>>) offsets(%dma_start3A_599 : memref<64xi32, #tpu.memory_space<vmem>>) semaphore(%arg15 : memref<!tpu.dma_semaphore, #tpu.memory_space<semaphore_mem>>)
      %mul3A_603 = arith.constant 4 : i32
      %mul3A_604 = arith.muli %mul3A_603, %scan3A_477 : i32
      %add3A_605 = arith.constant 3 : i32
      %add3A_606 = arith.addi %mul3A_604, %add3A_605 : i32
      %add3A_607 = arith.constant 4 : i32
      %add3A_608 = arith.addi %add3A_606, %add3A_607 : i32
      %dma_wait3A_609 = arith.constant 0 : i32
      %dma_wait3A_610 = arith.constant 0 : i32
      %dma_wait3A_611 = tpu.memref_slice %arg8[%dma_wait3A_609, %dma_wait3A_610] : memref<40x64xi32, #tpu.memory_space<vmem>> -> memref<1x64xi32, #tpu.memory_space<vmem>>
      %dma_wait3A_612 = tpu.memref_squeeze %dma_wait3A_611 : memref<1x64xi32, #tpu.memory_space<vmem>> -> memref<64xi32, #tpu.memory_space<vmem>>
      %dma_wait3A_613 = arith.constant 0 : i32
      %dma_wait3A_614 = arith.constant 0 : i32
      %dma_wait3A_615 = tpu.memref_slice %arg21[%dma_wait3A_613, %dma_wait3A_614] : memref<10240x128xf32, #tpu.memory_space<vmem_shared>> -> memref<10240x128xf32, #tpu.memory_space<vmem_shared>>
      tpu.wait_indirect_dma semaphore(%arg20 : memref<!tpu.dma_semaphore, #tpu.memory_space<semaphore_mem>>) src(%arg12 : memref<64x128xf32, #tpu.memory_space<vmem>>) dst(%dma_wait3A_615 : memref<10240x128xf32, #tpu.memory_space<vmem_shared>>)
      %dma_start3A_616 = arith.constant 0 : i32
      %dma_start3A_617 = tpu.memref_slice %arg7[%add3A_608, %dma_start3A_616] : memref<40x64xi32, #tpu.memory_space<vmem>> -> memref<1x64xi32, #tpu.memory_space<vmem>>
      %dma_start3A_618 = tpu.memref_squeeze %dma_start3A_617 : memref<1x64xi32, #tpu.memory_space<vmem>> -> memref<64xi32, #tpu.memory_space<vmem>>
      %dma_start3A_619 = arith.constant 0 : i32
      %dma_start3A_620 = arith.constant 0 : i32
      %dma_start3A_621 = tpu.memref_slice %arg2[%dma_start3A_619, %dma_start3A_620] : memref<10240x128xf32, #tpu.memory_space<hbm>> -> memref<10240x128xf32, #tpu.memory_space<hbm>>
      tpu.enqueue_indirect_dma source(%dma_start3A_621 : memref<10240x128xf32, #tpu.memory_space<hbm>>) target(%arg12 : memref<64x128xf32, #tpu.memory_space<vmem>>) offsets(%dma_start3A_618 : memref<64xi32, #tpu.memory_space<vmem>>) semaphore(%arg16 : memref<!tpu.dma_semaphore, #tpu.memory_space<semaphore_mem>>)
    }
    %scan3A_269 = arith.constant 9 : i32
    %dma_wait3A_270 = arith.constant 0 : i32
    %dma_wait3A_271 = arith.constant 0 : i32
    %dma_wait3A_272 = tpu.memref_slice %arg7[%dma_wait3A_270, %dma_wait3A_271] : memref<40x64xi32, #tpu.memory_space<vmem>> -> memref<1x64xi32, #tpu.memory_space<vmem>>
    %dma_wait3A_273 = tpu.memref_squeeze %dma_wait3A_272 : memref<1x64xi32, #tpu.memory_space<vmem>> -> memref<64xi32, #tpu.memory_space<vmem>>
    %dma_wait3A_274 = arith.constant 0 : i32
    %dma_wait3A_275 = arith.constant 0 : i32
    %dma_wait3A_276 = tpu.memref_slice %arg2[%dma_wait3A_274, %dma_wait3A_275] : memref<10240x128xf32, #tpu.memory_space<hbm>> -> memref<10240x128xf32, #tpu.memory_space<hbm>>
    tpu.wait_indirect_dma semaphore(%arg13 : memref<!tpu.dma_semaphore, #tpu.memory_space<semaphore_mem>>) src(%dma_wait3A_276 : memref<10240x128xf32, #tpu.memory_space<hbm>>) dst(%arg9 : memref<64x128xf32, #tpu.memory_space<vmem>>)
    %dma_start3A_277 = arith.constant 36 : i32
    %dma_start3A_278 = arith.constant 0 : i32
    %dma_start3A_279 = tpu.memref_slice %arg8[%dma_start3A_277, %dma_start3A_278] : memref<40x64xi32, #tpu.memory_space<vmem>> -> memref<1x64xi32, #tpu.memory_space<vmem>>
    %dma_start3A_280 = tpu.memref_squeeze %dma_start3A_279 : memref<1x64xi32, #tpu.memory_space<vmem>> -> memref<64xi32, #tpu.memory_space<vmem>>
    %dma_start3A_281 = arith.constant 0 : i32
    %dma_start3A_282 = arith.constant 0 : i32
    %dma_start3A_283 = tpu.memref_slice %arg21[%dma_start3A_281, %dma_start3A_282] : memref<10240x128xf32, #tpu.memory_space<vmem_shared>> -> memref<10240x128xf32, #tpu.memory_space<vmem_shared>>
    tpu.enqueue_indirect_dma source(%arg9 : memref<64x128xf32, #tpu.memory_space<vmem>>) target(%dma_start3A_283 : memref<10240x128xf32, #tpu.memory_space<vmem_shared>>) offsets(%dma_start3A_280 : memref<64xi32, #tpu.memory_space<vmem>>) semaphore(%arg17 : memref<!tpu.dma_semaphore, #tpu.memory_space<semaphore_mem>>) {add = true}
    %dma_wait3A_284 = arith.constant 0 : i32
    %dma_wait3A_285 = arith.constant 0 : i32
    %dma_wait3A_286 = tpu.memref_slice %arg7[%dma_wait3A_284, %dma_wait3A_285] : memref<40x64xi32, #tpu.memory_space<vmem>> -> memref<1x64xi32, #tpu.memory_space<vmem>>
    %dma_wait3A_287 = tpu.memref_squeeze %dma_wait3A_286 : memref<1x64xi32, #tpu.memory_space<vmem>> -> memref<64xi32, #tpu.memory_space<vmem>>
    %dma_wait3A_288 = arith.constant 0 : i32
    %dma_wait3A_289 = arith.constant 0 : i32
    %dma_wait3A_290 = tpu.memref_slice %arg2[%dma_wait3A_288, %dma_wait3A_289] : memref<10240x128xf32, #tpu.memory_space<hbm>> -> memref<10240x128xf32, #tpu.memory_space<hbm>>
    tpu.wait_indirect_dma semaphore(%arg14 : memref<!tpu.dma_semaphore, #tpu.memory_space<semaphore_mem>>) src(%dma_wait3A_290 : memref<10240x128xf32, #tpu.memory_space<hbm>>) dst(%arg10 : memref<64x128xf32, #tpu.memory_space<vmem>>)
    %dma_start3A_291 = arith.constant 37 : i32
    %dma_start3A_292 = arith.constant 0 : i32
    %dma_start3A_293 = tpu.memref_slice %arg8[%dma_start3A_291, %dma_start3A_292] : memref<40x64xi32, #tpu.memory_space<vmem>> -> memref<1x64xi32, #tpu.memory_space<vmem>>
    %dma_start3A_294 = tpu.memref_squeeze %dma_start3A_293 : memref<1x64xi32, #tpu.memory_space<vmem>> -> memref<64xi32, #tpu.memory_space<vmem>>
    %dma_start3A_295 = arith.constant 0 : i32
    %dma_start3A_296 = arith.constant 0 : i32
    %dma_start3A_297 = tpu.memref_slice %arg21[%dma_start3A_295, %dma_start3A_296] : memref<10240x128xf32, #tpu.memory_space<vmem_shared>> -> memref<10240x128xf32, #tpu.memory_space<vmem_shared>>
    tpu.enqueue_indirect_dma source(%arg10 : memref<64x128xf32, #tpu.memory_space<vmem>>) target(%dma_start3A_297 : memref<10240x128xf32, #tpu.memory_space<vmem_shared>>) offsets(%dma_start3A_294 : memref<64xi32, #tpu.memory_space<vmem>>) semaphore(%arg18 : memref<!tpu.dma_semaphore, #tpu.memory_space<semaphore_mem>>) {add = true}
    %dma_wait3A_298 = arith.constant 0 : i32
    %dma_wait3A_299 = arith.constant 0 : i32
    %dma_wait3A_300 = tpu.memref_slice %arg7[%dma_wait3A_298, %dma_wait3A_299] : memref<40x64xi32, #tpu.memory_space<vmem>> -> memref<1x64xi32, #tpu.memory_space<vmem>>
    %dma_wait3A_301 = tpu.memref_squeeze %dma_wait3A_300 : memref<1x64xi32, #tpu.memory_space<vmem>> -> memref<64xi32, #tpu.memory_space<vmem>>
    %dma_wait3A_302 = arith.constant 0 : i32
    %dma_wait3A_303 = arith.constant 0 : i32
    %dma_wait3A_304 = tpu.memref_slice %arg2[%dma_wait3A_302, %dma_wait3A_303] : memref<10240x128xf32, #tpu.memory_space<hbm>> -> memref<10240x128xf32, #tpu.memory_space<hbm>>
    tpu.wait_indirect_dma semaphore(%arg15 : memref<!tpu.dma_semaphore, #tpu.memory_space<semaphore_mem>>) src(%dma_wait3A_304 : memref<10240x128xf32, #tpu.memory_space<hbm>>) dst(%arg11 : memref<64x128xf32, #tpu.memory_space<vmem>>)
    %dma_start3A_305 = arith.constant 38 : i32
    %dma_start3A_306 = arith.constant 0 : i32
    %dma_start3A_307 = tpu.memref_slice %arg8[%dma_start3A_305, %dma_start3A_306] : memref<40x64xi32, #tpu.memory_space<vmem>> -> memref<1x64xi32, #tpu.memory_space<vmem>>
    %dma_start3A_308 = tpu.memref_squeeze %dma_start3A_307 : memref<1x64xi32, #tpu.memory_space<vmem>> -> memref<64xi32, #tpu.memory_space<vmem>>
    %dma_start3A_309 = arith.constant 0 : i32
    %dma_start3A_310 = arith.constant 0 : i32
    %dma_start3A_311 = tpu.memref_slice %arg21[%dma_start3A_309, %dma_start3A_310] : memref<10240x128xf32, #tpu.memory_space<vmem_shared>> -> memref<10240x128xf32, #tpu.memory_space<vmem_shared>>
    tpu.enqueue_indirect_dma source(%arg11 : memref<64x128xf32, #tpu.memory_space<vmem>>) target(%dma_start3A_311 : memref<10240x128xf32, #tpu.memory_space<vmem_shared>>) offsets(%dma_start3A_308 : memref<64xi32, #tpu.memory_space<vmem>>) semaphore(%arg19 : memref<!tpu.dma_semaphore, #tpu.memory_space<semaphore_mem>>) {add = true}
    %dma_wait3A_312 = arith.constant 0 : i32
    %dma_wait3A_313 = arith.constant 0 : i32
    %dma_wait3A_314 = tpu.memref_slice %arg7[%dma_wait3A_312, %dma_wait3A_313] : memref<40x64xi32, #tpu.memory_space<vmem>> -> memref<1x64xi32, #tpu.memory_space<vmem>>
    %dma_wait3A_315 = tpu.memref_squeeze %dma_wait3A_314 : memref<1x64xi32, #tpu.memory_space<vmem>> -> memref<64xi32, #tpu.memory_space<vmem>>
    %dma_wait3A_316 = arith.constant 0 : i32
    %dma_wait3A_317 = arith.constant 0 : i32
    %dma_wait3A_318 = tpu.memref_slice %arg2[%dma_wait3A_316, %dma_wait3A_317] : memref<10240x128xf32, #tpu.memory_space<hbm>> -> memref<10240x128xf32, #tpu.memory_space<hbm>>
    tpu.wait_indirect_dma semaphore(%arg16 : memref<!tpu.dma_semaphore, #tpu.memory_space<semaphore_mem>>) src(%dma_wait3A_318 : memref<10240x128xf32, #tpu.memory_space<hbm>>) dst(%arg12 : memref<64x128xf32, #tpu.memory_space<vmem>>)
    %dma_start3A_319 = arith.constant 39 : i32
    %dma_start3A_320 = arith.constant 0 : i32
    %dma_start3A_321 = tpu.memref_slice %arg8[%dma_start3A_319, %dma_start3A_320] : memref<40x64xi32, #tpu.memory_space<vmem>> -> memref<1x64xi32, #tpu.memory_space<vmem>>
    %dma_start3A_322 = tpu.memref_squeeze %dma_start3A_321 : memref<1x64xi32, #tpu.memory_space<vmem>> -> memref<64xi32, #tpu.memory_space<vmem>>
    %dma_start3A_323 = arith.constant 0 : i32
    %dma_start3A_324 = arith.constant 0 : i32
    %dma_start3A_325 = tpu.memref_slice %arg21[%dma_start3A_323, %dma_start3A_324] : memref<10240x128xf32, #tpu.memory_space<vmem_shared>> -> memref<10240x128xf32, #tpu.memory_space<vmem_shared>>
    tpu.enqueue_indirect_dma source(%arg12 : memref<64x128xf32, #tpu.memory_space<vmem>>) target(%dma_start3A_325 : memref<10240x128xf32, #tpu.memory_space<vmem_shared>>) offsets(%dma_start3A_322 : memref<64xi32, #tpu.memory_space<vmem>>) semaphore(%arg20 : memref<!tpu.dma_semaphore, #tpu.memory_space<semaphore_mem>>) {add = true}
    %dma_wait3A_326 = arith.constant 0 : i32
    %dma_wait3A_327 = arith.constant 0 : i32
    %dma_wait3A_328 = tpu.memref_slice %arg8[%dma_wait3A_326, %dma_wait3A_327] : memref<40x64xi32, #tpu.memory_space<vmem>> -> memref<1x64xi32, #tpu.memory_space<vmem>>
    %dma_wait3A_329 = tpu.memref_squeeze %dma_wait3A_328 : memref<1x64xi32, #tpu.memory_space<vmem>> -> memref<64xi32, #tpu.memory_space<vmem>>
    %dma_wait3A_330 = arith.constant 0 : i32
    %dma_wait3A_331 = arith.constant 0 : i32
    %dma_wait3A_332 = tpu.memref_slice %arg21[%dma_wait3A_330, %dma_wait3A_331] : memref<10240x128xf32, #tpu.memory_space<vmem_shared>> -> memref<10240x128xf32, #tpu.memory_space<vmem_shared>>
    tpu.wait_indirect_dma semaphore(%arg17 : memref<!tpu.dma_semaphore, #tpu.memory_space<semaphore_mem>>) src(%arg9 : memref<64x128xf32, #tpu.memory_space<vmem>>) dst(%dma_wait3A_332 : memref<10240x128xf32, #tpu.memory_space<vmem_shared>>)
    %dma_wait3A_333 = arith.constant 0 : i32
    %dma_wait3A_334 = arith.constant 0 : i32
    %dma_wait3A_335 = tpu.memref_slice %arg8[%dma_wait3A_333, %dma_wait3A_334] : memref<40x64xi32, #tpu.memory_space<vmem>> -> memref<1x64xi32, #tpu.memory_space<vmem>>
    %dma_wait3A_336 = tpu.memref_squeeze %dma_wait3A_335 : memref<1x64xi32, #tpu.memory_space<vmem>> -> memref<64xi32, #tpu.memory_space<vmem>>
    %dma_wait3A_337 = arith.constant 0 : i32
    %dma_wait3A_338 = arith.constant 0 : i32
    %dma_wait3A_339 = tpu.memref_slice %arg21[%dma_wait3A_337, %dma_wait3A_338] : memref<10240x128xf32, #tpu.memory_space<vmem_shared>> -> memref<10240x128xf32, #tpu.memory_space<vmem_shared>>
    tpu.wait_indirect_dma semaphore(%arg18 : memref<!tpu.dma_semaphore, #tpu.memory_space<semaphore_mem>>) src(%arg10 : memref<64x128xf32, #tpu.memory_space<vmem>>) dst(%dma_wait3A_339 : memref<10240x128xf32, #tpu.memory_space<vmem_shared>>)
    %dma_wait3A_340 = arith.constant 0 : i32
    %dma_wait3A_341 = arith.constant 0 : i32
    %dma_wait3A_342 = tpu.memref_slice %arg8[%dma_wait3A_340, %dma_wait3A_341] : memref<40x64xi32, #tpu.memory_space<vmem>> -> memref<1x64xi32, #tpu.memory_space<vmem>>
    %dma_wait3A_343 = tpu.memref_squeeze %dma_wait3A_342 : memref<1x64xi32, #tpu.memory_space<vmem>> -> memref<64xi32, #tpu.memory_space<vmem>>
    %dma_wait3A_344 = arith.constant 0 : i32
    %dma_wait3A_345 = arith.constant 0 : i32
    %dma_wait3A_346 = tpu.memref_slice %arg21[%dma_wait3A_344, %dma_wait3A_345] : memref<10240x128xf32, #tpu.memory_space<vmem_shared>> -> memref<10240x128xf32, #tpu.memory_space<vmem_shared>>
    tpu.wait_indirect_dma semaphore(%arg19 : memref<!tpu.dma_semaphore, #tpu.memory_space<semaphore_mem>>) src(%arg11 : memref<64x128xf32, #tpu.memory_space<vmem>>) dst(%dma_wait3A_346 : memref<10240x128xf32, #tpu.memory_space<vmem_shared>>)
    %dma_wait3A_347 = arith.constant 0 : i32
    %dma_wait3A_348 = arith.constant 0 : i32
    %dma_wait3A_349 = tpu.memref_slice %arg8[%dma_wait3A_347, %dma_wait3A_348] : memref<40x64xi32, #tpu.memory_space<vmem>> -> memref<1x64xi32, #tpu.memory_space<vmem>>
    %dma_wait3A_350 = tpu.memref_squeeze %dma_wait3A_349 : memref<1x64xi32, #tpu.memory_space<vmem>> -> memref<64xi32, #tpu.memory_space<vmem>>
    %dma_wait3A_351 = arith.constant 0 : i32
    %dma_wait3A_352 = arith.constant 0 : i32
    %dma_wait3A_353 = tpu.memref_slice %arg21[%dma_wait3A_351, %dma_wait3A_352] : memref<10240x128xf32, #tpu.memory_space<vmem_shared>> -> memref<10240x128xf32, #tpu.memory_space<vmem_shared>>
    tpu.wait_indirect_dma semaphore(%arg20 : memref<!tpu.dma_semaphore, #tpu.memory_space<semaphore_mem>>) src(%arg12 : memref<64x128xf32, #tpu.memory_space<vmem>>) dst(%dma_wait3A_353 : memref<10240x128xf32, #tpu.memory_space<vmem_shared>>)
    "tpu.region"() ({
      %run_scoped3A = tpu.sem_alloc : memref<!tpu.dma_semaphore, #tpu.memory_space<semaphore_mem>>
      %dma_start3A_477 = arith.constant 120 : i32
      %dma_start3A_478 = arith.constant 0 : i32
      %dma_start3A_479 = tpu.memref_slice %arg3[%add3A, %dma_start3A_477, %dma_start3A_478] : memref<32x160x64xi32, #tpu.memory_space<hbm>> -> memref<1x40x64xi32, #tpu.memory_space<hbm>>
      %dma_start3A_480 = tpu.memref_squeeze %dma_start3A_479 : memref<1x40x64xi32, #tpu.memory_space<hbm>> -> memref<40x64xi32, #tpu.memory_space<hbm>>
      %dma_start3A_481 = arith.constant 120 : i32
      %dma_start3A_482 = arith.constant 0 : i32
      %dma_start3A_483 = tpu.memref_slice %arg3[%add3A, %dma_start3A_481, %dma_start3A_482] : memref<32x160x64xi32, #tpu.memory_space<hbm>> -> memref<1x40x64xi32, #tpu.memory_space<hbm>>
      %dma_start3A_484 = tpu.memref_squeeze %dma_start3A_483 : memref<1x40x64xi32, #tpu.memory_space<hbm>> -> memref<40x64xi32, #tpu.memory_space<hbm>>
      tpu.enqueue_dma source(%dma_start3A_484 : memref<40x64xi32, #tpu.memory_space<hbm>>) target(%arg7 : memref<40x64xi32, #tpu.memory_space<vmem>>) target_semaphore(%run_scoped3A : memref<!tpu.dma_semaphore, #tpu.memory_space<semaphore_mem>>)
      %dma_wait3A_485 = arith.constant 120 : i32
      %dma_wait3A_486 = arith.constant 0 : i32
      %dma_wait3A_487 = tpu.memref_slice %arg3[%add3A, %dma_wait3A_485, %dma_wait3A_486] : memref<32x160x64xi32, #tpu.memory_space<hbm>> -> memref<1x40x64xi32, #tpu.memory_space<hbm>>
      %dma_wait3A_488 = tpu.memref_squeeze %dma_wait3A_487 : memref<1x40x64xi32, #tpu.memory_space<hbm>> -> memref<40x64xi32, #tpu.memory_space<hbm>>
      %dma_wait3A_489 = arith.constant 120 : i32
      %dma_wait3A_490 = arith.constant 0 : i32
      %dma_wait3A_491 = tpu.memref_slice %arg3[%add3A, %dma_wait3A_489, %dma_wait3A_490] : memref<32x160x64xi32, #tpu.memory_space<hbm>> -> memref<1x40x64xi32, #tpu.memory_space<hbm>>
      %dma_wait3A_492 = tpu.memref_squeeze %dma_wait3A_491 : memref<1x40x64xi32, #tpu.memory_space<hbm>> -> memref<40x64xi32, #tpu.memory_space<hbm>>
      tpu.wait_dma2 semaphore(%run_scoped3A : memref<!tpu.dma_semaphore, #tpu.memory_space<semaphore_mem>>) src(%dma_wait3A_492 : memref<40x64xi32, #tpu.memory_space<hbm>>) dst(%arg7 : memref<40x64xi32, #tpu.memory_space<vmem>>)
      tpu.yield
    }) : () -> ()
    "tpu.region"() ({
      %run_scoped3A = tpu.sem_alloc : memref<!tpu.dma_semaphore, #tpu.memory_space<semaphore_mem>>
      %dma_start3A_477 = arith.constant 120 : i32
      %dma_start3A_478 = arith.constant 0 : i32
      %dma_start3A_479 = tpu.memref_slice %arg4[%add3A, %dma_start3A_477, %dma_start3A_478] : memref<32x160x64xi32, #tpu.memory_space<hbm>> -> memref<1x40x64xi32, #tpu.memory_space<hbm>>
      %dma_start3A_480 = tpu.memref_squeeze %dma_start3A_479 : memref<1x40x64xi32, #tpu.memory_space<hbm>> -> memref<40x64xi32, #tpu.memory_space<hbm>>
      %dma_start3A_481 = arith.constant 120 : i32
      %dma_start3A_482 = arith.constant 0 : i32
      %dma_start3A_483 = tpu.memref_slice %arg4[%add3A, %dma_start3A_481, %dma_start3A_482] : memref<32x160x64xi32, #tpu.memory_space<hbm>> -> memref<1x40x64xi32, #tpu.memory_space<hbm>>
      %dma_start3A_484 = tpu.memref_squeeze %dma_start3A_483 : memref<1x40x64xi32, #tpu.memory_space<hbm>> -> memref<40x64xi32, #tpu.memory_space<hbm>>
      tpu.enqueue_dma source(%dma_start3A_484 : memref<40x64xi32, #tpu.memory_space<hbm>>) target(%arg8 : memref<40x64xi32, #tpu.memory_space<vmem>>) target_semaphore(%run_scoped3A : memref<!tpu.dma_semaphore, #tpu.memory_space<semaphore_mem>>)
      %dma_wait3A_485 = arith.constant 120 : i32
      %dma_wait3A_486 = arith.constant 0 : i32
      %dma_wait3A_487 = tpu.memref_slice %arg4[%add3A, %dma_wait3A_485, %dma_wait3A_486] : memref<32x160x64xi32, #tpu.memory_space<hbm>> -> memref<1x40x64xi32, #tpu.memory_space<hbm>>
      %dma_wait3A_488 = tpu.memref_squeeze %dma_wait3A_487 : memref<1x40x64xi32, #tpu.memory_space<hbm>> -> memref<40x64xi32, #tpu.memory_space<hbm>>
      %dma_wait3A_489 = arith.constant 120 : i32
      %dma_wait3A_490 = arith.constant 0 : i32
      %dma_wait3A_491 = tpu.memref_slice %arg4[%add3A, %dma_wait3A_489, %dma_wait3A_490] : memref<32x160x64xi32, #tpu.memory_space<hbm>> -> memref<1x40x64xi32, #tpu.memory_space<hbm>>
      %dma_wait3A_492 = tpu.memref_squeeze %dma_wait3A_491 : memref<1x40x64xi32, #tpu.memory_space<hbm>> -> memref<40x64xi32, #tpu.memory_space<hbm>>
      tpu.wait_dma2 semaphore(%run_scoped3A : memref<!tpu.dma_semaphore, #tpu.memory_space<semaphore_mem>>) src(%dma_wait3A_492 : memref<40x64xi32, #tpu.memory_space<hbm>>) dst(%arg8 : memref<40x64xi32, #tpu.memory_space<vmem>>)
      tpu.yield
    }) : () -> ()
    %dma_start3A_354 = arith.constant 0 : i32
    %dma_start3A_355 = arith.constant 0 : i32
    %dma_start3A_356 = tpu.memref_slice %arg7[%dma_start3A_354, %dma_start3A_355] : memref<40x64xi32, #tpu.memory_space<vmem>> -> memref<1x64xi32, #tpu.memory_space<vmem>>
    %dma_start3A_357 = tpu.memref_squeeze %dma_start3A_356 : memref<1x64xi32, #tpu.memory_space<vmem>> -> memref<64xi32, #tpu.memory_space<vmem>>
    %dma_start3A_358 = arith.constant 0 : i32
    %dma_start3A_359 = arith.constant 0 : i32
    %dma_start3A_360 = tpu.memref_slice %arg2[%dma_start3A_358, %dma_start3A_359] : memref<10240x128xf32, #tpu.memory_space<hbm>> -> memref<10240x128xf32, #tpu.memory_space<hbm>>
    tpu.enqueue_indirect_dma source(%dma_start3A_360 : memref<10240x128xf32, #tpu.memory_space<hbm>>) target(%arg9 : memref<64x128xf32, #tpu.memory_space<vmem>>) offsets(%dma_start3A_357 : memref<64xi32, #tpu.memory_space<vmem>>) semaphore(%arg13 : memref<!tpu.dma_semaphore, #tpu.memory_space<semaphore_mem>>)
    %dma_start3A_361 = arith.constant 1 : i32
    %dma_start3A_362 = arith.constant 0 : i32
    %dma_start3A_363 = tpu.memref_slice %arg7[%dma_start3A_361, %dma_start3A_362] : memref<40x64xi32, #tpu.memory_space<vmem>> -> memref<1x64xi32, #tpu.memory_space<vmem>>
    %dma_start3A_364 = tpu.memref_squeeze %dma_start3A_363 : memref<1x64xi32, #tpu.memory_space<vmem>> -> memref<64xi32, #tpu.memory_space<vmem>>
    %dma_start3A_365 = arith.constant 0 : i32
    %dma_start3A_366 = arith.constant 0 : i32
    %dma_start3A_367 = tpu.memref_slice %arg2[%dma_start3A_365, %dma_start3A_366] : memref<10240x128xf32, #tpu.memory_space<hbm>> -> memref<10240x128xf32, #tpu.memory_space<hbm>>
    tpu.enqueue_indirect_dma source(%dma_start3A_367 : memref<10240x128xf32, #tpu.memory_space<hbm>>) target(%arg10 : memref<64x128xf32, #tpu.memory_space<vmem>>) offsets(%dma_start3A_364 : memref<64xi32, #tpu.memory_space<vmem>>) semaphore(%arg14 : memref<!tpu.dma_semaphore, #tpu.memory_space<semaphore_mem>>)
    %dma_start3A_368 = arith.constant 2 : i32
    %dma_start3A_369 = arith.constant 0 : i32
    %dma_start3A_370 = tpu.memref_slice %arg7[%dma_start3A_368, %dma_start3A_369] : memref<40x64xi32, #tpu.memory_space<vmem>> -> memref<1x64xi32, #tpu.memory_space<vmem>>
    %dma_start3A_371 = tpu.memref_squeeze %dma_start3A_370 : memref<1x64xi32, #tpu.memory_space<vmem>> -> memref<64xi32, #tpu.memory_space<vmem>>
    %dma_start3A_372 = arith.constant 0 : i32
    %dma_start3A_373 = arith.constant 0 : i32
    %dma_start3A_374 = tpu.memref_slice %arg2[%dma_start3A_372, %dma_start3A_373] : memref<10240x128xf32, #tpu.memory_space<hbm>> -> memref<10240x128xf32, #tpu.memory_space<hbm>>
    tpu.enqueue_indirect_dma source(%dma_start3A_374 : memref<10240x128xf32, #tpu.memory_space<hbm>>) target(%arg11 : memref<64x128xf32, #tpu.memory_space<vmem>>) offsets(%dma_start3A_371 : memref<64xi32, #tpu.memory_space<vmem>>) semaphore(%arg15 : memref<!tpu.dma_semaphore, #tpu.memory_space<semaphore_mem>>)
    %dma_start3A_375 = arith.constant 3 : i32
    %dma_start3A_376 = arith.constant 0 : i32
    %dma_start3A_377 = tpu.memref_slice %arg7[%dma_start3A_375, %dma_start3A_376] : memref<40x64xi32, #tpu.memory_space<vmem>> -> memref<1x64xi32, #tpu.memory_space<vmem>>
    %dma_start3A_378 = tpu.memref_squeeze %dma_start3A_377 : memref<1x64xi32, #tpu.memory_space<vmem>> -> memref<64xi32, #tpu.memory_space<vmem>>
    %dma_start3A_379 = arith.constant 0 : i32
    %dma_start3A_380 = arith.constant 0 : i32
    %dma_start3A_381 = tpu.memref_slice %arg2[%dma_start3A_379, %dma_start3A_380] : memref<10240x128xf32, #tpu.memory_space<hbm>> -> memref<10240x128xf32, #tpu.memory_space<hbm>>
    tpu.enqueue_indirect_dma source(%dma_start3A_381 : memref<10240x128xf32, #tpu.memory_space<hbm>>) target(%arg12 : memref<64x128xf32, #tpu.memory_space<vmem>>) offsets(%dma_start3A_378 : memref<64xi32, #tpu.memory_space<vmem>>) semaphore(%arg16 : memref<!tpu.dma_semaphore, #tpu.memory_space<semaphore_mem>>)
    %scan3A_382 = arith.constant 0 : i32
    %scan3A_383 = arith.constant 0 : i32
    %scan3A_384 = arith.constant 9 : i32
    %scan3A_385 = arith.addi %scan3A_383, %scan3A_384 : i32
    %scan3A_386 = arith.constant 1 : i32
    scf.for %scan3A_477 = %scan3A_383 to %scan3A_385 step %scan3A_386  : i32 {
      %mul3A_478 = arith.constant 4 : i32
      %mul3A_479 = arith.muli %mul3A_478, %scan3A_477 : i32
      %add3A_480 = arith.constant 0 : i32
      %add3A_481 = arith.addi %mul3A_479, %add3A_480 : i32
      %dma_wait3A_482 = arith.constant 0 : i32
      %dma_wait3A_483 = arith.constant 0 : i32
      %dma_wait3A_484 = tpu.memref_slice %arg7[%dma_wait3A_482, %dma_wait3A_483] : memref<40x64xi32, #tpu.memory_space<vmem>> -> memref<1x64xi32, #tpu.memory_space<vmem>>
      %dma_wait3A_485 = tpu.memref_squeeze %dma_wait3A_484 : memref<1x64xi32, #tpu.memory_space<vmem>> -> memref<64xi32, #tpu.memory_space<vmem>>
      %dma_wait3A_486 = arith.constant 0 : i32
      %dma_wait3A_487 = arith.constant 0 : i32
      %dma_wait3A_488 = tpu.memref_slice %arg2[%dma_wait3A_486, %dma_wait3A_487] : memref<10240x128xf32, #tpu.memory_space<hbm>> -> memref<10240x128xf32, #tpu.memory_space<hbm>>
      tpu.wait_indirect_dma semaphore(%arg13 : memref<!tpu.dma_semaphore, #tpu.memory_space<semaphore_mem>>) src(%dma_wait3A_488 : memref<10240x128xf32, #tpu.memory_space<hbm>>) dst(%arg9 : memref<64x128xf32, #tpu.memory_space<vmem>>)
      %dma_start3A_489 = arith.constant 0 : i32
      %dma_start3A_490 = tpu.memref_slice %arg8[%add3A_481, %dma_start3A_489] : memref<40x64xi32, #tpu.memory_space<vmem>> -> memref<1x64xi32, #tpu.memory_space<vmem>>
      %dma_start3A_491 = tpu.memref_squeeze %dma_start3A_490 : memref<1x64xi32, #tpu.memory_space<vmem>> -> memref<64xi32, #tpu.memory_space<vmem>>
      %dma_start3A_492 = arith.constant 0 : i32
      %dma_start3A_493 = arith.constant 0 : i32
      %dma_start3A_494 = tpu.memref_slice %arg21[%dma_start3A_492, %dma_start3A_493] : memref<10240x128xf32, #tpu.memory_space<vmem_shared>> -> memref<10240x128xf32, #tpu.memory_space<vmem_shared>>
      tpu.enqueue_indirect_dma source(%arg9 : memref<64x128xf32, #tpu.memory_space<vmem>>) target(%dma_start3A_494 : memref<10240x128xf32, #tpu.memory_space<vmem_shared>>) offsets(%dma_start3A_491 : memref<64xi32, #tpu.memory_space<vmem>>) semaphore(%arg17 : memref<!tpu.dma_semaphore, #tpu.memory_space<semaphore_mem>>) {add = true}
      %mul3A_495 = arith.constant 4 : i32
      %mul3A_496 = arith.muli %mul3A_495, %scan3A_477 : i32
      %add3A_497 = arith.constant 1 : i32
      %add3A_498 = arith.addi %mul3A_496, %add3A_497 : i32
      %dma_wait3A_499 = arith.constant 0 : i32
      %dma_wait3A_500 = arith.constant 0 : i32
      %dma_wait3A_501 = tpu.memref_slice %arg7[%dma_wait3A_499, %dma_wait3A_500] : memref<40x64xi32, #tpu.memory_space<vmem>> -> memref<1x64xi32, #tpu.memory_space<vmem>>
      %dma_wait3A_502 = tpu.memref_squeeze %dma_wait3A_501 : memref<1x64xi32, #tpu.memory_space<vmem>> -> memref<64xi32, #tpu.memory_space<vmem>>
      %dma_wait3A_503 = arith.constant 0 : i32
      %dma_wait3A_504 = arith.constant 0 : i32
      %dma_wait3A_505 = tpu.memref_slice %arg2[%dma_wait3A_503, %dma_wait3A_504] : memref<10240x128xf32, #tpu.memory_space<hbm>> -> memref<10240x128xf32, #tpu.memory_space<hbm>>
      tpu.wait_indirect_dma semaphore(%arg14 : memref<!tpu.dma_semaphore, #tpu.memory_space<semaphore_mem>>) src(%dma_wait3A_505 : memref<10240x128xf32, #tpu.memory_space<hbm>>) dst(%arg10 : memref<64x128xf32, #tpu.memory_space<vmem>>)
      %dma_start3A_506 = arith.constant 0 : i32
      %dma_start3A_507 = tpu.memref_slice %arg8[%add3A_498, %dma_start3A_506] : memref<40x64xi32, #tpu.memory_space<vmem>> -> memref<1x64xi32, #tpu.memory_space<vmem>>
      %dma_start3A_508 = tpu.memref_squeeze %dma_start3A_507 : memref<1x64xi32, #tpu.memory_space<vmem>> -> memref<64xi32, #tpu.memory_space<vmem>>
      %dma_start3A_509 = arith.constant 0 : i32
      %dma_start3A_510 = arith.constant 0 : i32
      %dma_start3A_511 = tpu.memref_slice %arg21[%dma_start3A_509, %dma_start3A_510] : memref<10240x128xf32, #tpu.memory_space<vmem_shared>> -> memref<10240x128xf32, #tpu.memory_space<vmem_shared>>
      tpu.enqueue_indirect_dma source(%arg10 : memref<64x128xf32, #tpu.memory_space<vmem>>) target(%dma_start3A_511 : memref<10240x128xf32, #tpu.memory_space<vmem_shared>>) offsets(%dma_start3A_508 : memref<64xi32, #tpu.memory_space<vmem>>) semaphore(%arg18 : memref<!tpu.dma_semaphore, #tpu.memory_space<semaphore_mem>>) {add = true}
      %mul3A_512 = arith.constant 4 : i32
      %mul3A_513 = arith.muli %mul3A_512, %scan3A_477 : i32
      %add3A_514 = arith.constant 2 : i32
      %add3A_515 = arith.addi %mul3A_513, %add3A_514 : i32
      %dma_wait3A_516 = arith.constant 0 : i32
      %dma_wait3A_517 = arith.constant 0 : i32
      %dma_wait3A_518 = tpu.memref_slice %arg7[%dma_wait3A_516, %dma_wait3A_517] : memref<40x64xi32, #tpu.memory_space<vmem>> -> memref<1x64xi32, #tpu.memory_space<vmem>>
      %dma_wait3A_519 = tpu.memref_squeeze %dma_wait3A_518 : memref<1x64xi32, #tpu.memory_space<vmem>> -> memref<64xi32, #tpu.memory_space<vmem>>
      %dma_wait3A_520 = arith.constant 0 : i32
      %dma_wait3A_521 = arith.constant 0 : i32
      %dma_wait3A_522 = tpu.memref_slice %arg2[%dma_wait3A_520, %dma_wait3A_521] : memref<10240x128xf32, #tpu.memory_space<hbm>> -> memref<10240x128xf32, #tpu.memory_space<hbm>>
      tpu.wait_indirect_dma semaphore(%arg15 : memref<!tpu.dma_semaphore, #tpu.memory_space<semaphore_mem>>) src(%dma_wait3A_522 : memref<10240x128xf32, #tpu.memory_space<hbm>>) dst(%arg11 : memref<64x128xf32, #tpu.memory_space<vmem>>)
      %dma_start3A_523 = arith.constant 0 : i32
      %dma_start3A_524 = tpu.memref_slice %arg8[%add3A_515, %dma_start3A_523] : memref<40x64xi32, #tpu.memory_space<vmem>> -> memref<1x64xi32, #tpu.memory_space<vmem>>
      %dma_start3A_525 = tpu.memref_squeeze %dma_start3A_524 : memref<1x64xi32, #tpu.memory_space<vmem>> -> memref<64xi32, #tpu.memory_space<vmem>>
      %dma_start3A_526 = arith.constant 0 : i32
      %dma_start3A_527 = arith.constant 0 : i32
      %dma_start3A_528 = tpu.memref_slice %arg21[%dma_start3A_526, %dma_start3A_527] : memref<10240x128xf32, #tpu.memory_space<vmem_shared>> -> memref<10240x128xf32, #tpu.memory_space<vmem_shared>>
      tpu.enqueue_indirect_dma source(%arg11 : memref<64x128xf32, #tpu.memory_space<vmem>>) target(%dma_start3A_528 : memref<10240x128xf32, #tpu.memory_space<vmem_shared>>) offsets(%dma_start3A_525 : memref<64xi32, #tpu.memory_space<vmem>>) semaphore(%arg19 : memref<!tpu.dma_semaphore, #tpu.memory_space<semaphore_mem>>) {add = true}
      %mul3A_529 = arith.constant 4 : i32
      %mul3A_530 = arith.muli %mul3A_529, %scan3A_477 : i32
      %add3A_531 = arith.constant 3 : i32
      %add3A_532 = arith.addi %mul3A_530, %add3A_531 : i32
      %dma_wait3A_533 = arith.constant 0 : i32
      %dma_wait3A_534 = arith.constant 0 : i32
      %dma_wait3A_535 = tpu.memref_slice %arg7[%dma_wait3A_533, %dma_wait3A_534] : memref<40x64xi32, #tpu.memory_space<vmem>> -> memref<1x64xi32, #tpu.memory_space<vmem>>
      %dma_wait3A_536 = tpu.memref_squeeze %dma_wait3A_535 : memref<1x64xi32, #tpu.memory_space<vmem>> -> memref<64xi32, #tpu.memory_space<vmem>>
      %dma_wait3A_537 = arith.constant 0 : i32
      %dma_wait3A_538 = arith.constant 0 : i32
      %dma_wait3A_539 = tpu.memref_slice %arg2[%dma_wait3A_537, %dma_wait3A_538] : memref<10240x128xf32, #tpu.memory_space<hbm>> -> memref<10240x128xf32, #tpu.memory_space<hbm>>
      tpu.wait_indirect_dma semaphore(%arg16 : memref<!tpu.dma_semaphore, #tpu.memory_space<semaphore_mem>>) src(%dma_wait3A_539 : memref<10240x128xf32, #tpu.memory_space<hbm>>) dst(%arg12 : memref<64x128xf32, #tpu.memory_space<vmem>>)
      %dma_start3A_540 = arith.constant 0 : i32
      %dma_start3A_541 = tpu.memref_slice %arg8[%add3A_532, %dma_start3A_540] : memref<40x64xi32, #tpu.memory_space<vmem>> -> memref<1x64xi32, #tpu.memory_space<vmem>>
      %dma_start3A_542 = tpu.memref_squeeze %dma_start3A_541 : memref<1x64xi32, #tpu.memory_space<vmem>> -> memref<64xi32, #tpu.memory_space<vmem>>
      %dma_start3A_543 = arith.constant 0 : i32
      %dma_start3A_544 = arith.constant 0 : i32
      %dma_start3A_545 = tpu.memref_slice %arg21[%dma_start3A_543, %dma_start3A_544] : memref<10240x128xf32, #tpu.memory_space<vmem_shared>> -> memref<10240x128xf32, #tpu.memory_space<vmem_shared>>
      tpu.enqueue_indirect_dma source(%arg12 : memref<64x128xf32, #tpu.memory_space<vmem>>) target(%dma_start3A_545 : memref<10240x128xf32, #tpu.memory_space<vmem_shared>>) offsets(%dma_start3A_542 : memref<64xi32, #tpu.memory_space<vmem>>) semaphore(%arg20 : memref<!tpu.dma_semaphore, #tpu.memory_space<semaphore_mem>>) {add = true}
      %mul3A_546 = arith.constant 4 : i32
      %mul3A_547 = arith.muli %mul3A_546, %scan3A_477 : i32
      %add3A_548 = arith.constant 0 : i32
      %add3A_549 = arith.addi %mul3A_547, %add3A_548 : i32
      %add3A_550 = arith.constant 4 : i32
      %add3A_551 = arith.addi %add3A_549, %add3A_550 : i32
      %dma_wait3A_552 = arith.constant 0 : i32
      %dma_wait3A_553 = arith.constant 0 : i32
      %dma_wait3A_554 = tpu.memref_slice %arg8[%dma_wait3A_552, %dma_wait3A_553] : memref<40x64xi32, #tpu.memory_space<vmem>> -> memref<1x64xi32, #tpu.memory_space<vmem>>
      %dma_wait3A_555 = tpu.memref_squeeze %dma_wait3A_554 : memref<1x64xi32, #tpu.memory_space<vmem>> -> memref<64xi32, #tpu.memory_space<vmem>>
      %dma_wait3A_556 = arith.constant 0 : i32
      %dma_wait3A_557 = arith.constant 0 : i32
      %dma_wait3A_558 = tpu.memref_slice %arg21[%dma_wait3A_556, %dma_wait3A_557] : memref<10240x128xf32, #tpu.memory_space<vmem_shared>> -> memref<10240x128xf32, #tpu.memory_space<vmem_shared>>
      tpu.wait_indirect_dma semaphore(%arg17 : memref<!tpu.dma_semaphore, #tpu.memory_space<semaphore_mem>>) src(%arg9 : memref<64x128xf32, #tpu.memory_space<vmem>>) dst(%dma_wait3A_558 : memref<10240x128xf32, #tpu.memory_space<vmem_shared>>)
      %dma_start3A_559 = arith.constant 0 : i32
      %dma_start3A_560 = tpu.memref_slice %arg7[%add3A_551, %dma_start3A_559] : memref<40x64xi32, #tpu.memory_space<vmem>> -> memref<1x64xi32, #tpu.memory_space<vmem>>
      %dma_start3A_561 = tpu.memref_squeeze %dma_start3A_560 : memref<1x64xi32, #tpu.memory_space<vmem>> -> memref<64xi32, #tpu.memory_space<vmem>>
      %dma_start3A_562 = arith.constant 0 : i32
      %dma_start3A_563 = arith.constant 0 : i32
      %dma_start3A_564 = tpu.memref_slice %arg2[%dma_start3A_562, %dma_start3A_563] : memref<10240x128xf32, #tpu.memory_space<hbm>> -> memref<10240x128xf32, #tpu.memory_space<hbm>>
      tpu.enqueue_indirect_dma source(%dma_start3A_564 : memref<10240x128xf32, #tpu.memory_space<hbm>>) target(%arg9 : memref<64x128xf32, #tpu.memory_space<vmem>>) offsets(%dma_start3A_561 : memref<64xi32, #tpu.memory_space<vmem>>) semaphore(%arg13 : memref<!tpu.dma_semaphore, #tpu.memory_space<semaphore_mem>>)
      %mul3A_565 = arith.constant 4 : i32
      %mul3A_566 = arith.muli %mul3A_565, %scan3A_477 : i32
      %add3A_567 = arith.constant 1 : i32
      %add3A_568 = arith.addi %mul3A_566, %add3A_567 : i32
      %add3A_569 = arith.constant 4 : i32
      %add3A_570 = arith.addi %add3A_568, %add3A_569 : i32
      %dma_wait3A_571 = arith.constant 0 : i32
      %dma_wait3A_572 = arith.constant 0 : i32
      %dma_wait3A_573 = tpu.memref_slice %arg8[%dma_wait3A_571, %dma_wait3A_572] : memref<40x64xi32, #tpu.memory_space<vmem>> -> memref<1x64xi32, #tpu.memory_space<vmem>>
      %dma_wait3A_574 = tpu.memref_squeeze %dma_wait3A_573 : memref<1x64xi32, #tpu.memory_space<vmem>> -> memref<64xi32, #tpu.memory_space<vmem>>
      %dma_wait3A_575 = arith.constant 0 : i32
      %dma_wait3A_576 = arith.constant 0 : i32
      %dma_wait3A_577 = tpu.memref_slice %arg21[%dma_wait3A_575, %dma_wait3A_576] : memref<10240x128xf32, #tpu.memory_space<vmem_shared>> -> memref<10240x128xf32, #tpu.memory_space<vmem_shared>>
      tpu.wait_indirect_dma semaphore(%arg18 : memref<!tpu.dma_semaphore, #tpu.memory_space<semaphore_mem>>) src(%arg10 : memref<64x128xf32, #tpu.memory_space<vmem>>) dst(%dma_wait3A_577 : memref<10240x128xf32, #tpu.memory_space<vmem_shared>>)
      %dma_start3A_578 = arith.constant 0 : i32
      %dma_start3A_579 = tpu.memref_slice %arg7[%add3A_570, %dma_start3A_578] : memref<40x64xi32, #tpu.memory_space<vmem>> -> memref<1x64xi32, #tpu.memory_space<vmem>>
      %dma_start3A_580 = tpu.memref_squeeze %dma_start3A_579 : memref<1x64xi32, #tpu.memory_space<vmem>> -> memref<64xi32, #tpu.memory_space<vmem>>
      %dma_start3A_581 = arith.constant 0 : i32
      %dma_start3A_582 = arith.constant 0 : i32
      %dma_start3A_583 = tpu.memref_slice %arg2[%dma_start3A_581, %dma_start3A_582] : memref<10240x128xf32, #tpu.memory_space<hbm>> -> memref<10240x128xf32, #tpu.memory_space<hbm>>
      tpu.enqueue_indirect_dma source(%dma_start3A_583 : memref<10240x128xf32, #tpu.memory_space<hbm>>) target(%arg10 : memref<64x128xf32, #tpu.memory_space<vmem>>) offsets(%dma_start3A_580 : memref<64xi32, #tpu.memory_space<vmem>>) semaphore(%arg14 : memref<!tpu.dma_semaphore, #tpu.memory_space<semaphore_mem>>)
      %mul3A_584 = arith.constant 4 : i32
      %mul3A_585 = arith.muli %mul3A_584, %scan3A_477 : i32
      %add3A_586 = arith.constant 2 : i32
      %add3A_587 = arith.addi %mul3A_585, %add3A_586 : i32
      %add3A_588 = arith.constant 4 : i32
      %add3A_589 = arith.addi %add3A_587, %add3A_588 : i32
      %dma_wait3A_590 = arith.constant 0 : i32
      %dma_wait3A_591 = arith.constant 0 : i32
      %dma_wait3A_592 = tpu.memref_slice %arg8[%dma_wait3A_590, %dma_wait3A_591] : memref<40x64xi32, #tpu.memory_space<vmem>> -> memref<1x64xi32, #tpu.memory_space<vmem>>
      %dma_wait3A_593 = tpu.memref_squeeze %dma_wait3A_592 : memref<1x64xi32, #tpu.memory_space<vmem>> -> memref<64xi32, #tpu.memory_space<vmem>>
      %dma_wait3A_594 = arith.constant 0 : i32
      %dma_wait3A_595 = arith.constant 0 : i32
      %dma_wait3A_596 = tpu.memref_slice %arg21[%dma_wait3A_594, %dma_wait3A_595] : memref<10240x128xf32, #tpu.memory_space<vmem_shared>> -> memref<10240x128xf32, #tpu.memory_space<vmem_shared>>
      tpu.wait_indirect_dma semaphore(%arg19 : memref<!tpu.dma_semaphore, #tpu.memory_space<semaphore_mem>>) src(%arg11 : memref<64x128xf32, #tpu.memory_space<vmem>>) dst(%dma_wait3A_596 : memref<10240x128xf32, #tpu.memory_space<vmem_shared>>)
      %dma_start3A_597 = arith.constant 0 : i32
      %dma_start3A_598 = tpu.memref_slice %arg7[%add3A_589, %dma_start3A_597] : memref<40x64xi32, #tpu.memory_space<vmem>> -> memref<1x64xi32, #tpu.memory_space<vmem>>
      %dma_start3A_599 = tpu.memref_squeeze %dma_start3A_598 : memref<1x64xi32, #tpu.memory_space<vmem>> -> memref<64xi32, #tpu.memory_space<vmem>>
      %dma_start3A_600 = arith.constant 0 : i32
      %dma_start3A_601 = arith.constant 0 : i32
      %dma_start3A_602 = tpu.memref_slice %arg2[%dma_start3A_600, %dma_start3A_601] : memref<10240x128xf32, #tpu.memory_space<hbm>> -> memref<10240x128xf32, #tpu.memory_space<hbm>>
      tpu.enqueue_indirect_dma source(%dma_start3A_602 : memref<10240x128xf32, #tpu.memory_space<hbm>>) target(%arg11 : memref<64x128xf32, #tpu.memory_space<vmem>>) offsets(%dma_start3A_599 : memref<64xi32, #tpu.memory_space<vmem>>) semaphore(%arg15 : memref<!tpu.dma_semaphore, #tpu.memory_space<semaphore_mem>>)
      %mul3A_603 = arith.constant 4 : i32
      %mul3A_604 = arith.muli %mul3A_603, %scan3A_477 : i32
      %add3A_605 = arith.constant 3 : i32
      %add3A_606 = arith.addi %mul3A_604, %add3A_605 : i32
      %add3A_607 = arith.constant 4 : i32
      %add3A_608 = arith.addi %add3A_606, %add3A_607 : i32
      %dma_wait3A_609 = arith.constant 0 : i32
      %dma_wait3A_610 = arith.constant 0 : i32
      %dma_wait3A_611 = tpu.memref_slice %arg8[%dma_wait3A_609, %dma_wait3A_610] : memref<40x64xi32, #tpu.memory_space<vmem>> -> memref<1x64xi32, #tpu.memory_space<vmem>>
      %dma_wait3A_612 = tpu.memref_squeeze %dma_wait3A_611 : memref<1x64xi32, #tpu.memory_space<vmem>> -> memref<64xi32, #tpu.memory_space<vmem>>
      %dma_wait3A_613 = arith.constant 0 : i32
      %dma_wait3A_614 = arith.constant 0 : i32
      %dma_wait3A_615 = tpu.memref_slice %arg21[%dma_wait3A_613, %dma_wait3A_614] : memref<10240x128xf32, #tpu.memory_space<vmem_shared>> -> memref<10240x128xf32, #tpu.memory_space<vmem_shared>>
      tpu.wait_indirect_dma semaphore(%arg20 : memref<!tpu.dma_semaphore, #tpu.memory_space<semaphore_mem>>) src(%arg12 : memref<64x128xf32, #tpu.memory_space<vmem>>) dst(%dma_wait3A_615 : memref<10240x128xf32, #tpu.memory_space<vmem_shared>>)
      %dma_start3A_616 = arith.constant 0 : i32
      %dma_start3A_617 = tpu.memref_slice %arg7[%add3A_608, %dma_start3A_616] : memref<40x64xi32, #tpu.memory_space<vmem>> -> memref<1x64xi32, #tpu.memory_space<vmem>>
      %dma_start3A_618 = tpu.memref_squeeze %dma_start3A_617 : memref<1x64xi32, #tpu.memory_space<vmem>> -> memref<64xi32, #tpu.memory_space<vmem>>
      %dma_start3A_619 = arith.constant 0 : i32
      %dma_start3A_620 = arith.constant 0 : i32
      %dma_start3A_621 = tpu.memref_slice %arg2[%dma_start3A_619, %dma_start3A_620] : memref<10240x128xf32, #tpu.memory_space<hbm>> -> memref<10240x128xf32, #tpu.memory_space<hbm>>
      tpu.enqueue_indirect_dma source(%dma_start3A_621 : memref<10240x128xf32, #tpu.memory_space<hbm>>) target(%arg12 : memref<64x128xf32, #tpu.memory_space<vmem>>) offsets(%dma_start3A_618 : memref<64xi32, #tpu.memory_space<vmem>>) semaphore(%arg16 : memref<!tpu.dma_semaphore, #tpu.memory_space<semaphore_mem>>)
    }
    %scan3A_387 = arith.constant 9 : i32
    %dma_wait3A_388 = arith.constant 0 : i32
    %dma_wait3A_389 = arith.constant 0 : i32
    %dma_wait3A_390 = tpu.memref_slice %arg7[%dma_wait3A_388, %dma_wait3A_389] : memref<40x64xi32, #tpu.memory_space<vmem>> -> memref<1x64xi32, #tpu.memory_space<vmem>>
    %dma_wait3A_391 = tpu.memref_squeeze %dma_wait3A_390 : memref<1x64xi32, #tpu.memory_space<vmem>> -> memref<64xi32, #tpu.memory_space<vmem>>
    %dma_wait3A_392 = arith.constant 0 : i32
    %dma_wait3A_393 = arith.constant 0 : i32
    %dma_wait3A_394 = tpu.memref_slice %arg2[%dma_wait3A_392, %dma_wait3A_393] : memref<10240x128xf32, #tpu.memory_space<hbm>> -> memref<10240x128xf32, #tpu.memory_space<hbm>>
    tpu.wait_indirect_dma semaphore(%arg13 : memref<!tpu.dma_semaphore, #tpu.memory_space<semaphore_mem>>) src(%dma_wait3A_394 : memref<10240x128xf32, #tpu.memory_space<hbm>>) dst(%arg9 : memref<64x128xf32, #tpu.memory_space<vmem>>)
    %dma_start3A_395 = arith.constant 36 : i32
    %dma_start3A_396 = arith.constant 0 : i32
    %dma_start3A_397 = tpu.memref_slice %arg8[%dma_start3A_395, %dma_start3A_396] : memref<40x64xi32, #tpu.memory_space<vmem>> -> memref<1x64xi32, #tpu.memory_space<vmem>>
    %dma_start3A_398 = tpu.memref_squeeze %dma_start3A_397 : memref<1x64xi32, #tpu.memory_space<vmem>> -> memref<64xi32, #tpu.memory_space<vmem>>
    %dma_start3A_399 = arith.constant 0 : i32
    %dma_start3A_400 = arith.constant 0 : i32
    %dma_start3A_401 = tpu.memref_slice %arg21[%dma_start3A_399, %dma_start3A_400] : memref<10240x128xf32, #tpu.memory_space<vmem_shared>> -> memref<10240x128xf32, #tpu.memory_space<vmem_shared>>
    tpu.enqueue_indirect_dma source(%arg9 : memref<64x128xf32, #tpu.memory_space<vmem>>) target(%dma_start3A_401 : memref<10240x128xf32, #tpu.memory_space<vmem_shared>>) offsets(%dma_start3A_398 : memref<64xi32, #tpu.memory_space<vmem>>) semaphore(%arg17 : memref<!tpu.dma_semaphore, #tpu.memory_space<semaphore_mem>>) {add = true}
    %dma_wait3A_402 = arith.constant 0 : i32
    %dma_wait3A_403 = arith.constant 0 : i32
    %dma_wait3A_404 = tpu.memref_slice %arg7[%dma_wait3A_402, %dma_wait3A_403] : memref<40x64xi32, #tpu.memory_space<vmem>> -> memref<1x64xi32, #tpu.memory_space<vmem>>
    %dma_wait3A_405 = tpu.memref_squeeze %dma_wait3A_404 : memref<1x64xi32, #tpu.memory_space<vmem>> -> memref<64xi32, #tpu.memory_space<vmem>>
    %dma_wait3A_406 = arith.constant 0 : i32
    %dma_wait3A_407 = arith.constant 0 : i32
    %dma_wait3A_408 = tpu.memref_slice %arg2[%dma_wait3A_406, %dma_wait3A_407] : memref<10240x128xf32, #tpu.memory_space<hbm>> -> memref<10240x128xf32, #tpu.memory_space<hbm>>
    tpu.wait_indirect_dma semaphore(%arg14 : memref<!tpu.dma_semaphore, #tpu.memory_space<semaphore_mem>>) src(%dma_wait3A_408 : memref<10240x128xf32, #tpu.memory_space<hbm>>) dst(%arg10 : memref<64x128xf32, #tpu.memory_space<vmem>>)
    %dma_start3A_409 = arith.constant 37 : i32
    %dma_start3A_410 = arith.constant 0 : i32
    %dma_start3A_411 = tpu.memref_slice %arg8[%dma_start3A_409, %dma_start3A_410] : memref<40x64xi32, #tpu.memory_space<vmem>> -> memref<1x64xi32, #tpu.memory_space<vmem>>
    %dma_start3A_412 = tpu.memref_squeeze %dma_start3A_411 : memref<1x64xi32, #tpu.memory_space<vmem>> -> memref<64xi32, #tpu.memory_space<vmem>>
    %dma_start3A_413 = arith.constant 0 : i32
    %dma_start3A_414 = arith.constant 0 : i32
    %dma_start3A_415 = tpu.memref_slice %arg21[%dma_start3A_413, %dma_start3A_414] : memref<10240x128xf32, #tpu.memory_space<vmem_shared>> -> memref<10240x128xf32, #tpu.memory_space<vmem_shared>>
    tpu.enqueue_indirect_dma source(%arg10 : memref<64x128xf32, #tpu.memory_space<vmem>>) target(%dma_start3A_415 : memref<10240x128xf32, #tpu.memory_space<vmem_shared>>) offsets(%dma_start3A_412 : memref<64xi32, #tpu.memory_space<vmem>>) semaphore(%arg18 : memref<!tpu.dma_semaphore, #tpu.memory_space<semaphore_mem>>) {add = true}
    %dma_wait3A_416 = arith.constant 0 : i32
    %dma_wait3A_417 = arith.constant 0 : i32
    %dma_wait3A_418 = tpu.memref_slice %arg7[%dma_wait3A_416, %dma_wait3A_417] : memref<40x64xi32, #tpu.memory_space<vmem>> -> memref<1x64xi32, #tpu.memory_space<vmem>>
    %dma_wait3A_419 = tpu.memref_squeeze %dma_wait3A_418 : memref<1x64xi32, #tpu.memory_space<vmem>> -> memref<64xi32, #tpu.memory_space<vmem>>
    %dma_wait3A_420 = arith.constant 0 : i32
    %dma_wait3A_421 = arith.constant 0 : i32
    %dma_wait3A_422 = tpu.memref_slice %arg2[%dma_wait3A_420, %dma_wait3A_421] : memref<10240x128xf32, #tpu.memory_space<hbm>> -> memref<10240x128xf32, #tpu.memory_space<hbm>>
    tpu.wait_indirect_dma semaphore(%arg15 : memref<!tpu.dma_semaphore, #tpu.memory_space<semaphore_mem>>) src(%dma_wait3A_422 : memref<10240x128xf32, #tpu.memory_space<hbm>>) dst(%arg11 : memref<64x128xf32, #tpu.memory_space<vmem>>)
    %dma_start3A_423 = arith.constant 38 : i32
    %dma_start3A_424 = arith.constant 0 : i32
    %dma_start3A_425 = tpu.memref_slice %arg8[%dma_start3A_423, %dma_start3A_424] : memref<40x64xi32, #tpu.memory_space<vmem>> -> memref<1x64xi32, #tpu.memory_space<vmem>>
    %dma_start3A_426 = tpu.memref_squeeze %dma_start3A_425 : memref<1x64xi32, #tpu.memory_space<vmem>> -> memref<64xi32, #tpu.memory_space<vmem>>
    %dma_start3A_427 = arith.constant 0 : i32
    %dma_start3A_428 = arith.constant 0 : i32
    %dma_start3A_429 = tpu.memref_slice %arg21[%dma_start3A_427, %dma_start3A_428] : memref<10240x128xf32, #tpu.memory_space<vmem_shared>> -> memref<10240x128xf32, #tpu.memory_space<vmem_shared>>
    tpu.enqueue_indirect_dma source(%arg11 : memref<64x128xf32, #tpu.memory_space<vmem>>) target(%dma_start3A_429 : memref<10240x128xf32, #tpu.memory_space<vmem_shared>>) offsets(%dma_start3A_426 : memref<64xi32, #tpu.memory_space<vmem>>) semaphore(%arg19 : memref<!tpu.dma_semaphore, #tpu.memory_space<semaphore_mem>>) {add = true}
    %dma_wait3A_430 = arith.constant 0 : i32
    %dma_wait3A_431 = arith.constant 0 : i32
    %dma_wait3A_432 = tpu.memref_slice %arg7[%dma_wait3A_430, %dma_wait3A_431] : memref<40x64xi32, #tpu.memory_space<vmem>> -> memref<1x64xi32, #tpu.memory_space<vmem>>
    %dma_wait3A_433 = tpu.memref_squeeze %dma_wait3A_432 : memref<1x64xi32, #tpu.memory_space<vmem>> -> memref<64xi32, #tpu.memory_space<vmem>>
    %dma_wait3A_434 = arith.constant 0 : i32
    %dma_wait3A_435 = arith.constant 0 : i32
    %dma_wait3A_436 = tpu.memref_slice %arg2[%dma_wait3A_434, %dma_wait3A_435] : memref<10240x128xf32, #tpu.memory_space<hbm>> -> memref<10240x128xf32, #tpu.memory_space<hbm>>
    tpu.wait_indirect_dma semaphore(%arg16 : memref<!tpu.dma_semaphore, #tpu.memory_space<semaphore_mem>>) src(%dma_wait3A_436 : memref<10240x128xf32, #tpu.memory_space<hbm>>) dst(%arg12 : memref<64x128xf32, #tpu.memory_space<vmem>>)
    %dma_start3A_437 = arith.constant 39 : i32
    %dma_start3A_438 = arith.constant 0 : i32
    %dma_start3A_439 = tpu.memref_slice %arg8[%dma_start3A_437, %dma_start3A_438] : memref<40x64xi32, #tpu.memory_space<vmem>> -> memref<1x64xi32, #tpu.memory_space<vmem>>
    %dma_start3A_440 = tpu.memref_squeeze %dma_start3A_439 : memref<1x64xi32, #tpu.memory_space<vmem>> -> memref<64xi32, #tpu.memory_space<vmem>>
    %dma_start3A_441 = arith.constant 0 : i32
    %dma_start3A_442 = arith.constant 0 : i32
    %dma_start3A_443 = tpu.memref_slice %arg21[%dma_start3A_441, %dma_start3A_442] : memref<10240x128xf32, #tpu.memory_space<vmem_shared>> -> memref<10240x128xf32, #tpu.memory_space<vmem_shared>>
    tpu.enqueue_indirect_dma source(%arg12 : memref<64x128xf32, #tpu.memory_space<vmem>>) target(%dma_start3A_443 : memref<10240x128xf32, #tpu.memory_space<vmem_shared>>) offsets(%dma_start3A_440 : memref<64xi32, #tpu.memory_space<vmem>>) semaphore(%arg20 : memref<!tpu.dma_semaphore, #tpu.memory_space<semaphore_mem>>) {add = true}
    %dma_wait3A_444 = arith.constant 0 : i32
    %dma_wait3A_445 = arith.constant 0 : i32
    %dma_wait3A_446 = tpu.memref_slice %arg8[%dma_wait3A_444, %dma_wait3A_445] : memref<40x64xi32, #tpu.memory_space<vmem>> -> memref<1x64xi32, #tpu.memory_space<vmem>>
    %dma_wait3A_447 = tpu.memref_squeeze %dma_wait3A_446 : memref<1x64xi32, #tpu.memory_space<vmem>> -> memref<64xi32, #tpu.memory_space<vmem>>
    %dma_wait3A_448 = arith.constant 0 : i32
    %dma_wait3A_449 = arith.constant 0 : i32
    %dma_wait3A_450 = tpu.memref_slice %arg21[%dma_wait3A_448, %dma_wait3A_449] : memref<10240x128xf32, #tpu.memory_space<vmem_shared>> -> memref<10240x128xf32, #tpu.memory_space<vmem_shared>>
    tpu.wait_indirect_dma semaphore(%arg17 : memref<!tpu.dma_semaphore, #tpu.memory_space<semaphore_mem>>) src(%arg9 : memref<64x128xf32, #tpu.memory_space<vmem>>) dst(%dma_wait3A_450 : memref<10240x128xf32, #tpu.memory_space<vmem_shared>>)
    %dma_wait3A_451 = arith.constant 0 : i32
    %dma_wait3A_452 = arith.constant 0 : i32
    %dma_wait3A_453 = tpu.memref_slice %arg8[%dma_wait3A_451, %dma_wait3A_452] : memref<40x64xi32, #tpu.memory_space<vmem>> -> memref<1x64xi32, #tpu.memory_space<vmem>>
    %dma_wait3A_454 = tpu.memref_squeeze %dma_wait3A_453 : memref<1x64xi32, #tpu.memory_space<vmem>> -> memref<64xi32, #tpu.memory_space<vmem>>
    %dma_wait3A_455 = arith.constant 0 : i32
    %dma_wait3A_456 = arith.constant 0 : i32
    %dma_wait3A_457 = tpu.memref_slice %arg21[%dma_wait3A_455, %dma_wait3A_456] : memref<10240x128xf32, #tpu.memory_space<vmem_shared>> -> memref<10240x128xf32, #tpu.memory_space<vmem_shared>>
    tpu.wait_indirect_dma semaphore(%arg18 : memref<!tpu.dma_semaphore, #tpu.memory_space<semaphore_mem>>) src(%arg10 : memref<64x128xf32, #tpu.memory_space<vmem>>) dst(%dma_wait3A_457 : memref<10240x128xf32, #tpu.memory_space<vmem_shared>>)
    %dma_wait3A_458 = arith.constant 0 : i32
    %dma_wait3A_459 = arith.constant 0 : i32
    %dma_wait3A_460 = tpu.memref_slice %arg8[%dma_wait3A_458, %dma_wait3A_459] : memref<40x64xi32, #tpu.memory_space<vmem>> -> memref<1x64xi32, #tpu.memory_space<vmem>>
    %dma_wait3A_461 = tpu.memref_squeeze %dma_wait3A_460 : memref<1x64xi32, #tpu.memory_space<vmem>> -> memref<64xi32, #tpu.memory_space<vmem>>
    %dma_wait3A_462 = arith.constant 0 : i32
    %dma_wait3A_463 = arith.constant 0 : i32
    %dma_wait3A_464 = tpu.memref_slice %arg21[%dma_wait3A_462, %dma_wait3A_463] : memref<10240x128xf32, #tpu.memory_space<vmem_shared>> -> memref<10240x128xf32, #tpu.memory_space<vmem_shared>>
    tpu.wait_indirect_dma semaphore(%arg19 : memref<!tpu.dma_semaphore, #tpu.memory_space<semaphore_mem>>) src(%arg11 : memref<64x128xf32, #tpu.memory_space<vmem>>) dst(%dma_wait3A_464 : memref<10240x128xf32, #tpu.memory_space<vmem_shared>>)
    %dma_wait3A_465 = arith.constant 0 : i32
    %dma_wait3A_466 = arith.constant 0 : i32
    %dma_wait3A_467 = tpu.memref_slice %arg8[%dma_wait3A_465, %dma_wait3A_466] : memref<40x64xi32, #tpu.memory_space<vmem>> -> memref<1x64xi32, #tpu.memory_space<vmem>>
    %dma_wait3A_468 = tpu.memref_squeeze %dma_wait3A_467 : memref<1x64xi32, #tpu.memory_space<vmem>> -> memref<64xi32, #tpu.memory_space<vmem>>
    %dma_wait3A_469 = arith.constant 0 : i32
    %dma_wait3A_470 = arith.constant 0 : i32
    %dma_wait3A_471 = tpu.memref_slice %arg21[%dma_wait3A_469, %dma_wait3A_470] : memref<10240x128xf32, #tpu.memory_space<vmem_shared>> -> memref<10240x128xf32, #tpu.memory_space<vmem_shared>>
    tpu.wait_indirect_dma semaphore(%arg20 : memref<!tpu.dma_semaphore, #tpu.memory_space<semaphore_mem>>) src(%arg12 : memref<64x128xf32, #tpu.memory_space<vmem>>) dst(%dma_wait3A_471 : memref<10240x128xf32, #tpu.memory_space<vmem_shared>>)
    %barrier3A_472 = arith.constant 0 : index
    tpu.barrier barrier_id(%barrier3A_472)
    %mul3A_473 = arith.constant 640 : i32
    %mul3A_474 = arith.muli %arg1, %mul3A_473 : i32
    %mul3A_475 = arith.constant 640 : i32
    %mul3A_476 = arith.muli %arg1, %mul3A_475 : i32
    "tpu.region"() ({
      %run_scoped3A = tpu.sem_alloc : memref<!tpu.dma_semaphore, #tpu.memory_space<semaphore_mem>>
      %dma_start3A_477 = arith.constant 0 : i32
      %dma_start3A_478 = tpu.memref_slice %arg6[%arg0, %mul3A_476, %dma_start3A_477] : memref<2x10240x128xf32, #tpu.memory_space<hbm>> -> memref<1x640x128xf32, #tpu.memory_space<hbm>>
      %dma_start3A_479 = tpu.memref_squeeze %dma_start3A_478 : memref<1x640x128xf32, #tpu.memory_space<hbm>> -> memref<640x128xf32, #tpu.memory_space<hbm>>
      %dma_start3A_480 = arith.constant 0 : i32
      %dma_start3A_481 = tpu.memref_slice %arg21[%mul3A_474, %dma_start3A_480] : memref<10240x128xf32, #tpu.memory_space<vmem_shared>> -> memref<640x128xf32, #tpu.memory_space<vmem_shared>>
      tpu.enqueue_dma source(%dma_start3A_481 : memref<640x128xf32, #tpu.memory_space<vmem_shared>>) target(%dma_start3A_479 : memref<640x128xf32, #tpu.memory_space<hbm>>) target_semaphore(%run_scoped3A : memref<!tpu.dma_semaphore, #tpu.memory_space<semaphore_mem>>)
      %dma_wait3A_482 = arith.constant 0 : i32
      %dma_wait3A_483 = tpu.memref_slice %arg6[%arg0, %mul3A_476, %dma_wait3A_482] : memref<2x10240x128xf32, #tpu.memory_space<hbm>> -> memref<1x640x128xf32, #tpu.memory_space<hbm>>
      %dma_wait3A_484 = tpu.memref_squeeze %dma_wait3A_483 : memref<1x640x128xf32, #tpu.memory_space<hbm>> -> memref<640x128xf32, #tpu.memory_space<hbm>>
      %dma_wait3A_485 = arith.constant 0 : i32
      %dma_wait3A_486 = tpu.memref_slice %arg21[%mul3A_474, %dma_wait3A_485] : memref<10240x128xf32, #tpu.memory_space<vmem_shared>> -> memref<640x128xf32, #tpu.memory_space<vmem_shared>>
      tpu.wait_dma2 semaphore(%run_scoped3A : memref<!tpu.dma_semaphore, #tpu.memory_space<semaphore_mem>>) src(%dma_wait3A_486 : memref<640x128xf32, #tpu.memory_space<vmem_shared>>) dst(%dma_wait3A_484 : memref<640x128xf32, #tpu.memory_space<hbm>>)
      tpu.yield
    }) : () -> ()
    return
  }
}

module attributes {stable_mosaic.version = 14 : i64} {
  func.func @_t1_kernel(%arg0: i32, %arg1: memref<1280x128xf32, #tpu.memory_space<vmem>>, %arg2: memref<128x128xf32, #tpu.memory_space<vmem>>, %arg3: memref<2x1280x128xf32, #tpu.memory_space<vmem>>, %arg4: memref<1280x128xf32, #tpu.memory_space<vmem>>, %arg5: memref<1280x16xf32, #tpu.memory_space<vmem>>) attributes {dimension_semantics = [#tpu.dimension_semantics<arbitrary>], iteration_bounds = array<i64: 8>, scalar_prefetch = 0 : i64, scratch_operands = 0 : i64, tpu.core_type = #tpu.core_type<tc>, window_params = [{transform_indices = @transform_0, window_bounds = array<i64: 1280, 128>}, {pipeline_mode = #tpu.pipeline_mode<synchronous>, transform_indices = @transform_1, window_bounds = array<i64: 128, 128>}, {transform_indices = @transform_2, window_bounds = array<i64: 2, 1280, 128>}, {transform_indices = @transform_3, window_bounds = array<i64: 1280, 128>}, {transform_indices = @transform_4, window_bounds = array<i64: 1280, 16>}]} {
    %get3A = arith.constant 0 : index
    %get3A_0 = arith.constant 0 : index
    %get3A_1 = arith.constant 0 : index
    %get3A_2 = vector.load %arg3[%get3A, %get3A_0, %get3A_1] : memref<2x1280x128xf32, #tpu.memory_space<vmem>>, vector<2x1280x128xf32>
    %slice3A = vector.extract_strided_slice %get3A_2 {offsets = [0, 0, 0], sizes = [1, 1280, 128], strides = [1, 1, 1]} : vector<2x1280x128xf32> to vector<1x1280x128xf32>
    %squeeze3A = vector.shape_cast %slice3A : vector<1x1280x128xf32> to vector<1280x128xf32>
    %slice3A_3 = vector.extract_strided_slice %get3A_2 {offsets = [1, 0, 0], sizes = [1, 1280, 128], strides = [1, 1, 1]} : vector<2x1280x128xf32> to vector<1x1280x128xf32>
    %squeeze3A_4 = vector.shape_cast %slice3A_3 : vector<1x1280x128xf32> to vector<1280x128xf32>
    %add3A = arith.addf %squeeze3A, %squeeze3A_4 : vector<1280x128xf32>
    %add3A_5 = arith.constant 1.000000e+00 : f32
    %add3A_6 = vector.broadcast %add3A_5 : f32 to vector<1280x128xf32>
    %add3A_7 = arith.addf %add3A, %add3A_6 : vector<1280x128xf32>
    %rsqrt3A = math.rsqrt %add3A_7 : vector<1280x128xf32>
    %get3A_8 = arith.constant 0 : index
    %get3A_9 = arith.constant 0 : index
    %get3A_10 = vector.load %arg1[%get3A_8, %get3A_9] : memref<1280x128xf32, #tpu.memory_space<vmem>>, vector<1280x128xf32>
    %get3A_11 = arith.constant 0 : index
    %get3A_12 = arith.constant 0 : index
    %get3A_13 = vector.load %arg2[%get3A_11, %get3A_12] : memref<128x128xf32, #tpu.memory_space<vmem>>, vector<128x128xf32>
    %dot_general3A = arith.constant dense<0.000000e+00> : vector<1280x128xf32>
    %dot_general3A_14 = tpu.matmul %get3A_10, %get3A_13, %dot_general3A {dimension_numbers = #tpu.dot_dimension_numbers<[1], [0], [0], [1], [0, 0, 1, 1], [], []>, transpose_lhs_hint = false} : vector<1280x128xf32>, vector<128x128xf32>, vector<1280x128xf32> -> vector<1280x128xf32>
    %slice3A_15 = vector.extract_strided_slice %rsqrt3A {offsets = [0, 0], sizes = [1280, 1], strides = [1, 1]} : vector<1280x128xf32> to vector<1280x1xf32>
    %mul3A = vector.broadcast %slice3A_15 : vector<1280x1xf32> to vector<1280x128xf32>
    %mul3A_16 = arith.mulf %dot_general3A_14, %mul3A : vector<1280x128xf32>
    %swap3A = arith.constant 0 : index
    %swap3A_17 = arith.constant 0 : index
    %swap3A_18 = vector.load %arg4[%swap3A, %swap3A_17] : memref<1280x128xf32, #tpu.memory_space<vmem>>, vector<1280x128xf32>
    tpu.vector_store %arg4[%swap3A, %swap3A_17], %mul3A_16 {strides = array<i32>} : memref<1280x128xf32, #tpu.memory_space<vmem>>, vector<1280x128xf32>,
    %slice3A_19 = vector.extract_strided_slice %rsqrt3A {offsets = [0, 0], sizes = [1280, 16], strides = [1, 1]} : vector<1280x128xf32> to vector<1280x16xf32>
    %swap3A_20 = arith.constant 0 : index
    %swap3A_21 = arith.constant 0 : index
    %swap3A_22 = vector.load %arg5[%swap3A_20, %swap3A_21] : memref<1280x16xf32, #tpu.memory_space<vmem>>, vector<1280x16xf32>
    tpu.vector_store %arg5[%swap3A_20, %swap3A_21], %slice3A_19 {strides = array<i32>} : memref<1280x16xf32, #tpu.memory_space<vmem>>, vector<1280x16xf32>,
    return
  }
  func.func @transform_0(%arg0: i32) -> (i32, i32) {
    %c0_i32 = arith.constant 0 : i32
    %c0_i32_0 = arith.constant 0 : i32
    return %arg0, %c0_i32 : i32, i32
  }
  func.func @transform_1(%arg0: i32) -> (i32, i32) {
    %c0_i32 = arith.constant 0 : i32
    %c0_i32_0 = arith.constant 0 : i32
    %c0_i32_1 = arith.constant 0 : i32
    return %c0_i32, %c0_i32_0 : i32, i32
  }
  func.func @transform_2(%arg0: i32) -> (i32, i32, i32) {
    %c0_i32 = arith.constant 0 : i32
    %c0_i32_0 = arith.constant 0 : i32
    %c0_i32_1 = arith.constant 0 : i32
    return %c0_i32, %arg0, %c0_i32_0 : i32, i32, i32
  }
  func.func @transform_3(%arg0: i32) -> (i32, i32) {
    %c0_i32 = arith.constant 0 : i32
    %c0_i32_0 = arith.constant 0 : i32
    return %arg0, %c0_i32 : i32, i32
  }
  func.func @transform_4(%arg0: i32) -> (i32, i32) {
    %c0_i32 = arith.constant 0 : i32
    %c0_i32_0 = arith.constant 0 : i32
    return %arg0, %c0_i32 : i32, i32
  }
}

module attributes {stable_mosaic.version = 14 : i64} {
  func.func @_t2_kernel(%arg0: i32, %arg1: memref<2x1280x128xf32, #tpu.memory_space<vmem>>, %arg2: memref<1280x128xf32, #tpu.memory_space<vmem>>, %arg3: memref<1280x16xf32, #tpu.memory_space<vmem>>, %arg4: memref<1x128xf32, #tpu.memory_space<vmem>>, %arg5: memref<128x128xf32, #tpu.memory_space<vmem>>, %arg6: memref<1280x128xf32, #tpu.memory_space<vmem>>) attributes {dimension_semantics = [#tpu.dimension_semantics<arbitrary>], iteration_bounds = array<i64: 8>, scalar_prefetch = 0 : i64, scratch_operands = 0 : i64, tpu.core_type = #tpu.core_type<tc>, window_params = [{transform_indices = @transform_0, window_bounds = array<i64: 2, 1280, 128>}, {transform_indices = @transform_1, window_bounds = array<i64: 1280, 128>}, {transform_indices = @transform_2, window_bounds = array<i64: 1280, 16>}, {pipeline_mode = #tpu.pipeline_mode<synchronous>, transform_indices = @transform_3, window_bounds = array<i64: 1, 128>}, {pipeline_mode = #tpu.pipeline_mode<synchronous>, transform_indices = @transform_4, window_bounds = array<i64: 128, 128>}, {transform_indices = @transform_5, window_bounds = array<i64: 1280, 128>}]} {
    %get3A = arith.constant 0 : index
    %get3A_0 = arith.constant 0 : index
    %get3A_1 = arith.constant 0 : index
    %get3A_2 = vector.load %arg1[%get3A, %get3A_0, %get3A_1] : memref<2x1280x128xf32, #tpu.memory_space<vmem>>, vector<2x1280x128xf32>
    %get3A_3 = arith.constant 0 : index
    %get3A_4 = arith.constant 0 : index
    %get3A_5 = vector.load %arg2[%get3A_3, %get3A_4] : memref<1280x128xf32, #tpu.memory_space<vmem>>, vector<1280x128xf32>
    %get3A_6 = arith.constant 0 : index
    %get3A_7 = arith.constant 0 : index
    %get3A_8 = vector.load %arg3[%get3A_6, %get3A_7] : memref<1280x16xf32, #tpu.memory_space<vmem>>, vector<1280x16xf32>
    %slice3A = vector.extract_strided_slice %get3A_8 {offsets = [0, 0], sizes = [1280, 1], strides = [1, 1]} : vector<1280x16xf32> to vector<1280x1xf32>
    %slice3A_9 = vector.extract_strided_slice %get3A_2 {offsets = [0, 0, 0], sizes = [1, 1280, 128], strides = [1, 1, 1]} : vector<2x1280x128xf32> to vector<1x1280x128xf32>
    %squeeze3A = vector.shape_cast %slice3A_9 : vector<1x1280x128xf32> to vector<1280x128xf32>
    %slice3A_10 = vector.extract_strided_slice %get3A_2 {offsets = [1, 0, 0], sizes = [1, 1280, 128], strides = [1, 1, 1]} : vector<2x1280x128xf32> to vector<1x1280x128xf32>
    %squeeze3A_11 = vector.shape_cast %slice3A_10 : vector<1x1280x128xf32> to vector<1280x128xf32>
    %add3A = arith.addf %squeeze3A, %squeeze3A_11 : vector<1280x128xf32>
    %add3A_12 = arith.addf %add3A, %get3A_5 : vector<1280x128xf32>
    %mul3A = vector.broadcast %slice3A : vector<1280x1xf32> to vector<1280x128xf32>
    %mul3A_13 = arith.mulf %add3A_12, %mul3A : vector<1280x128xf32>
    %get3A_14 = arith.constant 0 : index
    %get3A_15 = arith.constant 0 : index
    %get3A_16 = vector.load %arg4[%get3A_14, %get3A_15] : memref<1x128xf32, #tpu.memory_space<vmem>>, vector<1x128xf32>
    %add3A_17 = vector.broadcast %get3A_16 : vector<1x128xf32> to vector<1280x128xf32>
    %add3A_18 = arith.addf %mul3A_13, %add3A_17 : vector<1280x128xf32>
    %max3A = arith.constant 0.000000e+00 : f32
    %max3A_19 = vector.broadcast %max3A : f32 to vector<1280x128xf32>
    %max3A_20 = arith.maximumf %add3A_18, %max3A_19 : vector<1280x128xf32>
    %get3A_21 = arith.constant 0 : index
    %get3A_22 = arith.constant 0 : index
    %get3A_23 = vector.load %arg5[%get3A_21, %get3A_22] : memref<128x128xf32, #tpu.memory_space<vmem>>, vector<128x128xf32>
    %dot_general3A = arith.constant dense<0.000000e+00> : vector<1280x128xf32>
    %dot_general3A_24 = tpu.matmul %max3A_20, %get3A_23, %dot_general3A {dimension_numbers = #tpu.dot_dimension_numbers<[1], [0], [0], [1], [0, 0, 1, 1], [], []>, transpose_lhs_hint = false} : vector<1280x128xf32>, vector<128x128xf32>, vector<1280x128xf32> -> vector<1280x128xf32>
    %mul3A_25 = vector.broadcast %slice3A : vector<1280x1xf32> to vector<1280x128xf32>
    %mul3A_26 = arith.mulf %dot_general3A_24, %mul3A_25 : vector<1280x128xf32>
    %swap3A = arith.constant 0 : index
    %swap3A_27 = arith.constant 0 : index
    %swap3A_28 = vector.load %arg6[%swap3A, %swap3A_27] : memref<1280x128xf32, #tpu.memory_space<vmem>>, vector<1280x128xf32>
    tpu.vector_store %arg6[%swap3A, %swap3A_27], %mul3A_26 {strides = array<i32>} : memref<1280x128xf32, #tpu.memory_space<vmem>>, vector<1280x128xf32>,
    return
  }
  func.func @transform_0(%arg0: i32) -> (i32, i32, i32) {
    %c0_i32 = arith.constant 0 : i32
    %c0_i32_0 = arith.constant 0 : i32
    %c0_i32_1 = arith.constant 0 : i32
    return %c0_i32, %arg0, %c0_i32_0 : i32, i32, i32
  }
  func.func @transform_1(%arg0: i32) -> (i32, i32) {
    %c0_i32 = arith.constant 0 : i32
    %c0_i32_0 = arith.constant 0 : i32
    return %arg0, %c0_i32 : i32, i32
  }
  func.func @transform_2(%arg0: i32) -> (i32, i32) {
    %c0_i32 = arith.constant 0 : i32
    %c0_i32_0 = arith.constant 0 : i32
    return %arg0, %c0_i32 : i32, i32
  }
  func.func @transform_3(%arg0: i32) -> (i32, i32) {
    %c0_i32 = arith.constant 0 : i32
    %c0_i32_0 = arith.constant 0 : i32
    %c0_i32_1 = arith.constant 0 : i32
    return %c0_i32, %c0_i32_0 : i32, i32
  }
  func.func @transform_4(%arg0: i32) -> (i32, i32) {
    %c0_i32 = arith.constant 0 : i32
    %c0_i32_0 = arith.constant 0 : i32
    %c0_i32_1 = arith.constant 0 : i32
    return %c0_i32, %c0_i32_0 : i32, i32
  }
  func.func @transform_5(%arg0: i32) -> (i32, i32) {
    %c0_i32 = arith.constant 0 : i32
    %c0_i32_0 = arith.constant 0 : i32
    return %arg0, %c0_i32 : i32, i32
  }
}

module attributes {stable_mosaic.version = 14 : i64} {
  func.func @_t3_kernel(%arg0: i32, %arg1: memref<2x1280x128xf32, #tpu.memory_space<vmem>>, %arg2: memref<1280x128xf32, #tpu.memory_space<vmem>>, %arg3: memref<1280x16xf32, #tpu.memory_space<vmem>>, %arg4: memref<1x128xf32, #tpu.memory_space<vmem>>, %arg5: memref<1280x16xf32, #tpu.memory_space<vmem>>) attributes {dimension_semantics = [#tpu.dimension_semantics<arbitrary>], iteration_bounds = array<i64: 8>, scalar_prefetch = 0 : i64, scratch_operands = 0 : i64, tpu.core_type = #tpu.core_type<tc>, window_params = [{transform_indices = @transform_0, window_bounds = array<i64: 2, 1280, 128>}, {transform_indices = @transform_1, window_bounds = array<i64: 1280, 128>}, {transform_indices = @transform_2, window_bounds = array<i64: 1280, 16>}, {pipeline_mode = #tpu.pipeline_mode<synchronous>, transform_indices = @transform_3, window_bounds = array<i64: 1, 128>}, {transform_indices = @transform_4, window_bounds = array<i64: 1280, 16>}]} {
    %get3A = arith.constant 0 : index
    %get3A_0 = arith.constant 0 : index
    %get3A_1 = arith.constant 0 : index
    %get3A_2 = vector.load %arg1[%get3A, %get3A_0, %get3A_1] : memref<2x1280x128xf32, #tpu.memory_space<vmem>>, vector<2x1280x128xf32>
    %get3A_3 = arith.constant 0 : index
    %get3A_4 = arith.constant 0 : index
    %get3A_5 = vector.load %arg3[%get3A_3, %get3A_4] : memref<1280x16xf32, #tpu.memory_space<vmem>>, vector<1280x16xf32>
    %slice3A = vector.extract_strided_slice %get3A_5 {offsets = [0, 0], sizes = [1280, 1], strides = [1, 1]} : vector<1280x16xf32> to vector<1280x1xf32>
    %slice3A_6 = vector.extract_strided_slice %get3A_2 {offsets = [0, 0, 0], sizes = [1, 1280, 128], strides = [1, 1, 1]} : vector<2x1280x128xf32> to vector<1x1280x128xf32>
    %squeeze3A = vector.shape_cast %slice3A_6 : vector<1x1280x128xf32> to vector<1280x128xf32>
    %slice3A_7 = vector.extract_strided_slice %get3A_2 {offsets = [1, 0, 0], sizes = [1, 1280, 128], strides = [1, 1, 1]} : vector<2x1280x128xf32> to vector<1x1280x128xf32>
    %squeeze3A_8 = vector.shape_cast %slice3A_7 : vector<1x1280x128xf32> to vector<1280x128xf32>
    %add3A = arith.addf %squeeze3A, %squeeze3A_8 : vector<1280x128xf32>
    %get3A_9 = arith.constant 0 : index
    %get3A_10 = arith.constant 0 : index
    %get3A_11 = vector.load %arg2[%get3A_9, %get3A_10] : memref<1280x128xf32, #tpu.memory_space<vmem>>, vector<1280x128xf32>
    %add3A_12 = arith.addf %add3A, %get3A_11 : vector<1280x128xf32>
    %mul3A = vector.broadcast %slice3A : vector<1280x1xf32> to vector<1280x128xf32>
    %mul3A_13 = arith.mulf %add3A_12, %mul3A : vector<1280x128xf32>
    %get3A_14 = arith.constant 0 : index
    %get3A_15 = arith.constant 0 : index
    %get3A_16 = vector.load %arg4[%get3A_14, %get3A_15] : memref<1x128xf32, #tpu.memory_space<vmem>>, vector<1x128xf32>
    %add3A_17 = vector.broadcast %get3A_16 : vector<1x128xf32> to vector<1280x128xf32>
    %add3A_18 = arith.addf %mul3A_13, %add3A_17 : vector<1280x128xf32>
    %slice3A_19 = vector.extract_strided_slice %add3A_18 {offsets = [0, 0], sizes = [1280, 16], strides = [1, 1]} : vector<1280x128xf32> to vector<1280x16xf32>
    %reduce_max3A = arith.constant dense<0xFF800000> : vector<1280xf32>
    %reduce_max3A_20 = vector.multi_reduction <maximumf>, %slice3A_19, %reduce_max3A [1] : vector<1280x16xf32> to vector<1280xf32>
    %broadcast_in_dim3A = vector.shape_cast %reduce_max3A_20 : vector<1280xf32> to vector<1280x1xf32>
    %sub3A = vector.broadcast %broadcast_in_dim3A : vector<1280x1xf32> to vector<1280x16xf32>
    %sub3A_21 = arith.subf %slice3A_19, %sub3A : vector<1280x16xf32>
    %exp3A = math.exp %sub3A_21 : vector<1280x16xf32>
    %reduce_sum3A = arith.constant dense<0.000000e+00> : vector<1280xf32>
    %reduce_sum3A_22 = vector.multi_reduction <add>, %exp3A, %reduce_sum3A [1] : vector<1280x16xf32> to vector<1280xf32>
    %broadcast_in_dim3A_23 = vector.shape_cast %reduce_sum3A_22 : vector<1280xf32> to vector<1280x1xf32>
    %log3A = math.log %broadcast_in_dim3A_23 : vector<1280x1xf32>
    %add3A_24 = arith.addf %log3A, %broadcast_in_dim3A : vector<1280x1xf32>
    %sub3A_25 = vector.broadcast %add3A_24 : vector<1280x1xf32> to vector<1280x16xf32>
    %sub3A_26 = arith.subf %slice3A_19, %sub3A_25 : vector<1280x16xf32>
    %swap3A = arith.constant 0 : index
    %swap3A_27 = arith.constant 0 : index
    %swap3A_28 = vector.load %arg5[%swap3A, %swap3A_27] : memref<1280x16xf32, #tpu.memory_space<vmem>>, vector<1280x16xf32>
    tpu.vector_store %arg5[%swap3A, %swap3A_27], %sub3A_26 {strides = array<i32>} : memref<1280x16xf32, #tpu.memory_space<vmem>>, vector<1280x16xf32>,
    return
  }
  func.func @transform_0(%arg0: i32) -> (i32, i32, i32) {
    %c0_i32 = arith.constant 0 : i32
    %c0_i32_0 = arith.constant 0 : i32
    %c0_i32_1 = arith.constant 0 : i32
    return %c0_i32, %arg0, %c0_i32_0 : i32, i32, i32
  }
  func.func @transform_1(%arg0: i32) -> (i32, i32) {
    %c0_i32 = arith.constant 0 : i32
    %c0_i32_0 = arith.constant 0 : i32
    return %arg0, %c0_i32 : i32, i32
  }
  func.func @transform_2(%arg0: i32) -> (i32, i32) {
    %c0_i32 = arith.constant 0 : i32
    %c0_i32_0 = arith.constant 0 : i32
    return %arg0, %c0_i32 : i32, i32
  }
  func.func @transform_3(%arg0: i32) -> (i32, i32) {
    %c0_i32 = arith.constant 0 : i32
    %c0_i32_0 = arith.constant 0 : i32
    %c0_i32_1 = arith.constant 0 : i32
    return %c0_i32, %c0_i32_0 : i32, i32
  }
  func.func @transform_4(%arg0: i32) -> (i32, i32) {
    %c0_i32 = arith.constant 0 : i32
    %c0_i32_0 = arith.constant 0 : i32
    return %arg0, %c0_i32 : i32, i32
  }
}

</mosaic_0001>

<sc_bundles>
// kernel: kernel.11.cloned.1.call-start
scs
__scs_entry_jumppad:
0x0: {  	(pc) =	sbr.rel $0x88, $3  }
0x1: {  	(tag) =	ssettag $0x0;
	lr =	simm.s32 $0x1  }
0x2: {  	[smem:$0x3F9B] =	sst lr;
	_ =	strace $0xD0000000  }
0x3: {  	_ = 	snop  }
0x4: {  	_ = 	snop  }
0x5: {  	_ = 	snop  }
0x6: {  	_ = 	snop  }
0x7: {  	_ = 	snop  }
__scs_overlays_trampoline_lowered:
0x8: {  	[smem:$0x3FAA] =	sst s0  }
0x9: {  	[smem:$0x3FAB] =	sst s1  }
0xa: {  	[smem:$0x3FAC] =	sst s2  }
0xb: {  	[smem:$0x3FAD] =	sst s3  }
0xc: {  	[smem:$0x3FAE] =	sst s4  }
0xd: {  	[smem:$0x3FAF] =	sst s5  }
0xe: {  	[smem:$0x3FB0] =	sst s6  }
0xf: {  	[smem:$0x3FB1] =	sst s7  }
0x10: {  	[smem:$0x3FB2] =	sst s8  }
0x11: {  	[smem:$0x3FB3] =	sst s9;
	s0 =	simm.s32 @!p0 $0x0  }
0x12: {  	s1 =	sld [smem:$0x3F99];
	s0 =	simm.s32 @p0 $0x1  }
0x13: {  	[smem:$0x3FB4] =	sst s0;
	s0 =	simm.s32 @!p1 $0x0  }
0x14: {  	s2 =	sld [smem:$0x3F98];
	s0 =	simm.s32 @p1 $0x1  }
0x15: {  	[smem:$0x3FB5] =	sst s0;
	s0 =	simm.s32 @!p2 $0x0  }
0x16: {  	s3 =	sld [smem:$0x3FDB];
	s0 =	simm.s32 @p2 $0x1  }
0x17: {  	s4 =	simm.s32 $0x1BF5;
	[smem:$0x3FB7] =	sst s0  }
0x18: {  	s0 =	sld [smem:$0x3F9A];
	_ =	swait.ge [sflag:s4], $0x0  }
0x19: {  	s7 =	sld [smem:$0x3F9B]  }
0x1a: {  	s8 =	sadd.s32 $0xFFFFE003, lr  }
0x1b: {  	s9 =	sadd.s32 $0xFFFFFEF7, lr;
	s5 =	simm.s32 $0xFFFFFFFF;
	p2 =	slt.u32 s8, $0xFFFFF086  }
0x1c: {  	p1 =	slt.u32 s9, $0xF7A;
	s5 =	simm.s32 @!p2 $0x0  }
0x1d: {  	s5 =	simm.s32 @p1 $0x1;
	p0 =	seq.s32 s7, s2  }
0x1e: {  	s7 =	smul.u32 @!p0 $0xF7A, s2;
	p2 =	seq.s32 @!p0 s5, $0x0  }
0x1f: {  	s9 =	smul.u32 $0xF7A, s1;
	s8 =	simm.s32 @!p0 $0x1BF5;
	p2 =	por !p2, p0  }
0x20: {  	[sflag:s8] =	ssyncset.s32 @!p0 $0xFFFFF086;
	s6 =	sadd.s32 @!p0 s3, s7;
	s7 =	simm.s32 @!p0 $0x108  }
0x21: {  	s3 =	sadd.s32 s3, s9;
	s6 =	sadd.s32 @!p0 $0x88, s6;
	s7 =	simm.s32 @p2 $0x1082  }
0x22: {  	[simem:s7], [sflag:s8] =	dma.local @!p0 [hbm:s6], $0xF7A  }
0x23: {  	s9 =	sor.u32 $0xD0000000, s2;
	s6 =	simm.s32 $0x108;
	_ =	swait.ge @!p0 [sflag:s8], $0x0  }
0x24: {  	s3 =	sadd.s32 $0x88, s3;
	s6 =	simm.s32 @!p1 $0x1082;
	[sflag:s4] =	ssyncset.s32 $0xFFFFF086  }
0x25: {  	[simem:s6], [sflag:s4] =	dma.local [hbm:s3], $0xF7A  }
0x26: {  	[smem:$0x3F9B] =	sst s1;
	(tag) =	ssettag s2;
	_ =	strace s9  }
0x27: {  	s1 =	sld [smem:$0x3FAB]  }
0x28: {  	s2 =	sld [smem:$0x3FAC]  }
0x29: {  	s4 =	sld [smem:$0x3FAE]  }
0x2a: {  	p0 =	seq.s32 s5, $0x0;
	s5 =	sld [smem:$0x3FAF]  }
0x2b: {  	s6 =	sld [smem:$0x3FB0]  }
0x2c: {  	s7 =	sld [smem:$0x3FB1]  }
0x2d: {  	s3 =	simm.s32 $0x108;
	s8 =	sld [smem:$0x3FB2]  }
0x2e: {  	s3 =	simm.s32 @!p0 $0x1082;
	s9 =	sld [smem:$0x3FB3]  }
0x2f: {  	lr =	sadd.s32 s0, s3;
	s0 =	sld [smem:$0x3FAA]  }
0x30: {  	s3 =	sld [smem:$0x3FAD]  }
0x31: {  	[smem:$0x3FB6] =	sst s10  }
0x32: {  	s10 =	sld [smem:$0x3FB4];
	_ =	sdelay $0x3  }
0x33: {  	p0 =	seq.s32 s10, $0x1;
	s10 =	sld [smem:$0x3FB6];
	_ =	sdelay $0x3  }
0x34: {  	[smem:$0x3FB6] =	sst s10  }
0x35: {  	s10 =	sld [smem:$0x3FB5];
	_ =	sdelay $0x3  }
0x36: {  	p1 =	seq.s32 s10, $0x1;
	s10 =	sld [smem:$0x3FB6];
	_ =	sdelay $0x3  }
0x37: {  	[smem:$0x3FB6] =	sst s10  }
0x38: {  	s10 =	sld [smem:$0x3FB7]  }
0x39: {  	_ = 	snop;
	(pc) =	sbr.ind lr, $3  }
0x3a: {  	_ = 	snop  }
0x3b: {  	_ = 	snop  }
0x3c: {  	p2 =	seq.s32 s10, $0x1;
	s10 =	sld [smem:$0x3FB6]  }
0x3d: {  	_ =	shalt  }
0x3e: {  	_ =	shalt  }
0x3f: {  	_ =	shalt  }
0x40: {  	_ =	shalt  }
0x41: {  	_ =	shalt  }
0x42: {  	_ =	shalt  }
0x43: {  	_ =	shalt  }
0x44: {  	_ =	shalt  }
0x45: {  	_ =	shalt  }
0x46: {  	_ =	shalt  }
0x47: {  	_ =	shalt  }
0x48: {  	_ =	shalt  }
0x49: {  	_ =	shalt  }
0x4a: {  	_ =	shalt  }
0x4b: {  	_ =	shalt  }
0x4c: {  	_ =	shalt  }
0x4d: {  	_ =	shalt  }
0x4e: {  	_ =	shalt  }
0x4f: {  	_ =	shalt  }
0x50: {  	_ =	shalt  }
0x51: {  	_ =	shalt  }
0x52: {  	_ =	shalt  }
0x53: {  	_ =	shalt  }
0x54: {  	_ =	shalt  }
0x55: {  	_ =	shalt  }
0x56: {  	_ =	shalt  }
0x57: {  	_ =	shalt  }
0x58: {  	_ =	shalt  }
0x59: {  	_ =	shalt  }
0x5a: {  	_ =	shalt  }
0x5b: {  	_ =	shalt  }
0x5c: {  	_ =	shalt  }
0x5d: {  	_ =	shalt  }
0x5e: {  	_ =	shalt  }
0x5f: {  	_ =	shalt  }
0x60: {  	_ =	shalt  }
0x61: {  	_ =	shalt  }
0x62: {  	_ =	shalt  }
0x63: {  	_ =	shalt  }
0x64: {  	_ =	shalt  }
0x65: {  	_ =	shalt  }
0x66: {  	_ =	shalt  }
0x67: {  	_ =	shalt  }
0x68: {  	_ =	shalt  }
0x69: {  	_ =	shalt  }
0x6a: {  	_ =	shalt  }
0x6b: {  	_ =	shalt  }
0x6c: {  	_ =	shalt  }
0x6d: {  	_ =	shalt  }
0x6e: {  	_ =	shalt  }
0x6f: {  	_ =	shalt  }
0x70: {  	_ =	shalt  }
0x71: {  	_ =	shalt  }
0x72: {  	_ =	shalt  }
0x73: {  	_ =	shalt  }
0x74: {  	_ =	shalt  }
0x75: {  	_ =	shalt  }
0x76: {  	_ =	shalt  }
0x77: {  	_ =	shalt  }
0x78: {  	_ =	shalt  }
0x79: {  	_ =	shalt  }
0x7a: {  	_ =	shalt  }
0x7b: {  	_ =	shalt  }
0x7c: {  	_ =	shalt  }
0x7d: {  	_ =	shalt  }
0x7e: {  	_ =	shalt  }
0x7f: {  	_ =	shalt  }
0x80: {  	_ =	shalt  }
0x81: {  	_ =	shalt  }
0x82: {  	_ =	shalt  }
0x83: {  	_ =	shalt  }
0x84: {  	_ =	shalt  }
0x85: {  	_ =	shalt  }
0x86: {  	_ =	shalt  }
0x87: {  	_ =	shalt  }
.Lfunc_end0:
.L_simem_size_0:
called_computation.1_lowered:
.L_overlay_start_0:
0x88: {  	s2 =	sld [smem:$0x3FD9]  }
0x89: {  	s3 =	sld [smem:$0x3FFE];
	_ =	sdelay $0x1  }
0x8a: {  	s1 =	srdreg.scid  }
0x8b: {  	s0 =	sand.u32 $0x1, s1  }
0x8c: {  	s17 =	sshll.u32 s0, $0xA;
	s2 =	sadd.s32 s3, s2  }
0x8d: {  	s2 =	sadd.s32 s2, s17  }
0x8e: {  	[smem:$0x3FC2] =	sst s2  }
0x8f: {  	_ = 	snop  }
0x90: {  	s2 =	sld [smem:$0x3FD0];
	(tm) =	ssettm $0x1  }
0x91: {  	s18 =	sld [smem:$0x3FFB];
	_ =	sdelay $0x3  }
0x92: {  	_ =	strace s18  }
0x93: {  	s3 =	sld [smem:$0x3FFC];
	_ =	sdelay $0x3  }
0x94: {  	_ =	strace s3  }
0x95: {  	s3 =	sld [smem:$0x3FFD];
	_ =	sdelay $0x3  }
0x96: {  	_ =	strace s3  }
0x97: {  	_ =	strace $0x8FFFFFFF  }
0x98: {  	s19 =	sld [smem:$0x3FDB];
	_ =	sdelay $0x1  }
0x99: {  	s4 =	simm.s32 $_scs_section_size  }
0x9a: {  	s5 =	simm.s32 $_size__tile_overlayer_lowered;
	s6 =	simm.s32 $_tile_overlayer_lowered  }
0x9b: {  	s22 =	simm.s32 $0x1BFF;
	s21 =	sshll.u32 s6, $0x1;
	s3 =	sadd.s32 s4, s19  }
0x9c: {  	s7 =	simm.s32 $0x0;
	s20 =	sshll.u32 s5, $0x1;
	s5 =	sadd.s32 s21, s3  }
0x9d: {  	[timem:s7], [sflag:s22] =	dma.local [hbm:s5], s20  }
0x9e: {  	_ =	swait.ge [sflag:s22], s20  }
0x9f: {  	s4 =	ssub.s32 $0x0, s20;
	[sflag:s22] =	ssyncset.done $0x0  }
0xa0: {  	[sflag:s22] =	ssyncadd.s32 s4;
	_ =	sdelay $0x1  }
0xa1: {  	s23 =	simm.s32 $0x1B8B  }
0xa2: {  	_ =	swait.ge [sflag:s23], $0x1  }
0xa3: {  	[sflag:s23] =	ssyncset.done $0x0  }
0xa4: {  	s25 =	simm.s32 $0x1B8E;
	s24 =	sld [smem:$0x3FFE];
	[sflag:s23] =	ssyncadd.s32 $0xFFFFFFFF  }
0xa5: {  	s26 =	simm.s32 $execute0_lowered;
	[smem:$0x3FD2] =	sst s25  }
0xa6: {  	s5 =	sshll.u32 s26, $0x1;
	_ =	strace $0x80000049;
	[dreg:$0x1] =	wrdreg $0xFFFFFFFF  }
0xa7: {  	s28 =	simm.s32 $_size_execute0_lowered;
	s3 =	sadd.s32 s3, s5;
	[dreg:$0x0] =	wrdreg $0x0  }
0xa8: {  	s5 =	sshll.u32 s28, $0x1;
	[dreg:$0x2] =	wrdreg s3  }
0xa9: {  	[dreg:$0x3] =	wrdreg s5  }
0xaa: {  	[dreg:$0x4] =	wrdreg $0xC0  }
0xab: {  	_ =	task [dreg:s7], $0x5FFFF  }
0xac: {  	[dreg:$0x1] =	wrdreg $0xFFFFFFFF  }
0xad: {  	[dreg:$0x0] =	wrdreg $0x60  }
0xae: {  	[dreg:$0x2] =	wrdreg s24  }
0xaf: {  	[dreg:$0x3] =	wrdreg s2  }
0xb0: {  	[dreg:$0x4] =	wrdreg $0xA8000  }
0xb1: {  	[dreg:$0x5] =	wrdreg $0x9  }
0xb2: {  	_ =	task.clear_ibuf [dreg:s7], $0x6FFFF;
	_ =	strace $0x90000049  }
0xb3: {  	s29 =	simm.s32 $0x9;
	_ =	strace $0x8000004B  }
0xb4: {  	_ =	swait.ge [sflag:s29], $0x1  }
0xb5: {  	[sflag:s29] =	ssyncadd.s32 $0xFFFFFFFF  }
0xb6: {  	_ =	strace $0x9000004B  }
0xb7: {  	_ =	sfence  }
0xb8: {  	s30 =	sld [smem:$0x0];
	_ =	sdelay $0x2  }
0xb9: {  	s31 =	sshll.u32 s1, $0xD;
	s1 =	sshrl.u32 s1, $0x2  }
0xba: {  	s3 =	sand.u32 $0x4000, s31;
	s1 =	sadd.s32 s1, s30  }
0xbb: {  	s0 =	sor.u32 s3, s0;
	s1 =	sshll.u32 s1, $0x11  }
0xbc: {  	s0 =	sor.u32 s1, s0  }
0xbd: {  	s0 =	sadd.s32 $0x8F2B, s0  }
0xbe: {  	[sflag:s0] =	ssyncadd.remote.s32 $0x1  }
0xbf: {  	_ =	sfence.sel $0xFFFF  }
0xc0: {  	[dreg:$0x0] =	wrdreg $0xFFFFFFFF;
	(pc) =	sbr.abs _section_cstart, $3  }
0xc1: {  	[dreg:$0x1] =	wrdreg $0xFFFFFFFF  }
0xc2: {  	_ =	task.clear_ibuf [dreg:s7], $0x2FFFF;
	_ =	strace $0x9FFFFFFF  }
0xc3: {  	(tm) =	ssettm $0x7FFFFFFF  }
tec
execute0_lowered:
.L_overlay_start_1:
0x0: {  	(tag) =	ssettag $0x1  }
0x1: {  	s0 =	rddreg [dreg:$0x0]  }
0x2: {  	s2 =	rddreg [dreg:$0x2];
	s1 =	srdreg.scid  }
0x3: {  	s4 =	simm.s32 $0x0;
	s11 =	stileid.u32;
	s28 =	simm.s32 $0x8800  }
0x4: {  	s29 =	simm.s32 $0x1;
	s30 =	simm.s32 $0x2;
	s31 =	simm.s32 $0x3  }
0x5: {  	s12 =	simm.s32 $0x2780;
	s13 =	simm.s32 $0x0;
	s1 =	sand.u32 $0x1, s1  }
0x6: {  	[smem:$0x7FF] =	sst s4;
	s6 =	smul.u32 $0x14000, s11;
	s5 =	sadd.s32 $0x16400, s0  }
0x7: {  	s7 =	sadd.s32 $0x66800, s0;
	s15 =	sshll.u32 s11, $0x1;
	s16 =	smul.u32 $0x50000, s11  }
0x8: {  	s10 =	sadd.s32 $0x2400, s0;
	s18 =	sshll.u32 s11, $0x6;
	s11 =	simm.s32 $0x2700  }
0x9: {  	s3 =	smul.u32 $0x140000, s1;
	s8 =	ssub.s32 $0x2, s1;
	s1 =	sor.u32 s1, s15  }
0xa: {  	_ =	strace $0x8000004A;
	s9 =	sshrl.u32 s8, $0x1;
	s1 =	smul.u32 $0x5000, s1  }
0xb: {  	s3 =	sadd.s32 s6, s3;
	s17 =	ssub.s32 s8, s9;
	s6 =	sshrl.u32 s16, $0x2  }
0xc: {  	s9 =	simm.s32 $0x2600;
	s3 =	sshrl.u32 s3, $0x3;
	s1 =	sshrl.u32 s1, $0x3  }
0xd: {  	s19 =	sadd.s32 s6, s2;
	s6 =	sor.u32 $0x1C09, s18;
	s26 =	smax.u32 s17, $0x1  }
0xe: {  	s18 =	simm.s32 $0x9;
	s0 =	sadd.s32 s3, s0;
	s20 =	sadd.s32 $0x280, s1  }
0xf: {  	s21 =	sadd.s32 s7, s1;
	s22 =	sadd.s32 s10, s1;
	[dreg:$0xd] =	wrdreg s26  }
0x10: {  	s24 =	sadd.s32 $0x500, s1;
	s1 =	sadd.s32 $0x780, s1;
	[dreg:$0x4] =	wrdreg s21  }
0x11: {  	s17 =	sshrl.u32 s19, $0x3;
	[dreg:$0x5] =	wrdreg s22;
	s23 =	sadd.s32 s7, s20  }
0x12: {  	s19 =	simm.s32 $0x1400;
	s8 =	sadd.s32 s10, s20;
	[dreg:$0x6] =	wrdreg s23  }
0x13: {  	s26 =	simm.s32 $0x180;
	s25 =	sadd.s32 s7, s24;
	[dreg:$0x7] =	wrdreg s8  }
0x14: {  	s3 =	simm.s32 $0x5;
	s7 =	sadd.s32 s7, s1;
	[dreg:$0x8] =	wrdreg s25  }
0x15: {  	s1 =	sadd.s32 s10, s1;
	s0 =	sadd.s32 $0x7A800, s0;
	[dreg:$0xa] =	wrdreg s7  }
0x16: {  	s20 =	simm.s32 $0x40;
	s21 =	simm.s32 $0x2800;
	[dreg:$0xb] =	wrdreg s1  }
0x17: {  	s22 =	simm.s32 $0x80;
	s8 =	sadd.s32 s10, s24;
	[dreg:$0xc] =	wrdreg s0  }
0x18: {  	s23 =	simm.s32 $0x4800;
	s24 =	simm.s32 $0x100;
	s25 =	simm.s32 $0x6800  }
0x19: {  	s0 =	simm.s32 $0x4;
	s1 =	simm.s32 $0x6;
	s7 =	simm.s32 $0x7  }
0x1a: {  	s10 =	simm.s32 $0x2680;
	[dreg:$0x9] =	wrdreg s8;
	s8 =	simm.s32 $0x8  }
.LBB2_1:
0x1b: {  	s14 =	rddreg [dreg:$0x1]  }
0x1c: {  	[spmem:s17], [sflag:s6] =	dma.local [hbm:s14], $0x2800  }
0x1d: {  	_ =	swait.ge [sflag:s18], $0x2800  }
0x1e: {  	[sflag:s18] =	ssyncset.done $0x0  }
0x1f: {  	[sflag:s18] =	ssyncadd.s32 $0xFFFFD800  }
0x20: {  	[bflag:$0x0] =	sbarrier.arrive $0xFFFF  }
0x21: {  	s16 =	rddreg [dreg:$0x4]  }
0x22: {  	[tilespmem:s4], [sflag:$0x9] =	stream.linear.gather [hbm4b:s16+s4], $0x1400, $0x38;
	[tilespmem:$0x1E800] =	vst v63  }
0x23: {  	_ =	swait.ge [sflag:s18], $0x1400  }
0x24: {  	[sflag:s18] =	ssyncset.done $0x0  }
0x25: {  	s15 =	rddreg [dreg:$0x5];
	[sflag:s18] =	ssyncadd.s32 $0xFFFFEC00  }
0x26: {  	[tilespmem:s19], [sflag:$0x9] =	stream.linear.gather [hbm4b:s15+s4], $0x1400, $0x38;
	[tilespmem:$0x1E800] =	vst v63  }
0x27: {  	_ =	swait.ge [sflag:s18], $0x1400  }
0x28: {  	[sflag:s18] =	ssyncset.done $0x0  }
0x29: {  	[sflag:s18] =	ssyncadd.s32 $0xFFFFEC00  }
0x2a: {  	[tilespmem:s21], [sflag:$0x1] =	stream.indirect.gather [hbm4b:s5+s20], $0x80, s4, s20, $0xb8;
	[tilespmem:$0x1E800] =	vst v63  }
0x2b: {  	_ = 	snop  }
0x2c: {  	[tilespmem:s23], [sflag:$0x2] =	stream.indirect.gather [hbm4b:s5+s20], $0x80, s22, s20, $0xb8;
	[tilespmem:$0x1E800] =	vst v63  }
0x2d: {  	_ = 	snop  }
0x2e: {  	[tilespmem:s25], [sflag:$0x3] =	stream.indirect.gather [hbm4b:s5+s20], $0x80, s24, s20, $0xb8;
	[tilespmem:$0x1E800] =	vst v63  }
0x2f: {  	_ = 	snop  }
0x30: {  	[tilespmem:s28], [sflag:$0x4] =	stream.indirect.gather [hbm4b:s5+s20], $0x80, s26, s20, $0xb8;
	[tilespmem:$0x1E800] =	vst v63  }
0x31: {  	_ =	swait.ge [sflag:s29], $0x2000  }
0x32: {  	[sflag:s29] =	ssyncset.done $0x0  }
0x33: {  	s16 =	simm.s32 $0x1400;
	[sflag:s29] =	ssyncadd.s32 $0xFFFFE000  }
0x34: {  	[spmem:s2] =	stream.indirect.scatter.add.f32 [tilespmem:s21], [sflag:$0x5], $0x80, s16, s20, $0xb8;
	[tilespmem:$0x1E800] =	vst v63  }
0x35: {  	_ =	swait.ge [sflag:s30], $0x2000  }
0x36: {  	[sflag:s30] =	ssyncset.done $0x0  }
0x37: {  	s15 =	simm.s32 $0x1480;
	[sflag:s30] =	ssyncadd.s32 $0xFFFFE000  }
0x38: {  	[spmem:s2] =	stream.indirect.scatter.add.f32 [tilespmem:s23], [sflag:$0x6], $0x80, s15, s20, $0xb8;
	[tilespmem:$0x1E800] =	vst v63  }
0x39: {  	_ =	swait.ge [sflag:s31], $0x2000  }
0x3a: {  	[sflag:s31] =	ssyncset.done $0x0  }
0x3b: {  	s16 =	simm.s32 $0x1500;
	[sflag:s31] =	ssyncadd.s32 $0xFFFFE000  }
0x3c: {  	[spmem:s2] =	stream.indirect.scatter.add.f32 [tilespmem:s25], [sflag:$0x7], $0x80, s16, s20, $0xb8;
	[tilespmem:$0x1E800] =	vst v63  }
0x3d: {  	_ =	swait.ge [sflag:s0], $0x2000  }
0x3e: {  	[sflag:s0] =	ssyncset.done $0x0  }
0x3f: {  	s15 =	simm.s32 $0x1580;
	[sflag:s0] =	ssyncadd.s32 $0xFFFFE000  }
0x40: {  	[spmem:s2] =	stream.indirect.scatter.add.f32 [tilespmem:s28], [sflag:$0x8], $0x80, s15, s20, $0xb8;
	[tilespmem:$0x1E800] =	vst v63  }
0x41: {  	_ =	swait.ge [sflag:s3], $0x2000  }
0x42: {  	[sflag:s3] =	ssyncset.done $0x0  }
0x43: {  	s16 =	simm.s32 $0x200;
	[sflag:s3] =	ssyncadd.s32 $0xFFFFE000  }
0x44: {  	[tilespmem:s21], [sflag:$0x1] =	stream.indirect.gather [hbm4b:s5+s20], $0x80, s16, s20, $0xb8;
	[tilespmem:$0x1E800] =	vst v63  }
0x45: {  	_ =	swait.ge [sflag:s1], $0x2000  }
0x46: {  	[sflag:s1] =	ssyncset.done $0x0  }
0x47: {  	s15 =	simm.s32 $0x280;
	[sflag:s1] =	ssyncadd.s32 $0xFFFFE000  }
0x48: {  	[tilespmem:s23], [sflag:$0x2] =	stream.indirect.gather [hbm4b:s5+s20], $0x80, s15, s20, $0xb8;
	[tilespmem:$0x1E800] =	vst v63  }
0x49: {  	_ =	swait.ge [sflag:s7], $0x2000  }
0x4a: {  	[sflag:s7] =	ssyncset.done $0x0  }
0x4b: {  	s16 =	simm.s32 $0x300;
	[sflag:s7] =	ssyncadd.s32 $0xFFFFE000  }
0x4c: {  	[tilespmem:s25], [sflag:$0x3] =	stream.indirect.gather [hbm4b:s5+s20], $0x80, s16, s20, $0xb8;
	[tilespmem:$0x1E800] =	vst v63  }
0x4d: {  	_ =	swait.ge [sflag:s8], $0x2000  }
0x4e: {  	[sflag:s8] =	ssyncset.done $0x0  }
0x4f: {  	s14 =	simm.s32 $0x800;
	s15 =	simm.s32 $0x380;
	[sflag:s8] =	ssyncadd.s32 $0xFFFFE000  }
.LBB2_2:
0x50: {  	[tilespmem:s28], [sflag:$0x4] =	stream.indirect.gather [hbm4b:s5+s20], $0x80, s15, s20, $0xb8;
	[tilespmem:$0x1E800] =	vst v63  }
0x51: {  	s15 =	smov.u32 s14  }
0x52: {  	p0 =	sne.s32 s14, $0x4000;
	s14 =	sadd.s32 $0x800, s14;
	_ =	swait.ge [sflag:s29], $0x2000  }
0x53: {  	s15 =	sshra.s32 s15, $0x2;
	[sflag:s29] =	ssyncset.done $0x0  }
0x54: {  	s16 =	sadd.s32 $0x1400, s15;
	[sflag:s29] =	ssyncadd.s32 $0xFFFFE000  }
0x55: {  	[spmem:s2] =	stream.indirect.scatter.add.f32 [tilespmem:s21], [sflag:$0x5], $0x80, s16, s20, $0xb8;
	[tilespmem:$0x1E800] =	vst v63  }
0x56: {  	_ =	swait.ge [sflag:s30], $0x2000  }
0x57: {  	[sflag:s30] =	ssyncset.done $0x0  }
0x58: {  	s16 =	sadd.s32 $0x1480, s15;
	[sflag:s30] =	ssyncadd.s32 $0xFFFFE000  }
0x59: {  	[spmem:s2] =	stream.indirect.scatter.add.f32 [tilespmem:s23], [sflag:$0x6], $0x80, s16, s20, $0xb8;
	[tilespmem:$0x1E800] =	vst v63  }
0x5a: {  	_ =	swait.ge [sflag:s31], $0x2000  }
0x5b: {  	[sflag:s31] =	ssyncset.done $0x0  }
0x5c: {  	s16 =	sadd.s32 $0x1500, s15;
	[sflag:s31] =	ssyncadd.s32 $0xFFFFE000  }
0x5d: {  	[spmem:s2] =	stream.indirect.scatter.add.f32 [tilespmem:s25], [sflag:$0x7], $0x80, s16, s20, $0xb8;
	[tilespmem:$0x1E800] =	vst v63  }
0x5e: {  	_ =	swait.ge [sflag:s0], $0x2000  }
0x5f: {  	[sflag:s0] =	ssyncset.done $0x0  }
0x60: {  	s16 =	sadd.s32 $0x1580, s15;
	[sflag:s0] =	ssyncadd.s32 $0xFFFFE000  }
0x61: {  	[spmem:s2] =	stream.indirect.scatter.add.f32 [tilespmem:s28], [sflag:$0x8], $0x80, s16, s20, $0xb8;
	[tilespmem:$0x1E800] =	vst v63  }
0x62: {  	_ =	swait.ge [sflag:s3], $0x2000  }
0x63: {  	[sflag:s3] =	ssyncset.done $0x0  }
0x64: {  	s16 =	sadd.s32 $0x200, s15;
	[sflag:s3] =	ssyncadd.s32 $0xFFFFE000  }
0x65: {  	[tilespmem:s21], [sflag:$0x1] =	stream.indirect.gather [hbm4b:s5+s20], $0x80, s16, s20, $0xb8;
	[tilespmem:$0x1E800] =	vst v63  }
0x66: {  	_ =	swait.ge [sflag:s1], $0x2000  }
0x67: {  	[sflag:s1] =	ssyncset.done $0x0  }
0x68: {  	s16 =	sadd.s32 $0x280, s15;
	[sflag:s1] =	ssyncadd.s32 $0xFFFFE000  }
0x69: {  	[tilespmem:s23], [sflag:$0x2] =	stream.indirect.gather [hbm4b:s5+s20], $0x80, s16, s20, $0xb8;
	[tilespmem:$0x1E800] =	vst v63  }
0x6a: {  	_ =	swait.ge [sflag:s7], $0x2000  }
0x6b: {  	[sflag:s7] =	ssyncset.done $0x0  }
.Ltmp0:
0x6c: {  	s16 =	sadd.s32 $0x300, s15;
	[sflag:s7] =	ssyncadd.s32 $0xFFFFE000;
	(pc) =	sbr.rel @p0 .LBB2_2-.Ltmp0, $4  }
0x6d: {  	[tilespmem:s25], [sflag:$0x3] =	stream.indirect.gather [hbm4b:s5+s20], $0x80, s16, s20, $0xb8;
	[tilespmem:$0x1E800] =	vst v63  }
0x6e: {  	_ =	swait.ge [sflag:s8], $0x2000  }
0x6f: {  	[sflag:s8] =	ssyncset.done $0x0  }
0x70: {  	s15 =	sadd.s32 $0x380, s15;
	[sflag:s8] =	ssyncadd.s32 $0xFFFFE000  }
0x71: {  	[tilespmem:s28], [sflag:$0x4] =	stream.indirect.gather [hbm4b:s5+s20], $0x80, s15, s20, $0xb8;
	[tilespmem:$0x1E800] =	vst v63  }
0x72: {  	_ =	swait.ge [sflag:s29], $0x2000  }
0x73: {  	[sflag:s29] =	ssyncset.done $0x0  }
0x74: {  	[sflag:s29] =	ssyncadd.s32 $0xFFFFE000  }
0x75: {  	[spmem:s2] =	stream.indirect.scatter.add.f32 [tilespmem:s21], [sflag:$0x5], $0x80, s9, s20, $0xb8;
	[tilespmem:$0x1E800] =	vst v63  }
0x76: {  	_ =	swait.ge [sflag:s30], $0x2000  }
0x77: {  	[sflag:s30] =	ssyncset.done $0x0  }
0x78: {  	[sflag:s30] =	ssyncadd.s32 $0xFFFFE000  }
0x79: {  	[spmem:s2] =	stream.indirect.scatter.add.f32 [tilespmem:s23], [sflag:$0x6], $0x80, s10, s20, $0xb8;
	[tilespmem:$0x1E800] =	vst v63  }
0x7a: {  	_ =	swait.ge [sflag:s31], $0x2000  }
0x7b: {  	[sflag:s31] =	ssyncset.done $0x0  }
0x7c: {  	[sflag:s31] =	ssyncadd.s32 $0xFFFFE000  }
0x7d: {  	[spmem:s2] =	stream.indirect.scatter.add.f32 [tilespmem:s25], [sflag:$0x7], $0x80, s11, s20, $0xb8;
	[tilespmem:$0x1E800] =	vst v63  }
0x7e: {  	_ =	swait.ge [sflag:s0], $0x2000  }
0x7f: {  	[sflag:s0] =	ssyncset.done $0x0  }
0x80: {  	[sflag:s0] =	ssyncadd.s32 $0xFFFFE000  }
0x81: {  	[spmem:s2] =	stream.indirect.scatter.add.f32 [tilespmem:s28], [sflag:$0x8], $0x80, s12, s20, $0xb8;
	[tilespmem:$0x1E800] =	vst v63  }
0x82: {  	_ =	swait.ge [sflag:s3], $0x2000  }
0x83: {  	[sflag:s3] =	ssyncset.done $0x0  }
0x84: {  	[sflag:s3] =	ssyncadd.s32 $0xFFFFE000  }
0x85: {  	_ =	swait.ge [sflag:s1], $0x2000  }
0x86: {  	[sflag:s1] =	ssyncset.done $0x0  }
0x87: {  	[sflag:s1] =	ssyncadd.s32 $0xFFFFE000  }
0x88: {  	_ =	swait.ge [sflag:s7], $0x2000  }
0x89: {  	[sflag:s7] =	ssyncset.done $0x0  }
0x8a: {  	[sflag:s7] =	ssyncadd.s32 $0xFFFFE000  }
0x8b: {  	_ =	swait.ge [sflag:s8], $0x2000  }
0x8c: {  	[sflag:s8] =	ssyncset.done $0x0  }
0x8d: {  	s14 =	simm.s32 $0x0;
	s16 =	rddreg [dreg:$0x6];
	[sflag:s8] =	ssyncadd.s32 $0xFFFFE000  }
0x8e: {  	[tilespmem:s14], [sflag:$0x9] =	stream.linear.gather [hbm4b:s16+s14], $0x1400, $0x38;
	[tilespmem:$0x1E800] =	vst v63  }
0x8f: {  	_ =	swait.ge [sflag:s18], $0x1400  }
0x90: {  	[sflag:s18] =	ssyncset.done $0x0  }
0x91: {  	s16 =	rddreg [dreg:$0x7];
	[sflag:s18] =	ssyncadd.s32 $0xFFFFEC00  }
0x92: {  	[tilespmem:s19], [sflag:$0x9] =	stream.linear.gather [hbm4b:s16+s14], $0x1400, $0x38;
	[tilespmem:$0x1E800] =	vst v63  }
0x93: {  	_ =	swait.ge [sflag:s18], $0x1400  }
0x94: {  	[sflag:s18] =	ssyncset.done $0x0  }
0x95: {  	[sflag:s18] =	ssyncadd.s32 $0xFFFFEC00  }
0x96: {  	[tilespmem:s21], [sflag:$0x1] =	stream.indirect.gather [hbm4b:s5+s20], $0x80, s14, s20, $0xb8;
	[tilespmem:$0x1E800] =	vst v63  }
0x97: {  	_ = 	snop  }
0x98: {  	[tilespmem:s23], [sflag:$0x2] =	stream.indirect.gather [hbm4b:s5+s20], $0x80, s22, s20, $0xb8;
	[tilespmem:$0x1E800] =	vst v63  }
0x99: {  	_ = 	snop  }
0x9a: {  	[tilespmem:s25], [sflag:$0x3] =	stream.indirect.gather [hbm4b:s5+s20], $0x80, s24, s20, $0xb8;
	[tilespmem:$0x1E800] =	vst v63  }
0x9b: {  	_ = 	snop  }
0x9c: {  	[tilespmem:s28], [sflag:$0x4] =	stream.indirect.gather [hbm4b:s5+s20], $0x80, s26, s20, $0xb8;
	[tilespmem:$0x1E800] =	vst v63  }
0x9d: {  	_ =	swait.ge [sflag:s29], $0x2000  }
0x9e: {  	[sflag:s29] =	ssyncset.done $0x0  }
0x9f: {  	s16 =	simm.s32 $0x1400;
	[sflag:s29] =	ssyncadd.s32 $0xFFFFE000  }
0xa0: {  	[spmem:s2] =	stream.indirect.scatter.add.f32 [tilespmem:s21], [sflag:$0x5], $0x80, s16, s20, $0xb8;
	[tilespmem:$0x1E800] =	vst v63  }
0xa1: {  	_ =	swait.ge [sflag:s30], $0x2000  }
0xa2: {  	[sflag:s30] =	ssyncset.done $0x0  }
0xa3: {  	s15 =	simm.s32 $0x1480;
	[sflag:s30] =	ssyncadd.s32 $0xFFFFE000  }
0xa4: {  	[spmem:s2] =	stream.indirect.scatter.add.f32 [tilespmem:s23], [sflag:$0x6], $0x80, s15, s20, $0xb8;
	[tilespmem:$0x1E800] =	vst v63  }
0xa5: {  	_ =	swait.ge [sflag:s31], $0x2000  }
0xa6: {  	[sflag:s31] =	ssyncset.done $0x0  }
0xa7: {  	s16 =	simm.s32 $0x1500;
	[sflag:s31] =	ssyncadd.s32 $0xFFFFE000  }
0xa8: {  	[spmem:s2] =	stream.indirect.scatter.add.f32 [tilespmem:s25], [sflag:$0x7], $0x80, s16, s20, $0xb8;
	[tilespmem:$0x1E800] =	vst v63  }
0xa9: {  	_ =	swait.ge [sflag:s0], $0x2000  }
0xaa: {  	[sflag:s0] =	ssyncset.done $0x0  }
0xab: {  	s15 =	simm.s32 $0x1580;
	[sflag:s0] =	ssyncadd.s32 $0xFFFFE000  }
0xac: {  	[spmem:s2] =	stream.indirect.scatter.add.f32 [tilespmem:s28], [sflag:$0x8], $0x80, s15, s20, $0xb8;
	[tilespmem:$0x1E800] =	vst v63  }
0xad: {  	_ =	swait.ge [sflag:s3], $0x2000  }
0xae: {  	[sflag:s3] =	ssyncset.done $0x0  }
0xaf: {  	s16 =	simm.s32 $0x200;
	[sflag:s3] =	ssyncadd.s32 $0xFFFFE000  }
0xb0: {  	[tilespmem:s21], [sflag:$0x1] =	stream.indirect.gather [hbm4b:s5+s20], $0x80, s16, s20, $0xb8;
	[tilespmem:$0x1E800] =	vst v63  }
0xb1: {  	_ =	swait.ge [sflag:s1], $0x2000  }
0xb2: {  	[sflag:s1] =	ssyncset.done $0x0  }
0xb3: {  	s15 =	simm.s32 $0x280;
	[sflag:s1] =	ssyncadd.s32 $0xFFFFE000  }
0xb4: {  	[tilespmem:s23], [sflag:$0x2] =	stream.indirect.gather [hbm4b:s5+s20], $0x80, s15, s20, $0xb8;
	[tilespmem:$0x1E800] =	vst v63  }
0xb5: {  	_ =	swait.ge [sflag:s7], $0x2000  }
0xb6: {  	[sflag:s7] =	ssyncset.done $0x0  }
0xb7: {  	s16 =	simm.s32 $0x300;
	[sflag:s7] =	ssyncadd.s32 $0xFFFFE000  }
0xb8: {  	[tilespmem:s25], [sflag:$0x3] =	stream.indirect.gather [hbm4b:s5+s20], $0x80, s16, s20, $0xb8;
	[tilespmem:$0x1E800] =	vst v63  }
0xb9: {  	_ =	swait.ge [sflag:s8], $0x2000  }
0xba: {  	[sflag:s8] =	ssyncset.done $0x0  }
0xbb: {  	s14 =	simm.s32 $0x800;
	s15 =	simm.s32 $0x380;
	[sflag:s8] =	ssyncadd.s32 $0xFFFFE000  }
.LBB2_4:
0xbc: {  	[tilespmem:s28], [sflag:$0x4] =	stream.indirect.gather [hbm4b:s5+s20], $0x80, s15, s20, $0xb8;
	[tilespmem:$0x1E800] =	vst v63  }
0xbd: {  	s15 =	smov.u32 s14  }
0xbe: {  	p0 =	sne.s32 s14, $0x4000;
	s14 =	sadd.s32 $0x800, s14;
	_ =	swait.ge [sflag:s29], $0x2000  }
0xbf: {  	s15 =	sshra.s32 s15, $0x2;
	[sflag:s29] =	ssyncset.done $0x0  }
0xc0: {  	s16 =	sadd.s32 $0x1400, s15;
	[sflag:s29] =	ssyncadd.s32 $0xFFFFE000  }
0xc1: {  	[spmem:s2] =	stream.indirect.scatter.add.f32 [tilespmem:s21], [sflag:$0x5], $0x80, s16, s20, $0xb8;
	[tilespmem:$0x1E800] =	vst v63  }
0xc2: {  	_ =	swait.ge [sflag:s30], $0x2000  }
0xc3: {  	[sflag:s30] =	ssyncset.done $0x0  }
0xc4: {  	s16 =	sadd.s32 $0x1480, s15;
	[sflag:s30] =	ssyncadd.s32 $0xFFFFE000  }
0xc5: {  	[spmem:s2] =	stream.indirect.scatter.add.f32 [tilespmem:s23], [sflag:$0x6], $0x80, s16, s20, $0xb8;
	[tilespmem:$0x1E800] =	vst v63  }
0xc6: {  	_ =	swait.ge [sflag:s31], $0x2000  }
0xc7: {  	[sflag:s31] =	ssyncset.done $0x0  }
0xc8: {  	s16 =	sadd.s32 $0x1500, s15;
	[sflag:s31] =	ssyncadd.s32 $0xFFFFE000  }
0xc9: {  	[spmem:s2] =	stream.indirect.scatter.add.f32 [tilespmem:s25], [sflag:$0x7], $0x80, s16, s20, $0xb8;
	[tilespmem:$0x1E800] =	vst v63  }
0xca: {  	_ =	swait.ge [sflag:s0], $0x2000  }
0xcb: {  	[sflag:s0] =	ssyncset.done $0x0  }
0xcc: {  	s16 =	sadd.s32 $0x1580, s15;
	[sflag:s0] =	ssyncadd.s32 $0xFFFFE000  }
0xcd: {  	[spmem:s2] =	stream.indirect.scatter.add.f32 [tilespmem:s28], [sflag:$0x8], $0x80, s16, s20, $0xb8;
	[tilespmem:$0x1E800] =	vst v63  }
0xce: {  	_ =	swait.ge [sflag:s3], $0x2000  }
0xcf: {  	[sflag:s3] =	ssyncset.done $0x0  }
0xd0: {  	s16 =	sadd.s32 $0x200, s15;
	[sflag:s3] =	ssyncadd.s32 $0xFFFFE000  }
0xd1: {  	[tilespmem:s21], [sflag:$0x1] =	stream.indirect.gather [hbm4b:s5+s20], $0x80, s16, s20, $0xb8;
	[tilespmem:$0x1E800] =	vst v63  }
0xd2: {  	_ =	swait.ge [sflag:s1], $0x2000  }
0xd3: {  	[sflag:s1] =	ssyncset.done $0x0  }
0xd4: {  	s16 =	sadd.s32 $0x280, s15;
	[sflag:s1] =	ssyncadd.s32 $0xFFFFE000  }
0xd5: {  	[tilespmem:s23], [sflag:$0x2] =	stream.indirect.gather [hbm4b:s5+s20], $0x80, s16, s20, $0xb8;
	[tilespmem:$0x1E800] =	vst v63  }
0xd6: {  	_ =	swait.ge [sflag:s7], $0x2000  }
0xd7: {  	[sflag:s7] =	ssyncset.done $0x0  }
.Ltmp1:
0xd8: {  	s16 =	sadd.s32 $0x300, s15;
	[sflag:s7] =	ssyncadd.s32 $0xFFFFE000;
	(pc) =	sbr.rel @p0 .LBB2_4-.Ltmp1, $4  }
0xd9: {  	[tilespmem:s25], [sflag:$0x3] =	stream.indirect.gather [hbm4b:s5+s20], $0x80, s16, s20, $0xb8;
	[tilespmem:$0x1E800] =	vst v63  }
0xda: {  	_ =	swait.ge [sflag:s8], $0x2000  }
0xdb: {  	[sflag:s8] =	ssyncset.done $0x0  }
0xdc: {  	s15 =	sadd.s32 $0x380, s15;
	[sflag:s8] =	ssyncadd.s32 $0xFFFFE000  }
0xdd: {  	[tilespmem:s28], [sflag:$0x4] =	stream.indirect.gather [hbm4b:s5+s20], $0x80, s15, s20, $0xb8;
	[tilespmem:$0x1E800] =	vst v63  }
0xde: {  	_ =	swait.ge [sflag:s29], $0x2000  }
0xdf: {  	[sflag:s29] =	ssyncset.done $0x0  }
0xe0: {  	[sflag:s29] =	ssyncadd.s32 $0xFFFFE000  }
0xe1: {  	[spmem:s2] =	stream.indirect.scatter.add.f32 [tilespmem:s21], [sflag:$0x5], $0x80, s9, s20, $0xb8;
	[tilespmem:$0x1E800] =	vst v63  }
0xe2: {  	_ =	swait.ge [sflag:s30], $0x2000  }
0xe3: {  	[sflag:s30] =	ssyncset.done $0x0  }
0xe4: {  	[sflag:s30] =	ssyncadd.s32 $0xFFFFE000  }
0xe5: {  	[spmem:s2] =	stream.indirect.scatter.add.f32 [tilespmem:s23], [sflag:$0x6], $0x80, s10, s20, $0xb8;
	[tilespmem:$0x1E800] =	vst v63  }
0xe6: {  	_ =	swait.ge [sflag:s31], $0x2000  }
0xe7: {  	[sflag:s31] =	ssyncset.done $0x0  }
0xe8: {  	[sflag:s31] =	ssyncadd.s32 $0xFFFFE000  }
0xe9: {  	[spmem:s2] =	stream.indirect.scatter.add.f32 [tilespmem:s25], [sflag:$0x7], $0x80, s11, s20, $0xb8;
	[tilespmem:$0x1E800] =	vst v63  }
0xea: {  	_ =	swait.ge [sflag:s0], $0x2000  }
0xeb: {  	[sflag:s0] =	ssyncset.done $0x0  }
0xec: {  	[sflag:s0] =	ssyncadd.s32 $0xFFFFE000  }
0xed: {  	[spmem:s2] =	stream.indirect.scatter.add.f32 [tilespmem:s28], [sflag:$0x8], $0x80, s12, s20, $0xb8;
	[tilespmem:$0x1E800] =	vst v63  }
0xee: {  	_ =	swait.ge [sflag:s3], $0x2000  }
0xef: {  	[sflag:s3] =	ssyncset.done $0x0  }
0xf0: {  	[sflag:s3] =	ssyncadd.s32 $0xFFFFE000  }
0xf1: {  	_ =	swait.ge [sflag:s1], $0x2000  }
0xf2: {  	[sflag:s1] =	ssyncset.done $0x0  }
0xf3: {  	[sflag:s1] =	ssyncadd.s32 $0xFFFFE000  }
0xf4: {  	_ =	swait.ge [sflag:s7], $0x2000  }
0xf5: {  	[sflag:s7] =	ssyncset.done $0x0  }
0xf6: {  	[sflag:s7] =	ssyncadd.s32 $0xFFFFE000  }
0xf7: {  	_ =	swait.ge [sflag:s8], $0x2000  }
0xf8: {  	[sflag:s8] =	ssyncset.done $0x0  }
0xf9: {  	s14 =	simm.s32 $0x0;
	s16 =	rddreg [dreg:$0x8];
	[sflag:s8] =	ssyncadd.s32 $0xFFFFE000  }
0xfa: {  	[tilespmem:s14], [sflag:$0x9] =	stream.linear.gather [hbm4b:s16+s14], $0x1400, $0x38;
	[tilespmem:$0x1E800] =	vst v63  }
0xfb: {  	_ =	swait.ge [sflag:s18], $0x1400  }
0xfc: {  	[sflag:s18] =	ssyncset.done $0x0  }
0xfd: {  	s16 =	rddreg [dreg:$0x9];
	[sflag:s18] =	ssyncadd.s32 $0xFFFFEC00  }
0xfe: {  	[tilespmem:s19], [sflag:$0x9] =	stream.linear.gather [hbm4b:s16+s14], $0x1400, $0x38;
	[tilespmem:$0x1E800] =	vst v63  }
0xff: {  	_ =	swait.ge [sflag:s18], $0x1400  }
0x100: {  	[sflag:s18] =	ssyncset.done $0x0  }
0x101: {  	[sflag:s18] =	ssyncadd.s32 $0xFFFFEC00  }
0x102: {  	[tilespmem:s21], [sflag:$0x1] =	stream.indirect.gather [hbm4b:s5+s20], $0x80, s14, s20, $0xb8;
	[tilespmem:$0x1E800] =	vst v63  }
0x103: {  	_ = 	snop  }
0x104: {  	[tilespmem:s23], [sflag:$0x2] =	stream.indirect.gather [hbm4b:s5+s20], $0x80, s22, s20, $0xb8;
	[tilespmem:$0x1E800] =	vst v63  }
0x105: {  	_ = 	snop  }
0x106: {  	[tilespmem:s25], [sflag:$0x3] =	stream.indirect.gather [hbm4b:s5+s20], $0x80, s24, s20, $0xb8;
	[tilespmem:$0x1E800] =	vst v63  }
0x107: {  	_ = 	snop  }
0x108: {  	[tilespmem:s28], [sflag:$0x4] =	stream.indirect.gather [hbm4b:s5+s20], $0x80, s26, s20, $0xb8;
	[tilespmem:$0x1E800] =	vst v63  }
0x109: {  	_ =	swait.ge [sflag:s29], $0x2000  }
0x10a: {  	[sflag:s29] =	ssyncset.done $0x0  }
0x10b: {  	s16 =	simm.s32 $0x1400;
	[sflag:s29] =	ssyncadd.s32 $0xFFFFE000  }
0x10c: {  	[spmem:s2] =	stream.indirect.scatter.add.f32 [tilespmem:s21], [sflag:$0x5], $0x80, s16, s20, $0xb8;
	[tilespmem:$0x1E800] =	vst v63  }
0x10d: {  	_ =	swait.ge [sflag:s30], $0x2000  }
0x10e: {  	[sflag:s30] =	ssyncset.done $0x0  }
0x10f: {  	s15 =	simm.s32 $0x1480;
	[sflag:s30] =	ssyncadd.s32 $0xFFFFE000  }
0x110: {  	[spmem:s2] =	stream.indirect.scatter.add.f32 [tilespmem:s23], [sflag:$0x6], $0x80, s15, s20, $0xb8;
	[tilespmem:$0x1E800] =	vst v63  }
0x111: {  	_ =	swait.ge [sflag:s31], $0x2000  }
0x112: {  	[sflag:s31] =	ssyncset.done $0x0  }
0x113: {  	s16 =	simm.s32 $0x1500;
	[sflag:s31] =	ssyncadd.s32 $0xFFFFE000  }
0x114: {  	[spmem:s2] =	stream.indirect.scatter.add.f32 [tilespmem:s25], [sflag:$0x7], $0x80, s16, s20, $0xb8;
	[tilespmem:$0x1E800] =	vst v63  }
0x115: {  	_ =	swait.ge [sflag:s0], $0x2000  }
0x116: {  	[sflag:s0] =	ssyncset.done $0x0  }
0x117: {  	s15 =	simm.s32 $0x1580;
	[sflag:s0] =	ssyncadd.s32 $0xFFFFE000  }
0x118: {  	[spmem:s2] =	stream.indirect.scatter.add.f32 [tilespmem:s28], [sflag:$0x8], $0x80, s15, s20, $0xb8;
	[tilespmem:$0x1E800] =	vst v63  }
0x119: {  	_ =	swait.ge [sflag:s3], $0x2000  }
0x11a: {  	[sflag:s3] =	ssyncset.done $0x0  }
0x11b: {  	s16 =	simm.s32 $0x200;
	[sflag:s3] =	ssyncadd.s32 $0xFFFFE000  }
0x11c: {  	[tilespmem:s21], [sflag:$0x1] =	stream.indirect.gather [hbm4b:s5+s20], $0x80, s16, s20, $0xb8;
	[tilespmem:$0x1E800] =	vst v63  }
0x11d: {  	_ =	swait.ge [sflag:s1], $0x2000  }
0x11e: {  	[sflag:s1] =	ssyncset.done $0x0  }
0x11f: {  	s15 =	simm.s32 $0x280;
	[sflag:s1] =	ssyncadd.s32 $0xFFFFE000  }
0x120: {  	[tilespmem:s23], [sflag:$0x2] =	stream.indirect.gather [hbm4b:s5+s20], $0x80, s15, s20, $0xb8;
	[tilespmem:$0x1E800] =	vst v63  }
0x121: {  	_ =	swait.ge [sflag:s7], $0x2000  }
0x122: {  	[sflag:s7] =	ssyncset.done $0x0  }
0x123: {  	s16 =	simm.s32 $0x300;
	[sflag:s7] =	ssyncadd.s32 $0xFFFFE000  }
0x124: {  	[tilespmem:s25], [sflag:$0x3] =	stream.indirect.gather [hbm4b:s5+s20], $0x80, s16, s20, $0xb8;
	[tilespmem:$0x1E800] =	vst v63  }
0x125: {  	_ =	swait.ge [sflag:s8], $0x2000  }
0x126: {  	[sflag:s8] =	ssyncset.done $0x0  }
0x127: {  	s14 =	simm.s32 $0x800;
	s15 =	simm.s32 $0x380;
	[sflag:s8] =	ssyncadd.s32 $0xFFFFE000  }
.LBB2_6:
0x128: {  	[tilespmem:s28], [sflag:$0x4] =	stream.indirect.gather [hbm4b:s5+s20], $0x80, s15, s20, $0xb8;
	[tilespmem:$0x1E800] =	vst v63  }
0x129: {  	s15 =	smov.u32 s14  }
0x12a: {  	p0 =	sne.s32 s14, $0x4000;
	s14 =	sadd.s32 $0x800, s14;
	_ =	swait.ge [sflag:s29], $0x2000  }
0x12b: {  	s15 =	sshra.s32 s15, $0x2;
	[sflag:s29] =	ssyncset.done $0x0  }
0x12c: {  	s16 =	sadd.s32 $0x1400, s15;
	[sflag:s29] =	ssyncadd.s32 $0xFFFFE000  }
0x12d: {  	[spmem:s2] =	stream.indirect.scatter.add.f32 [tilespmem:s21], [sflag:$0x5], $0x80, s16, s20, $0xb8;
	[tilespmem:$0x1E800] =	vst v63  }
0x12e: {  	_ =	swait.ge [sflag:s30], $0x2000  }
0x12f: {  	[sflag:s30] =	ssyncset.done $0x0  }
0x130: {  	s16 =	sadd.s32 $0x1480, s15;
	[sflag:s30] =	ssyncadd.s32 $0xFFFFE000  }
0x131: {  	[spmem:s2] =	stream.indirect.scatter.add.f32 [tilespmem:s23], [sflag:$0x6], $0x80, s16, s20, $0xb8;
	[tilespmem:$0x1E800] =	vst v63  }
0x132: {  	_ =	swait.ge [sflag:s31], $0x2000  }
0x133: {  	[sflag:s31] =	ssyncset.done $0x0  }
0x134: {  	s16 =	sadd.s32 $0x1500, s15;
	[sflag:s31] =	ssyncadd.s32 $0xFFFFE000  }
0x135: {  	[spmem:s2] =	stream.indirect.scatter.add.f32 [tilespmem:s25], [sflag:$0x7], $0x80, s16, s20, $0xb8;
	[tilespmem:$0x1E800] =	vst v63  }
0x136: {  	_ =	swait.ge [sflag:s0], $0x2000  }
0x137: {  	[sflag:s0] =	ssyncset.done $0x0  }
0x138: {  	s16 =	sadd.s32 $0x1580, s15;
	[sflag:s0] =	ssyncadd.s32 $0xFFFFE000  }
0x139: {  	[spmem:s2] =	stream.indirect.scatter.add.f32 [tilespmem:s28], [sflag:$0x8], $0x80, s16, s20, $0xb8;
	[tilespmem:$0x1E800] =	vst v63  }
0x13a: {  	_ =	swait.ge [sflag:s3], $0x2000  }
0x13b: {  	[sflag:s3] =	ssyncset.done $0x0  }
0x13c: {  	s16 =	sadd.s32 $0x200, s15;
	[sflag:s3] =	ssyncadd.s32 $0xFFFFE000  }
0x13d: {  	[tilespmem:s21], [sflag:$0x1] =	stream.indirect.gather [hbm4b:s5+s20], $0x80, s16, s20, $0xb8;
	[tilespmem:$0x1E800] =	vst v63  }
0x13e: {  	_ =	swait.ge [sflag:s1], $0x2000  }
0x13f: {  	[sflag:s1] =	ssyncset.done $0x0  }
0x140: {  	s16 =	sadd.s32 $0x280, s15;
	[sflag:s1] =	ssyncadd.s32 $0xFFFFE000  }
0x141: {  	[tilespmem:s23], [sflag:$0x2] =	stream.indirect.gather [hbm4b:s5+s20], $0x80, s16, s20, $0xb8;
	[tilespmem:$0x1E800] =	vst v63  }
0x142: {  	_ =	swait.ge [sflag:s7], $0x2000  }
0x143: {  	[sflag:s7] =	ssyncset.done $0x0  }
.Ltmp2:
0x144: {  	s16 =	sadd.s32 $0x300, s15;
	[sflag:s7] =	ssyncadd.s32 $0xFFFFE000;
	(pc) =	sbr.rel @p0 .LBB2_6-.Ltmp2, $4  }
0x145: {  	[tilespmem:s25], [sflag:$0x3] =	stream.indirect.gather [hbm4b:s5+s20], $0x80, s16, s20, $0xb8;
	[tilespmem:$0x1E800] =	vst v63  }
0x146: {  	_ =	swait.ge [sflag:s8], $0x2000  }
0x147: {  	[sflag:s8] =	ssyncset.done $0x0  }
0x148: {  	s15 =	sadd.s32 $0x380, s15;
	[sflag:s8] =	ssyncadd.s32 $0xFFFFE000  }
0x149: {  	[tilespmem:s28], [sflag:$0x4] =	stream.indirect.gather [hbm4b:s5+s20], $0x80, s15, s20, $0xb8;
	[tilespmem:$0x1E800] =	vst v63  }
0x14a: {  	_ =	swait.ge [sflag:s29], $0x2000  }
0x14b: {  	[sflag:s29] =	ssyncset.done $0x0  }
0x14c: {  	[sflag:s29] =	ssyncadd.s32 $0xFFFFE000  }
0x14d: {  	[spmem:s2] =	stream.indirect.scatter.add.f32 [tilespmem:s21], [sflag:$0x5], $0x80, s9, s20, $0xb8;
	[tilespmem:$0x1E800] =	vst v63  }
0x14e: {  	_ =	swait.ge [sflag:s30], $0x2000  }
0x14f: {  	[sflag:s30] =	ssyncset.done $0x0  }
0x150: {  	[sflag:s30] =	ssyncadd.s32 $0xFFFFE000  }
0x151: {  	[spmem:s2] =	stream.indirect.scatter.add.f32 [tilespmem:s23], [sflag:$0x6], $0x80, s10, s20, $0xb8;
	[tilespmem:$0x1E800] =	vst v63  }
0x152: {  	_ =	swait.ge [sflag:s31], $0x2000  }
0x153: {  	[sflag:s31] =	ssyncset.done $0x0  }
0x154: {  	[sflag:s31] =	ssyncadd.s32 $0xFFFFE000  }
0x155: {  	[spmem:s2] =	stream.indirect.scatter.add.f32 [tilespmem:s25], [sflag:$0x7], $0x80, s11, s20, $0xb8;
	[tilespmem:$0x1E800] =	vst v63  }
0x156: {  	_ =	swait.ge [sflag:s0], $0x2000  }
0x157: {  	[sflag:s0] =	ssyncset.done $0x0  }
0x158: {  	[sflag:s0] =	ssyncadd.s32 $0xFFFFE000  }
0x159: {  	[spmem:s2] =	stream.indirect.scatter.add.f32 [tilespmem:s28], [sflag:$0x8], $0x80, s12, s20, $0xb8;
	[tilespmem:$0x1E800] =	vst v63  }
0x15a: {  	_ =	swait.ge [sflag:s3], $0x2000  }
0x15b: {  	[sflag:s3] =	ssyncset.done $0x0  }
0x15c: {  	[sflag:s3] =	ssyncadd.s32 $0xFFFFE000  }
0x15d: {  	_ =	swait.ge [sflag:s1], $0x2000  }
0x15e: {  	[sflag:s1] =	ssyncset.done $0x0  }
0x15f: {  	[sflag:s1] =	ssyncadd.s32 $0xFFFFE000  }
0x160: {  	_ =	swait.ge [sflag:s7], $0x2000  }
0x161: {  	[sflag:s7] =	ssyncset.done $0x0  }
0x162: {  	[sflag:s7] =	ssyncadd.s32 $0xFFFFE000  }
0x163: {  	_ =	swait.ge [sflag:s8], $0x2000  }
0x164: {  	[sflag:s8] =	ssyncset.done $0x0  }
0x165: {  	s14 =	simm.s32 $0x0;
	s16 =	rddreg [dreg:$0xa];
	[sflag:s8] =	ssyncadd.s32 $0xFFFFE000  }
0x166: {  	[tilespmem:s14], [sflag:$0x9] =	stream.linear.gather [hbm4b:s16+s14], $0x1400, $0x38;
	[tilespmem:$0x1E800] =	vst v63  }
0x167: {  	_ =	swait.ge [sflag:s18], $0x1400  }
0x168: {  	[sflag:s18] =	ssyncset.done $0x0  }
0x169: {  	s16 =	rddreg [dreg:$0xb];
	[sflag:s18] =	ssyncadd.s32 $0xFFFFEC00  }
0x16a: {  	[tilespmem:s19], [sflag:$0x9] =	stream.linear.gather [hbm4b:s16+s14], $0x1400, $0x38;
	[tilespmem:$0x1E800] =	vst v63  }
0x16b: {  	_ =	swait.ge [sflag:s18], $0x1400  }
0x16c: {  	[sflag:s18] =	ssyncset.done $0x0  }
0x16d: {  	[sflag:s18] =	ssyncadd.s32 $0xFFFFEC00  }
0x16e: {  	[tilespmem:s21], [sflag:$0x1] =	stream.indirect.gather [hbm4b:s5+s20], $0x80, s14, s20, $0xb8;
	[tilespmem:$0x1E800] =	vst v63  }
0x16f: {  	_ = 	snop  }
0x170: {  	[tilespmem:s23], [sflag:$0x2] =	stream.indirect.gather [hbm4b:s5+s20], $0x80, s22, s20, $0xb8;
	[tilespmem:$0x1E800] =	vst v63  }
0x171: {  	_ = 	snop  }
0x172: {  	[tilespmem:s25], [sflag:$0x3] =	stream.indirect.gather [hbm4b:s5+s20], $0x80, s24, s20, $0xb8;
	[tilespmem:$0x1E800] =	vst v63  }
0x173: {  	_ = 	snop  }
0x174: {  	[tilespmem:s28], [sflag:$0x4] =	stream.indirect.gather [hbm4b:s5+s20], $0x80, s26, s20, $0xb8;
	[tilespmem:$0x1E800] =	vst v63  }
0x175: {  	_ =	swait.ge [sflag:s29], $0x2000  }
0x176: {  	[sflag:s29] =	ssyncset.done $0x0  }
0x177: {  	s16 =	simm.s32 $0x1400;
	[sflag:s29] =	ssyncadd.s32 $0xFFFFE000  }
0x178: {  	[spmem:s2] =	stream.indirect.scatter.add.f32 [tilespmem:s21], [sflag:$0x5], $0x80, s16, s20, $0xb8;
	[tilespmem:$0x1E800] =	vst v63  }
0x179: {  	_ =	swait.ge [sflag:s30], $0x2000  }
0x17a: {  	[sflag:s30] =	ssyncset.done $0x0  }
0x17b: {  	s15 =	simm.s32 $0x1480;
	[sflag:s30] =	ssyncadd.s32 $0xFFFFE000  }
0x17c: {  	[spmem:s2] =	stream.indirect.scatter.add.f32 [tilespmem:s23], [sflag:$0x6], $0x80, s15, s20, $0xb8;
	[tilespmem:$0x1E800] =	vst v63  }
0x17d: {  	_ =	swait.ge [sflag:s31], $0x2000  }
0x17e: {  	[sflag:s31] =	ssyncset.done $0x0  }
0x17f: {  	s16 =	simm.s32 $0x1500;
	[sflag:s31] =	ssyncadd.s32 $0xFFFFE000  }
0x180: {  	[spmem:s2] =	stream.indirect.scatter.add.f32 [tilespmem:s25], [sflag:$0x7], $0x80, s16, s20, $0xb8;
	[tilespmem:$0x1E800] =	vst v63  }
0x181: {  	_ =	swait.ge [sflag:s0], $0x2000  }
0x182: {  	[sflag:s0] =	ssyncset.done $0x0  }
0x183: {  	s15 =	simm.s32 $0x1580;
	[sflag:s0] =	ssyncadd.s32 $0xFFFFE000  }
0x184: {  	[spmem:s2] =	stream.indirect.scatter.add.f32 [tilespmem:s28], [sflag:$0x8], $0x80, s15, s20, $0xb8;
	[tilespmem:$0x1E800] =	vst v63  }
0x185: {  	_ =	swait.ge [sflag:s3], $0x2000  }
0x186: {  	[sflag:s3] =	ssyncset.done $0x0  }
0x187: {  	s16 =	simm.s32 $0x200;
	[sflag:s3] =	ssyncadd.s32 $0xFFFFE000  }
0x188: {  	[tilespmem:s21], [sflag:$0x1] =	stream.indirect.gather [hbm4b:s5+s20], $0x80, s16, s20, $0xb8;
	[tilespmem:$0x1E800] =	vst v63  }
0x189: {  	_ =	swait.ge [sflag:s1], $0x2000  }
0x18a: {  	[sflag:s1] =	ssyncset.done $0x0  }
0x18b: {  	s15 =	simm.s32 $0x280;
	[sflag:s1] =	ssyncadd.s32 $0xFFFFE000  }
0x18c: {  	[tilespmem:s23], [sflag:$0x2] =	stream.indirect.gather [hbm4b:s5+s20], $0x80, s15, s20, $0xb8;
	[tilespmem:$0x1E800] =	vst v63  }
0x18d: {  	_ =	swait.ge [sflag:s7], $0x2000  }
0x18e: {  	[sflag:s7] =	ssyncset.done $0x0  }
0x18f: {  	s16 =	simm.s32 $0x300;
	[sflag:s7] =	ssyncadd.s32 $0xFFFFE000  }
0x190: {  	[tilespmem:s25], [sflag:$0x3] =	stream.indirect.gather [hbm4b:s5+s20], $0x80, s16, s20, $0xb8;
	[tilespmem:$0x1E800] =	vst v63  }
0x191: {  	_ =	swait.ge [sflag:s8], $0x2000  }
0x192: {  	[sflag:s8] =	ssyncset.done $0x0  }
0x193: {  	s14 =	simm.s32 $0x800;
	s15 =	simm.s32 $0x380;
	[sflag:s8] =	ssyncadd.s32 $0xFFFFE000  }
.LBB2_8:
0x194: {  	[tilespmem:s28], [sflag:$0x4] =	stream.indirect.gather [hbm4b:s5+s20], $0x80, s15, s20, $0xb8;
	[tilespmem:$0x1E800] =	vst v63  }
0x195: {  	s15 =	smov.u32 s14  }
0x196: {  	p0 =	sne.s32 s14, $0x4000;
	s14 =	sadd.s32 $0x800, s14;
	_ =	swait.ge [sflag:s29], $0x2000  }
0x197: {  	s15 =	sshra.s32 s15, $0x2;
	[sflag:s29] =	ssyncset.done $0x0  }
0x198: {  	s16 =	sadd.s32 $0x1400, s15;
	[sflag:s29] =	ssyncadd.s32 $0xFFFFE000  }
0x199: {  	[spmem:s2] =	stream.indirect.scatter.add.f32 [tilespmem:s21], [sflag:$0x5], $0x80, s16, s20, $0xb8;
	[tilespmem:$0x1E800] =	vst v63  }
0x19a: {  	_ =	swait.ge [sflag:s30], $0x2000  }
0x19b: {  	[sflag:s30] =	ssyncset.done $0x0  }
0x19c: {  	s16 =	sadd.s32 $0x1480, s15;
	[sflag:s30] =	ssyncadd.s32 $0xFFFFE000  }
0x19d: {  	[spmem:s2] =	stream.indirect.scatter.add.f32 [tilespmem:s23], [sflag:$0x6], $0x80, s16, s20, $0xb8;
	[tilespmem:$0x1E800] =	vst v63  }
0x19e: {  	_ =	swait.ge [sflag:s31], $0x2000  }
0x19f: {  	[sflag:s31] =	ssyncset.done $0x0  }
0x1a0: {  	s16 =	sadd.s32 $0x1500, s15;
	[sflag:s31] =	ssyncadd.s32 $0xFFFFE000  }
0x1a1: {  	[spmem:s2] =	stream.indirect.scatter.add.f32 [tilespmem:s25], [sflag:$0x7], $0x80, s16, s20, $0xb8;
	[tilespmem:$0x1E800] =	vst v63  }
0x1a2: {  	_ =	swait.ge [sflag:s0], $0x2000  }
0x1a3: {  	[sflag:s0] =	ssyncset.done $0x0  }
0x1a4: {  	s16 =	sadd.s32 $0x1580, s15;
	[sflag:s0] =	ssyncadd.s32 $0xFFFFE000  }
0x1a5: {  	[spmem:s2] =	stream.indirect.scatter.add.f32 [tilespmem:s28], [sflag:$0x8], $0x80, s16, s20, $0xb8;
	[tilespmem:$0x1E800] =	vst v63  }
0x1a6: {  	_ =	swait.ge [sflag:s3], $0x2000  }
0x1a7: {  	[sflag:s3] =	ssyncset.done $0x0  }
0x1a8: {  	s16 =	sadd.s32 $0x200, s15;
	[sflag:s3] =	ssyncadd.s32 $0xFFFFE000  }
0x1a9: {  	[tilespmem:s21], [sflag:$0x1] =	stream.indirect.gather [hbm4b:s5+s20], $0x80, s16, s20, $0xb8;
	[tilespmem:$0x1E800] =	vst v63  }
0x1aa: {  	_ =	swait.ge [sflag:s1], $0x2000  }
0x1ab: {  	[sflag:s1] =	ssyncset.done $0x0  }
0x1ac: {  	s16 =	sadd.s32 $0x280, s15;
	[sflag:s1] =	ssyncadd.s32 $0xFFFFE000  }
0x1ad: {  	[tilespmem:s23], [sflag:$0x2] =	stream.indirect.gather [hbm4b:s5+s20], $0x80, s16, s20, $0xb8;
	[tilespmem:$0x1E800] =	vst v63  }
0x1ae: {  	_ =	swait.ge [sflag:s7], $0x2000  }
0x1af: {  	[sflag:s7] =	ssyncset.done $0x0  }
.Ltmp3:
0x1b0: {  	s16 =	sadd.s32 $0x300, s15;
	[sflag:s7] =	ssyncadd.s32 $0xFFFFE000;
	(pc) =	sbr.rel @p0 .LBB2_8-.Ltmp3, $4  }
0x1b1: {  	[tilespmem:s25], [sflag:$0x3] =	stream.indirect.gather [hbm4b:s5+s20], $0x80, s16, s20, $0xb8;
	[tilespmem:$0x1E800] =	vst v63  }
0x1b2: {  	_ =	swait.ge [sflag:s8], $0x2000  }
0x1b3: {  	[sflag:s8] =	ssyncset.done $0x0  }
0x1b4: {  	s15 =	sadd.s32 $0x380, s15;
	[sflag:s8] =	ssyncadd.s32 $0xFFFFE000  }
0x1b5: {  	[tilespmem:s28], [sflag:$0x4] =	stream.indirect.gather [hbm4b:s5+s20], $0x80, s15, s20, $0xb8;
	[tilespmem:$0x1E800] =	vst v63  }
0x1b6: {  	_ =	swait.ge [sflag:s29], $0x2000  }
0x1b7: {  	[sflag:s29] =	ssyncset.done $0x0  }
0x1b8: {  	[sflag:s29] =	ssyncadd.s32 $0xFFFFE000  }
0x1b9: {  	[spmem:s2] =	stream.indirect.scatter.add.f32 [tilespmem:s21], [sflag:$0x5], $0x80, s9, s20, $0xb8;
	[tilespmem:$0x1E800] =	vst v63  }
0x1ba: {  	_ =	swait.ge [sflag:s30], $0x2000  }
0x1bb: {  	[sflag:s30] =	ssyncset.done $0x0  }
0x1bc: {  	[sflag:s30] =	ssyncadd.s32 $0xFFFFE000  }
0x1bd: {  	[spmem:s2] =	stream.indirect.scatter.add.f32 [tilespmem:s23], [sflag:$0x6], $0x80, s10, s20, $0xb8;
	[tilespmem:$0x1E800] =	vst v63  }
0x1be: {  	_ =	swait.ge [sflag:s31], $0x2000  }
0x1bf: {  	[sflag:s31] =	ssyncset.done $0x0  }
0x1c0: {  	[sflag:s31] =	ssyncadd.s32 $0xFFFFE000  }
0x1c1: {  	[spmem:s2] =	stream.indirect.scatter.add.f32 [tilespmem:s25], [sflag:$0x7], $0x80, s11, s20, $0xb8;
	[tilespmem:$0x1E800] =	vst v63  }
0x1c2: {  	_ =	swait.ge [sflag:s0], $0x2000  }
0x1c3: {  	[sflag:s0] =	ssyncset.done $0x0  }
0x1c4: {  	[sflag:s0] =	ssyncadd.s32 $0xFFFFE000  }
0x1c5: {  	[spmem:s2] =	stream.indirect.scatter.add.f32 [tilespmem:s28], [sflag:$0x8], $0x80, s12, s20, $0xb8;
	[tilespmem:$0x1E800] =	vst v63  }
0x1c6: {  	_ =	swait.ge [sflag:s3], $0x2000  }
0x1c7: {  	[sflag:s3] =	ssyncset.done $0x0  }
0x1c8: {  	[sflag:s3] =	ssyncadd.s32 $0xFFFFE000  }
0x1c9: {  	_ =	swait.ge [sflag:s1], $0x2000  }
0x1ca: {  	[sflag:s1] =	ssyncset.done $0x0  }
0x1cb: {  	[sflag:s1] =	ssyncadd.s32 $0xFFFFE000  }
0x1cc: {  	_ =	swait.ge [sflag:s7], $0x2000  }
0x1cd: {  	[sflag:s7] =	ssyncset.done $0x0  }
0x1ce: {  	[sflag:s7] =	ssyncadd.s32 $0xFFFFE000  }
0x1cf: {  	_ =	swait.ge [sflag:s8], $0x2000  }
0x1d0: {  	[sflag:s8] =	ssyncset.done $0x0  }
0x1d1: {  	[sflag:s8] =	ssyncadd.s32 $0xFFFFE000  }
0x1d2: {  	[bflag:$0x0] =	sbarrier.arrive $0xFFFF  }
0x1d3: {  	s14 =	rddreg [dreg:$0xc]  }
0x1d4: {  	[hbm:s14], [sflag:s6] =	dma.local [spmem:s17], $0x2800  }
0x1d5: {  	_ =	swait.ge [sflag:s18], $0x2800  }
0x1d6: {  	s13 =	sadd.s32 $0x1, s13;
	s16 =	rddreg [dreg:$0xd]  }
0x1d7: {  	p0 =	sne.s32 s13, s16  }
.Ltmp4:
0x1d8: {  	_ = 	snop;
	(pc) =	sbr.rel @p0 .LBB2_1-.Ltmp4, $3  }
0x1d9: {  	_ =	sdelay $0x1  }
0x1da: {  	[sflag:s18] =	ssyncset.done $0x0  }
0x1db: {  	[sflag:s18] =	ssyncadd.s32 $0xFFFFD800  }
0x1dc: {  	_ =	sfence.sel $0x180000  }
0x1dd: {  	[bflag:$0x0] =	sbarrier.arrive $0xFFFF  }
0x1de: {  	_ =	strace $0x9000004A  }
0x1df: {  	s0 =	stileid.u32;
	[bflag:$0x2] =	sbarrier.arrive $0xFFFF  }
0x1e0: {  	p0 =	sne.s32 s0, $0x0;
	s0 =	rddreg [dreg:$0x3]  }
0x1e1: {  	s0 =	sadd.s32 @!p0 $0x100000, s0  }
0x1e2: {  	[sflag:s0] =	ssyncadd.tile.s32 @!p0 $0x1;
	_ =	shalt  }
.Lfunc_end2:
_tile_overlayer_lowered:
.L_overlay_start_2:
0x1e3: {  	(tag) =	ssettag $0x2  }
0x1e4: {  	s0 =	rddreg [dreg:$0x0];
	s2 =	stileid.u32  }
0x1e5: {  	s1 =	rddreg [dreg:$0x1];
	p0 =	sne.s32 s2, $0x0  }
0x1e6: {  	s3 =	rddreg [dreg:$0x2];
	[bflag:$0x3] =	sbarrier.arrive $0xFFFF;
	s2 =	simm.s32 @!p0 $0x1C09  }
0x1e7: {  	[timem:s3], [sflag:s2] =	dma.local @!p0 [hbm:s0], s1  }
0x1e8: {  	s0 =	simm.s32 @!p0 $0x9  }
0x1e9: {  	_ =	swait.ge @!p0 [sflag:s0], s1  }
0x1ea: {  	s1 =	ssub.s32 @!p0 $0x0, s1;
	[sflag:s0] =	ssyncset.done @!p0 $0x0  }
0x1eb: {  	[sflag:s0] =	ssyncadd.s32 @!p0 s1  }
0x1ec: {  	[bflag:$0x3] =	sbarrier.arrive $0xFFFF  }
0x1ed: {  	_ =	shalt  }

// kernel: kernel.14.cloned.1.call-start
scs
__scs_entry_jumppad:
0x0: {  	(pc) =	sbr.rel $0x88, $3  }
0x1: {  	(tag) =	ssettag $0x0;
	lr =	simm.s32 $0x1  }
0x2: {  	[smem:$0x3F9B] =	sst lr;
	_ =	strace $0xD0000000  }
0x3: {  	_ = 	snop  }
0x4: {  	_ = 	snop  }
0x5: {  	_ = 	snop  }
0x6: {  	_ = 	snop  }
0x7: {  	_ = 	snop  }
__scs_overlays_trampoline_lowered:
0x8: {  	[smem:$0x3FAA] =	sst s0  }
0x9: {  	[smem:$0x3FAB] =	sst s1  }
0xa: {  	[smem:$0x3FAC] =	sst s2  }
0xb: {  	[smem:$0x3FAD] =	sst s3  }
0xc: {  	[smem:$0x3FAE] =	sst s4  }
0xd: {  	[smem:$0x3FAF] =	sst s5  }
0xe: {  	[smem:$0x3FB0] =	sst s6  }
0xf: {  	[smem:$0x3FB1] =	sst s7  }
0x10: {  	[smem:$0x3FB2] =	sst s8  }
0x11: {  	[smem:$0x3FB3] =	sst s9;
	s0 =	simm.s32 @!p0 $0x0  }
0x12: {  	s1 =	sld [smem:$0x3F99];
	s0 =	simm.s32 @p0 $0x1  }
0x13: {  	[smem:$0x3FB4] =	sst s0;
	s0 =	simm.s32 @!p1 $0x0  }
0x14: {  	s2 =	sld [smem:$0x3F98];
	s0 =	simm.s32 @p1 $0x1  }
0x15: {  	[smem:$0x3FB5] =	sst s0;
	s0 =	simm.s32 @!p2 $0x0  }
0x16: {  	s3 =	sld [smem:$0x3FDB];
	s0 =	simm.s32 @p2 $0x1  }
0x17: {  	s4 =	simm.s32 $0x1BF5;
	[smem:$0x3FB7] =	sst s0  }
0x18: {  	s0 =	sld [smem:$0x3F9A];
	_ =	swait.ge [sflag:s4], $0x0  }
0x19: {  	s7 =	sld [smem:$0x3F9B]  }
0x1a: {  	s8 =	sadd.s32 $0xFFFFE003, lr  }
0x1b: {  	s9 =	sadd.s32 $0xFFFFFEF7, lr;
	s5 =	simm.s32 $0xFFFFFFFF;
	p2 =	slt.u32 s8, $0xFFFFF086  }
0x1c: {  	p1 =	slt.u32 s9, $0xF7A;
	s5 =	simm.s32 @!p2 $0x0  }
0x1d: {  	s5 =	simm.s32 @p1 $0x1;
	p0 =	seq.s32 s7, s2  }
0x1e: {  	s7 =	smul.u32 @!p0 $0xF7A, s2;
	p2 =	seq.s32 @!p0 s5, $0x0  }
0x1f: {  	s9 =	smul.u32 $0xF7A, s1;
	s8 =	simm.s32 @!p0 $0x1BF5;
	p2 =	por !p2, p0  }
0x20: {  	[sflag:s8] =	ssyncset.s32 @!p0 $0xFFFFF086;
	s6 =	sadd.s32 @!p0 s3, s7;
	s7 =	simm.s32 @!p0 $0x108  }
0x21: {  	s3 =	sadd.s32 s3, s9;
	s6 =	sadd.s32 @!p0 $0x88, s6;
	s7 =	simm.s32 @p2 $0x1082  }
0x22: {  	[simem:s7], [sflag:s8] =	dma.local @!p0 [hbm:s6], $0xF7A  }
0x23: {  	s9 =	sor.u32 $0xD0000000, s2;
	s6 =	simm.s32 $0x108;
	_ =	swait.ge @!p0 [sflag:s8], $0x0  }
0x24: {  	s3 =	sadd.s32 $0x88, s3;
	s6 =	simm.s32 @!p1 $0x1082;
	[sflag:s4] =	ssyncset.s32 $0xFFFFF086  }
0x25: {  	[simem:s6], [sflag:s4] =	dma.local [hbm:s3], $0xF7A  }
0x26: {  	[smem:$0x3F9B] =	sst s1;
	(tag) =	ssettag s2;
	_ =	strace s9  }
0x27: {  	s1 =	sld [smem:$0x3FAB]  }
0x28: {  	s2 =	sld [smem:$0x3FAC]  }
0x29: {  	s4 =	sld [smem:$0x3FAE]  }
0x2a: {  	p0 =	seq.s32 s5, $0x0;
	s5 =	sld [smem:$0x3FAF]  }
0x2b: {  	s6 =	sld [smem:$0x3FB0]  }
0x2c: {  	s7 =	sld [smem:$0x3FB1]  }
0x2d: {  	s3 =	simm.s32 $0x108;
	s8 =	sld [smem:$0x3FB2]  }
0x2e: {  	s3 =	simm.s32 @!p0 $0x1082;
	s9 =	sld [smem:$0x3FB3]  }
0x2f: {  	lr =	sadd.s32 s0, s3;
	s0 =	sld [smem:$0x3FAA]  }
0x30: {  	s3 =	sld [smem:$0x3FAD]  }
0x31: {  	[smem:$0x3FB6] =	sst s10  }
0x32: {  	s10 =	sld [smem:$0x3FB4];
	_ =	sdelay $0x3  }
0x33: {  	p0 =	seq.s32 s10, $0x1;
	s10 =	sld [smem:$0x3FB6];
	_ =	sdelay $0x3  }
0x34: {  	[smem:$0x3FB6] =	sst s10  }
0x35: {  	s10 =	sld [smem:$0x3FB5];
	_ =	sdelay $0x3  }
0x36: {  	p1 =	seq.s32 s10, $0x1;
	s10 =	sld [smem:$0x3FB6];
	_ =	sdelay $0x3  }
0x37: {  	[smem:$0x3FB6] =	sst s10  }
0x38: {  	s10 =	sld [smem:$0x3FB7]  }
0x39: {  	_ = 	snop;
	(pc) =	sbr.ind lr, $3  }
0x3a: {  	_ = 	snop  }
0x3b: {  	_ = 	snop  }
0x3c: {  	p2 =	seq.s32 s10, $0x1;
	s10 =	sld [smem:$0x3FB6]  }
0x3d: {  	_ =	shalt  }
0x3e: {  	_ =	shalt  }
0x3f: {  	_ =	shalt  }
0x40: {  	_ =	shalt  }
0x41: {  	_ =	shalt  }
0x42: {  	_ =	shalt  }
0x43: {  	_ =	shalt  }
0x44: {  	_ =	shalt  }
0x45: {  	_ =	shalt  }
0x46: {  	_ =	shalt  }
0x47: {  	_ =	shalt  }
0x48: {  	_ =	shalt  }
0x49: {  	_ =	shalt  }
0x4a: {  	_ =	shalt  }
0x4b: {  	_ =	shalt  }
0x4c: {  	_ =	shalt  }
0x4d: {  	_ =	shalt  }
0x4e: {  	_ =	shalt  }
0x4f: {  	_ =	shalt  }
0x50: {  	_ =	shalt  }
0x51: {  	_ =	shalt  }
0x52: {  	_ =	shalt  }
0x53: {  	_ =	shalt  }
0x54: {  	_ =	shalt  }
0x55: {  	_ =	shalt  }
0x56: {  	_ =	shalt  }
0x57: {  	_ =	shalt  }
0x58: {  	_ =	shalt  }
0x59: {  	_ =	shalt  }
0x5a: {  	_ =	shalt  }
0x5b: {  	_ =	shalt  }
0x5c: {  	_ =	shalt  }
0x5d: {  	_ =	shalt  }
0x5e: {  	_ =	shalt  }
0x5f: {  	_ =	shalt  }
0x60: {  	_ =	shalt  }
0x61: {  	_ =	shalt  }
0x62: {  	_ =	shalt  }
0x63: {  	_ =	shalt  }
0x64: {  	_ =	shalt  }
0x65: {  	_ =	shalt  }
0x66: {  	_ =	shalt  }
0x67: {  	_ =	shalt  }
0x68: {  	_ =	shalt  }
0x69: {  	_ =	shalt  }
0x6a: {  	_ =	shalt  }
0x6b: {  	_ =	shalt  }
0x6c: {  	_ =	shalt  }
0x6d: {  	_ =	shalt  }
0x6e: {  	_ =	shalt  }
0x6f: {  	_ =	shalt  }
0x70: {  	_ =	shalt  }
0x71: {  	_ =	shalt  }
0x72: {  	_ =	shalt  }
0x73: {  	_ =	shalt  }
0x74: {  	_ =	shalt  }
0x75: {  	_ =	shalt  }
0x76: {  	_ =	shalt  }
0x77: {  	_ =	shalt  }
0x78: {  	_ =	shalt  }
0x79: {  	_ =	shalt  }
0x7a: {  	_ =	shalt  }
0x7b: {  	_ =	shalt  }
0x7c: {  	_ =	shalt  }
0x7d: {  	_ =	shalt  }
0x7e: {  	_ =	shalt  }
0x7f: {  	_ =	shalt  }
0x80: {  	_ =	shalt  }
0x81: {  	_ =	shalt  }
0x82: {  	_ =	shalt  }
0x83: {  	_ =	shalt  }
0x84: {  	_ =	shalt  }
0x85: {  	_ =	shalt  }
0x86: {  	_ =	shalt  }
0x87: {  	_ =	shalt  }
.Lfunc_end0:
.L_simem_size_0:
called_computation.2_lowered:
.L_overlay_start_0:
0x88: {  	s2 =	sld [smem:$0x3FD9]  }
0x89: {  	s3 =	sld [smem:$0x3FFE];
	_ =	sdelay $0x1  }
0x8a: {  	s1 =	srdreg.scid  }
0x8b: {  	s0 =	sand.u32 $0x1, s1  }
0x8c: {  	s17 =	sshll.u32 s0, $0xA;
	s2 =	sadd.s32 s3, s2  }
0x8d: {  	s2 =	sadd.s32 s2, s17  }
0x8e: {  	[smem:$0x3FC2] =	sst s2  }
0x8f: {  	_ = 	snop  }
0x90: {  	s2 =	sld [smem:$0x3FD0];
	(tm) =	ssettm $0x1  }
0x91: {  	s18 =	sld [smem:$0x3FFB];
	_ =	sdelay $0x3  }
0x92: {  	_ =	strace s18  }
0x93: {  	s3 =	sld [smem:$0x3FFC];
	_ =	sdelay $0x3  }
0x94: {  	_ =	strace s3  }
0x95: {  	s3 =	sld [smem:$0x3FFD];
	_ =	sdelay $0x3  }
0x96: {  	_ =	strace s3  }
0x97: {  	_ =	strace $0x8FFFFFFF  }
0x98: {  	s19 =	sld [smem:$0x3FDB];
	_ =	sdelay $0x1  }
0x99: {  	s4 =	simm.s32 $_scs_section_size  }
0x9a: {  	s5 =	simm.s32 $_size__tile_overlayer_lowered;
	s6 =	simm.s32 $_tile_overlayer_lowered  }
0x9b: {  	s22 =	simm.s32 $0x1BFF;
	s21 =	sshll.u32 s6, $0x1;
	s3 =	sadd.s32 s4, s19  }
0x9c: {  	s7 =	simm.s32 $0x0;
	s20 =	sshll.u32 s5, $0x1;
	s5 =	sadd.s32 s21, s3  }
0x9d: {  	[timem:s7], [sflag:s22] =	dma.local [hbm:s5], s20  }
0x9e: {  	_ =	swait.ge [sflag:s22], s20  }
0x9f: {  	s4 =	ssub.s32 $0x0, s20;
	[sflag:s22] =	ssyncset.done $0x0  }
0xa0: {  	[sflag:s22] =	ssyncadd.s32 s4;
	_ =	sdelay $0x1  }
0xa1: {  	s23 =	simm.s32 $0x1B8B  }
0xa2: {  	_ =	swait.ge [sflag:s23], $0x1  }
0xa3: {  	[sflag:s23] =	ssyncset.done $0x0  }
0xa4: {  	s25 =	simm.s32 $0x1B8E;
	s24 =	sld [smem:$0x3FFE];
	[sflag:s23] =	ssyncadd.s32 $0xFFFFFFFF  }
0xa5: {  	s26 =	simm.s32 $execute0_lowered;
	[smem:$0x3FD2] =	sst s25  }
0xa6: {  	s5 =	sshll.u32 s26, $0x1;
	_ =	strace $0x8000004C;
	[dreg:$0x1] =	wrdreg $0xFFFFFFFF  }
0xa7: {  	s28 =	simm.s32 $_size_execute0_lowered;
	s3 =	sadd.s32 s3, s5;
	[dreg:$0x0] =	wrdreg $0x0  }
0xa8: {  	s5 =	sshll.u32 s28, $0x1;
	[dreg:$0x2] =	wrdreg s3  }
0xa9: {  	[dreg:$0x3] =	wrdreg s5  }
0xaa: {  	[dreg:$0x4] =	wrdreg $0xC0  }
0xab: {  	_ =	task [dreg:s7], $0x5FFFF  }
0xac: {  	[dreg:$0x1] =	wrdreg $0xFFFFFFFF  }
0xad: {  	[dreg:$0x0] =	wrdreg $0x60  }
0xae: {  	[dreg:$0x2] =	wrdreg s24  }
0xaf: {  	[dreg:$0x3] =	wrdreg s2  }
0xb0: {  	[dreg:$0x4] =	wrdreg $0xA8000  }
0xb1: {  	[dreg:$0x5] =	wrdreg $0x9  }
0xb2: {  	_ =	task.clear_ibuf [dreg:s7], $0x6FFFF;
	_ =	strace $0x9000004C  }
0xb3: {  	s29 =	simm.s32 $0x9;
	_ =	strace $0x8000004E  }
0xb4: {  	_ =	swait.ge [sflag:s29], $0x1  }
0xb5: {  	[sflag:s29] =	ssyncadd.s32 $0xFFFFFFFF  }
0xb6: {  	_ =	strace $0x9000004E  }
0xb7: {  	_ =	sfence  }
0xb8: {  	s30 =	sld [smem:$0x0];
	_ =	sdelay $0x2  }
0xb9: {  	s31 =	sshll.u32 s1, $0xD;
	s1 =	sshrl.u32 s1, $0x2  }
0xba: {  	s3 =	sand.u32 $0x4000, s31;
	s1 =	sadd.s32 s1, s30  }
0xbb: {  	s0 =	sor.u32 s3, s0;
	s1 =	sshll.u32 s1, $0x11  }
0xbc: {  	s0 =	sor.u32 s1, s0  }
0xbd: {  	s0 =	sadd.s32 $0x8F2B, s0  }
0xbe: {  	[sflag:s0] =	ssyncadd.remote.s32 $0x1  }
0xbf: {  	_ =	sfence.sel $0xFFFF  }
0xc0: {  	[dreg:$0x0] =	wrdreg $0xFFFFFFFF;
	(pc) =	sbr.abs _section_cstart, $3  }
0xc1: {  	[dreg:$0x1] =	wrdreg $0xFFFFFFFF  }
0xc2: {  	_ =	task.clear_ibuf [dreg:s7], $0x2FFFF;
	_ =	strace $0x9FFFFFFF  }
0xc3: {  	(tm) =	ssettm $0x7FFFFFFF  }
tec
execute0_lowered:
.L_overlay_start_1:
0x0: {  	(tag) =	ssettag $0x1  }
0x1: {  	s0 =	rddreg [dreg:$0x0]  }
0x2: {  	s2 =	rddreg [dreg:$0x2];
	s1 =	srdreg.scid  }
0x3: {  	s4 =	simm.s32 $0x0;
	s11 =	stileid.u32;
	s28 =	simm.s32 $0x8800  }
0x4: {  	s29 =	simm.s32 $0x1;
	s30 =	simm.s32 $0x2;
	s31 =	simm.s32 $0x3  }
0x5: {  	s12 =	simm.s32 $0x2780;
	s13 =	simm.s32 $0x0;
	s1 =	sand.u32 $0x1, s1  }
0x6: {  	[smem:$0x7FF] =	sst s4;
	s6 =	smul.u32 $0x14000, s11;
	s5 =	sadd.s32 $0x16400, s0  }
0x7: {  	s7 =	sadd.s32 $0x66800, s0;
	s15 =	sshll.u32 s11, $0x1;
	s16 =	smul.u32 $0x50000, s11  }
0x8: {  	s10 =	sadd.s32 $0x2400, s0;
	s18 =	sshll.u32 s11, $0x6;
	s11 =	simm.s32 $0x2700  }
0x9: {  	s3 =	smul.u32 $0x140000, s1;
	s8 =	ssub.s32 $0x2, s1;
	s1 =	sor.u32 s1, s15  }
0xa: {  	_ =	strace $0x8000004D;
	s9 =	sshrl.u32 s8, $0x1;
	s1 =	smul.u32 $0x5000, s1  }
0xb: {  	s3 =	sadd.s32 s6, s3;
	s17 =	ssub.s32 s8, s9;
	s6 =	sshrl.u32 s16, $0x2  }
0xc: {  	s9 =	simm.s32 $0x2600;
	s3 =	sshrl.u32 s3, $0x3;
	s1 =	sshrl.u32 s1, $0x3  }
0xd: {  	s19 =	sadd.s32 s6, s2;
	s6 =	sor.u32 $0x1C09, s18;
	s26 =	smax.u32 s17, $0x1  }
0xe: {  	s18 =	simm.s32 $0x9;
	s0 =	sadd.s32 s3, s0;
	s20 =	sadd.s32 $0x280, s1  }
0xf: {  	s21 =	sadd.s32 s7, s1;
	s22 =	sadd.s32 s10, s1;
	[dreg:$0xd] =	wrdreg s26  }
0x10: {  	s24 =	sadd.s32 $0x500, s1;
	s1 =	sadd.s32 $0x780, s1;
	[dreg:$0x4] =	wrdreg s21  }
0x11: {  	s17 =	sshrl.u32 s19, $0x3;
	[dreg:$0x5] =	wrdreg s22;
	s23 =	sadd.s32 s7, s20  }
0x12: {  	s19 =	simm.s32 $0x1400;
	s8 =	sadd.s32 s10, s20;
	[dreg:$0x6] =	wrdreg s23  }
0x13: {  	s26 =	simm.s32 $0x180;
	s25 =	sadd.s32 s7, s24;
	[dreg:$0x7] =	wrdreg s8  }
0x14: {  	s3 =	simm.s32 $0x5;
	s7 =	sadd.s32 s7, s1;
	[dreg:$0x8] =	wrdreg s25  }
0x15: {  	s1 =	sadd.s32 s10, s1;
	s0 =	sadd.s32 $0x7A800, s0;
	[dreg:$0xa] =	wrdreg s7  }
0x16: {  	s20 =	simm.s32 $0x40;
	s21 =	simm.s32 $0x2800;
	[dreg:$0xb] =	wrdreg s1  }
0x17: {  	s22 =	simm.s32 $0x80;
	s8 =	sadd.s32 s10, s24;
	[dreg:$0xc] =	wrdreg s0  }
0x18: {  	s23 =	simm.s32 $0x4800;
	s24 =	simm.s32 $0x100;
	s25 =	simm.s32 $0x6800  }
0x19: {  	s0 =	simm.s32 $0x4;
	s1 =	simm.s32 $0x6;
	s7 =	simm.s32 $0x7  }
0x1a: {  	s10 =	simm.s32 $0x2680;
	[dreg:$0x9] =	wrdreg s8;
	s8 =	simm.s32 $0x8  }
.LBB2_1:
0x1b: {  	s14 =	rddreg [dreg:$0x1]  }
0x1c: {  	[spmem:s17], [sflag:s6] =	dma.local [hbm:s14], $0x2800  }
0x1d: {  	_ =	swait.ge [sflag:s18], $0x2800  }
0x1e: {  	[sflag:s18] =	ssyncset.done $0x0  }
0x1f: {  	[sflag:s18] =	ssyncadd.s32 $0xFFFFD800  }
0x20: {  	[bflag:$0x0] =	sbarrier.arrive $0xFFFF  }
0x21: {  	s16 =	rddreg [dreg:$0x4]  }
0x22: {  	[tilespmem:s4], [sflag:$0x9] =	stream.linear.gather [hbm4b:s16+s4], $0x1400, $0x38;
	[tilespmem:$0x1E800] =	vst v63  }
0x23: {  	_ =	swait.ge [sflag:s18], $0x1400  }
0x24: {  	[sflag:s18] =	ssyncset.done $0x0  }
0x25: {  	s15 =	rddreg [dreg:$0x5];
	[sflag:s18] =	ssyncadd.s32 $0xFFFFEC00  }
0x26: {  	[tilespmem:s19], [sflag:$0x9] =	stream.linear.gather [hbm4b:s15+s4], $0x1400, $0x38;
	[tilespmem:$0x1E800] =	vst v63  }
0x27: {  	_ =	swait.ge [sflag:s18], $0x1400  }
0x28: {  	[sflag:s18] =	ssyncset.done $0x0  }
0x29: {  	[sflag:s18] =	ssyncadd.s32 $0xFFFFEC00  }
0x2a: {  	[tilespmem:s21], [sflag:$0x1] =	stream.indirect.gather [hbm4b:s5+s20], $0x80, s4, s20, $0xb8;
	[tilespmem:$0x1E800] =	vst v63  }
0x2b: {  	_ = 	snop  }
0x2c: {  	[tilespmem:s23], [sflag:$0x2] =	stream.indirect.gather [hbm4b:s5+s20], $0x80, s22, s20, $0xb8;
	[tilespmem:$0x1E800] =	vst v63  }
0x2d: {  	_ = 	snop  }
0x2e: {  	[tilespmem:s25], [sflag:$0x3] =	stream.indirect.gather [hbm4b:s5+s20], $0x80, s24, s20, $0xb8;
	[tilespmem:$0x1E800] =	vst v63  }
0x2f: {  	_ = 	snop  }
0x30: {  	[tilespmem:s28], [sflag:$0x4] =	stream.indirect.gather [hbm4b:s5+s20], $0x80, s26, s20, $0xb8;
	[tilespmem:$0x1E800] =	vst v63  }
0x31: {  	_ =	swait.ge [sflag:s29], $0x2000  }
0x32: {  	[sflag:s29] =	ssyncset.done $0x0  }
0x33: {  	s16 =	simm.s32 $0x1400;
	[sflag:s29] =	ssyncadd.s32 $0xFFFFE000  }
0x34: {  	[spmem:s2] =	stream.indirect.scatter.add.f32 [tilespmem:s21], [sflag:$0x5], $0x80, s16, s20, $0xb8;
	[tilespmem:$0x1E800] =	vst v63  }
0x35: {  	_ =	swait.ge [sflag:s30], $0x2000  }
0x36: {  	[sflag:s30] =	ssyncset.done $0x0  }
0x37: {  	s15 =	simm.s32 $0x1480;
	[sflag:s30] =	ssyncadd.s32 $0xFFFFE000  }
0x38: {  	[spmem:s2] =	stream.indirect.scatter.add.f32 [tilespmem:s23], [sflag:$0x6], $0x80, s15, s20, $0xb8;
	[tilespmem:$0x1E800] =	vst v63  }
0x39: {  	_ =	swait.ge [sflag:s31], $0x2000  }
0x3a: {  	[sflag:s31] =	ssyncset.done $0x0  }
0x3b: {  	s16 =	simm.s32 $0x1500;
	[sflag:s31] =	ssyncadd.s32 $0xFFFFE000  }
0x3c: {  	[spmem:s2] =	stream.indirect.scatter.add.f32 [tilespmem:s25], [sflag:$0x7], $0x80, s16, s20, $0xb8;
	[tilespmem:$0x1E800] =	vst v63  }
0x3d: {  	_ =	swait.ge [sflag:s0], $0x2000  }
0x3e: {  	[sflag:s0] =	ssyncset.done $0x0  }
0x3f: {  	s15 =	simm.s32 $0x1580;
	[sflag:s0] =	ssyncadd.s32 $0xFFFFE000  }
0x40: {  	[spmem:s2] =	stream.indirect.scatter.add.f32 [tilespmem:s28], [sflag:$0x8], $0x80, s15, s20, $0xb8;
	[tilespmem:$0x1E800] =	vst v63  }
0x41: {  	_ =	swait.ge [sflag:s3], $0x2000  }
0x42: {  	[sflag:s3] =	ssyncset.done $0x0  }
0x43: {  	s16 =	simm.s32 $0x200;
	[sflag:s3] =	ssyncadd.s32 $0xFFFFE000  }
0x44: {  	[tilespmem:s21], [sflag:$0x1] =	stream.indirect.gather [hbm4b:s5+s20], $0x80, s16, s20, $0xb8;
	[tilespmem:$0x1E800] =	vst v63  }
0x45: {  	_ =	swait.ge [sflag:s1], $0x2000  }
0x46: {  	[sflag:s1] =	ssyncset.done $0x0  }
0x47: {  	s15 =	simm.s32 $0x280;
	[sflag:s1] =	ssyncadd.s32 $0xFFFFE000  }
0x48: {  	[tilespmem:s23], [sflag:$0x2] =	stream.indirect.gather [hbm4b:s5+s20], $0x80, s15, s20, $0xb8;
	[tilespmem:$0x1E800] =	vst v63  }
0x49: {  	_ =	swait.ge [sflag:s7], $0x2000  }
0x4a: {  	[sflag:s7] =	ssyncset.done $0x0  }
0x4b: {  	s16 =	simm.s32 $0x300;
	[sflag:s7] =	ssyncadd.s32 $0xFFFFE000  }
0x4c: {  	[tilespmem:s25], [sflag:$0x3] =	stream.indirect.gather [hbm4b:s5+s20], $0x80, s16, s20, $0xb8;
	[tilespmem:$0x1E800] =	vst v63  }
0x4d: {  	_ =	swait.ge [sflag:s8], $0x2000  }
0x4e: {  	[sflag:s8] =	ssyncset.done $0x0  }
0x4f: {  	s14 =	simm.s32 $0x800;
	s15 =	simm.s32 $0x380;
	[sflag:s8] =	ssyncadd.s32 $0xFFFFE000  }
.LBB2_2:
0x50: {  	[tilespmem:s28], [sflag:$0x4] =	stream.indirect.gather [hbm4b:s5+s20], $0x80, s15, s20, $0xb8;
	[tilespmem:$0x1E800] =	vst v63  }
0x51: {  	s15 =	smov.u32 s14  }
0x52: {  	p0 =	sne.s32 s14, $0x4000;
	s14 =	sadd.s32 $0x800, s14;
	_ =	swait.ge [sflag:s29], $0x2000  }
0x53: {  	s15 =	sshra.s32 s15, $0x2;
	[sflag:s29] =	ssyncset.done $0x0  }
0x54: {  	s16 =	sadd.s32 $0x1400, s15;
	[sflag:s29] =	ssyncadd.s32 $0xFFFFE000  }
0x55: {  	[spmem:s2] =	stream.indirect.scatter.add.f32 [tilespmem:s21], [sflag:$0x5], $0x80, s16, s20, $0xb8;
	[tilespmem:$0x1E800] =	vst v63  }
0x56: {  	_ =	swait.ge [sflag:s30], $0x2000  }
0x57: {  	[sflag:s30] =	ssyncset.done $0x0  }
0x58: {  	s16 =	sadd.s32 $0x1480, s15;
	[sflag:s30] =	ssyncadd.s32 $0xFFFFE000  }
0x59: {  	[spmem:s2] =	stream.indirect.scatter.add.f32 [tilespmem:s23], [sflag:$0x6], $0x80, s16, s20, $0xb8;
	[tilespmem:$0x1E800] =	vst v63  }
0x5a: {  	_ =	swait.ge [sflag:s31], $0x2000  }
0x5b: {  	[sflag:s31] =	ssyncset.done $0x0  }
0x5c: {  	s16 =	sadd.s32 $0x1500, s15;
	[sflag:s31] =	ssyncadd.s32 $0xFFFFE000  }
0x5d: {  	[spmem:s2] =	stream.indirect.scatter.add.f32 [tilespmem:s25], [sflag:$0x7], $0x80, s16, s20, $0xb8;
	[tilespmem:$0x1E800] =	vst v63  }
0x5e: {  	_ =	swait.ge [sflag:s0], $0x2000  }
0x5f: {  	[sflag:s0] =	ssyncset.done $0x0  }
0x60: {  	s16 =	sadd.s32 $0x1580, s15;
	[sflag:s0] =	ssyncadd.s32 $0xFFFFE000  }
0x61: {  	[spmem:s2] =	stream.indirect.scatter.add.f32 [tilespmem:s28], [sflag:$0x8], $0x80, s16, s20, $0xb8;
	[tilespmem:$0x1E800] =	vst v63  }
0x62: {  	_ =	swait.ge [sflag:s3], $0x2000  }
0x63: {  	[sflag:s3] =	ssyncset.done $0x0  }
0x64: {  	s16 =	sadd.s32 $0x200, s15;
	[sflag:s3] =	ssyncadd.s32 $0xFFFFE000  }
0x65: {  	[tilespmem:s21], [sflag:$0x1] =	stream.indirect.gather [hbm4b:s5+s20], $0x80, s16, s20, $0xb8;
	[tilespmem:$0x1E800] =	vst v63  }
0x66: {  	_ =	swait.ge [sflag:s1], $0x2000  }
0x67: {  	[sflag:s1] =	ssyncset.done $0x0  }
0x68: {  	s16 =	sadd.s32 $0x280, s15;
	[sflag:s1] =	ssyncadd.s32 $0xFFFFE000  }
0x69: {  	[tilespmem:s23], [sflag:$0x2] =	stream.indirect.gather [hbm4b:s5+s20], $0x80, s16, s20, $0xb8;
	[tilespmem:$0x1E800] =	vst v63  }
0x6a: {  	_ =	swait.ge [sflag:s7], $0x2000  }
0x6b: {  	[sflag:s7] =	ssyncset.done $0x0  }
.Ltmp0:
0x6c: {  	s16 =	sadd.s32 $0x300, s15;
	[sflag:s7] =	ssyncadd.s32 $0xFFFFE000;
	(pc) =	sbr.rel @p0 .LBB2_2-.Ltmp0, $4  }
0x6d: {  	[tilespmem:s25], [sflag:$0x3] =	stream.indirect.gather [hbm4b:s5+s20], $0x80, s16, s20, $0xb8;
	[tilespmem:$0x1E800] =	vst v63  }
0x6e: {  	_ =	swait.ge [sflag:s8], $0x2000  }
0x6f: {  	[sflag:s8] =	ssyncset.done $0x0  }
0x70: {  	s15 =	sadd.s32 $0x380, s15;
	[sflag:s8] =	ssyncadd.s32 $0xFFFFE000  }
0x71: {  	[tilespmem:s28], [sflag:$0x4] =	stream.indirect.gather [hbm4b:s5+s20], $0x80, s15, s20, $0xb8;
	[tilespmem:$0x1E800] =	vst v63  }
0x72: {  	_ =	swait.ge [sflag:s29], $0x2000  }
0x73: {  	[sflag:s29] =	ssyncset.done $0x0  }
0x74: {  	[sflag:s29] =	ssyncadd.s32 $0xFFFFE000  }
0x75: {  	[spmem:s2] =	stream.indirect.scatter.add.f32 [tilespmem:s21], [sflag:$0x5], $0x80, s9, s20, $0xb8;
	[tilespmem:$0x1E800] =	vst v63  }
0x76: {  	_ =	swait.ge [sflag:s30], $0x2000  }
0x77: {  	[sflag:s30] =	ssyncset.done $0x0  }
0x78: {  	[sflag:s30] =	ssyncadd.s32 $0xFFFFE000  }
0x79: {  	[spmem:s2] =	stream.indirect.scatter.add.f32 [tilespmem:s23], [sflag:$0x6], $0x80, s10, s20, $0xb8;
	[tilespmem:$0x1E800] =	vst v63  }
0x7a: {  	_ =	swait.ge [sflag:s31], $0x2000  }
0x7b: {  	[sflag:s31] =	ssyncset.done $0x0  }
0x7c: {  	[sflag:s31] =	ssyncadd.s32 $0xFFFFE000  }
0x7d: {  	[spmem:s2] =	stream.indirect.scatter.add.f32 [tilespmem:s25], [sflag:$0x7], $0x80, s11, s20, $0xb8;
	[tilespmem:$0x1E800] =	vst v63  }
0x7e: {  	_ =	swait.ge [sflag:s0], $0x2000  }
0x7f: {  	[sflag:s0] =	ssyncset.done $0x0  }
0x80: {  	[sflag:s0] =	ssyncadd.s32 $0xFFFFE000  }
0x81: {  	[spmem:s2] =	stream.indirect.scatter.add.f32 [tilespmem:s28], [sflag:$0x8], $0x80, s12, s20, $0xb8;
	[tilespmem:$0x1E800] =	vst v63  }
0x82: {  	_ =	swait.ge [sflag:s3], $0x2000  }
0x83: {  	[sflag:s3] =	ssyncset.done $0x0  }
0x84: {  	[sflag:s3] =	ssyncadd.s32 $0xFFFFE000  }
0x85: {  	_ =	swait.ge [sflag:s1], $0x2000  }
0x86: {  	[sflag:s1] =	ssyncset.done $0x0  }
0x87: {  	[sflag:s1] =	ssyncadd.s32 $0xFFFFE000  }
0x88: {  	_ =	swait.ge [sflag:s7], $0x2000  }
0x89: {  	[sflag:s7] =	ssyncset.done $0x0  }
0x8a: {  	[sflag:s7] =	ssyncadd.s32 $0xFFFFE000  }
0x8b: {  	_ =	swait.ge [sflag:s8], $0x2000  }
0x8c: {  	[sflag:s8] =	ssyncset.done $0x0  }
0x8d: {  	s14 =	simm.s32 $0x0;
	s16 =	rddreg [dreg:$0x6];
	[sflag:s8] =	ssyncadd.s32 $0xFFFFE000  }
0x8e: {  	[tilespmem:s14], [sflag:$0x9] =	stream.linear.gather [hbm4b:s16+s14], $0x1400, $0x38;
	[tilespmem:$0x1E800] =	vst v63  }
0x8f: {  	_ =	swait.ge [sflag:s18], $0x1400  }
0x90: {  	[sflag:s18] =	ssyncset.done $0x0  }
0x91: {  	s16 =	rddreg [dreg:$0x7];
	[sflag:s18] =	ssyncadd.s32 $0xFFFFEC00  }
0x92: {  	[tilespmem:s19], [sflag:$0x9] =	stream.linear.gather [hbm4b:s16+s14], $0x1400, $0x38;
	[tilespmem:$0x1E800] =	vst v63  }
0x93: {  	_ =	swait.ge [sflag:s18], $0x1400  }
0x94: {  	[sflag:s18] =	ssyncset.done $0x0  }
0x95: {  	[sflag:s18] =	ssyncadd.s32 $0xFFFFEC00  }
0x96: {  	[tilespmem:s21], [sflag:$0x1] =	stream.indirect.gather [hbm4b:s5+s20], $0x80, s14, s20, $0xb8;
	[tilespmem:$0x1E800] =	vst v63  }
0x97: {  	_ = 	snop  }
0x98: {  	[tilespmem:s23], [sflag:$0x2] =	stream.indirect.gather [hbm4b:s5+s20], $0x80, s22, s20, $0xb8;
	[tilespmem:$0x1E800] =	vst v63  }
0x99: {  	_ = 	snop  }
0x9a: {  	[tilespmem:s25], [sflag:$0x3] =	stream.indirect.gather [hbm4b:s5+s20], $0x80, s24, s20, $0xb8;
	[tilespmem:$0x1E800] =	vst v63  }
0x9b: {  	_ = 	snop  }
0x9c: {  	[tilespmem:s28], [sflag:$0x4] =	stream.indirect.gather [hbm4b:s5+s20], $0x80, s26, s20, $0xb8;
	[tilespmem:$0x1E800] =	vst v63  }
0x9d: {  	_ =	swait.ge [sflag:s29], $0x2000  }
0x9e: {  	[sflag:s29] =	ssyncset.done $0x0  }
0x9f: {  	s16 =	simm.s32 $0x1400;
	[sflag:s29] =	ssyncadd.s32 $0xFFFFE000  }
0xa0: {  	[spmem:s2] =	stream.indirect.scatter.add.f32 [tilespmem:s21], [sflag:$0x5], $0x80, s16, s20, $0xb8;
	[tilespmem:$0x1E800] =	vst v63  }
0xa1: {  	_ =	swait.ge [sflag:s30], $0x2000  }
0xa2: {  	[sflag:s30] =	ssyncset.done $0x0  }
0xa3: {  	s15 =	simm.s32 $0x1480;
	[sflag:s30] =	ssyncadd.s32 $0xFFFFE000  }
0xa4: {  	[spmem:s2] =	stream.indirect.scatter.add.f32 [tilespmem:s23], [sflag:$0x6], $0x80, s15, s20, $0xb8;
	[tilespmem:$0x1E800] =	vst v63  }
0xa5: {  	_ =	swait.ge [sflag:s31], $0x2000  }
0xa6: {  	[sflag:s31] =	ssyncset.done $0x0  }
0xa7: {  	s16 =	simm.s32 $0x1500;
	[sflag:s31] =	ssyncadd.s32 $0xFFFFE000  }
0xa8: {  	[spmem:s2] =	stream.indirect.scatter.add.f32 [tilespmem:s25], [sflag:$0x7], $0x80, s16, s20, $0xb8;
	[tilespmem:$0x1E800] =	vst v63  }
0xa9: {  	_ =	swait.ge [sflag:s0], $0x2000  }
0xaa: {  	[sflag:s0] =	ssyncset.done $0x0  }
0xab: {  	s15 =	simm.s32 $0x1580;
	[sflag:s0] =	ssyncadd.s32 $0xFFFFE000  }
0xac: {  	[spmem:s2] =	stream.indirect.scatter.add.f32 [tilespmem:s28], [sflag:$0x8], $0x80, s15, s20, $0xb8;
	[tilespmem:$0x1E800] =	vst v63  }
0xad: {  	_ =	swait.ge [sflag:s3], $0x2000  }
0xae: {  	[sflag:s3] =	ssyncset.done $0x0  }
0xaf: {  	s16 =	simm.s32 $0x200;
	[sflag:s3] =	ssyncadd.s32 $0xFFFFE000  }
0xb0: {  	[tilespmem:s21], [sflag:$0x1] =	stream.indirect.gather [hbm4b:s5+s20], $0x80, s16, s20, $0xb8;
	[tilespmem:$0x1E800] =	vst v63  }
0xb1: {  	_ =	swait.ge [sflag:s1], $0x2000  }
0xb2: {  	[sflag:s1] =	ssyncset.done $0x0  }
0xb3: {  	s15 =	simm.s32 $0x280;
	[sflag:s1] =	ssyncadd.s32 $0xFFFFE000  }
0xb4: {  	[tilespmem:s23], [sflag:$0x2] =	stream.indirect.gather [hbm4b:s5+s20], $0x80, s15, s20, $0xb8;
	[tilespmem:$0x1E800] =	vst v63  }
0xb5: {  	_ =	swait.ge [sflag:s7], $0x2000  }
0xb6: {  	[sflag:s7] =	ssyncset.done $0x0  }
0xb7: {  	s16 =	simm.s32 $0x300;
	[sflag:s7] =	ssyncadd.s32 $0xFFFFE000  }
0xb8: {  	[tilespmem:s25], [sflag:$0x3] =	stream.indirect.gather [hbm4b:s5+s20], $0x80, s16, s20, $0xb8;
	[tilespmem:$0x1E800] =	vst v63  }
0xb9: {  	_ =	swait.ge [sflag:s8], $0x2000  }
0xba: {  	[sflag:s8] =	ssyncset.done $0x0  }
0xbb: {  	s14 =	simm.s32 $0x800;
	s15 =	simm.s32 $0x380;
	[sflag:s8] =	ssyncadd.s32 $0xFFFFE000  }
.LBB2_4:
0xbc: {  	[tilespmem:s28], [sflag:$0x4] =	stream.indirect.gather [hbm4b:s5+s20], $0x80, s15, s20, $0xb8;
	[tilespmem:$0x1E800] =	vst v63  }
0xbd: {  	s15 =	smov.u32 s14  }
0xbe: {  	p0 =	sne.s32 s14, $0x4000;
	s14 =	sadd.s32 $0x800, s14;
	_ =	swait.ge [sflag:s29], $0x2000  }
0xbf: {  	s15 =	sshra.s32 s15, $0x2;
	[sflag:s29] =	ssyncset.done $0x0  }
0xc0: {  	s16 =	sadd.s32 $0x1400, s15;
	[sflag:s29] =	ssyncadd.s32 $0xFFFFE000  }
0xc1: {  	[spmem:s2] =	stream.indirect.scatter.add.f32 [tilespmem:s21], [sflag:$0x5], $0x80, s16, s20, $0xb8;
	[tilespmem:$0x1E800] =	vst v63  }
0xc2: {  	_ =	swait.ge [sflag:s30], $0x2000  }
0xc3: {  	[sflag:s30] =	ssyncset.done $0x0  }
0xc4: {  	s16 =	sadd.s32 $0x1480, s15;
	[sflag:s30] =	ssyncadd.s32 $0xFFFFE000  }
0xc5: {  	[spmem:s2] =	stream.indirect.scatter.add.f32 [tilespmem:s23], [sflag:$0x6], $0x80, s16, s20, $0xb8;
	[tilespmem:$0x1E800] =	vst v63  }
0xc6: {  	_ =	swait.ge [sflag:s31], $0x2000  }
0xc7: {  	[sflag:s31] =	ssyncset.done $0x0  }
0xc8: {  	s16 =	sadd.s32 $0x1500, s15;
	[sflag:s31] =	ssyncadd.s32 $0xFFFFE000  }
0xc9: {  	[spmem:s2] =	stream.indirect.scatter.add.f32 [tilespmem:s25], [sflag:$0x7], $0x80, s16, s20, $0xb8;
	[tilespmem:$0x1E800] =	vst v63  }
0xca: {  	_ =	swait.ge [sflag:s0], $0x2000  }
0xcb: {  	[sflag:s0] =	ssyncset.done $0x0  }
0xcc: {  	s16 =	sadd.s32 $0x1580, s15;
	[sflag:s0] =	ssyncadd.s32 $0xFFFFE000  }
0xcd: {  	[spmem:s2] =	stream.indirect.scatter.add.f32 [tilespmem:s28], [sflag:$0x8], $0x80, s16, s20, $0xb8;
	[tilespmem:$0x1E800] =	vst v63  }
0xce: {  	_ =	swait.ge [sflag:s3], $0x2000  }
0xcf: {  	[sflag:s3] =	ssyncset.done $0x0  }
0xd0: {  	s16 =	sadd.s32 $0x200, s15;
	[sflag:s3] =	ssyncadd.s32 $0xFFFFE000  }
0xd1: {  	[tilespmem:s21], [sflag:$0x1] =	stream.indirect.gather [hbm4b:s5+s20], $0x80, s16, s20, $0xb8;
	[tilespmem:$0x1E800] =	vst v63  }
0xd2: {  	_ =	swait.ge [sflag:s1], $0x2000  }
0xd3: {  	[sflag:s1] =	ssyncset.done $0x0  }
0xd4: {  	s16 =	sadd.s32 $0x280, s15;
	[sflag:s1] =	ssyncadd.s32 $0xFFFFE000  }
0xd5: {  	[tilespmem:s23], [sflag:$0x2] =	stream.indirect.gather [hbm4b:s5+s20], $0x80, s16, s20, $0xb8;
	[tilespmem:$0x1E800] =	vst v63  }
0xd6: {  	_ =	swait.ge [sflag:s7], $0x2000  }
0xd7: {  	[sflag:s7] =	ssyncset.done $0x0  }
.Ltmp1:
0xd8: {  	s16 =	sadd.s32 $0x300, s15;
	[sflag:s7] =	ssyncadd.s32 $0xFFFFE000;
	(pc) =	sbr.rel @p0 .LBB2_4-.Ltmp1, $4  }
0xd9: {  	[tilespmem:s25], [sflag:$0x3] =	stream.indirect.gather [hbm4b:s5+s20], $0x80, s16, s20, $0xb8;
	[tilespmem:$0x1E800] =	vst v63  }
0xda: {  	_ =	swait.ge [sflag:s8], $0x2000  }
0xdb: {  	[sflag:s8] =	ssyncset.done $0x0  }
0xdc: {  	s15 =	sadd.s32 $0x380, s15;
	[sflag:s8] =	ssyncadd.s32 $0xFFFFE000  }
0xdd: {  	[tilespmem:s28], [sflag:$0x4] =	stream.indirect.gather [hbm4b:s5+s20], $0x80, s15, s20, $0xb8;
	[tilespmem:$0x1E800] =	vst v63  }
0xde: {  	_ =	swait.ge [sflag:s29], $0x2000  }
0xdf: {  	[sflag:s29] =	ssyncset.done $0x0  }
0xe0: {  	[sflag:s29] =	ssyncadd.s32 $0xFFFFE000  }
0xe1: {  	[spmem:s2] =	stream.indirect.scatter.add.f32 [tilespmem:s21], [sflag:$0x5], $0x80, s9, s20, $0xb8;
	[tilespmem:$0x1E800] =	vst v63  }
0xe2: {  	_ =	swait.ge [sflag:s30], $0x2000  }
0xe3: {  	[sflag:s30] =	ssyncset.done $0x0  }
0xe4: {  	[sflag:s30] =	ssyncadd.s32 $0xFFFFE000  }
0xe5: {  	[spmem:s2] =	stream.indirect.scatter.add.f32 [tilespmem:s23], [sflag:$0x6], $0x80, s10, s20, $0xb8;
	[tilespmem:$0x1E800] =	vst v63  }
0xe6: {  	_ =	swait.ge [sflag:s31], $0x2000  }
0xe7: {  	[sflag:s31] =	ssyncset.done $0x0  }
0xe8: {  	[sflag:s31] =	ssyncadd.s32 $0xFFFFE000  }
0xe9: {  	[spmem:s2] =	stream.indirect.scatter.add.f32 [tilespmem:s25], [sflag:$0x7], $0x80, s11, s20, $0xb8;
	[tilespmem:$0x1E800] =	vst v63  }
0xea: {  	_ =	swait.ge [sflag:s0], $0x2000  }
0xeb: {  	[sflag:s0] =	ssyncset.done $0x0  }
0xec: {  	[sflag:s0] =	ssyncadd.s32 $0xFFFFE000  }
0xed: {  	[spmem:s2] =	stream.indirect.scatter.add.f32 [tilespmem:s28], [sflag:$0x8], $0x80, s12, s20, $0xb8;
	[tilespmem:$0x1E800] =	vst v63  }
0xee: {  	_ =	swait.ge [sflag:s3], $0x2000  }
0xef: {  	[sflag:s3] =	ssyncset.done $0x0  }
0xf0: {  	[sflag:s3] =	ssyncadd.s32 $0xFFFFE000  }
0xf1: {  	_ =	swait.ge [sflag:s1], $0x2000  }
0xf2: {  	[sflag:s1] =	ssyncset.done $0x0  }
0xf3: {  	[sflag:s1] =	ssyncadd.s32 $0xFFFFE000  }
0xf4: {  	_ =	swait.ge [sflag:s7], $0x2000  }
0xf5: {  	[sflag:s7] =	ssyncset.done $0x0  }
0xf6: {  	[sflag:s7] =	ssyncadd.s32 $0xFFFFE000  }
0xf7: {  	_ =	swait.ge [sflag:s8], $0x2000  }
0xf8: {  	[sflag:s8] =	ssyncset.done $0x0  }
0xf9: {  	s14 =	simm.s32 $0x0;
	s16 =	rddreg [dreg:$0x8];
	[sflag:s8] =	ssyncadd.s32 $0xFFFFE000  }
0xfa: {  	[tilespmem:s14], [sflag:$0x9] =	stream.linear.gather [hbm4b:s16+s14], $0x1400, $0x38;
	[tilespmem:$0x1E800] =	vst v63  }
0xfb: {  	_ =	swait.ge [sflag:s18], $0x1400  }
0xfc: {  	[sflag:s18] =	ssyncset.done $0x0  }
0xfd: {  	s16 =	rddreg [dreg:$0x9];
	[sflag:s18] =	ssyncadd.s32 $0xFFFFEC00  }
0xfe: {  	[tilespmem:s19], [sflag:$0x9] =	stream.linear.gather [hbm4b:s16+s14], $0x1400, $0x38;
	[tilespmem:$0x1E800] =	vst v63  }
0xff: {  	_ =	swait.ge [sflag:s18], $0x1400  }
0x100: {  	[sflag:s18] =	ssyncset.done $0x0  }
0x101: {  	[sflag:s18] =	ssyncadd.s32 $0xFFFFEC00  }
0x102: {  	[tilespmem:s21], [sflag:$0x1] =	stream.indirect.gather [hbm4b:s5+s20], $0x80, s14, s20, $0xb8;
	[tilespmem:$0x1E800] =	vst v63  }
0x103: {  	_ = 	snop  }
0x104: {  	[tilespmem:s23], [sflag:$0x2] =	stream.indirect.gather [hbm4b:s5+s20], $0x80, s22, s20, $0xb8;
	[tilespmem:$0x1E800] =	vst v63  }
0x105: {  	_ = 	snop  }
0x106: {  	[tilespmem:s25], [sflag:$0x3] =	stream.indirect.gather [hbm4b:s5+s20], $0x80, s24, s20, $0xb8;
	[tilespmem:$0x1E800] =	vst v63  }
0x107: {  	_ = 	snop  }
0x108: {  	[tilespmem:s28], [sflag:$0x4] =	stream.indirect.gather [hbm4b:s5+s20], $0x80, s26, s20, $0xb8;
	[tilespmem:$0x1E800] =	vst v63  }
0x109: {  	_ =	swait.ge [sflag:s29], $0x2000  }
0x10a: {  	[sflag:s29] =	ssyncset.done $0x0  }
0x10b: {  	s16 =	simm.s32 $0x1400;
	[sflag:s29] =	ssyncadd.s32 $0xFFFFE000  }
0x10c: {  	[spmem:s2] =	stream.indirect.scatter.add.f32 [tilespmem:s21], [sflag:$0x5], $0x80, s16, s20, $0xb8;
	[tilespmem:$0x1E800] =	vst v63  }
0x10d: {  	_ =	swait.ge [sflag:s30], $0x2000  }
0x10e: {  	[sflag:s30] =	ssyncset.done $0x0  }
0x10f: {  	s15 =	simm.s32 $0x1480;
	[sflag:s30] =	ssyncadd.s32 $0xFFFFE000  }
0x110: {  	[spmem:s2] =	stream.indirect.scatter.add.f32 [tilespmem:s23], [sflag:$0x6], $0x80, s15, s20, $0xb8;
	[tilespmem:$0x1E800] =	vst v63  }
0x111: {  	_ =	swait.ge [sflag:s31], $0x2000  }
0x112: {  	[sflag:s31] =	ssyncset.done $0x0  }
0x113: {  	s16 =	simm.s32 $0x1500;
	[sflag:s31] =	ssyncadd.s32 $0xFFFFE000  }
0x114: {  	[spmem:s2] =	stream.indirect.scatter.add.f32 [tilespmem:s25], [sflag:$0x7], $0x80, s16, s20, $0xb8;
	[tilespmem:$0x1E800] =	vst v63  }
0x115: {  	_ =	swait.ge [sflag:s0], $0x2000  }
0x116: {  	[sflag:s0] =	ssyncset.done $0x0  }
0x117: {  	s15 =	simm.s32 $0x1580;
	[sflag:s0] =	ssyncadd.s32 $0xFFFFE000  }
0x118: {  	[spmem:s2] =	stream.indirect.scatter.add.f32 [tilespmem:s28], [sflag:$0x8], $0x80, s15, s20, $0xb8;
	[tilespmem:$0x1E800] =	vst v63  }
0x119: {  	_ =	swait.ge [sflag:s3], $0x2000  }
0x11a: {  	[sflag:s3] =	ssyncset.done $0x0  }
0x11b: {  	s16 =	simm.s32 $0x200;
	[sflag:s3] =	ssyncadd.s32 $0xFFFFE000  }
0x11c: {  	[tilespmem:s21], [sflag:$0x1] =	stream.indirect.gather [hbm4b:s5+s20], $0x80, s16, s20, $0xb8;
	[tilespmem:$0x1E800] =	vst v63  }
0x11d: {  	_ =	swait.ge [sflag:s1], $0x2000  }
0x11e: {  	[sflag:s1] =	ssyncset.done $0x0  }
0x11f: {  	s15 =	simm.s32 $0x280;
	[sflag:s1] =	ssyncadd.s32 $0xFFFFE000  }
0x120: {  	[tilespmem:s23], [sflag:$0x2] =	stream.indirect.gather [hbm4b:s5+s20], $0x80, s15, s20, $0xb8;
	[tilespmem:$0x1E800] =	vst v63  }
0x121: {  	_ =	swait.ge [sflag:s7], $0x2000  }
0x122: {  	[sflag:s7] =	ssyncset.done $0x0  }
0x123: {  	s16 =	simm.s32 $0x300;
	[sflag:s7] =	ssyncadd.s32 $0xFFFFE000  }
0x124: {  	[tilespmem:s25], [sflag:$0x3] =	stream.indirect.gather [hbm4b:s5+s20], $0x80, s16, s20, $0xb8;
	[tilespmem:$0x1E800] =	vst v63  }
0x125: {  	_ =	swait.ge [sflag:s8], $0x2000  }
0x126: {  	[sflag:s8] =	ssyncset.done $0x0  }
0x127: {  	s14 =	simm.s32 $0x800;
	s15 =	simm.s32 $0x380;
	[sflag:s8] =	ssyncadd.s32 $0xFFFFE000  }
.LBB2_6:
0x128: {  	[tilespmem:s28], [sflag:$0x4] =	stream.indirect.gather [hbm4b:s5+s20], $0x80, s15, s20, $0xb8;
	[tilespmem:$0x1E800] =	vst v63  }
0x129: {  	s15 =	smov.u32 s14  }
0x12a: {  	p0 =	sne.s32 s14, $0x4000;
	s14 =	sadd.s32 $0x800, s14;
	_ =	swait.ge [sflag:s29], $0x2000  }
0x12b: {  	s15 =	sshra.s32 s15, $0x2;
	[sflag:s29] =	ssyncset.done $0x0  }
0x12c: {  	s16 =	sadd.s32 $0x1400, s15;
	[sflag:s29] =	ssyncadd.s32 $0xFFFFE000  }
0x12d: {  	[spmem:s2] =	stream.indirect.scatter.add.f32 [tilespmem:s21], [sflag:$0x5], $0x80, s16, s20, $0xb8;
	[tilespmem:$0x1E800] =	vst v63  }
0x12e: {  	_ =	swait.ge [sflag:s30], $0x2000  }
0x12f: {  	[sflag:s30] =	ssyncset.done $0x0  }
0x130: {  	s16 =	sadd.s32 $0x1480, s15;
	[sflag:s30] =	ssyncadd.s32 $0xFFFFE000  }
0x131: {  	[spmem:s2] =	stream.indirect.scatter.add.f32 [tilespmem:s23], [sflag:$0x6], $0x80, s16, s20, $0xb8;
	[tilespmem:$0x1E800] =	vst v63  }
0x132: {  	_ =	swait.ge [sflag:s31], $0x2000  }
0x133: {  	[sflag:s31] =	ssyncset.done $0x0  }
0x134: {  	s16 =	sadd.s32 $0x1500, s15;
	[sflag:s31] =	ssyncadd.s32 $0xFFFFE000  }
0x135: {  	[spmem:s2] =	stream.indirect.scatter.add.f32 [tilespmem:s25], [sflag:$0x7], $0x80, s16, s20, $0xb8;
	[tilespmem:$0x1E800] =	vst v63  }
0x136: {  	_ =	swait.ge [sflag:s0], $0x2000  }
0x137: {  	[sflag:s0] =	ssyncset.done $0x0  }
0x138: {  	s16 =	sadd.s32 $0x1580, s15;
	[sflag:s0] =	ssyncadd.s32 $0xFFFFE000  }
0x139: {  	[spmem:s2] =	stream.indirect.scatter.add.f32 [tilespmem:s28], [sflag:$0x8], $0x80, s16, s20, $0xb8;
	[tilespmem:$0x1E800] =	vst v63  }
0x13a: {  	_ =	swait.ge [sflag:s3], $0x2000  }
0x13b: {  	[sflag:s3] =	ssyncset.done $0x0  }
0x13c: {  	s16 =	sadd.s32 $0x200, s15;
	[sflag:s3] =	ssyncadd.s32 $0xFFFFE000  }
0x13d: {  	[tilespmem:s21], [sflag:$0x1] =	stream.indirect.gather [hbm4b:s5+s20], $0x80, s16, s20, $0xb8;
	[tilespmem:$0x1E800] =	vst v63  }
0x13e: {  	_ =	swait.ge [sflag:s1], $0x2000  }
0x13f: {  	[sflag:s1] =	ssyncset.done $0x0  }
0x140: {  	s16 =	sadd.s32 $0x280, s15;
	[sflag:s1] =	ssyncadd.s32 $0xFFFFE000  }
0x141: {  	[tilespmem:s23], [sflag:$0x2] =	stream.indirect.gather [hbm4b:s5+s20], $0x80, s16, s20, $0xb8;
	[tilespmem:$0x1E800] =	vst v63  }
0x142: {  	_ =	swait.ge [sflag:s7], $0x2000  }
0x143: {  	[sflag:s7] =	ssyncset.done $0x0  }
.Ltmp2:
0x144: {  	s16 =	sadd.s32 $0x300, s15;
	[sflag:s7] =	ssyncadd.s32 $0xFFFFE000;
	(pc) =	sbr.rel @p0 .LBB2_6-.Ltmp2, $4  }
0x145: {  	[tilespmem:s25], [sflag:$0x3] =	stream.indirect.gather [hbm4b:s5+s20], $0x80, s16, s20, $0xb8;
	[tilespmem:$0x1E800] =	vst v63  }
0x146: {  	_ =	swait.ge [sflag:s8], $0x2000  }
0x147: {  	[sflag:s8] =	ssyncset.done $0x0  }
0x148: {  	s15 =	sadd.s32 $0x380, s15;
	[sflag:s8] =	ssyncadd.s32 $0xFFFFE000  }
0x149: {  	[tilespmem:s28], [sflag:$0x4] =	stream.indirect.gather [hbm4b:s5+s20], $0x80, s15, s20, $0xb8;
	[tilespmem:$0x1E800] =	vst v63  }
0x14a: {  	_ =	swait.ge [sflag:s29], $0x2000  }
0x14b: {  	[sflag:s29] =	ssyncset.done $0x0  }
0x14c: {  	[sflag:s29] =	ssyncadd.s32 $0xFFFFE000  }
0x14d: {  	[spmem:s2] =	stream.indirect.scatter.add.f32 [tilespmem:s21], [sflag:$0x5], $0x80, s9, s20, $0xb8;
	[tilespmem:$0x1E800] =	vst v63  }
0x14e: {  	_ =	swait.ge [sflag:s30], $0x2000  }
0x14f: {  	[sflag:s30] =	ssyncset.done $0x0  }
0x150: {  	[sflag:s30] =	ssyncadd.s32 $0xFFFFE000  }
0x151: {  	[spmem:s2] =	stream.indirect.scatter.add.f32 [tilespmem:s23], [sflag:$0x6], $0x80, s10, s20, $0xb8;
	[tilespmem:$0x1E800] =	vst v63  }
0x152: {  	_ =	swait.ge [sflag:s31], $0x2000  }
0x153: {  	[sflag:s31] =	ssyncset.done $0x0  }
0x154: {  	[sflag:s31] =	ssyncadd.s32 $0xFFFFE000  }
0x155: {  	[spmem:s2] =	stream.indirect.scatter.add.f32 [tilespmem:s25], [sflag:$0x7], $0x80, s11, s20, $0xb8;
	[tilespmem:$0x1E800] =	vst v63  }
0x156: {  	_ =	swait.ge [sflag:s0], $0x2000  }
0x157: {  	[sflag:s0] =	ssyncset.done $0x0  }
0x158: {  	[sflag:s0] =	ssyncadd.s32 $0xFFFFE000  }
0x159: {  	[spmem:s2] =	stream.indirect.scatter.add.f32 [tilespmem:s28], [sflag:$0x8], $0x80, s12, s20, $0xb8;
	[tilespmem:$0x1E800] =	vst v63  }
0x15a: {  	_ =	swait.ge [sflag:s3], $0x2000  }
0x15b: {  	[sflag:s3] =	ssyncset.done $0x0  }
0x15c: {  	[sflag:s3] =	ssyncadd.s32 $0xFFFFE000  }
0x15d: {  	_ =	swait.ge [sflag:s1], $0x2000  }
0x15e: {  	[sflag:s1] =	ssyncset.done $0x0  }
0x15f: {  	[sflag:s1] =	ssyncadd.s32 $0xFFFFE000  }
0x160: {  	_ =	swait.ge [sflag:s7], $0x2000  }
0x161: {  	[sflag:s7] =	ssyncset.done $0x0  }
0x162: {  	[sflag:s7] =	ssyncadd.s32 $0xFFFFE000  }
0x163: {  	_ =	swait.ge [sflag:s8], $0x2000  }
0x164: {  	[sflag:s8] =	ssyncset.done $0x0  }
0x165: {  	s14 =	simm.s32 $0x0;
	s16 =	rddreg [dreg:$0xa];
	[sflag:s8] =	ssyncadd.s32 $0xFFFFE000  }
0x166: {  	[tilespmem:s14], [sflag:$0x9] =	stream.linear.gather [hbm4b:s16+s14], $0x1400, $0x38;
	[tilespmem:$0x1E800] =	vst v63  }
0x167: {  	_ =	swait.ge [sflag:s18], $0x1400  }
0x168: {  	[sflag:s18] =	ssyncset.done $0x0  }
0x169: {  	s16 =	rddreg [dreg:$0xb];
	[sflag:s18] =	ssyncadd.s32 $0xFFFFEC00  }
0x16a: {  	[tilespmem:s19], [sflag:$0x9] =	stream.linear.gather [hbm4b:s16+s14], $0x1400, $0x38;
	[tilespmem:$0x1E800] =	vst v63  }
0x16b: {  	_ =	swait.ge [sflag:s18], $0x1400  }
0x16c: {  	[sflag:s18] =	ssyncset.done $0x0  }
0x16d: {  	[sflag:s18] =	ssyncadd.s32 $0xFFFFEC00  }
0x16e: {  	[tilespmem:s21], [sflag:$0x1] =	stream.indirect.gather [hbm4b:s5+s20], $0x80, s14, s20, $0xb8;
	[tilespmem:$0x1E800] =	vst v63  }
0x16f: {  	_ = 	snop  }
0x170: {  	[tilespmem:s23], [sflag:$0x2] =	stream.indirect.gather [hbm4b:s5+s20], $0x80, s22, s20, $0xb8;
	[tilespmem:$0x1E800] =	vst v63  }
0x171: {  	_ = 	snop  }
0x172: {  	[tilespmem:s25], [sflag:$0x3] =	stream.indirect.gather [hbm4b:s5+s20], $0x80, s24, s20, $0xb8;
	[tilespmem:$0x1E800] =	vst v63  }
0x173: {  	_ = 	snop  }
0x174: {  	[tilespmem:s28], [sflag:$0x4] =	stream.indirect.gather [hbm4b:s5+s20], $0x80, s26, s20, $0xb8;
	[tilespmem:$0x1E800] =	vst v63  }
0x175: {  	_ =	swait.ge [sflag:s29], $0x2000  }
0x176: {  	[sflag:s29] =	ssyncset.done $0x0  }
0x177: {  	s16 =	simm.s32 $0x1400;
	[sflag:s29] =	ssyncadd.s32 $0xFFFFE000  }
0x178: {  	[spmem:s2] =	stream.indirect.scatter.add.f32 [tilespmem:s21], [sflag:$0x5], $0x80, s16, s20, $0xb8;
	[tilespmem:$0x1E800] =	vst v63  }
0x179: {  	_ =	swait.ge [sflag:s30], $0x2000  }
0x17a: {  	[sflag:s30] =	ssyncset.done $0x0  }
0x17b: {  	s15 =	simm.s32 $0x1480;
	[sflag:s30] =	ssyncadd.s32 $0xFFFFE000  }
0x17c: {  	[spmem:s2] =	stream.indirect.scatter.add.f32 [tilespmem:s23], [sflag:$0x6], $0x80, s15, s20, $0xb8;
	[tilespmem:$0x1E800] =	vst v63  }
0x17d: {  	_ =	swait.ge [sflag:s31], $0x2000  }
0x17e: {  	[sflag:s31] =	ssyncset.done $0x0  }
0x17f: {  	s16 =	simm.s32 $0x1500;
	[sflag:s31] =	ssyncadd.s32 $0xFFFFE000  }
0x180: {  	[spmem:s2] =	stream.indirect.scatter.add.f32 [tilespmem:s25], [sflag:$0x7], $0x80, s16, s20, $0xb8;
	[tilespmem:$0x1E800] =	vst v63  }
0x181: {  	_ =	swait.ge [sflag:s0], $0x2000  }
0x182: {  	[sflag:s0] =	ssyncset.done $0x0  }
0x183: {  	s15 =	simm.s32 $0x1580;
	[sflag:s0] =	ssyncadd.s32 $0xFFFFE000  }
0x184: {  	[spmem:s2] =	stream.indirect.scatter.add.f32 [tilespmem:s28], [sflag:$0x8], $0x80, s15, s20, $0xb8;
	[tilespmem:$0x1E800] =	vst v63  }
0x185: {  	_ =	swait.ge [sflag:s3], $0x2000  }
0x186: {  	[sflag:s3] =	ssyncset.done $0x0  }
0x187: {  	s16 =	simm.s32 $0x200;
	[sflag:s3] =	ssyncadd.s32 $0xFFFFE000  }
0x188: {  	[tilespmem:s21], [sflag:$0x1] =	stream.indirect.gather [hbm4b:s5+s20], $0x80, s16, s20, $0xb8;
	[tilespmem:$0x1E800] =	vst v63  }
0x189: {  	_ =	swait.ge [sflag:s1], $0x2000  }
0x18a: {  	[sflag:s1] =	ssyncset.done $0x0  }
0x18b: {  	s15 =	simm.s32 $0x280;
	[sflag:s1] =	ssyncadd.s32 $0xFFFFE000  }
0x18c: {  	[tilespmem:s23], [sflag:$0x2] =	stream.indirect.gather [hbm4b:s5+s20], $0x80, s15, s20, $0xb8;
	[tilespmem:$0x1E800] =	vst v63  }
0x18d: {  	_ =	swait.ge [sflag:s7], $0x2000  }
0x18e: {  	[sflag:s7] =	ssyncset.done $0x0  }
0x18f: {  	s16 =	simm.s32 $0x300;
	[sflag:s7] =	ssyncadd.s32 $0xFFFFE000  }
0x190: {  	[tilespmem:s25], [sflag:$0x3] =	stream.indirect.gather [hbm4b:s5+s20], $0x80, s16, s20, $0xb8;
	[tilespmem:$0x1E800] =	vst v63  }
0x191: {  	_ =	swait.ge [sflag:s8], $0x2000  }
0x192: {  	[sflag:s8] =	ssyncset.done $0x0  }
0x193: {  	s14 =	simm.s32 $0x800;
	s15 =	simm.s32 $0x380;
	[sflag:s8] =	ssyncadd.s32 $0xFFFFE000  }
.LBB2_8:
0x194: {  	[tilespmem:s28], [sflag:$0x4] =	stream.indirect.gather [hbm4b:s5+s20], $0x80, s15, s20, $0xb8;
	[tilespmem:$0x1E800] =	vst v63  }
0x195: {  	s15 =	smov.u32 s14  }
0x196: {  	p0 =	sne.s32 s14, $0x4000;
	s14 =	sadd.s32 $0x800, s14;
	_ =	swait.ge [sflag:s29], $0x2000  }
0x197: {  	s15 =	sshra.s32 s15, $0x2;
	[sflag:s29] =	ssyncset.done $0x0  }
0x198: {  	s16 =	sadd.s32 $0x1400, s15;
	[sflag:s29] =	ssyncadd.s32 $0xFFFFE000  }
0x199: {  	[spmem:s2] =	stream.indirect.scatter.add.f32 [tilespmem:s21], [sflag:$0x5], $0x80, s16, s20, $0xb8;
	[tilespmem:$0x1E800] =	vst v63  }
0x19a: {  	_ =	swait.ge [sflag:s30], $0x2000  }
0x19b: {  	[sflag:s30] =	ssyncset.done $0x0  }
0x19c: {  	s16 =	sadd.s32 $0x1480, s15;
	[sflag:s30] =	ssyncadd.s32 $0xFFFFE000  }
0x19d: {  	[spmem:s2] =	stream.indirect.scatter.add.f32 [tilespmem:s23], [sflag:$0x6], $0x80, s16, s20, $0xb8;
	[tilespmem:$0x1E800] =	vst v63  }
0x19e: {  	_ =	swait.ge [sflag:s31], $0x2000  }
0x19f: {  	[sflag:s31] =	ssyncset.done $0x0  }
0x1a0: {  	s16 =	sadd.s32 $0x1500, s15;
	[sflag:s31] =	ssyncadd.s32 $0xFFFFE000  }
0x1a1: {  	[spmem:s2] =	stream.indirect.scatter.add.f32 [tilespmem:s25], [sflag:$0x7], $0x80, s16, s20, $0xb8;
	[tilespmem:$0x1E800] =	vst v63  }
0x1a2: {  	_ =	swait.ge [sflag:s0], $0x2000  }
0x1a3: {  	[sflag:s0] =	ssyncset.done $0x0  }
0x1a4: {  	s16 =	sadd.s32 $0x1580, s15;
	[sflag:s0] =	ssyncadd.s32 $0xFFFFE000  }
0x1a5: {  	[spmem:s2] =	stream.indirect.scatter.add.f32 [tilespmem:s28], [sflag:$0x8], $0x80, s16, s20, $0xb8;
	[tilespmem:$0x1E800] =	vst v63  }
0x1a6: {  	_ =	swait.ge [sflag:s3], $0x2000  }
0x1a7: {  	[sflag:s3] =	ssyncset.done $0x0  }
0x1a8: {  	s16 =	sadd.s32 $0x200, s15;
	[sflag:s3] =	ssyncadd.s32 $0xFFFFE000  }
0x1a9: {  	[tilespmem:s21], [sflag:$0x1] =	stream.indirect.gather [hbm4b:s5+s20], $0x80, s16, s20, $0xb8;
	[tilespmem:$0x1E800] =	vst v63  }
0x1aa: {  	_ =	swait.ge [sflag:s1], $0x2000  }
0x1ab: {  	[sflag:s1] =	ssyncset.done $0x0  }
0x1ac: {  	s16 =	sadd.s32 $0x280, s15;
	[sflag:s1] =	ssyncadd.s32 $0xFFFFE000  }
0x1ad: {  	[tilespmem:s23], [sflag:$0x2] =	stream.indirect.gather [hbm4b:s5+s20], $0x80, s16, s20, $0xb8;
	[tilespmem:$0x1E800] =	vst v63  }
0x1ae: {  	_ =	swait.ge [sflag:s7], $0x2000  }
0x1af: {  	[sflag:s7] =	ssyncset.done $0x0  }
.Ltmp3:
0x1b0: {  	s16 =	sadd.s32 $0x300, s15;
	[sflag:s7] =	ssyncadd.s32 $0xFFFFE000;
	(pc) =	sbr.rel @p0 .LBB2_8-.Ltmp3, $4  }
0x1b1: {  	[tilespmem:s25], [sflag:$0x3] =	stream.indirect.gather [hbm4b:s5+s20], $0x80, s16, s20, $0xb8;
	[tilespmem:$0x1E800] =	vst v63  }
0x1b2: {  	_ =	swait.ge [sflag:s8], $0x2000  }
0x1b3: {  	[sflag:s8] =	ssyncset.done $0x0  }
0x1b4: {  	s15 =	sadd.s32 $0x380, s15;
	[sflag:s8] =	ssyncadd.s32 $0xFFFFE000  }
0x1b5: {  	[tilespmem:s28], [sflag:$0x4] =	stream.indirect.gather [hbm4b:s5+s20], $0x80, s15, s20, $0xb8;
	[tilespmem:$0x1E800] =	vst v63  }
0x1b6: {  	_ =	swait.ge [sflag:s29], $0x2000  }
0x1b7: {  	[sflag:s29] =	ssyncset.done $0x0  }
0x1b8: {  	[sflag:s29] =	ssyncadd.s32 $0xFFFFE000  }
0x1b9: {  	[spmem:s2] =	stream.indirect.scatter.add.f32 [tilespmem:s21], [sflag:$0x5], $0x80, s9, s20, $0xb8;
	[tilespmem:$0x1E800] =	vst v63  }
0x1ba: {  	_ =	swait.ge [sflag:s30], $0x2000  }
0x1bb: {  	[sflag:s30] =	ssyncset.done $0x0  }
0x1bc: {  	[sflag:s30] =	ssyncadd.s32 $0xFFFFE000  }
0x1bd: {  	[spmem:s2] =	stream.indirect.scatter.add.f32 [tilespmem:s23], [sflag:$0x6], $0x80, s10, s20, $0xb8;
	[tilespmem:$0x1E800] =	vst v63  }
0x1be: {  	_ =	swait.ge [sflag:s31], $0x2000  }
0x1bf: {  	[sflag:s31] =	ssyncset.done $0x0  }
0x1c0: {  	[sflag:s31] =	ssyncadd.s32 $0xFFFFE000  }
0x1c1: {  	[spmem:s2] =	stream.indirect.scatter.add.f32 [tilespmem:s25], [sflag:$0x7], $0x80, s11, s20, $0xb8;
	[tilespmem:$0x1E800] =	vst v63  }
0x1c2: {  	_ =	swait.ge [sflag:s0], $0x2000  }
0x1c3: {  	[sflag:s0] =	ssyncset.done $0x0  }
0x1c4: {  	[sflag:s0] =	ssyncadd.s32 $0xFFFFE000  }
0x1c5: {  	[spmem:s2] =	stream.indirect.scatter.add.f32 [tilespmem:s28], [sflag:$0x8], $0x80, s12, s20, $0xb8;
	[tilespmem:$0x1E800] =	vst v63  }
0x1c6: {  	_ =	swait.ge [sflag:s3], $0x2000  }
0x1c7: {  	[sflag:s3] =	ssyncset.done $0x0  }
0x1c8: {  	[sflag:s3] =	ssyncadd.s32 $0xFFFFE000  }
0x1c9: {  	_ =	swait.ge [sflag:s1], $0x2000  }
0x1ca: {  	[sflag:s1] =	ssyncset.done $0x0  }
0x1cb: {  	[sflag:s1] =	ssyncadd.s32 $0xFFFFE000  }
0x1cc: {  	_ =	swait.ge [sflag:s7], $0x2000  }
0x1cd: {  	[sflag:s7] =	ssyncset.done $0x0  }
0x1ce: {  	[sflag:s7] =	ssyncadd.s32 $0xFFFFE000  }
0x1cf: {  	_ =	swait.ge [sflag:s8], $0x2000  }
0x1d0: {  	[sflag:s8] =	ssyncset.done $0x0  }
0x1d1: {  	[sflag:s8] =	ssyncadd.s32 $0xFFFFE000  }
0x1d2: {  	[bflag:$0x0] =	sbarrier.arrive $0xFFFF  }
0x1d3: {  	s14 =	rddreg [dreg:$0xc]  }
0x1d4: {  	[hbm:s14], [sflag:s6] =	dma.local [spmem:s17], $0x2800  }
0x1d5: {  	_ =	swait.ge [sflag:s18], $0x2800  }
0x1d6: {  	s13 =	sadd.s32 $0x1, s13;
	s16 =	rddreg [dreg:$0xd]  }
0x1d7: {  	p0 =	sne.s32 s13, s16  }
.Ltmp4:
0x1d8: {  	_ = 	snop;
	(pc) =	sbr.rel @p0 .LBB2_1-.Ltmp4, $3  }
0x1d9: {  	_ =	sdelay $0x1  }
0x1da: {  	[sflag:s18] =	ssyncset.done $0x0  }
0x1db: {  	[sflag:s18] =	ssyncadd.s32 $0xFFFFD800  }
0x1dc: {  	_ =	sfence.sel $0x180000  }
0x1dd: {  	[bflag:$0x0] =	sbarrier.arrive $0xFFFF  }
0x1de: {  	_ =	strace $0x9000004D  }
0x1df: {  	s0 =	stileid.u32;
	[bflag:$0x2] =	sbarrier.arrive $0xFFFF  }
0x1e0: {  	p0 =	sne.s32 s0, $0x0;
	s0 =	rddreg [dreg:$0x3]  }
0x1e1: {  	s0 =	sadd.s32 @!p0 $0x100000, s0  }
0x1e2: {  	[sflag:s0] =	ssyncadd.tile.s32 @!p0 $0x1;
	_ =	shalt  }
.Lfunc_end2:
_tile_overlayer_lowered:
.L_overlay_start_2:
0x1e3: {  	(tag) =	ssettag $0x2  }
0x1e4: {  	s0 =	rddreg [dreg:$0x0];
	s2 =	stileid.u32  }
0x1e5: {  	s1 =	rddreg [dreg:$0x1];
	p0 =	sne.s32 s2, $0x0  }
0x1e6: {  	s3 =	rddreg [dreg:$0x2];
	[bflag:$0x3] =	sbarrier.arrive $0xFFFF;
	s2 =	simm.s32 @!p0 $0x1C09  }
0x1e7: {  	[timem:s3], [sflag:s2] =	dma.local @!p0 [hbm:s0], s1  }
0x1e8: {  	s0 =	simm.s32 @!p0 $0x9  }
0x1e9: {  	_ =	swait.ge @!p0 [sflag:s0], s1  }
0x1ea: {  	s1 =	ssub.s32 @!p0 $0x0, s1;
	[sflag:s0] =	ssyncset.done @!p0 $0x0  }
0x1eb: {  	[sflag:s0] =	ssyncadd.s32 @!p0 s1  }
0x1ec: {  	[bflag:$0x3] =	sbarrier.arrive $0xFFFF  }
0x1ed: {  	_ =	shalt  }

// kernel: kernel.8.cloned.1.call-start
scs
__scs_entry_jumppad:
0x0: {  	(pc) =	sbr.rel $0x88, $3  }
0x1: {  	(tag) =	ssettag $0x0;
	lr =	simm.s32 $0x1  }
0x2: {  	[smem:$0x3F9B] =	sst lr;
	_ =	strace $0xD0000000  }
0x3: {  	_ = 	snop  }
0x4: {  	_ = 	snop  }
0x5: {  	_ = 	snop  }
0x6: {  	_ = 	snop  }
0x7: {  	_ = 	snop  }
__scs_overlays_trampoline_lowered:
0x8: {  	[smem:$0x3FAA] =	sst s0  }
0x9: {  	[smem:$0x3FAB] =	sst s1  }
0xa: {  	[smem:$0x3FAC] =	sst s2  }
0xb: {  	[smem:$0x3FAD] =	sst s3  }
0xc: {  	[smem:$0x3FAE] =	sst s4  }
0xd: {  	[smem:$0x3FAF] =	sst s5  }
0xe: {  	[smem:$0x3FB0] =	sst s6  }
0xf: {  	[smem:$0x3FB1] =	sst s7  }
0x10: {  	[smem:$0x3FB2] =	sst s8  }
0x11: {  	[smem:$0x3FB3] =	sst s9;
	s0 =	simm.s32 @!p0 $0x0  }
0x12: {  	s1 =	sld [smem:$0x3F99];
	s0 =	simm.s32 @p0 $0x1  }
0x13: {  	[smem:$0x3FB4] =	sst s0;
	s0 =	simm.s32 @!p1 $0x0  }
0x14: {  	s2 =	sld [smem:$0x3F98];
	s0 =	simm.s32 @p1 $0x1  }
0x15: {  	[smem:$0x3FB5] =	sst s0;
	s0 =	simm.s32 @!p2 $0x0  }
0x16: {  	s3 =	sld [smem:$0x3FDB];
	s0 =	simm.s32 @p2 $0x1  }
0x17: {  	s4 =	simm.s32 $0x1BF5;
	[smem:$0x3FB7] =	sst s0  }
0x18: {  	s0 =	sld [smem:$0x3F9A];
	_ =	swait.ge [sflag:s4], $0x0  }
0x19: {  	s7 =	sld [smem:$0x3F9B]  }
0x1a: {  	s8 =	sadd.s32 $0xFFFFE003, lr  }
0x1b: {  	s9 =	sadd.s32 $0xFFFFFEF7, lr;
	s5 =	simm.s32 $0xFFFFFFFF;
	p2 =	slt.u32 s8, $0xFFFFF086  }
0x1c: {  	p1 =	slt.u32 s9, $0xF7A;
	s5 =	simm.s32 @!p2 $0x0  }
0x1d: {  	s5 =	simm.s32 @p1 $0x1;
	p0 =	seq.s32 s7, s2  }
0x1e: {  	s7 =	smul.u32 @!p0 $0xF7A, s2;
	p2 =	seq.s32 @!p0 s5, $0x0  }
0x1f: {  	s9 =	smul.u32 $0xF7A, s1;
	s8 =	simm.s32 @!p0 $0x1BF5;
	p2 =	por !p2, p0  }
0x20: {  	[sflag:s8] =	ssyncset.s32 @!p0 $0xFFFFF086;
	s6 =	sadd.s32 @!p0 s3, s7;
	s7 =	simm.s32 @!p0 $0x108  }
0x21: {  	s3 =	sadd.s32 s3, s9;
	s6 =	sadd.s32 @!p0 $0x88, s6;
	s7 =	simm.s32 @p2 $0x1082  }
0x22: {  	[simem:s7], [sflag:s8] =	dma.local @!p0 [hbm:s6], $0xF7A  }
0x23: {  	s9 =	sor.u32 $0xD0000000, s2;
	s6 =	simm.s32 $0x108;
	_ =	swait.ge @!p0 [sflag:s8], $0x0  }
0x24: {  	s3 =	sadd.s32 $0x88, s3;
	s6 =	simm.s32 @!p1 $0x1082;
	[sflag:s4] =	ssyncset.s32 $0xFFFFF086  }
0x25: {  	[simem:s6], [sflag:s4] =	dma.local [hbm:s3], $0xF7A  }
0x26: {  	[smem:$0x3F9B] =	sst s1;
	(tag) =	ssettag s2;
	_ =	strace s9  }
0x27: {  	s1 =	sld [smem:$0x3FAB]  }
0x28: {  	s2 =	sld [smem:$0x3FAC]  }
0x29: {  	s4 =	sld [smem:$0x3FAE]  }
0x2a: {  	p0 =	seq.s32 s5, $0x0;
	s5 =	sld [smem:$0x3FAF]  }
0x2b: {  	s6 =	sld [smem:$0x3FB0]  }
0x2c: {  	s7 =	sld [smem:$0x3FB1]  }
0x2d: {  	s3 =	simm.s32 $0x108;
	s8 =	sld [smem:$0x3FB2]  }
0x2e: {  	s3 =	simm.s32 @!p0 $0x1082;
	s9 =	sld [smem:$0x3FB3]  }
0x2f: {  	lr =	sadd.s32 s0, s3;
	s0 =	sld [smem:$0x3FAA]  }
0x30: {  	s3 =	sld [smem:$0x3FAD]  }
0x31: {  	[smem:$0x3FB6] =	sst s10  }
0x32: {  	s10 =	sld [smem:$0x3FB4];
	_ =	sdelay $0x3  }
0x33: {  	p0 =	seq.s32 s10, $0x1;
	s10 =	sld [smem:$0x3FB6];
	_ =	sdelay $0x3  }
0x34: {  	[smem:$0x3FB6] =	sst s10  }
0x35: {  	s10 =	sld [smem:$0x3FB5];
	_ =	sdelay $0x3  }
0x36: {  	p1 =	seq.s32 s10, $0x1;
	s10 =	sld [smem:$0x3FB6];
	_ =	sdelay $0x3  }
0x37: {  	[smem:$0x3FB6] =	sst s10  }
0x38: {  	s10 =	sld [smem:$0x3FB7]  }
0x39: {  	_ = 	snop;
	(pc) =	sbr.ind lr, $3  }
0x3a: {  	_ = 	snop  }
0x3b: {  	_ = 	snop  }
0x3c: {  	p2 =	seq.s32 s10, $0x1;
	s10 =	sld [smem:$0x3FB6]  }
0x3d: {  	_ =	shalt  }
0x3e: {  	_ =	shalt  }
0x3f: {  	_ =	shalt  }
0x40: {  	_ =	shalt  }
0x41: {  	_ =	shalt  }
0x42: {  	_ =	shalt  }
0x43: {  	_ =	shalt  }
0x44: {  	_ =	shalt  }
0x45: {  	_ =	shalt  }
0x46: {  	_ =	shalt  }
0x47: {  	_ =	shalt  }
0x48: {  	_ =	shalt  }
0x49: {  	_ =	shalt  }
0x4a: {  	_ =	shalt  }
0x4b: {  	_ =	shalt  }
0x4c: {  	_ =	shalt  }
0x4d: {  	_ =	shalt  }
0x4e: {  	_ =	shalt  }
0x4f: {  	_ =	shalt  }
0x50: {  	_ =	shalt  }
0x51: {  	_ =	shalt  }
0x52: {  	_ =	shalt  }
0x53: {  	_ =	shalt  }
0x54: {  	_ =	shalt  }
0x55: {  	_ =	shalt  }
0x56: {  	_ =	shalt  }
0x57: {  	_ =	shalt  }
0x58: {  	_ =	shalt  }
0x59: {  	_ =	shalt  }
0x5a: {  	_ =	shalt  }
0x5b: {  	_ =	shalt  }
0x5c: {  	_ =	shalt  }
0x5d: {  	_ =	shalt  }
0x5e: {  	_ =	shalt  }
0x5f: {  	_ =	shalt  }
0x60: {  	_ =	shalt  }
0x61: {  	_ =	shalt  }
0x62: {  	_ =	shalt  }
0x63: {  	_ =	shalt  }
0x64: {  	_ =	shalt  }
0x65: {  	_ =	shalt  }
0x66: {  	_ =	shalt  }
0x67: {  	_ =	shalt  }
0x68: {  	_ =	shalt  }
0x69: {  	_ =	shalt  }
0x6a: {  	_ =	shalt  }
0x6b: {  	_ =	shalt  }
0x6c: {  	_ =	shalt  }
0x6d: {  	_ =	shalt  }
0x6e: {  	_ =	shalt  }
0x6f: {  	_ =	shalt  }
0x70: {  	_ =	shalt  }
0x71: {  	_ =	shalt  }
0x72: {  	_ =	shalt  }
0x73: {  	_ =	shalt  }
0x74: {  	_ =	shalt  }
0x75: {  	_ =	shalt  }
0x76: {  	_ =	shalt  }
0x77: {  	_ =	shalt  }
0x78: {  	_ =	shalt  }
0x79: {  	_ =	shalt  }
0x7a: {  	_ =	shalt  }
0x7b: {  	_ =	shalt  }
0x7c: {  	_ =	shalt  }
0x7d: {  	_ =	shalt  }
0x7e: {  	_ =	shalt  }
0x7f: {  	_ =	shalt  }
0x80: {  	_ =	shalt  }
0x81: {  	_ =	shalt  }
0x82: {  	_ =	shalt  }
0x83: {  	_ =	shalt  }
0x84: {  	_ =	shalt  }
0x85: {  	_ =	shalt  }
0x86: {  	_ =	shalt  }
0x87: {  	_ =	shalt  }
.Lfunc_end0:
.L_simem_size_0:
called_computation_lowered:
.L_overlay_start_0:
0x88: {  	s2 =	sld [smem:$0x3FD9]  }
0x89: {  	s3 =	sld [smem:$0x3FFE];
	_ =	sdelay $0x1  }
0x8a: {  	s1 =	srdreg.scid  }
0x8b: {  	s0 =	sand.u32 $0x1, s1  }
0x8c: {  	s17 =	sshll.u32 s0, $0xA;
	s2 =	sadd.s32 s3, s2  }
0x8d: {  	s2 =	sadd.s32 s2, s17  }
0x8e: {  	[smem:$0x3FC2] =	sst s2  }
0x8f: {  	_ = 	snop  }
0x90: {  	s2 =	sld [smem:$0x3FD0];
	(tm) =	ssettm $0x1  }
0x91: {  	s18 =	sld [smem:$0x3FFB];
	_ =	sdelay $0x3  }
0x92: {  	_ =	strace s18  }
0x93: {  	s3 =	sld [smem:$0x3FFC];
	_ =	sdelay $0x3  }
0x94: {  	_ =	strace s3  }
0x95: {  	s3 =	sld [smem:$0x3FFD];
	_ =	sdelay $0x3  }
0x96: {  	_ =	strace s3  }
0x97: {  	_ =	strace $0x8FFFFFFF  }
0x98: {  	s19 =	sld [smem:$0x3FDB];
	_ =	sdelay $0x1  }
0x99: {  	s4 =	simm.s32 $_scs_section_size  }
0x9a: {  	s5 =	simm.s32 $_size__tile_overlayer_lowered;
	s6 =	simm.s32 $_tile_overlayer_lowered  }
0x9b: {  	s22 =	simm.s32 $0x1BFF;
	s21 =	sshll.u32 s6, $0x1;
	s3 =	sadd.s32 s4, s19  }
0x9c: {  	s7 =	simm.s32 $0x0;
	s20 =	sshll.u32 s5, $0x1;
	s5 =	sadd.s32 s21, s3  }
0x9d: {  	[timem:s7], [sflag:s22] =	dma.local [hbm:s5], s20  }
0x9e: {  	_ =	swait.ge [sflag:s22], s20  }
0x9f: {  	s4 =	ssub.s32 $0x0, s20;
	[sflag:s22] =	ssyncset.done $0x0  }
0xa0: {  	[sflag:s22] =	ssyncadd.s32 s4;
	_ =	sdelay $0x1  }
0xa1: {  	s23 =	simm.s32 $0x1B8B  }
0xa2: {  	_ =	swait.ge [sflag:s23], $0x1  }
0xa3: {  	[sflag:s23] =	ssyncset.done $0x0  }
0xa4: {  	s25 =	simm.s32 $0x1B8E;
	s24 =	sld [smem:$0x3FFE];
	[sflag:s23] =	ssyncadd.s32 $0xFFFFFFFF  }
0xa5: {  	s26 =	simm.s32 $execute0_lowered;
	[smem:$0x3FD2] =	sst s25  }
0xa6: {  	s5 =	sshll.u32 s26, $0x1;
	_ =	strace $0x80000046;
	[dreg:$0x1] =	wrdreg $0xFFFFFFFF  }
0xa7: {  	s28 =	simm.s32 $_size_execute0_lowered;
	s3 =	sadd.s32 s3, s5;
	[dreg:$0x0] =	wrdreg $0x0  }
0xa8: {  	s5 =	sshll.u32 s28, $0x1;
	[dreg:$0x2] =	wrdreg s3  }
0xa9: {  	[dreg:$0x3] =	wrdreg s5  }
0xaa: {  	[dreg:$0x4] =	wrdreg $0xC0  }
0xab: {  	_ =	task [dreg:s7], $0x5FFFF  }
0xac: {  	[dreg:$0x1] =	wrdreg $0xFFFFFFFF  }
0xad: {  	[dreg:$0x0] =	wrdreg $0x60  }
0xae: {  	[dreg:$0x2] =	wrdreg s24  }
0xaf: {  	[dreg:$0x3] =	wrdreg s2  }
0xb0: {  	[dreg:$0x4] =	wrdreg $0x70000  }
0xb1: {  	[dreg:$0x5] =	wrdreg $0x9  }
0xb2: {  	_ =	task.clear_ibuf [dreg:s7], $0x6FFFF;
	_ =	strace $0x90000046  }
0xb3: {  	s29 =	simm.s32 $0x9;
	_ =	strace $0x80000048  }
0xb4: {  	_ =	swait.ge [sflag:s29], $0x1  }
0xb5: {  	[sflag:s29] =	ssyncadd.s32 $0xFFFFFFFF  }
0xb6: {  	_ =	strace $0x90000048  }
0xb7: {  	_ =	sfence  }
0xb8: {  	s30 =	sld [smem:$0x0];
	_ =	sdelay $0x2  }
0xb9: {  	s31 =	sshll.u32 s1, $0xD;
	s1 =	sshrl.u32 s1, $0x2  }
0xba: {  	s3 =	sand.u32 $0x4000, s31;
	s1 =	sadd.s32 s1, s30  }
0xbb: {  	s0 =	sor.u32 s3, s0;
	s1 =	sshll.u32 s1, $0x11  }
0xbc: {  	s0 =	sor.u32 s1, s0  }
0xbd: {  	s0 =	sadd.s32 $0x8F2B, s0  }
0xbe: {  	[sflag:s0] =	ssyncadd.remote.s32 $0x1  }
0xbf: {  	_ =	sfence.sel $0xFFFF  }
0xc0: {  	[dreg:$0x0] =	wrdreg $0xFFFFFFFF;
	(pc) =	sbr.abs _section_cstart, $3  }
0xc1: {  	[dreg:$0x1] =	wrdreg $0xFFFFFFFF  }
0xc2: {  	_ =	task.clear_ibuf [dreg:s7], $0x2FFFF;
	_ =	strace $0x9FFFFFFF  }
0xc3: {  	(tm) =	ssettm $0x7FFFFFFF  }
tec
execute0_lowered:
.L_overlay_start_1:
0x0: {  	(tag) =	ssettag $0x1  }
0x1: {  	s6 =	rddreg [dreg:$0x0]  }
0x2: {  	s1 =	srdreg.scid;
	s2 =	rddreg [dreg:$0x1]  }
0x3: {  	s0 =	stileid.u32;
	s3 =	rddreg [dreg:$0x2];
	s4 =	simm.s32 $0x0  }
0x4: {  	s13 =	simm.s32 $0x40;
	s14 =	simm.s32 $0x0;
	s9 =	smul.u32 $0x14000, s0  }
0x5: {  	s7 =	sand.u32 $0x1, s1;
	s28 =	sshll.u32 s0, $0x1;
	s29 =	smul.u32 $0x50000, s0  }
0x6: {  	[smem:$0x7FF] =	sst s4;
	s1 =	sor.u32 s7, s28;
	s8 =	smul.u32 $0x140000, s7  }
0x7: {  	s31 =	sshll.u32 s0, $0x6;
	s7 =	ssub.s32 $0x2, s7;
	s5 =	smul.u32 $0xA00, s1  }
0x8: {  	s1 =	rddreg [dreg:$0x3];
	_ =	strace $0x80000047;
	s30 =	sshrl.u32 s7, $0x1  }
0x9: {  	s8 =	sadd.s32 s9, s8;
	s9 =	sshrl.u32 s29, $0x2;
	s11 =	ssub.s32 s7, s30  }
0xa: {  	s10 =	sadd.s32 s5, s6;
	s5 =	sadd.s32 $0x16400, s6;
	s8 =	sshrl.u32 s8, $0x3  }
0xb: {  	s12 =	sadd.s32 s9, s3;
	s9 =	simm.s32 $0x1;
	s8 =	sadd.s32 s8, s6  }
0xc: {  	s6 =	sadd.s32 $0x2400, s10;
	s10 =	simm.s32 $0x5000;
	s12 =	sshrl.u32 s12, $0x3  }
0xd: {  	s7 =	sadd.s32 $0x16800, s8;
	s8 =	smax.u32 s11, $0x1;
	s11 =	sor.u32 $0x1C01, s31  }
.LBB2_1:
0xe: {  	[tilespmem:s4], [sflag:$0x1] =	stream.linear.gather [hbm4b:s6+s4], $0x5000, $0x38;
	[tilespmem:$0x1B000] =	vst v63  }
0xf: {  	_ =	swait.ge [sflag:s9], $0x5000  }
0x10: {  	[sflag:s9] =	ssyncset.done $0x0  }
0x11: {  	[sflag:s9] =	ssyncadd.s32 $0xFFFFB000  }
0x12: {  	[tilespmem:s10], [sflag:$0x1] =	stream.linear.gather [hbm4b:s5+s4], $0x2000, $0x38;
	[tilespmem:$0x1B000] =	vst v63  }
0x13: {  	_ =	swait.ge [sflag:s9], $0x2000  }
0x14: {  	[sflag:s9] =	ssyncset.done $0x0  }
0x15: {  	[sflag:s9] =	ssyncadd.s32 $0xFFFFE000  }
0x16: {  	[spmem:s12], [sflag:s11] =	dma.local [hbm:s2], $0x2800  }
0x17: {  	_ =	swait.ge [sflag:s9], $0x2800  }
0x18: {  	[sflag:s9] =	ssyncset.done $0x0  }
0x19: {  	[sflag:s9] =	ssyncadd.s32 $0xFFFFD800  }
0x1a: {  	s15 =	simm.s32 $0x0;
	[bflag:$0x0] =	sbarrier.arrive $0xFFFF  }
0x1b: {  	[spmem:s3] =	stream.indirect.scatter.add.f32 [tilespmem:s10], [sflag:$0x1], $0x80, s15, s13, $0xb8;
	[tilespmem:$0x1B000] =	vst v63  }
0x1c: {  	_ =	swait.ge [sflag:s9], $0x2000  }
0x1d: {  	s15 =	simm.s32 $0x200;
	[sflag:s9] =	ssyncset.done $0x0  }
.LBB2_2:
0x1e: {  	s16 =	sshra.s32 s15, $0x2;
	[sflag:s9] =	ssyncadd.s32 $0xFFFFE000;
	p0 =	sne.s32 s15, $0x13E00  }
0x1f: {  	[spmem:s3] =	stream.indirect.scatter.add.f32 [tilespmem:s10], [sflag:$0x1], $0x80, s16, s13, $0xb8;
	[tilespmem:$0x1B000] =	vst v63  }
.Ltmp0:
0x20: {  	_ = 	snop;
	(pc) =	sbr.rel @p0 .LBB2_2-.Ltmp0, $4  }
0x21: {  	_ = 	snop  }
0x22: {  	s15 =	sadd.s32 $0x200, s15  }
0x23: {  	_ =	swait.ge [sflag:s9], $0x2000  }
0x24: {  	[sflag:s9] =	ssyncset.done $0x0  }
0x25: {  	s14 =	sadd.s32 $0x1, s14  }
0x26: {  	[sflag:s9] =	ssyncadd.s32 $0xFFFFE000;
	p0 =	sne.s32 s14, s8  }
.Ltmp1:
0x27: {  	[bflag:$0x0] =	sbarrier.arrive $0xFFFF;
	(pc) =	sbr.rel @p0 .LBB2_1-.Ltmp1, $4  }
0x28: {  	[hbm:s7], [sflag:s11] =	dma.local [spmem:s12], $0x2800  }
0x29: {  	_ =	swait.ge [sflag:s9], $0x2800  }
0x2a: {  	[sflag:s9] =	ssyncset.done $0x0  }
0x2b: {  	[sflag:s9] =	ssyncadd.s32 $0xFFFFD800  }
0x2c: {  	_ =	sfence.sel $0x180000  }
0x2d: {  	[bflag:$0x0] =	sbarrier.arrive $0xFFFF  }
0x2e: {  	p0 =	sne.s32 s0, $0x0;
	_ =	strace $0x90000047  }
0x2f: {  	s0 =	sadd.s32 @!p0 $0x100000, s1;
	[bflag:$0x2] =	sbarrier.arrive $0xFFFF  }
0x30: {  	[sflag:s0] =	ssyncadd.tile.s32 @!p0 $0x1;
	_ =	shalt  }
.Lfunc_end2:
_tile_overlayer_lowered:
.L_overlay_start_2:
0x31: {  	(tag) =	ssettag $0x2  }
0x32: {  	s0 =	rddreg [dreg:$0x0];
	s2 =	stileid.u32  }
0x33: {  	s1 =	rddreg [dreg:$0x1];
	p0 =	sne.s32 s2, $0x0  }
0x34: {  	s3 =	rddreg [dreg:$0x2];
	[bflag:$0x3] =	sbarrier.arrive $0xFFFF;
	s2 =	simm.s32 @!p0 $0x1C01  }
0x35: {  	[timem:s3], [sflag:s2] =	dma.local @!p0 [hbm:s0], s1  }
0x36: {  	s0 =	simm.s32 @!p0 $0x1  }
0x37: {  	_ =	swait.ge @!p0 [sflag:s0], s1  }
0x38: {  	s1 =	ssub.s32 @!p0 $0x0, s1;
	[sflag:s0] =	ssyncset.done @!p0 $0x0  }
0x39: {  	[sflag:s0] =	ssyncadd.s32 @!p0 s1  }
0x3a: {  	[bflag:$0x3] =	sbarrier.arrive $0xFFFF  }
0x3b: {  	_ =	shalt  }

</sc_bundles>
